<compile_context>
chip_gen: v7x
topology: tpu7x:2x2x1
jax: 0.10.2.dev20260603
libtpu: 0.0.44.dev20260713+nightly
codegen_flags: <defaults>
</compile_context>

<pallas_src>
import functools

import jax
import jax.numpy as jnp
from jax import lax
from jax.experimental import pallas as pl
from jax.experimental.pallas import tpu as pltpu
from jax.experimental.pallas import tpu_sc as plsc

NC = 2
NS = 16
NW = NC * NS
L = 16


def _sc_mesh():
    return plsc.VectorSubcoreMesh(
        core_axis_name="c", subcore_axis_name="s", num_cores=NC, num_subcores=NS
    )


_SC_PARAMS = pltpu.CompilerParams(needs_layout_passes=False)


def _deg_call(ei, n_nodes):
    e = ei.shape[1]
    blocks = e // 128
    per = blocks // NW
    extra = blocks - per * NW
    w = per * 128

    @functools.partial(
        pl.kernel,
        out_type=[
            jax.ShapeDtypeStruct((NW, n_nodes), jnp.float32),
            jax.ShapeDtypeStruct((e,), jnp.int32),
            jax.ShapeDtypeStruct((e,), jnp.int32),
        ],
        mesh=_sc_mesh(),
        compiler_params=_SC_PARAMS,
        scratch_types=[
            pltpu.VMEM((2, w), jnp.int32),
            pltpu.VMEM((2, 128), jnp.int32),
            pltpu.VMEM((n_nodes,), jnp.float32),
            [pltpu.SemaphoreType.DMA for _ in range(3)],
        ],
    )
    def deg_kernel(ei_hbm, deg_hbm, src_hbm, dst_hbm, ebuf, xbuf, acc_v,
                   sems):
        cid = lax.axis_index("c")
        sid = lax.axis_index("s")
        wid = cid * NS + sid
        zeros16 = jnp.zeros((L,), jnp.float32)
        ones16 = jnp.ones((L,), jnp.float32)

        cp_main = pltpu.async_copy(ei_hbm.at[:, pl.ds(wid * w, w)], ebuf,
                                   sems[0])

        @pl.when(wid < extra)
        def _():
            pltpu.async_copy(
                ei_hbm.at[:, pl.ds((per * NW + wid) * 128, 128)], xbuf,
                sems[1])

        zu = 4
        nz = n_nodes // L

        def zero_body(i, _):
            for u in range(zu):
                acc_v[pl.ds(i * (zu * L) + u * L, L)] = zeros16
            return 0

        lax.fori_loop(0, nz // zu, zero_body, 0)
        for t in range((nz // zu) * zu, nz):
            acc_v[pl.ds(t * L, L)] = zeros16
        cp_main.wait()
        wbs = [
            pltpu.async_copy(ebuf.at[0], src_hbm.at[pl.ds(wid * w, w)],
                             sems[2]),
            pltpu.async_copy(ebuf.at[1], dst_hbm.at[pl.ds(wid * w, w)],
                             sems[2]),
        ]
        ku = 4
        nk = w // L

        def add16(k):
            idx = ebuf[1, pl.ds(k * L, L)]
            plsc.addupdate_scatter(acc_v, [idx], ones16)

        def add_body(i, _):
            for u in range(ku):
                add16(i * ku + u)
            return 0

        lax.fori_loop(0, nk // ku, add_body, 0)

        @pl.when(wid < extra)
        def _():
            pltpu.make_async_copy(ei_hbm.at[:, pl.ds(0, 128)], xbuf,
                                  sems[1]).wait()
            xbase = (per * NW) * 128 + wid * 128
            xwbs = [
                pltpu.async_copy(xbuf.at[0], src_hbm.at[pl.ds(xbase, 128)],
                                 sems[1]),
                pltpu.async_copy(xbuf.at[1], dst_hbm.at[pl.ds(xbase, 128)],
                                 sems[1]),
            ]
            for u in range(128 // L):
                idx = xbuf[1, pl.ds(u * L, L)]
                plsc.addupdate_scatter(acc_v, [idx], ones16)
            for d in xwbs:
                d.wait()

        for d in wbs:
            d.wait()
        pltpu.sync_copy(acc_v, deg_hbm.at[wid])

    return deg_kernel(ei)


def _tck1_call(x, w1, degp):
    n = x.shape[0]
    h = w1.shape[1]

    def body(x_ref, w1_ref, degp_ref, hp_ref, dinv_col_ref, dinv_row_ref):
        degp = degp_ref[...]
        ones_col = jnp.ones((NW, 1), jnp.float32)
        deg_col = lax.dot_general(
            degp, ones_col, (((0,), (0,)), ((), ())),
            preferred_element_type=jnp.float32) + 1.0
        ones_row = jnp.ones((1, NW), jnp.float32)
        deg_row = lax.dot_general(
            ones_row, degp, (((1,), (0,)), ((), ())),
            preferred_element_type=jnp.float32) + 1.0
        dinv_col = lax.rsqrt(deg_col)
        dinv_row = lax.rsqrt(deg_row)
        hm = jnp.dot(x_ref[...].astype(jnp.bfloat16),
                     w1_ref[...].astype(jnp.bfloat16),
                     preferred_element_type=jnp.float32)
        hp_ref[...] = hm * dinv_col
        dinv_col_ref[...] = dinv_col
        dinv_row_ref[...] = dinv_row

    return pl.pallas_call(
        body,
        out_shape=[
            jax.ShapeDtypeStruct((n, h), jnp.float32),
            jax.ShapeDtypeStruct((n, 1), jnp.float32),
            jax.ShapeDtypeStruct((1, n), jnp.float32),
        ],
    )(x, w1, degp)


def _agg1_call(hp, src, dst):
    n, d = hp.shape
    e = src.shape[0]
    g = 80
    ept = e // NW
    nb = ept // g
    npad = -(-n // (8 * NS)) * (8 * NS)
    rpt = npad // NS

    nj = 8
    nr = 4

    @functools.partial(
        pl.kernel,
        out_type=jax.ShapeDtypeStruct((NC, npad, d), jnp.float32),
        mesh=_sc_mesh(),
        compiler_params=_SC_PARAMS,
        scratch_types=[
            [pltpu.VMEM((g,), jnp.int32) for _ in range(nj)],
            [pltpu.VMEM((g,), jnp.int32) for _ in range(nj)],
            [pltpu.VMEM((g, d), jnp.float32) for _ in range(nr)],
            [pltpu.SemaphoreType.DMA for _ in range(nj)],
            [pltpu.SemaphoreType.DMA for _ in range(nj)],
            [pltpu.SemaphoreType.DMA for _ in range(nr)],
            [pltpu.SemaphoreType.DMA for _ in range(nr)],
            pltpu.VMEM_SHARED((npad, d), jnp.float32),
        ],
    )
    def agg1_kernel(hp_hbm, src_hbm, dst_hbm, out_hbm,
                    sbufs, dbufs, rowbufs, isrc, idst, gsems, scsems, acc):
        cid = lax.axis_index("c")
        sid = lax.axis_index("s")
        zeros16 = jnp.zeros((L,), jnp.float32)

        def zrow(i, _):
            for k in range(d // L):
                rowbufs[0][i, pl.ds(k * L, L)] = zeros16
            return 0

        lax.fori_loop(0, g, zrow, 0)
        zcps = [pltpu.async_copy(rowbufs[0],
                                 acc.at[pl.ds(sid * rpt + t * g, g)],
                                 scsems[0])
                for t in range(rpt // g)]
        r0 = rpt - (rpt // g) * g
        if r0:
            zcps.append(pltpu.async_copy(
                rowbufs[0].at[pl.ds(0, r0)],
                acc.at[pl.ds(sid * rpt + (rpt // g) * g, r0)], scsems[0]))
        for cp in zcps:
            cp.wait()
        plsc.subcore_barrier()
        base0 = cid * (e // NC) + sid * ept

        def fetch_idx_slot(j, p):
            pltpu.async_copy(src_hbm.at[pl.ds(base0 + p * g, g)],
                             sbufs[j], isrc[j])
            pltpu.async_copy(dst_hbm.at[pl.ds(base0 + p * g, g)],
                             dbufs[j], idst[j])

        def wait_idx(j):
            pltpu.make_async_copy(src_hbm.at[pl.ds(0, g)],
                                  sbufs[j], isrc[j]).wait()
            pltpu.make_async_copy(dst_hbm.at[pl.ds(0, g)],
                                  dbufs[j], idst[j]).wait()

        def start_gather(j, r):
            pltpu.async_copy(hp_hbm.at[sbufs[j]], rowbufs[r], gsems[r])

        def wait_gather(r):
            pltpu.make_async_copy(hp_hbm.at[pl.ds(0, g)],
                                  rowbufs[r], gsems[r]).wait()

        def start_scatter(r, j):
            pltpu.async_copy(rowbufs[r], acc.at[dbufs[j]], scsems[r],
                             add=True)

        def drain_scatter(r, j):
            pltpu.make_async_copy(rowbufs[r], acc.at[dbufs[j]],
                                  scsems[r]).wait()

        def slot(p, pv):
            if p >= 4:
                drain_scatter((p - 4) % nr, (p - 4) % nj)
            if p + 4 < nb:
                fetch_idx_slot((p + 4) % nj, pv + 4)
            wait_idx(p % nj)
            start_gather(p % nj, p % nr)
            if p >= 2:
                wait_gather((p - 2) % nr)
                start_scatter((p - 2) % nr, (p - 2) % nj)

        for j in range(4):
            fetch_idx_slot(j, j)
        for p in range(8):
            slot(p, p)

        main_iters = nb // nj - 1
        rem = nb - (main_iters + 1) * nj

        def body(i, _):
            p0 = (i + 1) * nj
            for m in range(nj):
                drain_scatter(m % nr, (m + 4) % nj)
                fetch_idx_slot((m + 4) % nj, p0 + m + 4)
                wait_idx(m % nj)
                start_gather(m % nj, m % nr)
                wait_gather((m + 2) % nr)
                start_scatter((m + 2) % nr, (m + 6) % nj)
            return 0

        lax.fori_loop(0, main_iters, body, 0)
        for t in range(rem):
            p = (main_iters + 1) * nj + t
            slot(p, p)
        for p in range(nb, nb + 2):
            drain_scatter((p - 4) % nr, (p - 4) % nj)
            wait_gather((p - 2) % nr)
            start_scatter((p - 2) % nr, (p - 2) % nj)
        for p in range(nb + 2, nb + 4):
            drain_scatter((p - 4) % nr, (p - 4) % nj)
        plsc.subcore_barrier()
        pltpu.sync_copy(acc.at[pl.ds(sid * rpt, rpt)],
                        out_hbm.at[cid, pl.ds(sid * rpt, rpt)])

    return agg1_kernel(hp, src, dst)


def _tck2_call(accp, hp, dinv_col, dinv_row, b1, w2):
    n, h = hp.shape
    c = w2.shape[1]

    def body(accp_ref, hp_ref, dcol_ref, drow_ref, b1_ref, w2_ref, out_ref):
        s = accp_ref[0, :n] + accp_ref[1, :n] + hp_ref[...]
        out1 = s * dcol_ref[...] + b1_ref[...]
        r = jnp.maximum(out1, 0.0)
        h2t = lax.dot_general(
            w2_ref[...], r, (((0,), (1,)), ((), ())),
            preferred_element_type=jnp.float32)
        out_ref[...] = h2t * drow_ref[...]

    return pl.pallas_call(
        body,
        out_shape=jax.ShapeDtypeStruct((c, n), jnp.float32),
    )(accp, hp, dinv_col, dinv_row, b1, w2)


def _agg2_call(h2pt, src, dst):
    c, n = h2pt.shape
    e = src.shape[0]
    ept = e // NW

    @functools.partial(
        pl.kernel,
        out_type=jax.ShapeDtypeStruct((NW, c, n), jnp.float32),
        mesh=_sc_mesh(),
        compiler_params=_SC_PARAMS,
        scratch_types=[
            pltpu.VMEM((c, n), jnp.float32),
            pltpu.VMEM((ept,), jnp.int32),
            pltpu.VMEM((ept,), jnp.int32),
            pltpu.VMEM((c, n), jnp.float32),
            [pltpu.SemaphoreType.DMA for _ in range(3)],
        ],
    )
    def agg2_kernel(h2_hbm, src_hbm, dst_hbm, out_hbm, h2v, srcv, dstv, acc,
                    sems):
        cid = lax.axis_index("c")
        sid = lax.axis_index("s")
        wid = cid * NS + sid
        cps = [
            pltpu.async_copy(h2_hbm, h2v, sems[0]),
            pltpu.async_copy(src_hbm.at[pl.ds(wid * ept, ept)], srcv, sems[1]),
            pltpu.async_copy(dst_hbm.at[pl.ds(wid * ept, ept)], dstv, sems[2]),
        ]
        zeros16 = jnp.zeros((L,), jnp.float32)
        zu = 4
        nz = n // L

        def zero_body(i, _):
            for u in range(zu):
                for ch in range(c):
                    acc[ch, pl.ds(i * (zu * L) + u * L, L)] = zeros16
            return 0

        lax.fori_loop(0, nz // zu, zero_body, 0)
        for t in range((nz // zu) * zu, nz):
            for ch in range(c):
                acc[ch, pl.ds(t * L, L)] = zeros16
        for cp in cps:
            cp.wait()
        chan = [jnp.full((L,), ch, jnp.int32) for ch in range(c)]

        def edge16(k):
            s16 = srcv[pl.ds(k * L, L)]
            d16 = dstv[pl.ds(k * L, L)]
            for ch in range(c):
                v = plsc.load_gather(h2v, [chan[ch], s16])
                plsc.addupdate_scatter(acc, [chan[ch], d16], v)

        ku = 4
        nk = ept // L

        def body(i, _):
            for u in range(ku):
                edge16(i * ku + u)
            return 0

        lax.fori_loop(0, nk // ku, body, 0)
        for t in range((nk // ku) * ku, nk):
            edge16(t)
        pltpu.sync_copy(acc, out_hbm.at[wid])

    return agg2_kernel(h2pt, src, dst)


def _tck3_call(acc2p, h2pt, dinv_row, b2col):
    c, n = h2pt.shape

    def body(acc2p_ref, h2_ref, drow_ref, b2_ref, out_ref):
        acct = jnp.sum(acc2p_ref[...], axis=0)
        z = (acct + h2_ref[...]) * drow_ref[...] + b2_ref[...]
        m = jnp.max(z, axis=0, keepdims=True)
        lse = m + jnp.log(jnp.sum(jnp.exp(z - m), axis=0, keepdims=True))
        out_ref[...] = z - lse

    return pl.pallas_call(
        body,
        out_shape=jax.ShapeDtypeStruct((c, n), jnp.float32),
    )(acc2p, h2pt, dinv_row, b2col)


def kernel(x, edge_index, W1, b1, W2, b2):
    n, d = x.shape
    c = W2.shape[1]
    degp, src, dst = _deg_call(edge_index, n)
    hp, dinv_col, dinv_row = _tck1_call(x, W1, degp)
    accp = _agg1_call(hp, src, dst)
    h2pt = _tck2_call(accp, hp, dinv_col, dinv_row, b1, W2)
    acc2p = _agg2_call(h2pt, src, dst)
    outt = _tck3_call(acc2p, h2pt, dinv_row, b2.reshape(c, 1))
    return outt.T

# --- scband reference (transcript-rebuilt; emitter-appended) ---
"""Pipeline reference for scband-gnnmodel-24343874634001 (READ-ONLY COPY).

The authoritative reference and input builder live on the scoring server;
editing this copy changes nothing except your own understanding.
"""

import jax, jax.numpy as jnp
import numpy as np


def gcn_conv(x, edge_index, W, b):
    # GCNConv: add self-loops, symmetric normalization D^-1/2 A_hat D^-1/2 X W + b
    N = x.shape[0]
    loop = jnp.arange(N, dtype=edge_index.dtype)
    src = jnp.concatenate([edge_index[0], loop])
    dst = jnp.concatenate([edge_index[1], loop])
    deg = jnp.zeros((N,), dtype=x.dtype).at[dst].add(1.0)
    dinv = jnp.where(deg > 0, jax.lax.rsqrt(deg), 0.0)
    norm = dinv[src] * dinv[dst]
    h = x @ W
    msg = h[src] * norm[:, None]
    out = jax.ops.segment_sum(msg, dst, num_segments=N)
    return out + b


def setup_inputs(seed: int = 0):
    key = jax.random.key(seed)
    k1, k2, k3, k4, k5, k6 = jax.random.split(key, 6)
    N, E, D, H, C = 10000, 320000, 128, 128, 2
    x = jax.random.normal(k1, (N, D), dtype=jnp.float32)
    edge_index = jax.random.randint(k2, (2, E), 0, N, dtype=jnp.int32)
    W1 = jax.random.normal(k3, (D, H), dtype=jnp.float32) * (1.0 / np.sqrt(D))
    b1 = jnp.zeros((H,), dtype=jnp.float32)
    W2 = jax.random.normal(k4, (H, C), dtype=jnp.float32) * (1.0 / np.sqrt(H))
    b2 = jnp.zeros((C,), dtype=jnp.float32)
    return {"x": x, "edge_index": edge_index, "W1": W1, "b1": b1, "W2": W2, "b2": b2}


def reference(x, edge_index, W1, b1, W2, b2):
    h = gcn_conv(x, edge_index, W1, b1)
    h = jax.nn.relu(h)
    h = gcn_conv(h, edge_index, W2, b2)
    return jax.nn.log_softmax(h, axis=1)

if __name__ == "__main__":
    import jax
    _d = setup_inputs()
    print(jax.jit(kernel)(*tuple(_d.values())))

</pallas_src>

<mosaic_0001>
#map = affine_map<(d0, d1) -> (0, 0)>
#map1 = affine_map<(d0, d1) -> (0)>
module attributes {stable_mosaic.version = 14 : i64} {
  func.func @deg_kernel(%arg0: i32, %arg1: i32, %arg2: memref<2x320000xi32, #tpu.memory_space<hbm>>, %arg3: memref<32x10000xf32, #tpu.memory_space<hbm>>, %arg4: memref<320000xi32, #tpu.memory_space<hbm>>, %arg5: memref<320000xi32, #tpu.memory_space<hbm>>, %arg6: memref<2x9984xi32, #tpu.memory_space<vmem>>, %arg7: memref<2x128xi32, #tpu.memory_space<vmem>>, %arg8: memref<10000xf32, #tpu.memory_space<vmem>>, %arg9: memref<!tpu.dma_semaphore, #tpu.memory_space<semaphore_mem>>, %arg10: memref<!tpu.dma_semaphore, #tpu.memory_space<semaphore_mem>>, %arg11: memref<!tpu.dma_semaphore, #tpu.memory_space<semaphore_mem>>) attributes {dimension_semantics = [#tpu.dimension_semantics<core_parallel>, #tpu.dimension_semantics<subcore_parallel>], iteration_bounds = array<i64: 2, 16>, scalar_prefetch = 0 : i64, scratch_operands = 6 : i64, tpu.core_type = #tpu.core_type<sc_vector_subcore>, window_params = [{transform_indices = #map}, {transform_indices = #map}, {transform_indices = #map1}, {transform_indices = #map1}]} {
    %mul3A = arith.constant 16 : i32
    %mul3A_0 = arith.muli %arg0, %mul3A : i32
    %add3A = arith.addi %mul3A_0, %arg1 : i32
    %broadcast_in_dim3A = arith.constant 0.000000e+00 : f32
    %broadcast_in_dim3A_1 = vector.broadcast %broadcast_in_dim3A : f32 to vector<16xf32>
    %broadcast_in_dim3A_2 = arith.constant 1.000000e+00 : f32
    %broadcast_in_dim3A_3 = vector.broadcast %broadcast_in_dim3A_2 : f32 to vector<16xf32>
    %mul3A_4 = arith.constant 9984 : i32
    %mul3A_5 = arith.muli %add3A, %mul3A_4 : i32
    %dma_start3A = arith.constant 0 : i32
    %dma_start3A_6 = tpu.memref_slice %arg2[%dma_start3A, %mul3A_5] : memref<2x320000xi32, #tpu.memory_space<hbm>> -> memref<2x9984xi32, #tpu.memory_space<hbm>>
    %dma_start3A_7 = arith.constant 0 : i32
    %dma_start3A_8 = tpu.memref_slice %arg2[%dma_start3A_7, %mul3A_5] : memref<2x320000xi32, #tpu.memory_space<hbm>> -> memref<2x9984xi32, #tpu.memory_space<hbm>>
    tpu.enqueue_dma source(%dma_start3A_8 : memref<2x9984xi32, #tpu.memory_space<hbm>>) target(%arg6 : memref<2x9984xi32, #tpu.memory_space<vmem>>) target_semaphore(%arg9 : memref<!tpu.dma_semaphore, #tpu.memory_space<semaphore_mem>>)
    %lt3A = arith.constant 4 : i32
    %lt3A_9 = arith.cmpi slt, %add3A, %lt3A : i32
    %convert_element_type3A = arith.extui %lt3A_9 : i1 to i32
    %cond3A = arith.constant 0 : i32
    %cond3A_10 = arith.cmpi ne, %convert_element_type3A, %cond3A : i32
    scf.if %cond3A_10 {
      %add3A_73 = arith.constant 2496 : i32
      %add3A_74 = arith.addi %add3A_73, %add3A : i32
      %mul3A_75 = arith.constant 128 : i32
      %mul3A_76 = arith.muli %add3A_74, %mul3A_75 : i32
      %dma_start3A_77 = arith.constant 0 : i32
      %dma_start3A_78 = tpu.memref_slice %arg2[%dma_start3A_77, %mul3A_76] : memref<2x320000xi32, #tpu.memory_space<hbm>> -> memref<2x128xi32, #tpu.memory_space<hbm>>
      %dma_start3A_79 = arith.constant 0 : i32
      %dma_start3A_80 = tpu.memref_slice %arg2[%dma_start3A_79, %mul3A_76] : memref<2x320000xi32, #tpu.memory_space<hbm>> -> memref<2x128xi32, #tpu.memory_space<hbm>>
      tpu.enqueue_dma source(%dma_start3A_80 : memref<2x128xi32, #tpu.memory_space<hbm>>) target(%arg7 : memref<2x128xi32, #tpu.memory_space<vmem>>) target_semaphore(%arg10 : memref<!tpu.dma_semaphore, #tpu.memory_space<semaphore_mem>>)
    } else {
    }
    %scan3A = arith.constant 0 : i32
    %scan3A_11 = arith.constant 0 : i32
    %scan3A_12 = arith.constant 156 : i32
    %scan3A_13 = arith.addi %scan3A_11, %scan3A_12 : i32
    %scan3A_14 = arith.constant 1 : i32
    %scan3A_15 = scf.for %scan3A_73 = %scan3A_11 to %scan3A_13 step %scan3A_14 iter_args(%scan3A_74 = %scan3A) -> (i32)  : i32 {
      %mul3A_75 = arith.constant 64 : i32
      %mul3A_76 = arith.muli %scan3A_73, %mul3A_75 : i32
      %add3A_77 = arith.constant 0 : i32
      %add3A_78 = arith.addi %mul3A_76, %add3A_77 : i32
      %swap3A_79 = arith.index_cast %add3A_78 : i32 to index
      %swap3A_80 = tpu.vector_load %arg8[%swap3A_79] {strides = array<i32>} : memref<10000xf32, #tpu.memory_space<vmem>>, vector<16xf32>,
      tpu.vector_store %arg8[%swap3A_79], %broadcast_in_dim3A_1 {strides = array<i32>} : memref<10000xf32, #tpu.memory_space<vmem>>, vector<16xf32>,
      %mul3A_81 = arith.constant 64 : i32
      %mul3A_82 = arith.muli %scan3A_73, %mul3A_81 : i32
      %add3A_83 = arith.constant 16 : i32
      %add3A_84 = arith.addi %mul3A_82, %add3A_83 : i32
      %swap3A_85 = arith.index_cast %add3A_84 : i32 to index
      %swap3A_86 = tpu.vector_load %arg8[%swap3A_85] {strides = array<i32>} : memref<10000xf32, #tpu.memory_space<vmem>>, vector<16xf32>,
      tpu.vector_store %arg8[%swap3A_85], %broadcast_in_dim3A_1 {strides = array<i32>} : memref<10000xf32, #tpu.memory_space<vmem>>, vector<16xf32>,
      %mul3A_87 = arith.constant 64 : i32
      %mul3A_88 = arith.muli %scan3A_73, %mul3A_87 : i32
      %add3A_89 = arith.constant 32 : i32
      %add3A_90 = arith.addi %mul3A_88, %add3A_89 : i32
      %swap3A_91 = arith.index_cast %add3A_90 : i32 to index
      %swap3A_92 = tpu.vector_load %arg8[%swap3A_91] {strides = array<i32>} : memref<10000xf32, #tpu.memory_space<vmem>>, vector<16xf32>,
      tpu.vector_store %arg8[%swap3A_91], %broadcast_in_dim3A_1 {strides = array<i32>} : memref<10000xf32, #tpu.memory_space<vmem>>, vector<16xf32>,
      %mul3A_93 = arith.constant 64 : i32
      %mul3A_94 = arith.muli %scan3A_73, %mul3A_93 : i32
      %add3A_95 = arith.constant 48 : i32
      %add3A_96 = arith.addi %mul3A_94, %add3A_95 : i32
      %swap3A_97 = arith.index_cast %add3A_96 : i32 to index
      %swap3A_98 = tpu.vector_load %arg8[%swap3A_97] {strides = array<i32>} : memref<10000xf32, #tpu.memory_space<vmem>>, vector<16xf32>,
      tpu.vector_store %arg8[%swap3A_97], %broadcast_in_dim3A_1 {strides = array<i32>} : memref<10000xf32, #tpu.memory_space<vmem>>, vector<16xf32>,
      %scan3A_99 = arith.constant 0 : i32
      scf.yield %scan3A_99 : i32
    }
    %scan3A_16 = arith.constant 156 : i32
    %swap3A = arith.constant 9984 : index
    %swap3A_17 = tpu.vector_load %arg8[%swap3A] {strides = array<i32>} : memref<10000xf32, #tpu.memory_space<vmem>>, vector<16xf32>,
    tpu.vector_store %arg8[%swap3A], %broadcast_in_dim3A_1 {strides = array<i32>} : memref<10000xf32, #tpu.memory_space<vmem>>, vector<16xf32>,
    %dma_wait3A = arith.constant 0 : i32
    %dma_wait3A_18 = tpu.memref_slice %arg2[%dma_wait3A, %mul3A_5] : memref<2x320000xi32, #tpu.memory_space<hbm>> -> memref<2x9984xi32, #tpu.memory_space<hbm>>
    %dma_wait3A_19 = arith.constant 0 : i32
    %dma_wait3A_20 = tpu.memref_slice %arg2[%dma_wait3A_19, %mul3A_5] : memref<2x320000xi32, #tpu.memory_space<hbm>> -> memref<2x9984xi32, #tpu.memory_space<hbm>>
    tpu.wait_dma2 semaphore(%arg9 : memref<!tpu.dma_semaphore, #tpu.memory_space<semaphore_mem>>) src(%dma_wait3A_20 : memref<2x9984xi32, #tpu.memory_space<hbm>>) dst(%arg6 : memref<2x9984xi32, #tpu.memory_space<vmem>>)
    %mul3A_21 = arith.constant 9984 : i32
    %mul3A_22 = arith.muli %add3A, %mul3A_21 : i32
    %dma_start3A_23 = arith.constant 0 : i32
    %dma_start3A_24 = arith.constant 0 : i32
    %dma_start3A_25 = tpu.memref_slice %arg6[%dma_start3A_23, %dma_start3A_24] : memref<2x9984xi32, #tpu.memory_space<vmem>> -> memref<1x9984xi32, #tpu.memory_space<vmem>>
    %dma_start3A_26 = tpu.memref_squeeze %dma_start3A_25 : memref<1x9984xi32, #tpu.memory_space<vmem>> -> memref<9984xi32, #tpu.memory_space<vmem>>
    %dma_start3A_27 = tpu.memref_slice %arg4[%mul3A_22] : memref<320000xi32, #tpu.memory_space<hbm>> -> memref<9984xi32, #tpu.memory_space<hbm>>
    %dma_start3A_28 = tpu.memref_slice %arg4[%mul3A_22] : memref<320000xi32, #tpu.memory_space<hbm>> -> memref<9984xi32, #tpu.memory_space<hbm>>
    %dma_start3A_29 = arith.constant 0 : i32
    %dma_start3A_30 = tpu.memref_slice %arg6[%dma_start3A_23, %dma_start3A_29] : memref<2x9984xi32, #tpu.memory_space<vmem>> -> memref<1x9984xi32, #tpu.memory_space<vmem>>
    %dma_start3A_31 = tpu.memref_squeeze %dma_start3A_30 : memref<1x9984xi32, #tpu.memory_space<vmem>> -> memref<9984xi32, #tpu.memory_space<vmem>>
    tpu.enqueue_dma source(%dma_start3A_31 : memref<9984xi32, #tpu.memory_space<vmem>>) target(%dma_start3A_28 : memref<9984xi32, #tpu.memory_space<hbm>>) target_semaphore(%arg11 : memref<!tpu.dma_semaphore, #tpu.memory_space<semaphore_mem>>)
    %mul3A_32 = arith.constant 9984 : i32
    %mul3A_33 = arith.muli %add3A, %mul3A_32 : i32
    %dma_start3A_34 = arith.constant 1 : i32
    %dma_start3A_35 = arith.constant 0 : i32
    %dma_start3A_36 = tpu.memref_slice %arg6[%dma_start3A_34, %dma_start3A_35] : memref<2x9984xi32, #tpu.memory_space<vmem>> -> memref<1x9984xi32, #tpu.memory_space<vmem>>
    %dma_start3A_37 = tpu.memref_squeeze %dma_start3A_36 : memref<1x9984xi32, #tpu.memory_space<vmem>> -> memref<9984xi32, #tpu.memory_space<vmem>>
    %dma_start3A_38 = tpu.memref_slice %arg5[%mul3A_33] : memref<320000xi32, #tpu.memory_space<hbm>> -> memref<9984xi32, #tpu.memory_space<hbm>>
    %dma_start3A_39 = tpu.memref_slice %arg5[%mul3A_33] : memref<320000xi32, #tpu.memory_space<hbm>> -> memref<9984xi32, #tpu.memory_space<hbm>>
    %dma_start3A_40 = arith.constant 0 : i32
    %dma_start3A_41 = tpu.memref_slice %arg6[%dma_start3A_34, %dma_start3A_40] : memref<2x9984xi32, #tpu.memory_space<vmem>> -> memref<1x9984xi32, #tpu.memory_space<vmem>>
    %dma_start3A_42 = tpu.memref_squeeze %dma_start3A_41 : memref<1x9984xi32, #tpu.memory_space<vmem>> -> memref<9984xi32, #tpu.memory_space<vmem>>
    tpu.enqueue_dma source(%dma_start3A_42 : memref<9984xi32, #tpu.memory_space<vmem>>) target(%dma_start3A_39 : memref<9984xi32, #tpu.memory_space<hbm>>) target_semaphore(%arg11 : memref<!tpu.dma_semaphore, #tpu.memory_space<semaphore_mem>>)
    %scan3A_43 = arith.constant 0 : i32
    %scan3A_44 = arith.constant 0 : i32
    %scan3A_45 = arith.constant 156 : i32
    %scan3A_46 = arith.addi %scan3A_44, %scan3A_45 : i32
    %scan3A_47 = arith.constant 1 : i32
    %scan3A_48 = scf.for %scan3A_73 = %scan3A_44 to %scan3A_46 step %scan3A_47 iter_args(%scan3A_74 = %scan3A_43) -> (i32)  : i32 {
      %mul3A_75 = arith.constant 4 : i32
      %mul3A_76 = arith.muli %scan3A_73, %mul3A_75 : i32
      %add3A_77 = arith.constant 0 : i32
      %add3A_78 = arith.addi %mul3A_76, %add3A_77 : i32
      %mul3A_79 = arith.constant 16 : i32
      %mul3A_80 = arith.muli %add3A_78, %mul3A_79 : i32
      %get3A = arith.constant 1 : i32
      %get3A_81 = arith.index_cast %get3A : i32 to index
      %get3A_82 = arith.index_cast %mul3A_80 : i32 to index
      %get3A_83 = tpu.vector_load %arg6[%get3A_81, %get3A_82] {strides = array<i32>} : memref<2x9984xi32, #tpu.memory_space<vmem>>, vector<16xi32>,
      tpu.vector_store_idx %arg8[%get3A_83], %broadcast_in_dim3A_3 {add = true} : memref<10000xf32, #tpu.memory_space<vmem>>[vector<16xi32>], vector<16xf32>,
      %mul3A_84 = arith.constant 4 : i32
      %mul3A_85 = arith.muli %scan3A_73, %mul3A_84 : i32
      %add3A_86 = arith.constant 1 : i32
      %add3A_87 = arith.addi %mul3A_85, %add3A_86 : i32
      %mul3A_88 = arith.constant 16 : i32
      %mul3A_89 = arith.muli %add3A_87, %mul3A_88 : i32
      %get3A_90 = arith.constant 1 : i32
      %get3A_91 = arith.index_cast %get3A_90 : i32 to index
      %get3A_92 = arith.index_cast %mul3A_89 : i32 to index
      %get3A_93 = tpu.vector_load %arg6[%get3A_91, %get3A_92] {strides = array<i32>} : memref<2x9984xi32, #tpu.memory_space<vmem>>, vector<16xi32>,
      tpu.vector_store_idx %arg8[%get3A_93], %broadcast_in_dim3A_3 {add = true} : memref<10000xf32, #tpu.memory_space<vmem>>[vector<16xi32>], vector<16xf32>,
      %mul3A_94 = arith.constant 4 : i32
      %mul3A_95 = arith.muli %scan3A_73, %mul3A_94 : i32
      %add3A_96 = arith.constant 2 : i32
      %add3A_97 = arith.addi %mul3A_95, %add3A_96 : i32
      %mul3A_98 = arith.constant 16 : i32
      %mul3A_99 = arith.muli %add3A_97, %mul3A_98 : i32
      %get3A_100 = arith.constant 1 : i32
      %get3A_101 = arith.index_cast %get3A_100 : i32 to index
      %get3A_102 = arith.index_cast %mul3A_99 : i32 to index
      %get3A_103 = tpu.vector_load %arg6[%get3A_101, %get3A_102] {strides = array<i32>} : memref<2x9984xi32, #tpu.memory_space<vmem>>, vector<16xi32>,
      tpu.vector_store_idx %arg8[%get3A_103], %broadcast_in_dim3A_3 {add = true} : memref<10000xf32, #tpu.memory_space<vmem>>[vector<16xi32>], vector<16xf32>,
      %mul3A_104 = arith.constant 4 : i32
      %mul3A_105 = arith.muli %scan3A_73, %mul3A_104 : i32
      %add3A_106 = arith.constant 3 : i32
      %add3A_107 = arith.addi %mul3A_105, %add3A_106 : i32
      %mul3A_108 = arith.constant 16 : i32
      %mul3A_109 = arith.muli %add3A_107, %mul3A_108 : i32
      %get3A_110 = arith.constant 1 : i32
      %get3A_111 = arith.index_cast %get3A_110 : i32 to index
      %get3A_112 = arith.index_cast %mul3A_109 : i32 to index
      %get3A_113 = tpu.vector_load %arg6[%get3A_111, %get3A_112] {strides = array<i32>} : memref<2x9984xi32, #tpu.memory_space<vmem>>, vector<16xi32>,
      tpu.vector_store_idx %arg8[%get3A_113], %broadcast_in_dim3A_3 {add = true} : memref<10000xf32, #tpu.memory_space<vmem>>[vector<16xi32>], vector<16xf32>,
      %scan3A_114 = arith.constant 0 : i32
      scf.yield %scan3A_114 : i32
    }
    %scan3A_49 = arith.constant 156 : i32
    %lt3A_50 = arith.constant 4 : i32
    %lt3A_51 = arith.cmpi slt, %add3A, %lt3A_50 : i32
    %convert_element_type3A_52 = arith.extui %lt3A_51 : i1 to i32
    %cond3A_53 = arith.constant 0 : i32
    %cond3A_54 = arith.cmpi ne, %convert_element_type3A_52, %cond3A_53 : i32
    scf.if %cond3A_54 {
      %dma_wait3A_73 = arith.constant 0 : i32
      %dma_wait3A_74 = arith.constant 0 : i32
      %dma_wait3A_75 = tpu.memref_slice %arg2[%dma_wait3A_73, %dma_wait3A_74] : memref<2x320000xi32, #tpu.memory_space<hbm>> -> memref<2x128xi32, #tpu.memory_space<hbm>>
      %dma_wait3A_76 = arith.constant 0 : i32
      %dma_wait3A_77 = arith.constant 0 : i32
      %dma_wait3A_78 = tpu.memref_slice %arg2[%dma_wait3A_76, %dma_wait3A_77] : memref<2x320000xi32, #tpu.memory_space<hbm>> -> memref<2x128xi32, #tpu.memory_space<hbm>>
      tpu.wait_dma2 semaphore(%arg10 : memref<!tpu.dma_semaphore, #tpu.memory_space<semaphore_mem>>) src(%dma_wait3A_78 : memref<2x128xi32, #tpu.memory_space<hbm>>) dst(%arg7 : memref<2x128xi32, #tpu.memory_space<vmem>>)
      %mul3A_79 = arith.constant 128 : i32
      %mul3A_80 = arith.muli %add3A, %mul3A_79 : i32
      %add3A_81 = arith.constant 319488 : i32
      %add3A_82 = arith.addi %add3A_81, %mul3A_80 : i32
      %dma_start3A_83 = arith.constant 0 : i32
      %dma_start3A_84 = arith.constant 0 : i32
      %dma_start3A_85 = tpu.memref_slice %arg7[%dma_start3A_83, %dma_start3A_84] : memref<2x128xi32, #tpu.memory_space<vmem>> -> memref<1x128xi32, #tpu.memory_space<vmem>>
      %dma_start3A_86 = tpu.memref_squeeze %dma_start3A_85 : memref<1x128xi32, #tpu.memory_space<vmem>> -> memref<128xi32, #tpu.memory_space<vmem>>
      %dma_start3A_87 = tpu.memref_slice %arg4[%add3A_82] : memref<320000xi32, #tpu.memory_space<hbm>> -> memref<128xi32, #tpu.memory_space<hbm>>
      %dma_start3A_88 = tpu.memref_slice %arg4[%add3A_82] : memref<320000xi32, #tpu.memory_space<hbm>> -> memref<128xi32, #tpu.memory_space<hbm>>
      %dma_start3A_89 = arith.constant 0 : i32
      %dma_start3A_90 = tpu.memref_slice %arg7[%dma_start3A_83, %dma_start3A_89] : memref<2x128xi32, #tpu.memory_space<vmem>> -> memref<1x128xi32, #tpu.memory_space<vmem>>
      %dma_start3A_91 = tpu.memref_squeeze %dma_start3A_90 : memref<1x128xi32, #tpu.memory_space<vmem>> -> memref<128xi32, #tpu.memory_space<vmem>>
      tpu.enqueue_dma source(%dma_start3A_91 : memref<128xi32, #tpu.memory_space<vmem>>) target(%dma_start3A_88 : memref<128xi32, #tpu.memory_space<hbm>>) target_semaphore(%arg10 : memref<!tpu.dma_semaphore, #tpu.memory_space<semaphore_mem>>)
      %dma_start3A_92 = arith.constant 1 : i32
      %dma_start3A_93 = arith.constant 0 : i32
      %dma_start3A_94 = tpu.memref_slice %arg7[%dma_start3A_92, %dma_start3A_93] : memref<2x128xi32, #tpu.memory_space<vmem>> -> memref<1x128xi32, #tpu.memory_space<vmem>>
      %dma_start3A_95 = tpu.memref_squeeze %dma_start3A_94 : memref<1x128xi32, #tpu.memory_space<vmem>> -> memref<128xi32, #tpu.memory_space<vmem>>
      %dma_start3A_96 = tpu.memref_slice %arg5[%add3A_82] : memref<320000xi32, #tpu.memory_space<hbm>> -> memref<128xi32, #tpu.memory_space<hbm>>
      %dma_start3A_97 = tpu.memref_slice %arg5[%add3A_82] : memref<320000xi32, #tpu.memory_space<hbm>> -> memref<128xi32, #tpu.memory_space<hbm>>
      %dma_start3A_98 = arith.constant 0 : i32
      %dma_start3A_99 = tpu.memref_slice %arg7[%dma_start3A_92, %dma_start3A_98] : memref<2x128xi32, #tpu.memory_space<vmem>> -> memref<1x128xi32, #tpu.memory_space<vmem>>
      %dma_start3A_100 = tpu.memref_squeeze %dma_start3A_99 : memref<1x128xi32, #tpu.memory_space<vmem>> -> memref<128xi32, #tpu.memory_space<vmem>>
      tpu.enqueue_dma source(%dma_start3A_100 : memref<128xi32, #tpu.memory_space<vmem>>) target(%dma_start3A_97 : memref<128xi32, #tpu.memory_space<hbm>>) target_semaphore(%arg10 : memref<!tpu.dma_semaphore, #tpu.memory_space<semaphore_mem>>)
      %get3A = arith.constant 1 : i32
      %get3A_101 = arith.index_cast %get3A : i32 to index
      %get3A_102 = arith.constant 0 : index
      %get3A_103 = tpu.vector_load %arg7[%get3A_101, %get3A_102] {strides = array<i32>} : memref<2x128xi32, #tpu.memory_space<vmem>>, vector<16xi32>,
      tpu.vector_store_idx %arg8[%get3A_103], %broadcast_in_dim3A_3 {add = true} : memref<10000xf32, #tpu.memory_space<vmem>>[vector<16xi32>], vector<16xf32>,
      %get3A_104 = arith.constant 1 : i32
      %get3A_105 = arith.index_cast %get3A_104 : i32 to index
      %get3A_106 = arith.constant 16 : index
      %get3A_107 = tpu.vector_load %arg7[%get3A_105, %get3A_106] {strides = array<i32>} : memref<2x128xi32, #tpu.memory_space<vmem>>, vector<16xi32>,
      tpu.vector_store_idx %arg8[%get3A_107], %broadcast_in_dim3A_3 {add = true} : memref<10000xf32, #tpu.memory_space<vmem>>[vector<16xi32>], vector<16xf32>,
      %get3A_108 = arith.constant 1 : i32
      %get3A_109 = arith.index_cast %get3A_108 : i32 to index
      %get3A_110 = arith.constant 32 : index
      %get3A_111 = tpu.vector_load %arg7[%get3A_109, %get3A_110] {strides = array<i32>} : memref<2x128xi32, #tpu.memory_space<vmem>>, vector<16xi32>,
      tpu.vector_store_idx %arg8[%get3A_111], %broadcast_in_dim3A_3 {add = true} : memref<10000xf32, #tpu.memory_space<vmem>>[vector<16xi32>], vector<16xf32>,
      %get3A_112 = arith.constant 1 : i32
      %get3A_113 = arith.index_cast %get3A_112 : i32 to index
      %get3A_114 = arith.constant 48 : index
      %get3A_115 = tpu.vector_load %arg7[%get3A_113, %get3A_114] {strides = array<i32>} : memref<2x128xi32, #tpu.memory_space<vmem>>, vector<16xi32>,
      tpu.vector_store_idx %arg8[%get3A_115], %broadcast_in_dim3A_3 {add = true} : memref<10000xf32, #tpu.memory_space<vmem>>[vector<16xi32>], vector<16xf32>,
      %get3A_116 = arith.constant 1 : i32
      %get3A_117 = arith.index_cast %get3A_116 : i32 to index
      %get3A_118 = arith.constant 64 : index
      %get3A_119 = tpu.vector_load %arg7[%get3A_117, %get3A_118] {strides = array<i32>} : memref<2x128xi32, #tpu.memory_space<vmem>>, vector<16xi32>,
      tpu.vector_store_idx %arg8[%get3A_119], %broadcast_in_dim3A_3 {add = true} : memref<10000xf32, #tpu.memory_space<vmem>>[vector<16xi32>], vector<16xf32>,
      %get3A_120 = arith.constant 1 : i32
      %get3A_121 = arith.index_cast %get3A_120 : i32 to index
      %get3A_122 = arith.constant 80 : index
      %get3A_123 = tpu.vector_load %arg7[%get3A_121, %get3A_122] {strides = array<i32>} : memref<2x128xi32, #tpu.memory_space<vmem>>, vector<16xi32>,
      tpu.vector_store_idx %arg8[%get3A_123], %broadcast_in_dim3A_3 {add = true} : memref<10000xf32, #tpu.memory_space<vmem>>[vector<16xi32>], vector<16xf32>,
      %get3A_124 = arith.constant 1 : i32
      %get3A_125 = arith.index_cast %get3A_124 : i32 to index
      %get3A_126 = arith.constant 96 : index
      %get3A_127 = tpu.vector_load %arg7[%get3A_125, %get3A_126] {strides = array<i32>} : memref<2x128xi32, #tpu.memory_space<vmem>>, vector<16xi32>,
      tpu.vector_store_idx %arg8[%get3A_127], %broadcast_in_dim3A_3 {add = true} : memref<10000xf32, #tpu.memory_space<vmem>>[vector<16xi32>], vector<16xf32>,
      %get3A_128 = arith.constant 1 : i32
      %get3A_129 = arith.index_cast %get3A_128 : i32 to index
      %get3A_130 = arith.constant 112 : index
      %get3A_131 = tpu.vector_load %arg7[%get3A_129, %get3A_130] {strides = array<i32>} : memref<2x128xi32, #tpu.memory_space<vmem>>, vector<16xi32>,
      tpu.vector_store_idx %arg8[%get3A_131], %broadcast_in_dim3A_3 {add = true} : memref<10000xf32, #tpu.memory_space<vmem>>[vector<16xi32>], vector<16xf32>,
      %dma_wait3A_132 = arith.constant 0 : i32
      %dma_wait3A_133 = arith.constant 0 : i32
      %dma_wait3A_134 = tpu.memref_slice %arg7[%dma_wait3A_132, %dma_wait3A_133] : memref<2x128xi32, #tpu.memory_space<vmem>> -> memref<1x128xi32, #tpu.memory_space<vmem>>
      %dma_wait3A_135 = tpu.memref_squeeze %dma_wait3A_134 : memref<1x128xi32, #tpu.memory_space<vmem>> -> memref<128xi32, #tpu.memory_space<vmem>>
      %dma_wait3A_136 = tpu.memref_slice %arg4[%add3A_82] : memref<320000xi32, #tpu.memory_space<hbm>> -> memref<128xi32, #tpu.memory_space<hbm>>
      %dma_wait3A_137 = tpu.memref_slice %arg4[%add3A_82] : memref<320000xi32, #tpu.memory_space<hbm>> -> memref<128xi32, #tpu.memory_space<hbm>>
      %dma_wait3A_138 = arith.constant 0 : i32
      %dma_wait3A_139 = tpu.memref_slice %arg7[%dma_wait3A_132, %dma_wait3A_138] : memref<2x128xi32, #tpu.memory_space<vmem>> -> memref<1x128xi32, #tpu.memory_space<vmem>>
      %dma_wait3A_140 = tpu.memref_squeeze %dma_wait3A_139 : memref<1x128xi32, #tpu.memory_space<vmem>> -> memref<128xi32, #tpu.memory_space<vmem>>
      tpu.wait_dma2 semaphore(%arg10 : memref<!tpu.dma_semaphore, #tpu.memory_space<semaphore_mem>>) src(%dma_wait3A_140 : memref<128xi32, #tpu.memory_space<vmem>>) dst(%dma_wait3A_137 : memref<128xi32, #tpu.memory_space<hbm>>)
      %dma_wait3A_141 = arith.constant 1 : i32
      %dma_wait3A_142 = arith.constant 0 : i32
      %dma_wait3A_143 = tpu.memref_slice %arg7[%dma_wait3A_141, %dma_wait3A_142] : memref<2x128xi32, #tpu.memory_space<vmem>> -> memref<1x128xi32, #tpu.memory_space<vmem>>
      %dma_wait3A_144 = tpu.memref_squeeze %dma_wait3A_143 : memref<1x128xi32, #tpu.memory_space<vmem>> -> memref<128xi32, #tpu.memory_space<vmem>>
      %dma_wait3A_145 = tpu.memref_slice %arg5[%add3A_82] : memref<320000xi32, #tpu.memory_space<hbm>> -> memref<128xi32, #tpu.memory_space<hbm>>
      %dma_wait3A_146 = tpu.memref_slice %arg5[%add3A_82] : memref<320000xi32, #tpu.memory_space<hbm>> -> memref<128xi32, #tpu.memory_space<hbm>>
      %dma_wait3A_147 = arith.constant 0 : i32
      %dma_wait3A_148 = tpu.memref_slice %arg7[%dma_wait3A_141, %dma_wait3A_147] : memref<2x128xi32, #tpu.memory_space<vmem>> -> memref<1x128xi32, #tpu.memory_space<vmem>>
      %dma_wait3A_149 = tpu.memref_squeeze %dma_wait3A_148 : memref<1x128xi32, #tpu.memory_space<vmem>> -> memref<128xi32, #tpu.memory_space<vmem>>
      tpu.wait_dma2 semaphore(%arg10 : memref<!tpu.dma_semaphore, #tpu.memory_space<semaphore_mem>>) src(%dma_wait3A_149 : memref<128xi32, #tpu.memory_space<vmem>>) dst(%dma_wait3A_146 : memref<128xi32, #tpu.memory_space<hbm>>)
    } else {
    }
    %dma_wait3A_55 = arith.constant 0 : i32
    %dma_wait3A_56 = arith.constant 0 : i32
    %dma_wait3A_57 = tpu.memref_slice %arg6[%dma_wait3A_55, %dma_wait3A_56] : memref<2x9984xi32, #tpu.memory_space<vmem>> -> memref<1x9984xi32, #tpu.memory_space<vmem>>
    %dma_wait3A_58 = tpu.memref_squeeze %dma_wait3A_57 : memref<1x9984xi32, #tpu.memory_space<vmem>> -> memref<9984xi32, #tpu.memory_space<vmem>>
    %dma_wait3A_59 = tpu.memref_slice %arg4[%mul3A_22] : memref<320000xi32, #tpu.memory_space<hbm>> -> memref<9984xi32, #tpu.memory_space<hbm>>
    %dma_wait3A_60 = tpu.memref_slice %arg4[%mul3A_22] : memref<320000xi32, #tpu.memory_space<hbm>> -> memref<9984xi32, #tpu.memory_space<hbm>>
    %dma_wait3A_61 = arith.constant 0 : i32
    %dma_wait3A_62 = tpu.memref_slice %arg6[%dma_wait3A_55, %dma_wait3A_61] : memref<2x9984xi32, #tpu.memory_space<vmem>> -> memref<1x9984xi32, #tpu.memory_space<vmem>>
    %dma_wait3A_63 = tpu.memref_squeeze %dma_wait3A_62 : memref<1x9984xi32, #tpu.memory_space<vmem>> -> memref<9984xi32, #tpu.memory_space<vmem>>
    tpu.wait_dma2 semaphore(%arg11 : memref<!tpu.dma_semaphore, #tpu.memory_space<semaphore_mem>>) src(%dma_wait3A_63 : memref<9984xi32, #tpu.memory_space<vmem>>) dst(%dma_wait3A_60 : memref<9984xi32, #tpu.memory_space<hbm>>)
    %dma_wait3A_64 = arith.constant 1 : i32
    %dma_wait3A_65 = arith.constant 0 : i32
    %dma_wait3A_66 = tpu.memref_slice %arg6[%dma_wait3A_64, %dma_wait3A_65] : memref<2x9984xi32, #tpu.memory_space<vmem>> -> memref<1x9984xi32, #tpu.memory_space<vmem>>
    %dma_wait3A_67 = tpu.memref_squeeze %dma_wait3A_66 : memref<1x9984xi32, #tpu.memory_space<vmem>> -> memref<9984xi32, #tpu.memory_space<vmem>>
    %dma_wait3A_68 = tpu.memref_slice %arg5[%mul3A_33] : memref<320000xi32, #tpu.memory_space<hbm>> -> memref<9984xi32, #tpu.memory_space<hbm>>
    %dma_wait3A_69 = tpu.memref_slice %arg5[%mul3A_33] : memref<320000xi32, #tpu.memory_space<hbm>> -> memref<9984xi32, #tpu.memory_space<hbm>>
    %dma_wait3A_70 = arith.constant 0 : i32
    %dma_wait3A_71 = tpu.memref_slice %arg6[%dma_wait3A_64, %dma_wait3A_70] : memref<2x9984xi32, #tpu.memory_space<vmem>> -> memref<1x9984xi32, #tpu.memory_space<vmem>>
    %dma_wait3A_72 = tpu.memref_squeeze %dma_wait3A_71 : memref<1x9984xi32, #tpu.memory_space<vmem>> -> memref<9984xi32, #tpu.memory_space<vmem>>
    tpu.wait_dma2 semaphore(%arg11 : memref<!tpu.dma_semaphore, #tpu.memory_space<semaphore_mem>>) src(%dma_wait3A_72 : memref<9984xi32, #tpu.memory_space<vmem>>) dst(%dma_wait3A_69 : memref<9984xi32, #tpu.memory_space<hbm>>)
    "tpu.region"() ({
      %run_scoped3A = tpu.sem_alloc : memref<!tpu.dma_semaphore, #tpu.memory_space<semaphore_mem>>
      %dma_start3A_73 = arith.constant 0 : i32
      %dma_start3A_74 = tpu.memref_slice %arg3[%add3A, %dma_start3A_73] : memref<32x10000xf32, #tpu.memory_space<hbm>> -> memref<1x10000xf32, #tpu.memory_space<hbm>>
      %dma_start3A_75 = tpu.memref_squeeze %dma_start3A_74 : memref<1x10000xf32, #tpu.memory_space<hbm>> -> memref<10000xf32, #tpu.memory_space<hbm>>
      %dma_start3A_76 = arith.constant 0 : i32
      %dma_start3A_77 = tpu.memref_slice %arg3[%add3A, %dma_start3A_76] : memref<32x10000xf32, #tpu.memory_space<hbm>> -> memref<1x10000xf32, #tpu.memory_space<hbm>>
      %dma_start3A_78 = tpu.memref_squeeze %dma_start3A_77 : memref<1x10000xf32, #tpu.memory_space<hbm>> -> memref<10000xf32, #tpu.memory_space<hbm>>
      tpu.enqueue_dma source(%arg8 : memref<10000xf32, #tpu.memory_space<vmem>>) target(%dma_start3A_78 : memref<10000xf32, #tpu.memory_space<hbm>>) target_semaphore(%run_scoped3A : memref<!tpu.dma_semaphore, #tpu.memory_space<semaphore_mem>>)
      %dma_wait3A_79 = arith.constant 0 : i32
      %dma_wait3A_80 = tpu.memref_slice %arg3[%add3A, %dma_wait3A_79] : memref<32x10000xf32, #tpu.memory_space<hbm>> -> memref<1x10000xf32, #tpu.memory_space<hbm>>
      %dma_wait3A_81 = tpu.memref_squeeze %dma_wait3A_80 : memref<1x10000xf32, #tpu.memory_space<hbm>> -> memref<10000xf32, #tpu.memory_space<hbm>>
      %dma_wait3A_82 = arith.constant 0 : i32
      %dma_wait3A_83 = tpu.memref_slice %arg3[%add3A, %dma_wait3A_82] : memref<32x10000xf32, #tpu.memory_space<hbm>> -> memref<1x10000xf32, #tpu.memory_space<hbm>>
      %dma_wait3A_84 = tpu.memref_squeeze %dma_wait3A_83 : memref<1x10000xf32, #tpu.memory_space<hbm>> -> memref<10000xf32, #tpu.memory_space<hbm>>
      tpu.wait_dma2 semaphore(%run_scoped3A : memref<!tpu.dma_semaphore, #tpu.memory_space<semaphore_mem>>) src(%arg8 : memref<10000xf32, #tpu.memory_space<vmem>>) dst(%dma_wait3A_84 : memref<10000xf32, #tpu.memory_space<hbm>>)
      tpu.yield
    }) : () -> ()
    return
  }
}

#map = affine_map<(d0, d1) -> (0, 0)>
#map1 = affine_map<(d0, d1) -> (0)>
#map2 = affine_map<(d0, d1) -> (0, 0, 0)>
module attributes {stable_mosaic.version = 14 : i64} {
  func.func @agg2_kernel(%arg0: i32, %arg1: i32, %arg2: memref<2x10000xf32, #tpu.memory_space<hbm>>, %arg3: memref<320000xi32, #tpu.memory_space<hbm>>, %arg4: memref<320000xi32, #tpu.memory_space<hbm>>, %arg5: memref<32x2x10000xf32, #tpu.memory_space<hbm>>, %arg6: memref<2x10000xf32, #tpu.memory_space<vmem>>, %arg7: memref<10000xi32, #tpu.memory_space<vmem>>, %arg8: memref<10000xi32, #tpu.memory_space<vmem>>, %arg9: memref<2x10000xf32, #tpu.memory_space<vmem>>, %arg10: memref<!tpu.dma_semaphore, #tpu.memory_space<semaphore_mem>>, %arg11: memref<!tpu.dma_semaphore, #tpu.memory_space<semaphore_mem>>, %arg12: memref<!tpu.dma_semaphore, #tpu.memory_space<semaphore_mem>>) attributes {dimension_semantics = [#tpu.dimension_semantics<core_parallel>, #tpu.dimension_semantics<subcore_parallel>], iteration_bounds = array<i64: 2, 16>, scalar_prefetch = 0 : i64, scratch_operands = 7 : i64, tpu.core_type = #tpu.core_type<sc_vector_subcore>, window_params = [{transform_indices = #map}, {transform_indices = #map1}, {transform_indices = #map1}, {transform_indices = #map2}]} {
    %mul3A = arith.constant 16 : i32
    %mul3A_0 = arith.muli %arg0, %mul3A : i32
    %add3A = arith.addi %mul3A_0, %arg1 : i32
    tpu.enqueue_dma source(%arg2 : memref<2x10000xf32, #tpu.memory_space<hbm>>) target(%arg6 : memref<2x10000xf32, #tpu.memory_space<vmem>>) target_semaphore(%arg10 : memref<!tpu.dma_semaphore, #tpu.memory_space<semaphore_mem>>)
    %mul3A_1 = arith.constant 10000 : i32
    %mul3A_2 = arith.muli %add3A, %mul3A_1 : i32
    %dma_start3A = tpu.memref_slice %arg3[%mul3A_2] : memref<320000xi32, #tpu.memory_space<hbm>> -> memref<10000xi32, #tpu.memory_space<hbm>>
    %dma_start3A_3 = tpu.memref_slice %arg3[%mul3A_2] : memref<320000xi32, #tpu.memory_space<hbm>> -> memref<10000xi32, #tpu.memory_space<hbm>>
    tpu.enqueue_dma source(%dma_start3A_3 : memref<10000xi32, #tpu.memory_space<hbm>>) target(%arg7 : memref<10000xi32, #tpu.memory_space<vmem>>) target_semaphore(%arg11 : memref<!tpu.dma_semaphore, #tpu.memory_space<semaphore_mem>>)
    %mul3A_4 = arith.constant 10000 : i32
    %mul3A_5 = arith.muli %add3A, %mul3A_4 : i32
    %dma_start3A_6 = tpu.memref_slice %arg4[%mul3A_5] : memref<320000xi32, #tpu.memory_space<hbm>> -> memref<10000xi32, #tpu.memory_space<hbm>>
    %dma_start3A_7 = tpu.memref_slice %arg4[%mul3A_5] : memref<320000xi32, #tpu.memory_space<hbm>> -> memref<10000xi32, #tpu.memory_space<hbm>>
    tpu.enqueue_dma source(%dma_start3A_7 : memref<10000xi32, #tpu.memory_space<hbm>>) target(%arg8 : memref<10000xi32, #tpu.memory_space<vmem>>) target_semaphore(%arg12 : memref<!tpu.dma_semaphore, #tpu.memory_space<semaphore_mem>>)
    %broadcast_in_dim3A = arith.constant 0.000000e+00 : f32
    %broadcast_in_dim3A_8 = vector.broadcast %broadcast_in_dim3A : f32 to vector<16xf32>
    %scan3A = arith.constant 0 : i32
    %scan3A_9 = arith.constant 0 : i32
    %scan3A_10 = arith.constant 156 : i32
    %scan3A_11 = arith.addi %scan3A_9, %scan3A_10 : i32
    %scan3A_12 = arith.constant 1 : i32
    %scan3A_13 = scf.for %scan3A_40 = %scan3A_9 to %scan3A_11 step %scan3A_12 iter_args(%scan3A_41 = %scan3A) -> (i32)  : i32 {
      %mul3A_42 = arith.constant 64 : i32
      %mul3A_43 = arith.muli %scan3A_40, %mul3A_42 : i32
      %add3A_44 = arith.constant 0 : i32
      %add3A_45 = arith.addi %mul3A_43, %add3A_44 : i32
      %swap3A_46 = arith.constant 0 : i32
      %swap3A_47 = arith.index_cast %swap3A_46 : i32 to index
      %swap3A_48 = arith.index_cast %add3A_45 : i32 to index
      %swap3A_49 = tpu.vector_load %arg9[%swap3A_47, %swap3A_48] {strides = array<i32>} : memref<2x10000xf32, #tpu.memory_space<vmem>>, vector<16xf32>,
      tpu.vector_store %arg9[%swap3A_47, %swap3A_48], %broadcast_in_dim3A_8 {strides = array<i32>} : memref<2x10000xf32, #tpu.memory_space<vmem>>, vector<16xf32>,
      %mul3A_50 = arith.constant 64 : i32
      %mul3A_51 = arith.muli %scan3A_40, %mul3A_50 : i32
      %add3A_52 = arith.constant 0 : i32
      %add3A_53 = arith.addi %mul3A_51, %add3A_52 : i32
      %swap3A_54 = arith.constant 1 : i32
      %swap3A_55 = arith.index_cast %swap3A_54 : i32 to index
      %swap3A_56 = arith.index_cast %add3A_53 : i32 to index
      %swap3A_57 = tpu.vector_load %arg9[%swap3A_55, %swap3A_56] {strides = array<i32>} : memref<2x10000xf32, #tpu.memory_space<vmem>>, vector<16xf32>,
      tpu.vector_store %arg9[%swap3A_55, %swap3A_56], %broadcast_in_dim3A_8 {strides = array<i32>} : memref<2x10000xf32, #tpu.memory_space<vmem>>, vector<16xf32>,
      %mul3A_58 = arith.constant 64 : i32
      %mul3A_59 = arith.muli %scan3A_40, %mul3A_58 : i32
      %add3A_60 = arith.constant 16 : i32
      %add3A_61 = arith.addi %mul3A_59, %add3A_60 : i32
      %swap3A_62 = arith.constant 0 : i32
      %swap3A_63 = arith.index_cast %swap3A_62 : i32 to index
      %swap3A_64 = arith.index_cast %add3A_61 : i32 to index
      %swap3A_65 = tpu.vector_load %arg9[%swap3A_63, %swap3A_64] {strides = array<i32>} : memref<2x10000xf32, #tpu.memory_space<vmem>>, vector<16xf32>,
      tpu.vector_store %arg9[%swap3A_63, %swap3A_64], %broadcast_in_dim3A_8 {strides = array<i32>} : memref<2x10000xf32, #tpu.memory_space<vmem>>, vector<16xf32>,
      %mul3A_66 = arith.constant 64 : i32
      %mul3A_67 = arith.muli %scan3A_40, %mul3A_66 : i32
      %add3A_68 = arith.constant 16 : i32
      %add3A_69 = arith.addi %mul3A_67, %add3A_68 : i32
      %swap3A_70 = arith.constant 1 : i32
      %swap3A_71 = arith.index_cast %swap3A_70 : i32 to index
      %swap3A_72 = arith.index_cast %add3A_69 : i32 to index
      %swap3A_73 = tpu.vector_load %arg9[%swap3A_71, %swap3A_72] {strides = array<i32>} : memref<2x10000xf32, #tpu.memory_space<vmem>>, vector<16xf32>,
      tpu.vector_store %arg9[%swap3A_71, %swap3A_72], %broadcast_in_dim3A_8 {strides = array<i32>} : memref<2x10000xf32, #tpu.memory_space<vmem>>, vector<16xf32>,
      %mul3A_74 = arith.constant 64 : i32
      %mul3A_75 = arith.muli %scan3A_40, %mul3A_74 : i32
      %add3A_76 = arith.constant 32 : i32
      %add3A_77 = arith.addi %mul3A_75, %add3A_76 : i32
      %swap3A_78 = arith.constant 0 : i32
      %swap3A_79 = arith.index_cast %swap3A_78 : i32 to index
      %swap3A_80 = arith.index_cast %add3A_77 : i32 to index
      %swap3A_81 = tpu.vector_load %arg9[%swap3A_79, %swap3A_80] {strides = array<i32>} : memref<2x10000xf32, #tpu.memory_space<vmem>>, vector<16xf32>,
      tpu.vector_store %arg9[%swap3A_79, %swap3A_80], %broadcast_in_dim3A_8 {strides = array<i32>} : memref<2x10000xf32, #tpu.memory_space<vmem>>, vector<16xf32>,
      %mul3A_82 = arith.constant 64 : i32
      %mul3A_83 = arith.muli %scan3A_40, %mul3A_82 : i32
      %add3A_84 = arith.constant 32 : i32
      %add3A_85 = arith.addi %mul3A_83, %add3A_84 : i32
      %swap3A_86 = arith.constant 1 : i32
      %swap3A_87 = arith.index_cast %swap3A_86 : i32 to index
      %swap3A_88 = arith.index_cast %add3A_85 : i32 to index
      %swap3A_89 = tpu.vector_load %arg9[%swap3A_87, %swap3A_88] {strides = array<i32>} : memref<2x10000xf32, #tpu.memory_space<vmem>>, vector<16xf32>,
      tpu.vector_store %arg9[%swap3A_87, %swap3A_88], %broadcast_in_dim3A_8 {strides = array<i32>} : memref<2x10000xf32, #tpu.memory_space<vmem>>, vector<16xf32>,
      %mul3A_90 = arith.constant 64 : i32
      %mul3A_91 = arith.muli %scan3A_40, %mul3A_90 : i32
      %add3A_92 = arith.constant 48 : i32
      %add3A_93 = arith.addi %mul3A_91, %add3A_92 : i32
      %swap3A_94 = arith.constant 0 : i32
      %swap3A_95 = arith.index_cast %swap3A_94 : i32 to index
      %swap3A_96 = arith.index_cast %add3A_93 : i32 to index
      %swap3A_97 = tpu.vector_load %arg9[%swap3A_95, %swap3A_96] {strides = array<i32>} : memref<2x10000xf32, #tpu.memory_space<vmem>>, vector<16xf32>,
      tpu.vector_store %arg9[%swap3A_95, %swap3A_96], %broadcast_in_dim3A_8 {strides = array<i32>} : memref<2x10000xf32, #tpu.memory_space<vmem>>, vector<16xf32>,
      %mul3A_98 = arith.constant 64 : i32
      %mul3A_99 = arith.muli %scan3A_40, %mul3A_98 : i32
      %add3A_100 = arith.constant 48 : i32
      %add3A_101 = arith.addi %mul3A_99, %add3A_100 : i32
      %swap3A_102 = arith.constant 1 : i32
      %swap3A_103 = arith.index_cast %swap3A_102 : i32 to index
      %swap3A_104 = arith.index_cast %add3A_101 : i32 to index
      %swap3A_105 = tpu.vector_load %arg9[%swap3A_103, %swap3A_104] {strides = array<i32>} : memref<2x10000xf32, #tpu.memory_space<vmem>>, vector<16xf32>,
      tpu.vector_store %arg9[%swap3A_103, %swap3A_104], %broadcast_in_dim3A_8 {strides = array<i32>} : memref<2x10000xf32, #tpu.memory_space<vmem>>, vector<16xf32>,
      %scan3A_106 = arith.constant 0 : i32
      scf.yield %scan3A_106 : i32
    }
    %scan3A_14 = arith.constant 156 : i32
    %swap3A = arith.constant 0 : i32
    %swap3A_15 = arith.index_cast %swap3A : i32 to index
    %swap3A_16 = arith.constant 9984 : index
    %swap3A_17 = tpu.vector_load %arg9[%swap3A_15, %swap3A_16] {strides = array<i32>} : memref<2x10000xf32, #tpu.memory_space<vmem>>, vector<16xf32>,
    tpu.vector_store %arg9[%swap3A_15, %swap3A_16], %broadcast_in_dim3A_8 {strides = array<i32>} : memref<2x10000xf32, #tpu.memory_space<vmem>>, vector<16xf32>,
    %swap3A_18 = arith.constant 1 : i32
    %swap3A_19 = arith.index_cast %swap3A_18 : i32 to index
    %swap3A_20 = arith.constant 9984 : index
    %swap3A_21 = tpu.vector_load %arg9[%swap3A_19, %swap3A_20] {strides = array<i32>} : memref<2x10000xf32, #tpu.memory_space<vmem>>, vector<16xf32>,
    tpu.vector_store %arg9[%swap3A_19, %swap3A_20], %broadcast_in_dim3A_8 {strides = array<i32>} : memref<2x10000xf32, #tpu.memory_space<vmem>>, vector<16xf32>,
    tpu.wait_dma2 semaphore(%arg10 : memref<!tpu.dma_semaphore, #tpu.memory_space<semaphore_mem>>) src(%arg2 : memref<2x10000xf32, #tpu.memory_space<hbm>>) dst(%arg6 : memref<2x10000xf32, #tpu.memory_space<vmem>>)
    %dma_wait3A = tpu.memref_slice %arg3[%mul3A_2] : memref<320000xi32, #tpu.memory_space<hbm>> -> memref<10000xi32, #tpu.memory_space<hbm>>
    %dma_wait3A_22 = tpu.memref_slice %arg3[%mul3A_2] : memref<320000xi32, #tpu.memory_space<hbm>> -> memref<10000xi32, #tpu.memory_space<hbm>>
    tpu.wait_dma2 semaphore(%arg11 : memref<!tpu.dma_semaphore, #tpu.memory_space<semaphore_mem>>) src(%dma_wait3A_22 : memref<10000xi32, #tpu.memory_space<hbm>>) dst(%arg7 : memref<10000xi32, #tpu.memory_space<vmem>>)
    %dma_wait3A_23 = tpu.memref_slice %arg4[%mul3A_5] : memref<320000xi32, #tpu.memory_space<hbm>> -> memref<10000xi32, #tpu.memory_space<hbm>>
    %dma_wait3A_24 = tpu.memref_slice %arg4[%mul3A_5] : memref<320000xi32, #tpu.memory_space<hbm>> -> memref<10000xi32, #tpu.memory_space<hbm>>
    tpu.wait_dma2 semaphore(%arg12 : memref<!tpu.dma_semaphore, #tpu.memory_space<semaphore_mem>>) src(%dma_wait3A_24 : memref<10000xi32, #tpu.memory_space<hbm>>) dst(%arg8 : memref<10000xi32, #tpu.memory_space<vmem>>)
    %broadcast_in_dim3A_25 = arith.constant 0 : i32
    %broadcast_in_dim3A_26 = vector.broadcast %broadcast_in_dim3A_25 : i32 to vector<16xi32>
    %broadcast_in_dim3A_27 = arith.constant 1 : i32
    %broadcast_in_dim3A_28 = vector.broadcast %broadcast_in_dim3A_27 : i32 to vector<16xi32>
    %scan3A_29 = arith.constant 0 : i32
    %scan3A_30 = arith.constant 0 : i32
    %scan3A_31 = arith.constant 156 : i32
    %scan3A_32 = arith.addi %scan3A_30, %scan3A_31 : i32
    %scan3A_33 = arith.constant 1 : i32
    %scan3A_34 = scf.for %scan3A_40 = %scan3A_30 to %scan3A_32 step %scan3A_33 iter_args(%scan3A_41 = %scan3A_29) -> (i32)  : i32 {
      %mul3A_42 = arith.constant 4 : i32
      %mul3A_43 = arith.muli %scan3A_40, %mul3A_42 : i32
      %add3A_44 = arith.constant 0 : i32
      %add3A_45 = arith.addi %mul3A_43, %add3A_44 : i32
      %mul3A_46 = arith.constant 16 : i32
      %mul3A_47 = arith.muli %add3A_45, %mul3A_46 : i32
      %get3A_48 = arith.index_cast %mul3A_47 : i32 to index
      %get3A_49 = tpu.vector_load %arg7[%get3A_48] {strides = array<i32>} : memref<10000xi32, #tpu.memory_space<vmem>>, vector<16xi32>,
      %mul3A_50 = arith.constant 16 : i32
      %mul3A_51 = arith.muli %add3A_45, %mul3A_50 : i32
      %get3A_52 = arith.index_cast %mul3A_51 : i32 to index
      %get3A_53 = tpu.vector_load %arg8[%get3A_52] {strides = array<i32>} : memref<10000xi32, #tpu.memory_space<vmem>>, vector<16xi32>,
      %gather3A_54 = tpu.vector_load_idx %arg6[%broadcast_in_dim3A_26, %get3A_49] : memref<2x10000xf32, #tpu.memory_space<vmem>>[vector<16xi32>, vector<16xi32>], vector<16xf32>,
      tpu.vector_store_idx %arg9[%broadcast_in_dim3A_26, %get3A_53], %gather3A_54 {add = true} : memref<2x10000xf32, #tpu.memory_space<vmem>>[vector<16xi32>, vector<16xi32>], vector<16xf32>,
      %gather3A_55 = tpu.vector_load_idx %arg6[%broadcast_in_dim3A_28, %get3A_49] : memref<2x10000xf32, #tpu.memory_space<vmem>>[vector<16xi32>, vector<16xi32>], vector<16xf32>,
      tpu.vector_store_idx %arg9[%broadcast_in_dim3A_28, %get3A_53], %gather3A_55 {add = true} : memref<2x10000xf32, #tpu.memory_space<vmem>>[vector<16xi32>, vector<16xi32>], vector<16xf32>,
      %mul3A_56 = arith.constant 4 : i32
      %mul3A_57 = arith.muli %scan3A_40, %mul3A_56 : i32
      %add3A_58 = arith.constant 1 : i32
      %add3A_59 = arith.addi %mul3A_57, %add3A_58 : i32
      %mul3A_60 = arith.constant 16 : i32
      %mul3A_61 = arith.muli %add3A_59, %mul3A_60 : i32
      %get3A_62 = arith.index_cast %mul3A_61 : i32 to index
      %get3A_63 = tpu.vector_load %arg7[%get3A_62] {strides = array<i32>} : memref<10000xi32, #tpu.memory_space<vmem>>, vector<16xi32>,
      %mul3A_64 = arith.constant 16 : i32
      %mul3A_65 = arith.muli %add3A_59, %mul3A_64 : i32
      %get3A_66 = arith.index_cast %mul3A_65 : i32 to index
      %get3A_67 = tpu.vector_load %arg8[%get3A_66] {strides = array<i32>} : memref<10000xi32, #tpu.memory_space<vmem>>, vector<16xi32>,
      %gather3A_68 = tpu.vector_load_idx %arg6[%broadcast_in_dim3A_26, %get3A_63] : memref<2x10000xf32, #tpu.memory_space<vmem>>[vector<16xi32>, vector<16xi32>], vector<16xf32>,
      tpu.vector_store_idx %arg9[%broadcast_in_dim3A_26, %get3A_67], %gather3A_68 {add = true} : memref<2x10000xf32, #tpu.memory_space<vmem>>[vector<16xi32>, vector<16xi32>], vector<16xf32>,
      %gather3A_69 = tpu.vector_load_idx %arg6[%broadcast_in_dim3A_28, %get3A_63] : memref<2x10000xf32, #tpu.memory_space<vmem>>[vector<16xi32>, vector<16xi32>], vector<16xf32>,
      tpu.vector_store_idx %arg9[%broadcast_in_dim3A_28, %get3A_67], %gather3A_69 {add = true} : memref<2x10000xf32, #tpu.memory_space<vmem>>[vector<16xi32>, vector<16xi32>], vector<16xf32>,
      %mul3A_70 = arith.constant 4 : i32
      %mul3A_71 = arith.muli %scan3A_40, %mul3A_70 : i32
      %add3A_72 = arith.constant 2 : i32
      %add3A_73 = arith.addi %mul3A_71, %add3A_72 : i32
      %mul3A_74 = arith.constant 16 : i32
      %mul3A_75 = arith.muli %add3A_73, %mul3A_74 : i32
      %get3A_76 = arith.index_cast %mul3A_75 : i32 to index
      %get3A_77 = tpu.vector_load %arg7[%get3A_76] {strides = array<i32>} : memref<10000xi32, #tpu.memory_space<vmem>>, vector<16xi32>,
      %mul3A_78 = arith.constant 16 : i32
      %mul3A_79 = arith.muli %add3A_73, %mul3A_78 : i32
      %get3A_80 = arith.index_cast %mul3A_79 : i32 to index
      %get3A_81 = tpu.vector_load %arg8[%get3A_80] {strides = array<i32>} : memref<10000xi32, #tpu.memory_space<vmem>>, vector<16xi32>,
      %gather3A_82 = tpu.vector_load_idx %arg6[%broadcast_in_dim3A_26, %get3A_77] : memref<2x10000xf32, #tpu.memory_space<vmem>>[vector<16xi32>, vector<16xi32>], vector<16xf32>,
      tpu.vector_store_idx %arg9[%broadcast_in_dim3A_26, %get3A_81], %gather3A_82 {add = true} : memref<2x10000xf32, #tpu.memory_space<vmem>>[vector<16xi32>, vector<16xi32>], vector<16xf32>,
      %gather3A_83 = tpu.vector_load_idx %arg6[%broadcast_in_dim3A_28, %get3A_77] : memref<2x10000xf32, #tpu.memory_space<vmem>>[vector<16xi32>, vector<16xi32>], vector<16xf32>,
      tpu.vector_store_idx %arg9[%broadcast_in_dim3A_28, %get3A_81], %gather3A_83 {add = true} : memref<2x10000xf32, #tpu.memory_space<vmem>>[vector<16xi32>, vector<16xi32>], vector<16xf32>,
      %mul3A_84 = arith.constant 4 : i32
      %mul3A_85 = arith.muli %scan3A_40, %mul3A_84 : i32
      %add3A_86 = arith.constant 3 : i32
      %add3A_87 = arith.addi %mul3A_85, %add3A_86 : i32
      %mul3A_88 = arith.constant 16 : i32
      %mul3A_89 = arith.muli %add3A_87, %mul3A_88 : i32
      %get3A_90 = arith.index_cast %mul3A_89 : i32 to index
      %get3A_91 = tpu.vector_load %arg7[%get3A_90] {strides = array<i32>} : memref<10000xi32, #tpu.memory_space<vmem>>, vector<16xi32>,
      %mul3A_92 = arith.constant 16 : i32
      %mul3A_93 = arith.muli %add3A_87, %mul3A_92 : i32
      %get3A_94 = arith.index_cast %mul3A_93 : i32 to index
      %get3A_95 = tpu.vector_load %arg8[%get3A_94] {strides = array<i32>} : memref<10000xi32, #tpu.memory_space<vmem>>, vector<16xi32>,
      %gather3A_96 = tpu.vector_load_idx %arg6[%broadcast_in_dim3A_26, %get3A_91] : memref<2x10000xf32, #tpu.memory_space<vmem>>[vector<16xi32>, vector<16xi32>], vector<16xf32>,
      tpu.vector_store_idx %arg9[%broadcast_in_dim3A_26, %get3A_95], %gather3A_96 {add = true} : memref<2x10000xf32, #tpu.memory_space<vmem>>[vector<16xi32>, vector<16xi32>], vector<16xf32>,
      %gather3A_97 = tpu.vector_load_idx %arg6[%broadcast_in_dim3A_28, %get3A_91] : memref<2x10000xf32, #tpu.memory_space<vmem>>[vector<16xi32>, vector<16xi32>], vector<16xf32>,
      tpu.vector_store_idx %arg9[%broadcast_in_dim3A_28, %get3A_95], %gather3A_97 {add = true} : memref<2x10000xf32, #tpu.memory_space<vmem>>[vector<16xi32>, vector<16xi32>], vector<16xf32>,
      %scan3A_98 = arith.constant 0 : i32
      scf.yield %scan3A_98 : i32
    }
    %scan3A_35 = arith.constant 156 : i32
    %get3A = arith.constant 9984 : index
    %get3A_36 = tpu.vector_load %arg7[%get3A] {strides = array<i32>} : memref<10000xi32, #tpu.memory_space<vmem>>, vector<16xi32>,
    %get3A_37 = arith.constant 9984 : index
    %get3A_38 = tpu.vector_load %arg8[%get3A_37] {strides = array<i32>} : memref<10000xi32, #tpu.memory_space<vmem>>, vector<16xi32>,
    %gather3A = tpu.vector_load_idx %arg6[%broadcast_in_dim3A_26, %get3A_36] : memref<2x10000xf32, #tpu.memory_space<vmem>>[vector<16xi32>, vector<16xi32>], vector<16xf32>,
    tpu.vector_store_idx %arg9[%broadcast_in_dim3A_26, %get3A_38], %gather3A {add = true} : memref<2x10000xf32, #tpu.memory_space<vmem>>[vector<16xi32>, vector<16xi32>], vector<16xf32>,
    %gather3A_39 = tpu.vector_load_idx %arg6[%broadcast_in_dim3A_28, %get3A_36] : memref<2x10000xf32, #tpu.memory_space<vmem>>[vector<16xi32>, vector<16xi32>], vector<16xf32>,
    tpu.vector_store_idx %arg9[%broadcast_in_dim3A_28, %get3A_38], %gather3A_39 {add = true} : memref<2x10000xf32, #tpu.memory_space<vmem>>[vector<16xi32>, vector<16xi32>], vector<16xf32>,
    "tpu.region"() ({
      %run_scoped3A = tpu.sem_alloc : memref<!tpu.dma_semaphore, #tpu.memory_space<semaphore_mem>>
      %dma_start3A_40 = arith.constant 0 : i32
      %dma_start3A_41 = arith.constant 0 : i32
      %dma_start3A_42 = tpu.memref_slice %arg5[%add3A, %dma_start3A_40, %dma_start3A_41] : memref<32x2x10000xf32, #tpu.memory_space<hbm>> -> memref<1x2x10000xf32, #tpu.memory_space<hbm>>
      %dma_start3A_43 = tpu.memref_squeeze %dma_start3A_42 : memref<1x2x10000xf32, #tpu.memory_space<hbm>> -> memref<2x10000xf32, #tpu.memory_space<hbm>>
      %dma_start3A_44 = arith.constant 0 : i32
      %dma_start3A_45 = arith.constant 0 : i32
      %dma_start3A_46 = tpu.memref_slice %arg5[%add3A, %dma_start3A_44, %dma_start3A_45] : memref<32x2x10000xf32, #tpu.memory_space<hbm>> -> memref<1x2x10000xf32, #tpu.memory_space<hbm>>
      %dma_start3A_47 = tpu.memref_squeeze %dma_start3A_46 : memref<1x2x10000xf32, #tpu.memory_space<hbm>> -> memref<2x10000xf32, #tpu.memory_space<hbm>>
      tpu.enqueue_dma source(%arg9 : memref<2x10000xf32, #tpu.memory_space<vmem>>) target(%dma_start3A_47 : memref<2x10000xf32, #tpu.memory_space<hbm>>) target_semaphore(%run_scoped3A : memref<!tpu.dma_semaphore, #tpu.memory_space<semaphore_mem>>)
      %dma_wait3A_48 = arith.constant 0 : i32
      %dma_wait3A_49 = arith.constant 0 : i32
      %dma_wait3A_50 = tpu.memref_slice %arg5[%add3A, %dma_wait3A_48, %dma_wait3A_49] : memref<32x2x10000xf32, #tpu.memory_space<hbm>> -> memref<1x2x10000xf32, #tpu.memory_space<hbm>>
      %dma_wait3A_51 = tpu.memref_squeeze %dma_wait3A_50 : memref<1x2x10000xf32, #tpu.memory_space<hbm>> -> memref<2x10000xf32, #tpu.memory_space<hbm>>
      %dma_wait3A_52 = arith.constant 0 : i32
      %dma_wait3A_53 = arith.constant 0 : i32
      %dma_wait3A_54 = tpu.memref_slice %arg5[%add3A, %dma_wait3A_52, %dma_wait3A_53] : memref<32x2x10000xf32, #tpu.memory_space<hbm>> -> memref<1x2x10000xf32, #tpu.memory_space<hbm>>
      %dma_wait3A_55 = tpu.memref_squeeze %dma_wait3A_54 : memref<1x2x10000xf32, #tpu.memory_space<hbm>> -> memref<2x10000xf32, #tpu.memory_space<hbm>>
      tpu.wait_dma2 semaphore(%run_scoped3A : memref<!tpu.dma_semaphore, #tpu.memory_space<semaphore_mem>>) src(%arg9 : memref<2x10000xf32, #tpu.memory_space<vmem>>) dst(%dma_wait3A_55 : memref<2x10000xf32, #tpu.memory_space<hbm>>)
      tpu.yield
    }) : () -> ()
    return
  }
}

#map = affine_map<(d0, d1) -> (0, 0)>
#map1 = affine_map<(d0, d1) -> (0)>
#map2 = affine_map<(d0, d1) -> (0, 0, 0)>
module attributes {stable_mosaic.version = 14 : i64} {
  func.func @agg1_kernel(%arg0: i32, %arg1: i32, %arg2: memref<10000x128xf32, #tpu.memory_space<hbm>>, %arg3: memref<320000xi32, #tpu.memory_space<hbm>>, %arg4: memref<320000xi32, #tpu.memory_space<hbm>>, %arg5: memref<2x10112x128xf32, #tpu.memory_space<hbm>>, %arg6: memref<80xi32, #tpu.memory_space<vmem>>, %arg7: memref<80xi32, #tpu.memory_space<vmem>>, %arg8: memref<80xi32, #tpu.memory_space<vmem>>, %arg9: memref<80xi32, #tpu.memory_space<vmem>>, %arg10: memref<80xi32, #tpu.memory_space<vmem>>, %arg11: memref<80xi32, #tpu.memory_space<vmem>>, %arg12: memref<80xi32, #tpu.memory_space<vmem>>, %arg13: memref<80xi32, #tpu.memory_space<vmem>>, %arg14: memref<80xi32, #tpu.memory_space<vmem>>, %arg15: memref<80xi32, #tpu.memory_space<vmem>>, %arg16: memref<80xi32, #tpu.memory_space<vmem>>, %arg17: memref<80xi32, #tpu.memory_space<vmem>>, %arg18: memref<80xi32, #tpu.memory_space<vmem>>, %arg19: memref<80xi32, #tpu.memory_space<vmem>>, %arg20: memref<80xi32, #tpu.memory_space<vmem>>, %arg21: memref<80xi32, #tpu.memory_space<vmem>>, %arg22: memref<80x128xf32, #tpu.memory_space<vmem>>, %arg23: memref<80x128xf32, #tpu.memory_space<vmem>>, %arg24: memref<80x128xf32, #tpu.memory_space<vmem>>, %arg25: memref<80x128xf32, #tpu.memory_space<vmem>>, %arg26: memref<!tpu.dma_semaphore, #tpu.memory_space<semaphore_mem>>, %arg27: memref<!tpu.dma_semaphore, #tpu.memory_space<semaphore_mem>>, %arg28: memref<!tpu.dma_semaphore, #tpu.memory_space<semaphore_mem>>, %arg29: memref<!tpu.dma_semaphore, #tpu.memory_space<semaphore_mem>>, %arg30: memref<!tpu.dma_semaphore, #tpu.memory_space<semaphore_mem>>, %arg31: memref<!tpu.dma_semaphore, #tpu.memory_space<semaphore_mem>>, %arg32: memref<!tpu.dma_semaphore, #tpu.memory_space<semaphore_mem>>, %arg33: memref<!tpu.dma_semaphore, #tpu.memory_space<semaphore_mem>>, %arg34: memref<!tpu.dma_semaphore, #tpu.memory_space<semaphore_mem>>, %arg35: memref<!tpu.dma_semaphore, #tpu.memory_space<semaphore_mem>>, %arg36: memref<!tpu.dma_semaphore, #tpu.memory_space<semaphore_mem>>, %arg37: memref<!tpu.dma_semaphore, #tpu.memory_space<semaphore_mem>>, %arg38: memref<!tpu.dma_semaphore, #tpu.memory_space<semaphore_mem>>, %arg39: memref<!tpu.dma_semaphore, #tpu.memory_space<semaphore_mem>>, %arg40: memref<!tpu.dma_semaphore, #tpu.memory_space<semaphore_mem>>, %arg41: memref<!tpu.dma_semaphore, #tpu.memory_space<semaphore_mem>>, %arg42: memref<!tpu.dma_semaphore, #tpu.memory_space<semaphore_mem>>, %arg43: memref<!tpu.dma_semaphore, #tpu.memory_space<semaphore_mem>>, %arg44: memref<!tpu.dma_semaphore, #tpu.memory_space<semaphore_mem>>, %arg45: memref<!tpu.dma_semaphore, #tpu.memory_space<semaphore_mem>>, %arg46: memref<!tpu.dma_semaphore, #tpu.memory_space<semaphore_mem>>, %arg47: memref<!tpu.dma_semaphore, #tpu.memory_space<semaphore_mem>>, %arg48: memref<!tpu.dma_semaphore, #tpu.memory_space<semaphore_mem>>, %arg49: memref<!tpu.dma_semaphore, #tpu.memory_space<semaphore_mem>>, %arg50: memref<10112x128xf32, #tpu.memory_space<vmem_shared>>) attributes {dimension_semantics = [#tpu.dimension_semantics<core_parallel>, #tpu.dimension_semantics<subcore_parallel>], iteration_bounds = array<i64: 2, 16>, scalar_prefetch = 0 : i64, scratch_operands = 45 : i64, tpu.core_type = #tpu.core_type<sc_vector_subcore>, window_params = [{transform_indices = #map}, {transform_indices = #map1}, {transform_indices = #map1}, {transform_indices = #map2}]} {
    %broadcast_in_dim3A = arith.constant 0.000000e+00 : f32
    %broadcast_in_dim3A_0 = vector.broadcast %broadcast_in_dim3A : f32 to vector<16xf32>
    %scan3A = arith.constant 0 : i32
    %scan3A_1 = arith.constant 0 : i32
    %scan3A_2 = arith.constant 80 : i32
    %scan3A_3 = arith.addi %scan3A_1, %scan3A_2 : i32
    %scan3A_4 = arith.constant 1 : i32
    %scan3A_5 = scf.for %scan3A_531 = %scan3A_1 to %scan3A_3 step %scan3A_4 iter_args(%scan3A_532 = %scan3A) -> (i32)  : i32 {
      %swap3A = arith.index_cast %scan3A_531 : i32 to index
      %swap3A_533 = arith.constant 0 : index
      %swap3A_534 = tpu.vector_load %arg22[%swap3A, %swap3A_533] {strides = array<i32>} : memref<80x128xf32, #tpu.memory_space<vmem>>, vector<16xf32>,
      tpu.vector_store %arg22[%swap3A, %swap3A_533], %broadcast_in_dim3A_0 {strides = array<i32>} : memref<80x128xf32, #tpu.memory_space<vmem>>, vector<16xf32>,
      %swap3A_535 = arith.index_cast %scan3A_531 : i32 to index
      %swap3A_536 = arith.constant 16 : index
      %swap3A_537 = tpu.vector_load %arg22[%swap3A_535, %swap3A_536] {strides = array<i32>} : memref<80x128xf32, #tpu.memory_space<vmem>>, vector<16xf32>,
      tpu.vector_store %arg22[%swap3A_535, %swap3A_536], %broadcast_in_dim3A_0 {strides = array<i32>} : memref<80x128xf32, #tpu.memory_space<vmem>>, vector<16xf32>,
      %swap3A_538 = arith.index_cast %scan3A_531 : i32 to index
      %swap3A_539 = arith.constant 32 : index
      %swap3A_540 = tpu.vector_load %arg22[%swap3A_538, %swap3A_539] {strides = array<i32>} : memref<80x128xf32, #tpu.memory_space<vmem>>, vector<16xf32>,
      tpu.vector_store %arg22[%swap3A_538, %swap3A_539], %broadcast_in_dim3A_0 {strides = array<i32>} : memref<80x128xf32, #tpu.memory_space<vmem>>, vector<16xf32>,
      %swap3A_541 = arith.index_cast %scan3A_531 : i32 to index
      %swap3A_542 = arith.constant 48 : index
      %swap3A_543 = tpu.vector_load %arg22[%swap3A_541, %swap3A_542] {strides = array<i32>} : memref<80x128xf32, #tpu.memory_space<vmem>>, vector<16xf32>,
      tpu.vector_store %arg22[%swap3A_541, %swap3A_542], %broadcast_in_dim3A_0 {strides = array<i32>} : memref<80x128xf32, #tpu.memory_space<vmem>>, vector<16xf32>,
      %swap3A_544 = arith.index_cast %scan3A_531 : i32 to index
      %swap3A_545 = arith.constant 64 : index
      %swap3A_546 = tpu.vector_load %arg22[%swap3A_544, %swap3A_545] {strides = array<i32>} : memref<80x128xf32, #tpu.memory_space<vmem>>, vector<16xf32>,
      tpu.vector_store %arg22[%swap3A_544, %swap3A_545], %broadcast_in_dim3A_0 {strides = array<i32>} : memref<80x128xf32, #tpu.memory_space<vmem>>, vector<16xf32>,
      %swap3A_547 = arith.index_cast %scan3A_531 : i32 to index
      %swap3A_548 = arith.constant 80 : index
      %swap3A_549 = tpu.vector_load %arg22[%swap3A_547, %swap3A_548] {strides = array<i32>} : memref<80x128xf32, #tpu.memory_space<vmem>>, vector<16xf32>,
      tpu.vector_store %arg22[%swap3A_547, %swap3A_548], %broadcast_in_dim3A_0 {strides = array<i32>} : memref<80x128xf32, #tpu.memory_space<vmem>>, vector<16xf32>,
      %swap3A_550 = arith.index_cast %scan3A_531 : i32 to index
      %swap3A_551 = arith.constant 96 : index
      %swap3A_552 = tpu.vector_load %arg22[%swap3A_550, %swap3A_551] {strides = array<i32>} : memref<80x128xf32, #tpu.memory_space<vmem>>, vector<16xf32>,
      tpu.vector_store %arg22[%swap3A_550, %swap3A_551], %broadcast_in_dim3A_0 {strides = array<i32>} : memref<80x128xf32, #tpu.memory_space<vmem>>, vector<16xf32>,
      %swap3A_553 = arith.index_cast %scan3A_531 : i32 to index
      %swap3A_554 = arith.constant 112 : index
      %swap3A_555 = tpu.vector_load %arg22[%swap3A_553, %swap3A_554] {strides = array<i32>} : memref<80x128xf32, #tpu.memory_space<vmem>>, vector<16xf32>,
      tpu.vector_store %arg22[%swap3A_553, %swap3A_554], %broadcast_in_dim3A_0 {strides = array<i32>} : memref<80x128xf32, #tpu.memory_space<vmem>>, vector<16xf32>,
      %scan3A_556 = arith.constant 0 : i32
      scf.yield %scan3A_556 : i32
    }
    %scan3A_6 = arith.constant 80 : i32
    %mul3A = arith.constant 632 : i32
    %mul3A_7 = arith.muli %arg1, %mul3A : i32
    %add3A = arith.constant 0 : i32
    %add3A_8 = arith.addi %mul3A_7, %add3A : i32
    %dma_start3A = arith.constant 0 : i32
    %dma_start3A_9 = tpu.memref_slice %arg50[%add3A_8, %dma_start3A] : memref<10112x128xf32, #tpu.memory_space<vmem_shared>> -> memref<80x128xf32, #tpu.memory_space<vmem_shared>>
    %dma_start3A_10 = arith.constant 0 : i32
    %dma_start3A_11 = tpu.memref_slice %arg50[%add3A_8, %dma_start3A_10] : memref<10112x128xf32, #tpu.memory_space<vmem_shared>> -> memref<80x128xf32, #tpu.memory_space<vmem_shared>>
    tpu.enqueue_dma source(%arg22 : memref<80x128xf32, #tpu.memory_space<vmem>>) target(%dma_start3A_11 : memref<80x128xf32, #tpu.memory_space<vmem_shared>>) target_semaphore(%arg46 : memref<!tpu.dma_semaphore, #tpu.memory_space<semaphore_mem>>)
    %mul3A_12 = arith.constant 632 : i32
    %mul3A_13 = arith.muli %arg1, %mul3A_12 : i32
    %add3A_14 = arith.constant 80 : i32
    %add3A_15 = arith.addi %mul3A_13, %add3A_14 : i32
    %dma_start3A_16 = arith.constant 0 : i32
    %dma_start3A_17 = tpu.memref_slice %arg50[%add3A_15, %dma_start3A_16] : memref<10112x128xf32, #tpu.memory_space<vmem_shared>> -> memref<80x128xf32, #tpu.memory_space<vmem_shared>>
    %dma_start3A_18 = arith.constant 0 : i32
    %dma_start3A_19 = tpu.memref_slice %arg50[%add3A_15, %dma_start3A_18] : memref<10112x128xf32, #tpu.memory_space<vmem_shared>> -> memref<80x128xf32, #tpu.memory_space<vmem_shared>>
    tpu.enqueue_dma source(%arg22 : memref<80x128xf32, #tpu.memory_space<vmem>>) target(%dma_start3A_19 : memref<80x128xf32, #tpu.memory_space<vmem_shared>>) target_semaphore(%arg46 : memref<!tpu.dma_semaphore, #tpu.memory_space<semaphore_mem>>)
    %mul3A_20 = arith.constant 632 : i32
    %mul3A_21 = arith.muli %arg1, %mul3A_20 : i32
    %add3A_22 = arith.constant 160 : i32
    %add3A_23 = arith.addi %mul3A_21, %add3A_22 : i32
    %dma_start3A_24 = arith.constant 0 : i32
    %dma_start3A_25 = tpu.memref_slice %arg50[%add3A_23, %dma_start3A_24] : memref<10112x128xf32, #tpu.memory_space<vmem_shared>> -> memref<80x128xf32, #tpu.memory_space<vmem_shared>>
    %dma_start3A_26 = arith.constant 0 : i32
    %dma_start3A_27 = tpu.memref_slice %arg50[%add3A_23, %dma_start3A_26] : memref<10112x128xf32, #tpu.memory_space<vmem_shared>> -> memref<80x128xf32, #tpu.memory_space<vmem_shared>>
    tpu.enqueue_dma source(%arg22 : memref<80x128xf32, #tpu.memory_space<vmem>>) target(%dma_start3A_27 : memref<80x128xf32, #tpu.memory_space<vmem_shared>>) target_semaphore(%arg46 : memref<!tpu.dma_semaphore, #tpu.memory_space<semaphore_mem>>)
    %mul3A_28 = arith.constant 632 : i32
    %mul3A_29 = arith.muli %arg1, %mul3A_28 : i32
    %add3A_30 = arith.constant 240 : i32
    %add3A_31 = arith.addi %mul3A_29, %add3A_30 : i32
    %dma_start3A_32 = arith.constant 0 : i32
    %dma_start3A_33 = tpu.memref_slice %arg50[%add3A_31, %dma_start3A_32] : memref<10112x128xf32, #tpu.memory_space<vmem_shared>> -> memref<80x128xf32, #tpu.memory_space<vmem_shared>>
    %dma_start3A_34 = arith.constant 0 : i32
    %dma_start3A_35 = tpu.memref_slice %arg50[%add3A_31, %dma_start3A_34] : memref<10112x128xf32, #tpu.memory_space<vmem_shared>> -> memref<80x128xf32, #tpu.memory_space<vmem_shared>>
    tpu.enqueue_dma source(%arg22 : memref<80x128xf32, #tpu.memory_space<vmem>>) target(%dma_start3A_35 : memref<80x128xf32, #tpu.memory_space<vmem_shared>>) target_semaphore(%arg46 : memref<!tpu.dma_semaphore, #tpu.memory_space<semaphore_mem>>)
    %mul3A_36 = arith.constant 632 : i32
    %mul3A_37 = arith.muli %arg1, %mul3A_36 : i32
    %add3A_38 = arith.constant 320 : i32
    %add3A_39 = arith.addi %mul3A_37, %add3A_38 : i32
    %dma_start3A_40 = arith.constant 0 : i32
    %dma_start3A_41 = tpu.memref_slice %arg50[%add3A_39, %dma_start3A_40] : memref<10112x128xf32, #tpu.memory_space<vmem_shared>> -> memref<80x128xf32, #tpu.memory_space<vmem_shared>>
    %dma_start3A_42 = arith.constant 0 : i32
    %dma_start3A_43 = tpu.memref_slice %arg50[%add3A_39, %dma_start3A_42] : memref<10112x128xf32, #tpu.memory_space<vmem_shared>> -> memref<80x128xf32, #tpu.memory_space<vmem_shared>>
    tpu.enqueue_dma source(%arg22 : memref<80x128xf32, #tpu.memory_space<vmem>>) target(%dma_start3A_43 : memref<80x128xf32, #tpu.memory_space<vmem_shared>>) target_semaphore(%arg46 : memref<!tpu.dma_semaphore, #tpu.memory_space<semaphore_mem>>)
    %mul3A_44 = arith.constant 632 : i32
    %mul3A_45 = arith.muli %arg1, %mul3A_44 : i32
    %add3A_46 = arith.constant 400 : i32
    %add3A_47 = arith.addi %mul3A_45, %add3A_46 : i32
    %dma_start3A_48 = arith.constant 0 : i32
    %dma_start3A_49 = tpu.memref_slice %arg50[%add3A_47, %dma_start3A_48] : memref<10112x128xf32, #tpu.memory_space<vmem_shared>> -> memref<80x128xf32, #tpu.memory_space<vmem_shared>>
    %dma_start3A_50 = arith.constant 0 : i32
    %dma_start3A_51 = tpu.memref_slice %arg50[%add3A_47, %dma_start3A_50] : memref<10112x128xf32, #tpu.memory_space<vmem_shared>> -> memref<80x128xf32, #tpu.memory_space<vmem_shared>>
    tpu.enqueue_dma source(%arg22 : memref<80x128xf32, #tpu.memory_space<vmem>>) target(%dma_start3A_51 : memref<80x128xf32, #tpu.memory_space<vmem_shared>>) target_semaphore(%arg46 : memref<!tpu.dma_semaphore, #tpu.memory_space<semaphore_mem>>)
    %mul3A_52 = arith.constant 632 : i32
    %mul3A_53 = arith.muli %arg1, %mul3A_52 : i32
    %add3A_54 = arith.constant 480 : i32
    %add3A_55 = arith.addi %mul3A_53, %add3A_54 : i32
    %dma_start3A_56 = arith.constant 0 : i32
    %dma_start3A_57 = tpu.memref_slice %arg50[%add3A_55, %dma_start3A_56] : memref<10112x128xf32, #tpu.memory_space<vmem_shared>> -> memref<80x128xf32, #tpu.memory_space<vmem_shared>>
    %dma_start3A_58 = arith.constant 0 : i32
    %dma_start3A_59 = tpu.memref_slice %arg50[%add3A_55, %dma_start3A_58] : memref<10112x128xf32, #tpu.memory_space<vmem_shared>> -> memref<80x128xf32, #tpu.memory_space<vmem_shared>>
    tpu.enqueue_dma source(%arg22 : memref<80x128xf32, #tpu.memory_space<vmem>>) target(%dma_start3A_59 : memref<80x128xf32, #tpu.memory_space<vmem_shared>>) target_semaphore(%arg46 : memref<!tpu.dma_semaphore, #tpu.memory_space<semaphore_mem>>)
    %mul3A_60 = arith.constant 632 : i32
    %mul3A_61 = arith.muli %arg1, %mul3A_60 : i32
    %add3A_62 = arith.constant 560 : i32
    %add3A_63 = arith.addi %mul3A_61, %add3A_62 : i32
    %dma_start3A_64 = arith.constant 0 : i32
    %dma_start3A_65 = arith.constant 0 : i32
    %dma_start3A_66 = tpu.memref_slice %arg22[%dma_start3A_64, %dma_start3A_65] : memref<80x128xf32, #tpu.memory_space<vmem>> -> memref<72x128xf32, #tpu.memory_space<vmem>>
    %dma_start3A_67 = arith.constant 0 : i32
    %dma_start3A_68 = tpu.memref_slice %arg50[%add3A_63, %dma_start3A_67] : memref<10112x128xf32, #tpu.memory_space<vmem_shared>> -> memref<72x128xf32, #tpu.memory_space<vmem_shared>>
    %dma_start3A_69 = arith.constant 0 : i32
    %dma_start3A_70 = tpu.memref_slice %arg50[%add3A_63, %dma_start3A_69] : memref<10112x128xf32, #tpu.memory_space<vmem_shared>> -> memref<72x128xf32, #tpu.memory_space<vmem_shared>>
    %dma_start3A_71 = arith.constant 0 : i32
    %dma_start3A_72 = arith.constant 0 : i32
    %dma_start3A_73 = tpu.memref_slice %arg22[%dma_start3A_71, %dma_start3A_72] : memref<80x128xf32, #tpu.memory_space<vmem>> -> memref<72x128xf32, #tpu.memory_space<vmem>>
    tpu.enqueue_dma source(%dma_start3A_73 : memref<72x128xf32, #tpu.memory_space<vmem>>) target(%dma_start3A_70 : memref<72x128xf32, #tpu.memory_space<vmem_shared>>) target_semaphore(%arg46 : memref<!tpu.dma_semaphore, #tpu.memory_space<semaphore_mem>>)
    %dma_wait3A = arith.constant 0 : i32
    %dma_wait3A_74 = tpu.memref_slice %arg50[%add3A_8, %dma_wait3A] : memref<10112x128xf32, #tpu.memory_space<vmem_shared>> -> memref<80x128xf32, #tpu.memory_space<vmem_shared>>
    %dma_wait3A_75 = arith.constant 0 : i32
    %dma_wait3A_76 = tpu.memref_slice %arg50[%add3A_8, %dma_wait3A_75] : memref<10112x128xf32, #tpu.memory_space<vmem_shared>> -> memref<80x128xf32, #tpu.memory_space<vmem_shared>>
    tpu.wait_dma2 semaphore(%arg46 : memref<!tpu.dma_semaphore, #tpu.memory_space<semaphore_mem>>) src(%arg22 : memref<80x128xf32, #tpu.memory_space<vmem>>) dst(%dma_wait3A_76 : memref<80x128xf32, #tpu.memory_space<vmem_shared>>)
    %dma_wait3A_77 = arith.constant 0 : i32
    %dma_wait3A_78 = tpu.memref_slice %arg50[%add3A_15, %dma_wait3A_77] : memref<10112x128xf32, #tpu.memory_space<vmem_shared>> -> memref<80x128xf32, #tpu.memory_space<vmem_shared>>
    %dma_wait3A_79 = arith.constant 0 : i32
    %dma_wait3A_80 = tpu.memref_slice %arg50[%add3A_15, %dma_wait3A_79] : memref<10112x128xf32, #tpu.memory_space<vmem_shared>> -> memref<80x128xf32, #tpu.memory_space<vmem_shared>>
    tpu.wait_dma2 semaphore(%arg46 : memref<!tpu.dma_semaphore, #tpu.memory_space<semaphore_mem>>) src(%arg22 : memref<80x128xf32, #tpu.memory_space<vmem>>) dst(%dma_wait3A_80 : memref<80x128xf32, #tpu.memory_space<vmem_shared>>)
    %dma_wait3A_81 = arith.constant 0 : i32
    %dma_wait3A_82 = tpu.memref_slice %arg50[%add3A_23, %dma_wait3A_81] : memref<10112x128xf32, #tpu.memory_space<vmem_shared>> -> memref<80x128xf32, #tpu.memory_space<vmem_shared>>
    %dma_wait3A_83 = arith.constant 0 : i32
    %dma_wait3A_84 = tpu.memref_slice %arg50[%add3A_23, %dma_wait3A_83] : memref<10112x128xf32, #tpu.memory_space<vmem_shared>> -> memref<80x128xf32, #tpu.memory_space<vmem_shared>>
    tpu.wait_dma2 semaphore(%arg46 : memref<!tpu.dma_semaphore, #tpu.memory_space<semaphore_mem>>) src(%arg22 : memref<80x128xf32, #tpu.memory_space<vmem>>) dst(%dma_wait3A_84 : memref<80x128xf32, #tpu.memory_space<vmem_shared>>)
    %dma_wait3A_85 = arith.constant 0 : i32
    %dma_wait3A_86 = tpu.memref_slice %arg50[%add3A_31, %dma_wait3A_85] : memref<10112x128xf32, #tpu.memory_space<vmem_shared>> -> memref<80x128xf32, #tpu.memory_space<vmem_shared>>
    %dma_wait3A_87 = arith.constant 0 : i32
    %dma_wait3A_88 = tpu.memref_slice %arg50[%add3A_31, %dma_wait3A_87] : memref<10112x128xf32, #tpu.memory_space<vmem_shared>> -> memref<80x128xf32, #tpu.memory_space<vmem_shared>>
    tpu.wait_dma2 semaphore(%arg46 : memref<!tpu.dma_semaphore, #tpu.memory_space<semaphore_mem>>) src(%arg22 : memref<80x128xf32, #tpu.memory_space<vmem>>) dst(%dma_wait3A_88 : memref<80x128xf32, #tpu.memory_space<vmem_shared>>)
    %dma_wait3A_89 = arith.constant 0 : i32
    %dma_wait3A_90 = tpu.memref_slice %arg50[%add3A_39, %dma_wait3A_89] : memref<10112x128xf32, #tpu.memory_space<vmem_shared>> -> memref<80x128xf32, #tpu.memory_space<vmem_shared>>
    %dma_wait3A_91 = arith.constant 0 : i32
    %dma_wait3A_92 = tpu.memref_slice %arg50[%add3A_39, %dma_wait3A_91] : memref<10112x128xf32, #tpu.memory_space<vmem_shared>> -> memref<80x128xf32, #tpu.memory_space<vmem_shared>>
    tpu.wait_dma2 semaphore(%arg46 : memref<!tpu.dma_semaphore, #tpu.memory_space<semaphore_mem>>) src(%arg22 : memref<80x128xf32, #tpu.memory_space<vmem>>) dst(%dma_wait3A_92 : memref<80x128xf32, #tpu.memory_space<vmem_shared>>)
    %dma_wait3A_93 = arith.constant 0 : i32
    %dma_wait3A_94 = tpu.memref_slice %arg50[%add3A_47, %dma_wait3A_93] : memref<10112x128xf32, #tpu.memory_space<vmem_shared>> -> memref<80x128xf32, #tpu.memory_space<vmem_shared>>
    %dma_wait3A_95 = arith.constant 0 : i32
    %dma_wait3A_96 = tpu.memref_slice %arg50[%add3A_47, %dma_wait3A_95] : memref<10112x128xf32, #tpu.memory_space<vmem_shared>> -> memref<80x128xf32, #tpu.memory_space<vmem_shared>>
    tpu.wait_dma2 semaphore(%arg46 : memref<!tpu.dma_semaphore, #tpu.memory_space<semaphore_mem>>) src(%arg22 : memref<80x128xf32, #tpu.memory_space<vmem>>) dst(%dma_wait3A_96 : memref<80x128xf32, #tpu.memory_space<vmem_shared>>)
    %dma_wait3A_97 = arith.constant 0 : i32
    %dma_wait3A_98 = tpu.memref_slice %arg50[%add3A_55, %dma_wait3A_97] : memref<10112x128xf32, #tpu.memory_space<vmem_shared>> -> memref<80x128xf32, #tpu.memory_space<vmem_shared>>
    %dma_wait3A_99 = arith.constant 0 : i32
    %dma_wait3A_100 = tpu.memref_slice %arg50[%add3A_55, %dma_wait3A_99] : memref<10112x128xf32, #tpu.memory_space<vmem_shared>> -> memref<80x128xf32, #tpu.memory_space<vmem_shared>>
    tpu.wait_dma2 semaphore(%arg46 : memref<!tpu.dma_semaphore, #tpu.memory_space<semaphore_mem>>) src(%arg22 : memref<80x128xf32, #tpu.memory_space<vmem>>) dst(%dma_wait3A_100 : memref<80x128xf32, #tpu.memory_space<vmem_shared>>)
    %dma_wait3A_101 = arith.constant 0 : i32
    %dma_wait3A_102 = arith.constant 0 : i32
    %dma_wait3A_103 = tpu.memref_slice %arg22[%dma_wait3A_101, %dma_wait3A_102] : memref<80x128xf32, #tpu.memory_space<vmem>> -> memref<72x128xf32, #tpu.memory_space<vmem>>
    %dma_wait3A_104 = arith.constant 0 : i32
    %dma_wait3A_105 = tpu.memref_slice %arg50[%add3A_63, %dma_wait3A_104] : memref<10112x128xf32, #tpu.memory_space<vmem_shared>> -> memref<72x128xf32, #tpu.memory_space<vmem_shared>>
    %dma_wait3A_106 = arith.constant 0 : i32
    %dma_wait3A_107 = tpu.memref_slice %arg50[%add3A_63, %dma_wait3A_106] : memref<10112x128xf32, #tpu.memory_space<vmem_shared>> -> memref<72x128xf32, #tpu.memory_space<vmem_shared>>
    %dma_wait3A_108 = arith.constant 0 : i32
    %dma_wait3A_109 = arith.constant 0 : i32
    %dma_wait3A_110 = tpu.memref_slice %arg22[%dma_wait3A_108, %dma_wait3A_109] : memref<80x128xf32, #tpu.memory_space<vmem>> -> memref<72x128xf32, #tpu.memory_space<vmem>>
    tpu.wait_dma2 semaphore(%arg46 : memref<!tpu.dma_semaphore, #tpu.memory_space<semaphore_mem>>) src(%dma_wait3A_110 : memref<72x128xf32, #tpu.memory_space<vmem>>) dst(%dma_wait3A_107 : memref<72x128xf32, #tpu.memory_space<vmem_shared>>)
    %barrier3A = arith.constant 0 : index
    tpu.barrier barrier_id(%barrier3A)
    %mul3A_111 = arith.constant 160000 : i32
    %mul3A_112 = arith.muli %arg0, %mul3A_111 : i32
    %mul3A_113 = arith.constant 10000 : i32
    %mul3A_114 = arith.muli %arg1, %mul3A_113 : i32
    %add3A_115 = arith.addi %mul3A_112, %mul3A_114 : i32
    %add3A_116 = arith.constant 0 : i32
    %add3A_117 = arith.addi %add3A_115, %add3A_116 : i32
    %dma_start3A_118 = tpu.memref_slice %arg3[%add3A_117] : memref<320000xi32, #tpu.memory_space<hbm>> -> memref<80xi32, #tpu.memory_space<hbm>>
    %dma_start3A_119 = tpu.memref_slice %arg3[%add3A_117] : memref<320000xi32, #tpu.memory_space<hbm>> -> memref<80xi32, #tpu.memory_space<hbm>>
    tpu.enqueue_dma source(%dma_start3A_119 : memref<80xi32, #tpu.memory_space<hbm>>) target(%arg6 : memref<80xi32, #tpu.memory_space<vmem>>) target_semaphore(%arg26 : memref<!tpu.dma_semaphore, #tpu.memory_space<semaphore_mem>>)
    %add3A_120 = arith.constant 0 : i32
    %add3A_121 = arith.addi %add3A_115, %add3A_120 : i32
    %dma_start3A_122 = tpu.memref_slice %arg4[%add3A_121] : memref<320000xi32, #tpu.memory_space<hbm>> -> memref<80xi32, #tpu.memory_space<hbm>>
    %dma_start3A_123 = tpu.memref_slice %arg4[%add3A_121] : memref<320000xi32, #tpu.memory_space<hbm>> -> memref<80xi32, #tpu.memory_space<hbm>>
    tpu.enqueue_dma source(%dma_start3A_123 : memref<80xi32, #tpu.memory_space<hbm>>) target(%arg14 : memref<80xi32, #tpu.memory_space<vmem>>) target_semaphore(%arg34 : memref<!tpu.dma_semaphore, #tpu.memory_space<semaphore_mem>>)
    %add3A_124 = arith.constant 80 : i32
    %add3A_125 = arith.addi %add3A_115, %add3A_124 : i32
    %dma_start3A_126 = tpu.memref_slice %arg3[%add3A_125] : memref<320000xi32, #tpu.memory_space<hbm>> -> memref<80xi32, #tpu.memory_space<hbm>>
    %dma_start3A_127 = tpu.memref_slice %arg3[%add3A_125] : memref<320000xi32, #tpu.memory_space<hbm>> -> memref<80xi32, #tpu.memory_space<hbm>>
    tpu.enqueue_dma source(%dma_start3A_127 : memref<80xi32, #tpu.memory_space<hbm>>) target(%arg7 : memref<80xi32, #tpu.memory_space<vmem>>) target_semaphore(%arg27 : memref<!tpu.dma_semaphore, #tpu.memory_space<semaphore_mem>>)
    %add3A_128 = arith.constant 80 : i32
    %add3A_129 = arith.addi %add3A_115, %add3A_128 : i32
    %dma_start3A_130 = tpu.memref_slice %arg4[%add3A_129] : memref<320000xi32, #tpu.memory_space<hbm>> -> memref<80xi32, #tpu.memory_space<hbm>>
    %dma_start3A_131 = tpu.memref_slice %arg4[%add3A_129] : memref<320000xi32, #tpu.memory_space<hbm>> -> memref<80xi32, #tpu.memory_space<hbm>>
    tpu.enqueue_dma source(%dma_start3A_131 : memref<80xi32, #tpu.memory_space<hbm>>) target(%arg15 : memref<80xi32, #tpu.memory_space<vmem>>) target_semaphore(%arg35 : memref<!tpu.dma_semaphore, #tpu.memory_space<semaphore_mem>>)
    %add3A_132 = arith.constant 160 : i32
    %add3A_133 = arith.addi %add3A_115, %add3A_132 : i32
    %dma_start3A_134 = tpu.memref_slice %arg3[%add3A_133] : memref<320000xi32, #tpu.memory_space<hbm>> -> memref<80xi32, #tpu.memory_space<hbm>>
    %dma_start3A_135 = tpu.memref_slice %arg3[%add3A_133] : memref<320000xi32, #tpu.memory_space<hbm>> -> memref<80xi32, #tpu.memory_space<hbm>>
    tpu.enqueue_dma source(%dma_start3A_135 : memref<80xi32, #tpu.memory_space<hbm>>) target(%arg8 : memref<80xi32, #tpu.memory_space<vmem>>) target_semaphore(%arg28 : memref<!tpu.dma_semaphore, #tpu.memory_space<semaphore_mem>>)
    %add3A_136 = arith.constant 160 : i32
    %add3A_137 = arith.addi %add3A_115, %add3A_136 : i32
    %dma_start3A_138 = tpu.memref_slice %arg4[%add3A_137] : memref<320000xi32, #tpu.memory_space<hbm>> -> memref<80xi32, #tpu.memory_space<hbm>>
    %dma_start3A_139 = tpu.memref_slice %arg4[%add3A_137] : memref<320000xi32, #tpu.memory_space<hbm>> -> memref<80xi32, #tpu.memory_space<hbm>>
    tpu.enqueue_dma source(%dma_start3A_139 : memref<80xi32, #tpu.memory_space<hbm>>) target(%arg16 : memref<80xi32, #tpu.memory_space<vmem>>) target_semaphore(%arg36 : memref<!tpu.dma_semaphore, #tpu.memory_space<semaphore_mem>>)
    %add3A_140 = arith.constant 240 : i32
    %add3A_141 = arith.addi %add3A_115, %add3A_140 : i32
    %dma_start3A_142 = tpu.memref_slice %arg3[%add3A_141] : memref<320000xi32, #tpu.memory_space<hbm>> -> memref<80xi32, #tpu.memory_space<hbm>>
    %dma_start3A_143 = tpu.memref_slice %arg3[%add3A_141] : memref<320000xi32, #tpu.memory_space<hbm>> -> memref<80xi32, #tpu.memory_space<hbm>>
    tpu.enqueue_dma source(%dma_start3A_143 : memref<80xi32, #tpu.memory_space<hbm>>) target(%arg9 : memref<80xi32, #tpu.memory_space<vmem>>) target_semaphore(%arg29 : memref<!tpu.dma_semaphore, #tpu.memory_space<semaphore_mem>>)
    %add3A_144 = arith.constant 240 : i32
    %add3A_145 = arith.addi %add3A_115, %add3A_144 : i32
    %dma_start3A_146 = tpu.memref_slice %arg4[%add3A_145] : memref<320000xi32, #tpu.memory_space<hbm>> -> memref<80xi32, #tpu.memory_space<hbm>>
    %dma_start3A_147 = tpu.memref_slice %arg4[%add3A_145] : memref<320000xi32, #tpu.memory_space<hbm>> -> memref<80xi32, #tpu.memory_space<hbm>>
    tpu.enqueue_dma source(%dma_start3A_147 : memref<80xi32, #tpu.memory_space<hbm>>) target(%arg17 : memref<80xi32, #tpu.memory_space<vmem>>) target_semaphore(%arg37 : memref<!tpu.dma_semaphore, #tpu.memory_space<semaphore_mem>>)
    %add3A_148 = arith.constant 320 : i32
    %add3A_149 = arith.addi %add3A_115, %add3A_148 : i32
    %dma_start3A_150 = tpu.memref_slice %arg3[%add3A_149] : memref<320000xi32, #tpu.memory_space<hbm>> -> memref<80xi32, #tpu.memory_space<hbm>>
    %dma_start3A_151 = tpu.memref_slice %arg3[%add3A_149] : memref<320000xi32, #tpu.memory_space<hbm>> -> memref<80xi32, #tpu.memory_space<hbm>>
    tpu.enqueue_dma source(%dma_start3A_151 : memref<80xi32, #tpu.memory_space<hbm>>) target(%arg10 : memref<80xi32, #tpu.memory_space<vmem>>) target_semaphore(%arg30 : memref<!tpu.dma_semaphore, #tpu.memory_space<semaphore_mem>>)
    %add3A_152 = arith.constant 320 : i32
    %add3A_153 = arith.addi %add3A_115, %add3A_152 : i32
    %dma_start3A_154 = tpu.memref_slice %arg4[%add3A_153] : memref<320000xi32, #tpu.memory_space<hbm>> -> memref<80xi32, #tpu.memory_space<hbm>>
    %dma_start3A_155 = tpu.memref_slice %arg4[%add3A_153] : memref<320000xi32, #tpu.memory_space<hbm>> -> memref<80xi32, #tpu.memory_space<hbm>>
    tpu.enqueue_dma source(%dma_start3A_155 : memref<80xi32, #tpu.memory_space<hbm>>) target(%arg18 : memref<80xi32, #tpu.memory_space<vmem>>) target_semaphore(%arg38 : memref<!tpu.dma_semaphore, #tpu.memory_space<semaphore_mem>>)
    %dma_wait3A_156 = arith.constant 0 : i32
    %dma_wait3A_157 = tpu.memref_slice %arg3[%dma_wait3A_156] : memref<320000xi32, #tpu.memory_space<hbm>> -> memref<80xi32, #tpu.memory_space<hbm>>
    %dma_wait3A_158 = arith.constant 0 : i32
    %dma_wait3A_159 = tpu.memref_slice %arg3[%dma_wait3A_158] : memref<320000xi32, #tpu.memory_space<hbm>> -> memref<80xi32, #tpu.memory_space<hbm>>
    tpu.wait_dma2 semaphore(%arg26 : memref<!tpu.dma_semaphore, #tpu.memory_space<semaphore_mem>>) src(%dma_wait3A_159 : memref<80xi32, #tpu.memory_space<hbm>>) dst(%arg6 : memref<80xi32, #tpu.memory_space<vmem>>)
    %dma_wait3A_160 = arith.constant 0 : i32
    %dma_wait3A_161 = tpu.memref_slice %arg4[%dma_wait3A_160] : memref<320000xi32, #tpu.memory_space<hbm>> -> memref<80xi32, #tpu.memory_space<hbm>>
    %dma_wait3A_162 = arith.constant 0 : i32
    %dma_wait3A_163 = tpu.memref_slice %arg4[%dma_wait3A_162] : memref<320000xi32, #tpu.memory_space<hbm>> -> memref<80xi32, #tpu.memory_space<hbm>>
    tpu.wait_dma2 semaphore(%arg34 : memref<!tpu.dma_semaphore, #tpu.memory_space<semaphore_mem>>) src(%dma_wait3A_163 : memref<80xi32, #tpu.memory_space<hbm>>) dst(%arg14 : memref<80xi32, #tpu.memory_space<vmem>>)
    %dma_start3A_164 = arith.constant 0 : i32
    %dma_start3A_165 = arith.constant 0 : i32
    %dma_start3A_166 = tpu.memref_slice %arg2[%dma_start3A_164, %dma_start3A_165] : memref<10000x128xf32, #tpu.memory_space<hbm>> -> memref<10000x128xf32, #tpu.memory_space<hbm>>
    tpu.enqueue_indirect_dma source(%dma_start3A_166 : memref<10000x128xf32, #tpu.memory_space<hbm>>) target(%arg22 : memref<80x128xf32, #tpu.memory_space<vmem>>) offsets(%arg6 : memref<80xi32, #tpu.memory_space<vmem>>) semaphore(%arg42 : memref<!tpu.dma_semaphore, #tpu.memory_space<semaphore_mem>>)
    %add3A_167 = arith.constant 400 : i32
    %add3A_168 = arith.addi %add3A_115, %add3A_167 : i32
    %dma_start3A_169 = tpu.memref_slice %arg3[%add3A_168] : memref<320000xi32, #tpu.memory_space<hbm>> -> memref<80xi32, #tpu.memory_space<hbm>>
    %dma_start3A_170 = tpu.memref_slice %arg3[%add3A_168] : memref<320000xi32, #tpu.memory_space<hbm>> -> memref<80xi32, #tpu.memory_space<hbm>>
    tpu.enqueue_dma source(%dma_start3A_170 : memref<80xi32, #tpu.memory_space<hbm>>) target(%arg11 : memref<80xi32, #tpu.memory_space<vmem>>) target_semaphore(%arg31 : memref<!tpu.dma_semaphore, #tpu.memory_space<semaphore_mem>>)
    %add3A_171 = arith.constant 400 : i32
    %add3A_172 = arith.addi %add3A_115, %add3A_171 : i32
    %dma_start3A_173 = tpu.memref_slice %arg4[%add3A_172] : memref<320000xi32, #tpu.memory_space<hbm>> -> memref<80xi32, #tpu.memory_space<hbm>>
    %dma_start3A_174 = tpu.memref_slice %arg4[%add3A_172] : memref<320000xi32, #tpu.memory_space<hbm>> -> memref<80xi32, #tpu.memory_space<hbm>>
    tpu.enqueue_dma source(%dma_start3A_174 : memref<80xi32, #tpu.memory_space<hbm>>) target(%arg19 : memref<80xi32, #tpu.memory_space<vmem>>) target_semaphore(%arg39 : memref<!tpu.dma_semaphore, #tpu.memory_space<semaphore_mem>>)
    %dma_wait3A_175 = arith.constant 0 : i32
    %dma_wait3A_176 = tpu.memref_slice %arg3[%dma_wait3A_175] : memref<320000xi32, #tpu.memory_space<hbm>> -> memref<80xi32, #tpu.memory_space<hbm>>
    %dma_wait3A_177 = arith.constant 0 : i32
    %dma_wait3A_178 = tpu.memref_slice %arg3[%dma_wait3A_177] : memref<320000xi32, #tpu.memory_space<hbm>> -> memref<80xi32, #tpu.memory_space<hbm>>
    tpu.wait_dma2 semaphore(%arg27 : memref<!tpu.dma_semaphore, #tpu.memory_space<semaphore_mem>>) src(%dma_wait3A_178 : memref<80xi32, #tpu.memory_space<hbm>>) dst(%arg7 : memref<80xi32, #tpu.memory_space<vmem>>)
    %dma_wait3A_179 = arith.constant 0 : i32
    %dma_wait3A_180 = tpu.memref_slice %arg4[%dma_wait3A_179] : memref<320000xi32, #tpu.memory_space<hbm>> -> memref<80xi32, #tpu.memory_space<hbm>>
    %dma_wait3A_181 = arith.constant 0 : i32
    %dma_wait3A_182 = tpu.memref_slice %arg4[%dma_wait3A_181] : memref<320000xi32, #tpu.memory_space<hbm>> -> memref<80xi32, #tpu.memory_space<hbm>>
    tpu.wait_dma2 semaphore(%arg35 : memref<!tpu.dma_semaphore, #tpu.memory_space<semaphore_mem>>) src(%dma_wait3A_182 : memref<80xi32, #tpu.memory_space<hbm>>) dst(%arg15 : memref<80xi32, #tpu.memory_space<vmem>>)
    %dma_start3A_183 = arith.constant 0 : i32
    %dma_start3A_184 = arith.constant 0 : i32
    %dma_start3A_185 = tpu.memref_slice %arg2[%dma_start3A_183, %dma_start3A_184] : memref<10000x128xf32, #tpu.memory_space<hbm>> -> memref<10000x128xf32, #tpu.memory_space<hbm>>
    tpu.enqueue_indirect_dma source(%dma_start3A_185 : memref<10000x128xf32, #tpu.memory_space<hbm>>) target(%arg23 : memref<80x128xf32, #tpu.memory_space<vmem>>) offsets(%arg7 : memref<80xi32, #tpu.memory_space<vmem>>) semaphore(%arg43 : memref<!tpu.dma_semaphore, #tpu.memory_space<semaphore_mem>>)
    %add3A_186 = arith.constant 480 : i32
    %add3A_187 = arith.addi %add3A_115, %add3A_186 : i32
    %dma_start3A_188 = tpu.memref_slice %arg3[%add3A_187] : memref<320000xi32, #tpu.memory_space<hbm>> -> memref<80xi32, #tpu.memory_space<hbm>>
    %dma_start3A_189 = tpu.memref_slice %arg3[%add3A_187] : memref<320000xi32, #tpu.memory_space<hbm>> -> memref<80xi32, #tpu.memory_space<hbm>>
    tpu.enqueue_dma source(%dma_start3A_189 : memref<80xi32, #tpu.memory_space<hbm>>) target(%arg12 : memref<80xi32, #tpu.memory_space<vmem>>) target_semaphore(%arg32 : memref<!tpu.dma_semaphore, #tpu.memory_space<semaphore_mem>>)
    %add3A_190 = arith.constant 480 : i32
    %add3A_191 = arith.addi %add3A_115, %add3A_190 : i32
    %dma_start3A_192 = tpu.memref_slice %arg4[%add3A_191] : memref<320000xi32, #tpu.memory_space<hbm>> -> memref<80xi32, #tpu.memory_space<hbm>>
    %dma_start3A_193 = tpu.memref_slice %arg4[%add3A_191] : memref<320000xi32, #tpu.memory_space<hbm>> -> memref<80xi32, #tpu.memory_space<hbm>>
    tpu.enqueue_dma source(%dma_start3A_193 : memref<80xi32, #tpu.memory_space<hbm>>) target(%arg20 : memref<80xi32, #tpu.memory_space<vmem>>) target_semaphore(%arg40 : memref<!tpu.dma_semaphore, #tpu.memory_space<semaphore_mem>>)
    %dma_wait3A_194 = arith.constant 0 : i32
    %dma_wait3A_195 = tpu.memref_slice %arg3[%dma_wait3A_194] : memref<320000xi32, #tpu.memory_space<hbm>> -> memref<80xi32, #tpu.memory_space<hbm>>
    %dma_wait3A_196 = arith.constant 0 : i32
    %dma_wait3A_197 = tpu.memref_slice %arg3[%dma_wait3A_196] : memref<320000xi32, #tpu.memory_space<hbm>> -> memref<80xi32, #tpu.memory_space<hbm>>
    tpu.wait_dma2 semaphore(%arg28 : memref<!tpu.dma_semaphore, #tpu.memory_space<semaphore_mem>>) src(%dma_wait3A_197 : memref<80xi32, #tpu.memory_space<hbm>>) dst(%arg8 : memref<80xi32, #tpu.memory_space<vmem>>)
    %dma_wait3A_198 = arith.constant 0 : i32
    %dma_wait3A_199 = tpu.memref_slice %arg4[%dma_wait3A_198] : memref<320000xi32, #tpu.memory_space<hbm>> -> memref<80xi32, #tpu.memory_space<hbm>>
    %dma_wait3A_200 = arith.constant 0 : i32
    %dma_wait3A_201 = tpu.memref_slice %arg4[%dma_wait3A_200] : memref<320000xi32, #tpu.memory_space<hbm>> -> memref<80xi32, #tpu.memory_space<hbm>>
    tpu.wait_dma2 semaphore(%arg36 : memref<!tpu.dma_semaphore, #tpu.memory_space<semaphore_mem>>) src(%dma_wait3A_201 : memref<80xi32, #tpu.memory_space<hbm>>) dst(%arg16 : memref<80xi32, #tpu.memory_space<vmem>>)
    %dma_start3A_202 = arith.constant 0 : i32
    %dma_start3A_203 = arith.constant 0 : i32
    %dma_start3A_204 = tpu.memref_slice %arg2[%dma_start3A_202, %dma_start3A_203] : memref<10000x128xf32, #tpu.memory_space<hbm>> -> memref<10000x128xf32, #tpu.memory_space<hbm>>
    tpu.enqueue_indirect_dma source(%dma_start3A_204 : memref<10000x128xf32, #tpu.memory_space<hbm>>) target(%arg24 : memref<80x128xf32, #tpu.memory_space<vmem>>) offsets(%arg8 : memref<80xi32, #tpu.memory_space<vmem>>) semaphore(%arg44 : memref<!tpu.dma_semaphore, #tpu.memory_space<semaphore_mem>>)
    %dma_wait3A_205 = arith.constant 0 : i32
    %dma_wait3A_206 = arith.constant 0 : i32
    %dma_wait3A_207 = tpu.memref_slice %arg2[%dma_wait3A_205, %dma_wait3A_206] : memref<10000x128xf32, #tpu.memory_space<hbm>> -> memref<80x128xf32, #tpu.memory_space<hbm>>
    %dma_wait3A_208 = arith.constant 0 : i32
    %dma_wait3A_209 = arith.constant 0 : i32
    %dma_wait3A_210 = tpu.memref_slice %arg2[%dma_wait3A_208, %dma_wait3A_209] : memref<10000x128xf32, #tpu.memory_space<hbm>> -> memref<80x128xf32, #tpu.memory_space<hbm>>
    tpu.wait_dma2 semaphore(%arg42 : memref<!tpu.dma_semaphore, #tpu.memory_space<semaphore_mem>>) src(%dma_wait3A_210 : memref<80x128xf32, #tpu.memory_space<hbm>>) dst(%arg22 : memref<80x128xf32, #tpu.memory_space<vmem>>)
    %dma_start3A_211 = arith.constant 0 : i32
    %dma_start3A_212 = arith.constant 0 : i32
    %dma_start3A_213 = tpu.memref_slice %arg50[%dma_start3A_211, %dma_start3A_212] : memref<10112x128xf32, #tpu.memory_space<vmem_shared>> -> memref<10112x128xf32, #tpu.memory_space<vmem_shared>>
    tpu.enqueue_indirect_dma source(%arg22 : memref<80x128xf32, #tpu.memory_space<vmem>>) target(%dma_start3A_213 : memref<10112x128xf32, #tpu.memory_space<vmem_shared>>) offsets(%arg14 : memref<80xi32, #tpu.memory_space<vmem>>) semaphore(%arg46 : memref<!tpu.dma_semaphore, #tpu.memory_space<semaphore_mem>>) {add = true}
    %add3A_214 = arith.constant 560 : i32
    %add3A_215 = arith.addi %add3A_115, %add3A_214 : i32
    %dma_start3A_216 = tpu.memref_slice %arg3[%add3A_215] : memref<320000xi32, #tpu.memory_space<hbm>> -> memref<80xi32, #tpu.memory_space<hbm>>
    %dma_start3A_217 = tpu.memref_slice %arg3[%add3A_215] : memref<320000xi32, #tpu.memory_space<hbm>> -> memref<80xi32, #tpu.memory_space<hbm>>
    tpu.enqueue_dma source(%dma_start3A_217 : memref<80xi32, #tpu.memory_space<hbm>>) target(%arg13 : memref<80xi32, #tpu.memory_space<vmem>>) target_semaphore(%arg33 : memref<!tpu.dma_semaphore, #tpu.memory_space<semaphore_mem>>)
    %add3A_218 = arith.constant 560 : i32
    %add3A_219 = arith.addi %add3A_115, %add3A_218 : i32
    %dma_start3A_220 = tpu.memref_slice %arg4[%add3A_219] : memref<320000xi32, #tpu.memory_space<hbm>> -> memref<80xi32, #tpu.memory_space<hbm>>
    %dma_start3A_221 = tpu.memref_slice %arg4[%add3A_219] : memref<320000xi32, #tpu.memory_space<hbm>> -> memref<80xi32, #tpu.memory_space<hbm>>
    tpu.enqueue_dma source(%dma_start3A_221 : memref<80xi32, #tpu.memory_space<hbm>>) target(%arg21 : memref<80xi32, #tpu.memory_space<vmem>>) target_semaphore(%arg41 : memref<!tpu.dma_semaphore, #tpu.memory_space<semaphore_mem>>)
    %dma_wait3A_222 = arith.constant 0 : i32
    %dma_wait3A_223 = tpu.memref_slice %arg3[%dma_wait3A_222] : memref<320000xi32, #tpu.memory_space<hbm>> -> memref<80xi32, #tpu.memory_space<hbm>>
    %dma_wait3A_224 = arith.constant 0 : i32
    %dma_wait3A_225 = tpu.memref_slice %arg3[%dma_wait3A_224] : memref<320000xi32, #tpu.memory_space<hbm>> -> memref<80xi32, #tpu.memory_space<hbm>>
    tpu.wait_dma2 semaphore(%arg29 : memref<!tpu.dma_semaphore, #tpu.memory_space<semaphore_mem>>) src(%dma_wait3A_225 : memref<80xi32, #tpu.memory_space<hbm>>) dst(%arg9 : memref<80xi32, #tpu.memory_space<vmem>>)
    %dma_wait3A_226 = arith.constant 0 : i32
    %dma_wait3A_227 = tpu.memref_slice %arg4[%dma_wait3A_226] : memref<320000xi32, #tpu.memory_space<hbm>> -> memref<80xi32, #tpu.memory_space<hbm>>
    %dma_wait3A_228 = arith.constant 0 : i32
    %dma_wait3A_229 = tpu.memref_slice %arg4[%dma_wait3A_228] : memref<320000xi32, #tpu.memory_space<hbm>> -> memref<80xi32, #tpu.memory_space<hbm>>
    tpu.wait_dma2 semaphore(%arg37 : memref<!tpu.dma_semaphore, #tpu.memory_space<semaphore_mem>>) src(%dma_wait3A_229 : memref<80xi32, #tpu.memory_space<hbm>>) dst(%arg17 : memref<80xi32, #tpu.memory_space<vmem>>)
    %dma_start3A_230 = arith.constant 0 : i32
    %dma_start3A_231 = arith.constant 0 : i32
    %dma_start3A_232 = tpu.memref_slice %arg2[%dma_start3A_230, %dma_start3A_231] : memref<10000x128xf32, #tpu.memory_space<hbm>> -> memref<10000x128xf32, #tpu.memory_space<hbm>>
    tpu.enqueue_indirect_dma source(%dma_start3A_232 : memref<10000x128xf32, #tpu.memory_space<hbm>>) target(%arg25 : memref<80x128xf32, #tpu.memory_space<vmem>>) offsets(%arg9 : memref<80xi32, #tpu.memory_space<vmem>>) semaphore(%arg45 : memref<!tpu.dma_semaphore, #tpu.memory_space<semaphore_mem>>)
    %dma_wait3A_233 = arith.constant 0 : i32
    %dma_wait3A_234 = arith.constant 0 : i32
    %dma_wait3A_235 = tpu.memref_slice %arg2[%dma_wait3A_233, %dma_wait3A_234] : memref<10000x128xf32, #tpu.memory_space<hbm>> -> memref<80x128xf32, #tpu.memory_space<hbm>>
    %dma_wait3A_236 = arith.constant 0 : i32
    %dma_wait3A_237 = arith.constant 0 : i32
    %dma_wait3A_238 = tpu.memref_slice %arg2[%dma_wait3A_236, %dma_wait3A_237] : memref<10000x128xf32, #tpu.memory_space<hbm>> -> memref<80x128xf32, #tpu.memory_space<hbm>>
    tpu.wait_dma2 semaphore(%arg43 : memref<!tpu.dma_semaphore, #tpu.memory_space<semaphore_mem>>) src(%dma_wait3A_238 : memref<80x128xf32, #tpu.memory_space<hbm>>) dst(%arg23 : memref<80x128xf32, #tpu.memory_space<vmem>>)
    %dma_start3A_239 = arith.constant 0 : i32
    %dma_start3A_240 = arith.constant 0 : i32
    %dma_start3A_241 = tpu.memref_slice %arg50[%dma_start3A_239, %dma_start3A_240] : memref<10112x128xf32, #tpu.memory_space<vmem_shared>> -> memref<10112x128xf32, #tpu.memory_space<vmem_shared>>
    tpu.enqueue_indirect_dma source(%arg23 : memref<80x128xf32, #tpu.memory_space<vmem>>) target(%dma_start3A_241 : memref<10112x128xf32, #tpu.memory_space<vmem_shared>>) offsets(%arg15 : memref<80xi32, #tpu.memory_space<vmem>>) semaphore(%arg47 : memref<!tpu.dma_semaphore, #tpu.memory_space<semaphore_mem>>) {add = true}
    %dma_wait3A_242 = arith.constant 0 : i32
    %dma_wait3A_243 = arith.constant 0 : i32
    %dma_wait3A_244 = tpu.memref_slice %arg50[%dma_wait3A_242, %dma_wait3A_243] : memref<10112x128xf32, #tpu.memory_space<vmem_shared>> -> memref<10112x128xf32, #tpu.memory_space<vmem_shared>>
    tpu.wait_indirect_dma semaphore(%arg46 : memref<!tpu.dma_semaphore, #tpu.memory_space<semaphore_mem>>) src(%arg22 : memref<80x128xf32, #tpu.memory_space<vmem>>) dst(%dma_wait3A_244 : memref<10112x128xf32, #tpu.memory_space<vmem_shared>>)
    %add3A_245 = arith.constant 640 : i32
    %add3A_246 = arith.addi %add3A_115, %add3A_245 : i32
    %dma_start3A_247 = tpu.memref_slice %arg3[%add3A_246] : memref<320000xi32, #tpu.memory_space<hbm>> -> memref<80xi32, #tpu.memory_space<hbm>>
    %dma_start3A_248 = tpu.memref_slice %arg3[%add3A_246] : memref<320000xi32, #tpu.memory_space<hbm>> -> memref<80xi32, #tpu.memory_space<hbm>>
    tpu.enqueue_dma source(%dma_start3A_248 : memref<80xi32, #tpu.memory_space<hbm>>) target(%arg6 : memref<80xi32, #tpu.memory_space<vmem>>) target_semaphore(%arg26 : memref<!tpu.dma_semaphore, #tpu.memory_space<semaphore_mem>>)
    %add3A_249 = arith.constant 640 : i32
    %add3A_250 = arith.addi %add3A_115, %add3A_249 : i32
    %dma_start3A_251 = tpu.memref_slice %arg4[%add3A_250] : memref<320000xi32, #tpu.memory_space<hbm>> -> memref<80xi32, #tpu.memory_space<hbm>>
    %dma_start3A_252 = tpu.memref_slice %arg4[%add3A_250] : memref<320000xi32, #tpu.memory_space<hbm>> -> memref<80xi32, #tpu.memory_space<hbm>>
    tpu.enqueue_dma source(%dma_start3A_252 : memref<80xi32, #tpu.memory_space<hbm>>) target(%arg14 : memref<80xi32, #tpu.memory_space<vmem>>) target_semaphore(%arg34 : memref<!tpu.dma_semaphore, #tpu.memory_space<semaphore_mem>>)
    %dma_wait3A_253 = arith.constant 0 : i32
    %dma_wait3A_254 = tpu.memref_slice %arg3[%dma_wait3A_253] : memref<320000xi32, #tpu.memory_space<hbm>> -> memref<80xi32, #tpu.memory_space<hbm>>
    %dma_wait3A_255 = arith.constant 0 : i32
    %dma_wait3A_256 = tpu.memref_slice %arg3[%dma_wait3A_255] : memref<320000xi32, #tpu.memory_space<hbm>> -> memref<80xi32, #tpu.memory_space<hbm>>
    tpu.wait_dma2 semaphore(%arg30 : memref<!tpu.dma_semaphore, #tpu.memory_space<semaphore_mem>>) src(%dma_wait3A_256 : memref<80xi32, #tpu.memory_space<hbm>>) dst(%arg10 : memref<80xi32, #tpu.memory_space<vmem>>)
    %dma_wait3A_257 = arith.constant 0 : i32
    %dma_wait3A_258 = tpu.memref_slice %arg4[%dma_wait3A_257] : memref<320000xi32, #tpu.memory_space<hbm>> -> memref<80xi32, #tpu.memory_space<hbm>>
    %dma_wait3A_259 = arith.constant 0 : i32
    %dma_wait3A_260 = tpu.memref_slice %arg4[%dma_wait3A_259] : memref<320000xi32, #tpu.memory_space<hbm>> -> memref<80xi32, #tpu.memory_space<hbm>>
    tpu.wait_dma2 semaphore(%arg38 : memref<!tpu.dma_semaphore, #tpu.memory_space<semaphore_mem>>) src(%dma_wait3A_260 : memref<80xi32, #tpu.memory_space<hbm>>) dst(%arg18 : memref<80xi32, #tpu.memory_space<vmem>>)
    %dma_start3A_261 = arith.constant 0 : i32
    %dma_start3A_262 = arith.constant 0 : i32
    %dma_start3A_263 = tpu.memref_slice %arg2[%dma_start3A_261, %dma_start3A_262] : memref<10000x128xf32, #tpu.memory_space<hbm>> -> memref<10000x128xf32, #tpu.memory_space<hbm>>
    tpu.enqueue_indirect_dma source(%dma_start3A_263 : memref<10000x128xf32, #tpu.memory_space<hbm>>) target(%arg22 : memref<80x128xf32, #tpu.memory_space<vmem>>) offsets(%arg10 : memref<80xi32, #tpu.memory_space<vmem>>) semaphore(%arg42 : memref<!tpu.dma_semaphore, #tpu.memory_space<semaphore_mem>>)
    %dma_wait3A_264 = arith.constant 0 : i32
    %dma_wait3A_265 = arith.constant 0 : i32
    %dma_wait3A_266 = tpu.memref_slice %arg2[%dma_wait3A_264, %dma_wait3A_265] : memref<10000x128xf32, #tpu.memory_space<hbm>> -> memref<80x128xf32, #tpu.memory_space<hbm>>
    %dma_wait3A_267 = arith.constant 0 : i32
    %dma_wait3A_268 = arith.constant 0 : i32
    %dma_wait3A_269 = tpu.memref_slice %arg2[%dma_wait3A_267, %dma_wait3A_268] : memref<10000x128xf32, #tpu.memory_space<hbm>> -> memref<80x128xf32, #tpu.memory_space<hbm>>
    tpu.wait_dma2 semaphore(%arg44 : memref<!tpu.dma_semaphore, #tpu.memory_space<semaphore_mem>>) src(%dma_wait3A_269 : memref<80x128xf32, #tpu.memory_space<hbm>>) dst(%arg24 : memref<80x128xf32, #tpu.memory_space<vmem>>)
    %dma_start3A_270 = arith.constant 0 : i32
    %dma_start3A_271 = arith.constant 0 : i32
    %dma_start3A_272 = tpu.memref_slice %arg50[%dma_start3A_270, %dma_start3A_271] : memref<10112x128xf32, #tpu.memory_space<vmem_shared>> -> memref<10112x128xf32, #tpu.memory_space<vmem_shared>>
    tpu.enqueue_indirect_dma source(%arg24 : memref<80x128xf32, #tpu.memory_space<vmem>>) target(%dma_start3A_272 : memref<10112x128xf32, #tpu.memory_space<vmem_shared>>) offsets(%arg16 : memref<80xi32, #tpu.memory_space<vmem>>) semaphore(%arg48 : memref<!tpu.dma_semaphore, #tpu.memory_space<semaphore_mem>>) {add = true}
    %dma_wait3A_273 = arith.constant 0 : i32
    %dma_wait3A_274 = arith.constant 0 : i32
    %dma_wait3A_275 = tpu.memref_slice %arg50[%dma_wait3A_273, %dma_wait3A_274] : memref<10112x128xf32, #tpu.memory_space<vmem_shared>> -> memref<10112x128xf32, #tpu.memory_space<vmem_shared>>
    tpu.wait_indirect_dma semaphore(%arg47 : memref<!tpu.dma_semaphore, #tpu.memory_space<semaphore_mem>>) src(%arg23 : memref<80x128xf32, #tpu.memory_space<vmem>>) dst(%dma_wait3A_275 : memref<10112x128xf32, #tpu.memory_space<vmem_shared>>)
    %add3A_276 = arith.constant 720 : i32
    %add3A_277 = arith.addi %add3A_115, %add3A_276 : i32
    %dma_start3A_278 = tpu.memref_slice %arg3[%add3A_277] : memref<320000xi32, #tpu.memory_space<hbm>> -> memref<80xi32, #tpu.memory_space<hbm>>
    %dma_start3A_279 = tpu.memref_slice %arg3[%add3A_277] : memref<320000xi32, #tpu.memory_space<hbm>> -> memref<80xi32, #tpu.memory_space<hbm>>
    tpu.enqueue_dma source(%dma_start3A_279 : memref<80xi32, #tpu.memory_space<hbm>>) target(%arg7 : memref<80xi32, #tpu.memory_space<vmem>>) target_semaphore(%arg27 : memref<!tpu.dma_semaphore, #tpu.memory_space<semaphore_mem>>)
    %add3A_280 = arith.constant 720 : i32
    %add3A_281 = arith.addi %add3A_115, %add3A_280 : i32
    %dma_start3A_282 = tpu.memref_slice %arg4[%add3A_281] : memref<320000xi32, #tpu.memory_space<hbm>> -> memref<80xi32, #tpu.memory_space<hbm>>
    %dma_start3A_283 = tpu.memref_slice %arg4[%add3A_281] : memref<320000xi32, #tpu.memory_space<hbm>> -> memref<80xi32, #tpu.memory_space<hbm>>
    tpu.enqueue_dma source(%dma_start3A_283 : memref<80xi32, #tpu.memory_space<hbm>>) target(%arg15 : memref<80xi32, #tpu.memory_space<vmem>>) target_semaphore(%arg35 : memref<!tpu.dma_semaphore, #tpu.memory_space<semaphore_mem>>)
    %dma_wait3A_284 = arith.constant 0 : i32
    %dma_wait3A_285 = tpu.memref_slice %arg3[%dma_wait3A_284] : memref<320000xi32, #tpu.memory_space<hbm>> -> memref<80xi32, #tpu.memory_space<hbm>>
    %dma_wait3A_286 = arith.constant 0 : i32
    %dma_wait3A_287 = tpu.memref_slice %arg3[%dma_wait3A_286] : memref<320000xi32, #tpu.memory_space<hbm>> -> memref<80xi32, #tpu.memory_space<hbm>>
    tpu.wait_dma2 semaphore(%arg31 : memref<!tpu.dma_semaphore, #tpu.memory_space<semaphore_mem>>) src(%dma_wait3A_287 : memref<80xi32, #tpu.memory_space<hbm>>) dst(%arg11 : memref<80xi32, #tpu.memory_space<vmem>>)
    %dma_wait3A_288 = arith.constant 0 : i32
    %dma_wait3A_289 = tpu.memref_slice %arg4[%dma_wait3A_288] : memref<320000xi32, #tpu.memory_space<hbm>> -> memref<80xi32, #tpu.memory_space<hbm>>
    %dma_wait3A_290 = arith.constant 0 : i32
    %dma_wait3A_291 = tpu.memref_slice %arg4[%dma_wait3A_290] : memref<320000xi32, #tpu.memory_space<hbm>> -> memref<80xi32, #tpu.memory_space<hbm>>
    tpu.wait_dma2 semaphore(%arg39 : memref<!tpu.dma_semaphore, #tpu.memory_space<semaphore_mem>>) src(%dma_wait3A_291 : memref<80xi32, #tpu.memory_space<hbm>>) dst(%arg19 : memref<80xi32, #tpu.memory_space<vmem>>)
    %dma_start3A_292 = arith.constant 0 : i32
    %dma_start3A_293 = arith.constant 0 : i32
    %dma_start3A_294 = tpu.memref_slice %arg2[%dma_start3A_292, %dma_start3A_293] : memref<10000x128xf32, #tpu.memory_space<hbm>> -> memref<10000x128xf32, #tpu.memory_space<hbm>>
    tpu.enqueue_indirect_dma source(%dma_start3A_294 : memref<10000x128xf32, #tpu.memory_space<hbm>>) target(%arg23 : memref<80x128xf32, #tpu.memory_space<vmem>>) offsets(%arg11 : memref<80xi32, #tpu.memory_space<vmem>>) semaphore(%arg43 : memref<!tpu.dma_semaphore, #tpu.memory_space<semaphore_mem>>)
    %dma_wait3A_295 = arith.constant 0 : i32
    %dma_wait3A_296 = arith.constant 0 : i32
    %dma_wait3A_297 = tpu.memref_slice %arg2[%dma_wait3A_295, %dma_wait3A_296] : memref<10000x128xf32, #tpu.memory_space<hbm>> -> memref<80x128xf32, #tpu.memory_space<hbm>>
    %dma_wait3A_298 = arith.constant 0 : i32
    %dma_wait3A_299 = arith.constant 0 : i32
    %dma_wait3A_300 = tpu.memref_slice %arg2[%dma_wait3A_298, %dma_wait3A_299] : memref<10000x128xf32, #tpu.memory_space<hbm>> -> memref<80x128xf32, #tpu.memory_space<hbm>>
    tpu.wait_dma2 semaphore(%arg45 : memref<!tpu.dma_semaphore, #tpu.memory_space<semaphore_mem>>) src(%dma_wait3A_300 : memref<80x128xf32, #tpu.memory_space<hbm>>) dst(%arg25 : memref<80x128xf32, #tpu.memory_space<vmem>>)
    %dma_start3A_301 = arith.constant 0 : i32
    %dma_start3A_302 = arith.constant 0 : i32
    %dma_start3A_303 = tpu.memref_slice %arg50[%dma_start3A_301, %dma_start3A_302] : memref<10112x128xf32, #tpu.memory_space<vmem_shared>> -> memref<10112x128xf32, #tpu.memory_space<vmem_shared>>
    tpu.enqueue_indirect_dma source(%arg25 : memref<80x128xf32, #tpu.memory_space<vmem>>) target(%dma_start3A_303 : memref<10112x128xf32, #tpu.memory_space<vmem_shared>>) offsets(%arg17 : memref<80xi32, #tpu.memory_space<vmem>>) semaphore(%arg49 : memref<!tpu.dma_semaphore, #tpu.memory_space<semaphore_mem>>) {add = true}
    %dma_wait3A_304 = arith.constant 0 : i32
    %dma_wait3A_305 = arith.constant 0 : i32
    %dma_wait3A_306 = tpu.memref_slice %arg50[%dma_wait3A_304, %dma_wait3A_305] : memref<10112x128xf32, #tpu.memory_space<vmem_shared>> -> memref<10112x128xf32, #tpu.memory_space<vmem_shared>>
    tpu.wait_indirect_dma semaphore(%arg48 : memref<!tpu.dma_semaphore, #tpu.memory_space<semaphore_mem>>) src(%arg24 : memref<80x128xf32, #tpu.memory_space<vmem>>) dst(%dma_wait3A_306 : memref<10112x128xf32, #tpu.memory_space<vmem_shared>>)
    %add3A_307 = arith.constant 800 : i32
    %add3A_308 = arith.addi %add3A_115, %add3A_307 : i32
    %dma_start3A_309 = tpu.memref_slice %arg3[%add3A_308] : memref<320000xi32, #tpu.memory_space<hbm>> -> memref<80xi32, #tpu.memory_space<hbm>>
    %dma_start3A_310 = tpu.memref_slice %arg3[%add3A_308] : memref<320000xi32, #tpu.memory_space<hbm>> -> memref<80xi32, #tpu.memory_space<hbm>>
    tpu.enqueue_dma source(%dma_start3A_310 : memref<80xi32, #tpu.memory_space<hbm>>) target(%arg8 : memref<80xi32, #tpu.memory_space<vmem>>) target_semaphore(%arg28 : memref<!tpu.dma_semaphore, #tpu.memory_space<semaphore_mem>>)
    %add3A_311 = arith.constant 800 : i32
    %add3A_312 = arith.addi %add3A_115, %add3A_311 : i32
    %dma_start3A_313 = tpu.memref_slice %arg4[%add3A_312] : memref<320000xi32, #tpu.memory_space<hbm>> -> memref<80xi32, #tpu.memory_space<hbm>>
    %dma_start3A_314 = tpu.memref_slice %arg4[%add3A_312] : memref<320000xi32, #tpu.memory_space<hbm>> -> memref<80xi32, #tpu.memory_space<hbm>>
    tpu.enqueue_dma source(%dma_start3A_314 : memref<80xi32, #tpu.memory_space<hbm>>) target(%arg16 : memref<80xi32, #tpu.memory_space<vmem>>) target_semaphore(%arg36 : memref<!tpu.dma_semaphore, #tpu.memory_space<semaphore_mem>>)
    %dma_wait3A_315 = arith.constant 0 : i32
    %dma_wait3A_316 = tpu.memref_slice %arg3[%dma_wait3A_315] : memref<320000xi32, #tpu.memory_space<hbm>> -> memref<80xi32, #tpu.memory_space<hbm>>
    %dma_wait3A_317 = arith.constant 0 : i32
    %dma_wait3A_318 = tpu.memref_slice %arg3[%dma_wait3A_317] : memref<320000xi32, #tpu.memory_space<hbm>> -> memref<80xi32, #tpu.memory_space<hbm>>
    tpu.wait_dma2 semaphore(%arg32 : memref<!tpu.dma_semaphore, #tpu.memory_space<semaphore_mem>>) src(%dma_wait3A_318 : memref<80xi32, #tpu.memory_space<hbm>>) dst(%arg12 : memref<80xi32, #tpu.memory_space<vmem>>)
    %dma_wait3A_319 = arith.constant 0 : i32
    %dma_wait3A_320 = tpu.memref_slice %arg4[%dma_wait3A_319] : memref<320000xi32, #tpu.memory_space<hbm>> -> memref<80xi32, #tpu.memory_space<hbm>>
    %dma_wait3A_321 = arith.constant 0 : i32
    %dma_wait3A_322 = tpu.memref_slice %arg4[%dma_wait3A_321] : memref<320000xi32, #tpu.memory_space<hbm>> -> memref<80xi32, #tpu.memory_space<hbm>>
    tpu.wait_dma2 semaphore(%arg40 : memref<!tpu.dma_semaphore, #tpu.memory_space<semaphore_mem>>) src(%dma_wait3A_322 : memref<80xi32, #tpu.memory_space<hbm>>) dst(%arg20 : memref<80xi32, #tpu.memory_space<vmem>>)
    %dma_start3A_323 = arith.constant 0 : i32
    %dma_start3A_324 = arith.constant 0 : i32
    %dma_start3A_325 = tpu.memref_slice %arg2[%dma_start3A_323, %dma_start3A_324] : memref<10000x128xf32, #tpu.memory_space<hbm>> -> memref<10000x128xf32, #tpu.memory_space<hbm>>
    tpu.enqueue_indirect_dma source(%dma_start3A_325 : memref<10000x128xf32, #tpu.memory_space<hbm>>) target(%arg24 : memref<80x128xf32, #tpu.memory_space<vmem>>) offsets(%arg12 : memref<80xi32, #tpu.memory_space<vmem>>) semaphore(%arg44 : memref<!tpu.dma_semaphore, #tpu.memory_space<semaphore_mem>>)
    %dma_wait3A_326 = arith.constant 0 : i32
    %dma_wait3A_327 = arith.constant 0 : i32
    %dma_wait3A_328 = tpu.memref_slice %arg2[%dma_wait3A_326, %dma_wait3A_327] : memref<10000x128xf32, #tpu.memory_space<hbm>> -> memref<80x128xf32, #tpu.memory_space<hbm>>
    %dma_wait3A_329 = arith.constant 0 : i32
    %dma_wait3A_330 = arith.constant 0 : i32
    %dma_wait3A_331 = tpu.memref_slice %arg2[%dma_wait3A_329, %dma_wait3A_330] : memref<10000x128xf32, #tpu.memory_space<hbm>> -> memref<80x128xf32, #tpu.memory_space<hbm>>
    tpu.wait_dma2 semaphore(%arg42 : memref<!tpu.dma_semaphore, #tpu.memory_space<semaphore_mem>>) src(%dma_wait3A_331 : memref<80x128xf32, #tpu.memory_space<hbm>>) dst(%arg22 : memref<80x128xf32, #tpu.memory_space<vmem>>)
    %dma_start3A_332 = arith.constant 0 : i32
    %dma_start3A_333 = arith.constant 0 : i32
    %dma_start3A_334 = tpu.memref_slice %arg50[%dma_start3A_332, %dma_start3A_333] : memref<10112x128xf32, #tpu.memory_space<vmem_shared>> -> memref<10112x128xf32, #tpu.memory_space<vmem_shared>>
    tpu.enqueue_indirect_dma source(%arg22 : memref<80x128xf32, #tpu.memory_space<vmem>>) target(%dma_start3A_334 : memref<10112x128xf32, #tpu.memory_space<vmem_shared>>) offsets(%arg18 : memref<80xi32, #tpu.memory_space<vmem>>) semaphore(%arg46 : memref<!tpu.dma_semaphore, #tpu.memory_space<semaphore_mem>>) {add = true}
    %dma_wait3A_335 = arith.constant 0 : i32
    %dma_wait3A_336 = arith.constant 0 : i32
    %dma_wait3A_337 = tpu.memref_slice %arg50[%dma_wait3A_335, %dma_wait3A_336] : memref<10112x128xf32, #tpu.memory_space<vmem_shared>> -> memref<10112x128xf32, #tpu.memory_space<vmem_shared>>
    tpu.wait_indirect_dma semaphore(%arg49 : memref<!tpu.dma_semaphore, #tpu.memory_space<semaphore_mem>>) src(%arg25 : memref<80x128xf32, #tpu.memory_space<vmem>>) dst(%dma_wait3A_337 : memref<10112x128xf32, #tpu.memory_space<vmem_shared>>)
    %add3A_338 = arith.constant 880 : i32
    %add3A_339 = arith.addi %add3A_115, %add3A_338 : i32
    %dma_start3A_340 = tpu.memref_slice %arg3[%add3A_339] : memref<320000xi32, #tpu.memory_space<hbm>> -> memref<80xi32, #tpu.memory_space<hbm>>
    %dma_start3A_341 = tpu.memref_slice %arg3[%add3A_339] : memref<320000xi32, #tpu.memory_space<hbm>> -> memref<80xi32, #tpu.memory_space<hbm>>
    tpu.enqueue_dma source(%dma_start3A_341 : memref<80xi32, #tpu.memory_space<hbm>>) target(%arg9 : memref<80xi32, #tpu.memory_space<vmem>>) target_semaphore(%arg29 : memref<!tpu.dma_semaphore, #tpu.memory_space<semaphore_mem>>)
    %add3A_342 = arith.constant 880 : i32
    %add3A_343 = arith.addi %add3A_115, %add3A_342 : i32
    %dma_start3A_344 = tpu.memref_slice %arg4[%add3A_343] : memref<320000xi32, #tpu.memory_space<hbm>> -> memref<80xi32, #tpu.memory_space<hbm>>
    %dma_start3A_345 = tpu.memref_slice %arg4[%add3A_343] : memref<320000xi32, #tpu.memory_space<hbm>> -> memref<80xi32, #tpu.memory_space<hbm>>
    tpu.enqueue_dma source(%dma_start3A_345 : memref<80xi32, #tpu.memory_space<hbm>>) target(%arg17 : memref<80xi32, #tpu.memory_space<vmem>>) target_semaphore(%arg37 : memref<!tpu.dma_semaphore, #tpu.memory_space<semaphore_mem>>)
    %dma_wait3A_346 = arith.constant 0 : i32
    %dma_wait3A_347 = tpu.memref_slice %arg3[%dma_wait3A_346] : memref<320000xi32, #tpu.memory_space<hbm>> -> memref<80xi32, #tpu.memory_space<hbm>>
    %dma_wait3A_348 = arith.constant 0 : i32
    %dma_wait3A_349 = tpu.memref_slice %arg3[%dma_wait3A_348] : memref<320000xi32, #tpu.memory_space<hbm>> -> memref<80xi32, #tpu.memory_space<hbm>>
    tpu.wait_dma2 semaphore(%arg33 : memref<!tpu.dma_semaphore, #tpu.memory_space<semaphore_mem>>) src(%dma_wait3A_349 : memref<80xi32, #tpu.memory_space<hbm>>) dst(%arg13 : memref<80xi32, #tpu.memory_space<vmem>>)
    %dma_wait3A_350 = arith.constant 0 : i32
    %dma_wait3A_351 = tpu.memref_slice %arg4[%dma_wait3A_350] : memref<320000xi32, #tpu.memory_space<hbm>> -> memref<80xi32, #tpu.memory_space<hbm>>
    %dma_wait3A_352 = arith.constant 0 : i32
    %dma_wait3A_353 = tpu.memref_slice %arg4[%dma_wait3A_352] : memref<320000xi32, #tpu.memory_space<hbm>> -> memref<80xi32, #tpu.memory_space<hbm>>
    tpu.wait_dma2 semaphore(%arg41 : memref<!tpu.dma_semaphore, #tpu.memory_space<semaphore_mem>>) src(%dma_wait3A_353 : memref<80xi32, #tpu.memory_space<hbm>>) dst(%arg21 : memref<80xi32, #tpu.memory_space<vmem>>)
    %dma_start3A_354 = arith.constant 0 : i32
    %dma_start3A_355 = arith.constant 0 : i32
    %dma_start3A_356 = tpu.memref_slice %arg2[%dma_start3A_354, %dma_start3A_355] : memref<10000x128xf32, #tpu.memory_space<hbm>> -> memref<10000x128xf32, #tpu.memory_space<hbm>>
    tpu.enqueue_indirect_dma source(%dma_start3A_356 : memref<10000x128xf32, #tpu.memory_space<hbm>>) target(%arg25 : memref<80x128xf32, #tpu.memory_space<vmem>>) offsets(%arg13 : memref<80xi32, #tpu.memory_space<vmem>>) semaphore(%arg45 : memref<!tpu.dma_semaphore, #tpu.memory_space<semaphore_mem>>)
    %dma_wait3A_357 = arith.constant 0 : i32
    %dma_wait3A_358 = arith.constant 0 : i32
    %dma_wait3A_359 = tpu.memref_slice %arg2[%dma_wait3A_357, %dma_wait3A_358] : memref<10000x128xf32, #tpu.memory_space<hbm>> -> memref<80x128xf32, #tpu.memory_space<hbm>>
    %dma_wait3A_360 = arith.constant 0 : i32
    %dma_wait3A_361 = arith.constant 0 : i32
    %dma_wait3A_362 = tpu.memref_slice %arg2[%dma_wait3A_360, %dma_wait3A_361] : memref<10000x128xf32, #tpu.memory_space<hbm>> -> memref<80x128xf32, #tpu.memory_space<hbm>>
    tpu.wait_dma2 semaphore(%arg43 : memref<!tpu.dma_semaphore, #tpu.memory_space<semaphore_mem>>) src(%dma_wait3A_362 : memref<80x128xf32, #tpu.memory_space<hbm>>) dst(%arg23 : memref<80x128xf32, #tpu.memory_space<vmem>>)
    %dma_start3A_363 = arith.constant 0 : i32
    %dma_start3A_364 = arith.constant 0 : i32
    %dma_start3A_365 = tpu.memref_slice %arg50[%dma_start3A_363, %dma_start3A_364] : memref<10112x128xf32, #tpu.memory_space<vmem_shared>> -> memref<10112x128xf32, #tpu.memory_space<vmem_shared>>
    tpu.enqueue_indirect_dma source(%arg23 : memref<80x128xf32, #tpu.memory_space<vmem>>) target(%dma_start3A_365 : memref<10112x128xf32, #tpu.memory_space<vmem_shared>>) offsets(%arg19 : memref<80xi32, #tpu.memory_space<vmem>>) semaphore(%arg47 : memref<!tpu.dma_semaphore, #tpu.memory_space<semaphore_mem>>) {add = true}
    %scan3A_366 = arith.constant 0 : i32
    %scan3A_367 = arith.constant 0 : i32
    %scan3A_368 = arith.constant 14 : i32
    %scan3A_369 = arith.addi %scan3A_367, %scan3A_368 : i32
    %scan3A_370 = arith.constant 1 : i32
    %scan3A_371 = scf.for %scan3A_531 = %scan3A_367 to %scan3A_369 step %scan3A_370 iter_args(%scan3A_532 = %scan3A_366) -> (i32)  : i32 {
      %add3A_533 = arith.constant 1 : i32
      %add3A_534 = arith.addi %scan3A_531, %add3A_533 : i32
      %mul3A_535 = arith.constant 8 : i32
      %mul3A_536 = arith.muli %add3A_534, %mul3A_535 : i32
      %dma_wait3A_537 = arith.constant 0 : i32
      %dma_wait3A_538 = arith.constant 0 : i32
      %dma_wait3A_539 = tpu.memref_slice %arg50[%dma_wait3A_537, %dma_wait3A_538] : memref<10112x128xf32, #tpu.memory_space<vmem_shared>> -> memref<10112x128xf32, #tpu.memory_space<vmem_shared>>
      tpu.wait_indirect_dma semaphore(%arg46 : memref<!tpu.dma_semaphore, #tpu.memory_space<semaphore_mem>>) src(%arg22 : memref<80x128xf32, #tpu.memory_space<vmem>>) dst(%dma_wait3A_539 : memref<10112x128xf32, #tpu.memory_space<vmem_shared>>)
      %add3A_540 = arith.constant 0 : i32
      %add3A_541 = arith.addi %mul3A_536, %add3A_540 : i32
      %add3A_542 = arith.constant 4 : i32
      %add3A_543 = arith.addi %add3A_541, %add3A_542 : i32
      %mul3A_544 = arith.constant 80 : i32
      %mul3A_545 = arith.muli %add3A_543, %mul3A_544 : i32
      %add3A_546 = arith.addi %add3A_115, %mul3A_545 : i32
      %dma_start3A_547 = tpu.memref_slice %arg3[%add3A_546] : memref<320000xi32, #tpu.memory_space<hbm>> -> memref<80xi32, #tpu.memory_space<hbm>>
      %dma_start3A_548 = tpu.memref_slice %arg3[%add3A_546] : memref<320000xi32, #tpu.memory_space<hbm>> -> memref<80xi32, #tpu.memory_space<hbm>>
      tpu.enqueue_dma source(%dma_start3A_548 : memref<80xi32, #tpu.memory_space<hbm>>) target(%arg10 : memref<80xi32, #tpu.memory_space<vmem>>) target_semaphore(%arg30 : memref<!tpu.dma_semaphore, #tpu.memory_space<semaphore_mem>>)
      %mul3A_549 = arith.constant 80 : i32
      %mul3A_550 = arith.muli %add3A_543, %mul3A_549 : i32
      %add3A_551 = arith.addi %add3A_115, %mul3A_550 : i32
      %dma_start3A_552 = tpu.memref_slice %arg4[%add3A_551] : memref<320000xi32, #tpu.memory_space<hbm>> -> memref<80xi32, #tpu.memory_space<hbm>>
      %dma_start3A_553 = tpu.memref_slice %arg4[%add3A_551] : memref<320000xi32, #tpu.memory_space<hbm>> -> memref<80xi32, #tpu.memory_space<hbm>>
      tpu.enqueue_dma source(%dma_start3A_553 : memref<80xi32, #tpu.memory_space<hbm>>) target(%arg18 : memref<80xi32, #tpu.memory_space<vmem>>) target_semaphore(%arg38 : memref<!tpu.dma_semaphore, #tpu.memory_space<semaphore_mem>>)
      %dma_wait3A_554 = arith.constant 0 : i32
      %dma_wait3A_555 = tpu.memref_slice %arg3[%dma_wait3A_554] : memref<320000xi32, #tpu.memory_space<hbm>> -> memref<80xi32, #tpu.memory_space<hbm>>
      %dma_wait3A_556 = arith.constant 0 : i32
      %dma_wait3A_557 = tpu.memref_slice %arg3[%dma_wait3A_556] : memref<320000xi32, #tpu.memory_space<hbm>> -> memref<80xi32, #tpu.memory_space<hbm>>
      tpu.wait_dma2 semaphore(%arg26 : memref<!tpu.dma_semaphore, #tpu.memory_space<semaphore_mem>>) src(%dma_wait3A_557 : memref<80xi32, #tpu.memory_space<hbm>>) dst(%arg6 : memref<80xi32, #tpu.memory_space<vmem>>)
      %dma_wait3A_558 = arith.constant 0 : i32
      %dma_wait3A_559 = tpu.memref_slice %arg4[%dma_wait3A_558] : memref<320000xi32, #tpu.memory_space<hbm>> -> memref<80xi32, #tpu.memory_space<hbm>>
      %dma_wait3A_560 = arith.constant 0 : i32
      %dma_wait3A_561 = tpu.memref_slice %arg4[%dma_wait3A_560] : memref<320000xi32, #tpu.memory_space<hbm>> -> memref<80xi32, #tpu.memory_space<hbm>>
      tpu.wait_dma2 semaphore(%arg34 : memref<!tpu.dma_semaphore, #tpu.memory_space<semaphore_mem>>) src(%dma_wait3A_561 : memref<80xi32, #tpu.memory_space<hbm>>) dst(%arg14 : memref<80xi32, #tpu.memory_space<vmem>>)
      %dma_start3A_562 = arith.constant 0 : i32
      %dma_start3A_563 = arith.constant 0 : i32
      %dma_start3A_564 = tpu.memref_slice %arg2[%dma_start3A_562, %dma_start3A_563] : memref<10000x128xf32, #tpu.memory_space<hbm>> -> memref<10000x128xf32, #tpu.memory_space<hbm>>
      tpu.enqueue_indirect_dma source(%dma_start3A_564 : memref<10000x128xf32, #tpu.memory_space<hbm>>) target(%arg22 : memref<80x128xf32, #tpu.memory_space<vmem>>) offsets(%arg6 : memref<80xi32, #tpu.memory_space<vmem>>) semaphore(%arg42 : memref<!tpu.dma_semaphore, #tpu.memory_space<semaphore_mem>>)
      %dma_wait3A_565 = arith.constant 0 : i32
      %dma_wait3A_566 = arith.constant 0 : i32
      %dma_wait3A_567 = tpu.memref_slice %arg2[%dma_wait3A_565, %dma_wait3A_566] : memref<10000x128xf32, #tpu.memory_space<hbm>> -> memref<80x128xf32, #tpu.memory_space<hbm>>
      %dma_wait3A_568 = arith.constant 0 : i32
      %dma_wait3A_569 = arith.constant 0 : i32
      %dma_wait3A_570 = tpu.memref_slice %arg2[%dma_wait3A_568, %dma_wait3A_569] : memref<10000x128xf32, #tpu.memory_space<hbm>> -> memref<80x128xf32, #tpu.memory_space<hbm>>
      tpu.wait_dma2 semaphore(%arg44 : memref<!tpu.dma_semaphore, #tpu.memory_space<semaphore_mem>>) src(%dma_wait3A_570 : memref<80x128xf32, #tpu.memory_space<hbm>>) dst(%arg24 : memref<80x128xf32, #tpu.memory_space<vmem>>)
      %dma_start3A_571 = arith.constant 0 : i32
      %dma_start3A_572 = arith.constant 0 : i32
      %dma_start3A_573 = tpu.memref_slice %arg50[%dma_start3A_571, %dma_start3A_572] : memref<10112x128xf32, #tpu.memory_space<vmem_shared>> -> memref<10112x128xf32, #tpu.memory_space<vmem_shared>>
      tpu.enqueue_indirect_dma source(%arg24 : memref<80x128xf32, #tpu.memory_space<vmem>>) target(%dma_start3A_573 : memref<10112x128xf32, #tpu.memory_space<vmem_shared>>) offsets(%arg20 : memref<80xi32, #tpu.memory_space<vmem>>) semaphore(%arg48 : memref<!tpu.dma_semaphore, #tpu.memory_space<semaphore_mem>>) {add = true}
      %dma_wait3A_574 = arith.constant 0 : i32
      %dma_wait3A_575 = arith.constant 0 : i32
      %dma_wait3A_576 = tpu.memref_slice %arg50[%dma_wait3A_574, %dma_wait3A_575] : memref<10112x128xf32, #tpu.memory_space<vmem_shared>> -> memref<10112x128xf32, #tpu.memory_space<vmem_shared>>
      tpu.wait_indirect_dma semaphore(%arg47 : memref<!tpu.dma_semaphore, #tpu.memory_space<semaphore_mem>>) src(%arg23 : memref<80x128xf32, #tpu.memory_space<vmem>>) dst(%dma_wait3A_576 : memref<10112x128xf32, #tpu.memory_space<vmem_shared>>)
      %add3A_577 = arith.constant 1 : i32
      %add3A_578 = arith.addi %mul3A_536, %add3A_577 : i32
      %add3A_579 = arith.constant 4 : i32
      %add3A_580 = arith.addi %add3A_578, %add3A_579 : i32
      %mul3A_581 = arith.constant 80 : i32
      %mul3A_582 = arith.muli %add3A_580, %mul3A_581 : i32
      %add3A_583 = arith.addi %add3A_115, %mul3A_582 : i32
      %dma_start3A_584 = tpu.memref_slice %arg3[%add3A_583] : memref<320000xi32, #tpu.memory_space<hbm>> -> memref<80xi32, #tpu.memory_space<hbm>>
      %dma_start3A_585 = tpu.memref_slice %arg3[%add3A_583] : memref<320000xi32, #tpu.memory_space<hbm>> -> memref<80xi32, #tpu.memory_space<hbm>>
      tpu.enqueue_dma source(%dma_start3A_585 : memref<80xi32, #tpu.memory_space<hbm>>) target(%arg11 : memref<80xi32, #tpu.memory_space<vmem>>) target_semaphore(%arg31 : memref<!tpu.dma_semaphore, #tpu.memory_space<semaphore_mem>>)
      %mul3A_586 = arith.constant 80 : i32
      %mul3A_587 = arith.muli %add3A_580, %mul3A_586 : i32
      %add3A_588 = arith.addi %add3A_115, %mul3A_587 : i32
      %dma_start3A_589 = tpu.memref_slice %arg4[%add3A_588] : memref<320000xi32, #tpu.memory_space<hbm>> -> memref<80xi32, #tpu.memory_space<hbm>>
      %dma_start3A_590 = tpu.memref_slice %arg4[%add3A_588] : memref<320000xi32, #tpu.memory_space<hbm>> -> memref<80xi32, #tpu.memory_space<hbm>>
      tpu.enqueue_dma source(%dma_start3A_590 : memref<80xi32, #tpu.memory_space<hbm>>) target(%arg19 : memref<80xi32, #tpu.memory_space<vmem>>) target_semaphore(%arg39 : memref<!tpu.dma_semaphore, #tpu.memory_space<semaphore_mem>>)
      %dma_wait3A_591 = arith.constant 0 : i32
      %dma_wait3A_592 = tpu.memref_slice %arg3[%dma_wait3A_591] : memref<320000xi32, #tpu.memory_space<hbm>> -> memref<80xi32, #tpu.memory_space<hbm>>
      %dma_wait3A_593 = arith.constant 0 : i32
      %dma_wait3A_594 = tpu.memref_slice %arg3[%dma_wait3A_593] : memref<320000xi32, #tpu.memory_space<hbm>> -> memref<80xi32, #tpu.memory_space<hbm>>
      tpu.wait_dma2 semaphore(%arg27 : memref<!tpu.dma_semaphore, #tpu.memory_space<semaphore_mem>>) src(%dma_wait3A_594 : memref<80xi32, #tpu.memory_space<hbm>>) dst(%arg7 : memref<80xi32, #tpu.memory_space<vmem>>)
      %dma_wait3A_595 = arith.constant 0 : i32
      %dma_wait3A_596 = tpu.memref_slice %arg4[%dma_wait3A_595] : memref<320000xi32, #tpu.memory_space<hbm>> -> memref<80xi32, #tpu.memory_space<hbm>>
      %dma_wait3A_597 = arith.constant 0 : i32
      %dma_wait3A_598 = tpu.memref_slice %arg4[%dma_wait3A_597] : memref<320000xi32, #tpu.memory_space<hbm>> -> memref<80xi32, #tpu.memory_space<hbm>>
      tpu.wait_dma2 semaphore(%arg35 : memref<!tpu.dma_semaphore, #tpu.memory_space<semaphore_mem>>) src(%dma_wait3A_598 : memref<80xi32, #tpu.memory_space<hbm>>) dst(%arg15 : memref<80xi32, #tpu.memory_space<vmem>>)
      %dma_start3A_599 = arith.constant 0 : i32
      %dma_start3A_600 = arith.constant 0 : i32
      %dma_start3A_601 = tpu.memref_slice %arg2[%dma_start3A_599, %dma_start3A_600] : memref<10000x128xf32, #tpu.memory_space<hbm>> -> memref<10000x128xf32, #tpu.memory_space<hbm>>
      tpu.enqueue_indirect_dma source(%dma_start3A_601 : memref<10000x128xf32, #tpu.memory_space<hbm>>) target(%arg23 : memref<80x128xf32, #tpu.memory_space<vmem>>) offsets(%arg7 : memref<80xi32, #tpu.memory_space<vmem>>) semaphore(%arg43 : memref<!tpu.dma_semaphore, #tpu.memory_space<semaphore_mem>>)
      %dma_wait3A_602 = arith.constant 0 : i32
      %dma_wait3A_603 = arith.constant 0 : i32
      %dma_wait3A_604 = tpu.memref_slice %arg2[%dma_wait3A_602, %dma_wait3A_603] : memref<10000x128xf32, #tpu.memory_space<hbm>> -> memref<80x128xf32, #tpu.memory_space<hbm>>
      %dma_wait3A_605 = arith.constant 0 : i32
      %dma_wait3A_606 = arith.constant 0 : i32
      %dma_wait3A_607 = tpu.memref_slice %arg2[%dma_wait3A_605, %dma_wait3A_606] : memref<10000x128xf32, #tpu.memory_space<hbm>> -> memref<80x128xf32, #tpu.memory_space<hbm>>
      tpu.wait_dma2 semaphore(%arg45 : memref<!tpu.dma_semaphore, #tpu.memory_space<semaphore_mem>>) src(%dma_wait3A_607 : memref<80x128xf32, #tpu.memory_space<hbm>>) dst(%arg25 : memref<80x128xf32, #tpu.memory_space<vmem>>)
      %dma_start3A_608 = arith.constant 0 : i32
      %dma_start3A_609 = arith.constant 0 : i32
      %dma_start3A_610 = tpu.memref_slice %arg50[%dma_start3A_608, %dma_start3A_609] : memref<10112x128xf32, #tpu.memory_space<vmem_shared>> -> memref<10112x128xf32, #tpu.memory_space<vmem_shared>>
      tpu.enqueue_indirect_dma source(%arg25 : memref<80x128xf32, #tpu.memory_space<vmem>>) target(%dma_start3A_610 : memref<10112x128xf32, #tpu.memory_space<vmem_shared>>) offsets(%arg21 : memref<80xi32, #tpu.memory_space<vmem>>) semaphore(%arg49 : memref<!tpu.dma_semaphore, #tpu.memory_space<semaphore_mem>>) {add = true}
      %dma_wait3A_611 = arith.constant 0 : i32
      %dma_wait3A_612 = arith.constant 0 : i32
      %dma_wait3A_613 = tpu.memref_slice %arg50[%dma_wait3A_611, %dma_wait3A_612] : memref<10112x128xf32, #tpu.memory_space<vmem_shared>> -> memref<10112x128xf32, #tpu.memory_space<vmem_shared>>
      tpu.wait_indirect_dma semaphore(%arg48 : memref<!tpu.dma_semaphore, #tpu.memory_space<semaphore_mem>>) src(%arg24 : memref<80x128xf32, #tpu.memory_space<vmem>>) dst(%dma_wait3A_613 : memref<10112x128xf32, #tpu.memory_space<vmem_shared>>)
      %add3A_614 = arith.constant 2 : i32
      %add3A_615 = arith.addi %mul3A_536, %add3A_614 : i32
      %add3A_616 = arith.constant 4 : i32
      %add3A_617 = arith.addi %add3A_615, %add3A_616 : i32
      %mul3A_618 = arith.constant 80 : i32
      %mul3A_619 = arith.muli %add3A_617, %mul3A_618 : i32
      %add3A_620 = arith.addi %add3A_115, %mul3A_619 : i32
      %dma_start3A_621 = tpu.memref_slice %arg3[%add3A_620] : memref<320000xi32, #tpu.memory_space<hbm>> -> memref<80xi32, #tpu.memory_space<hbm>>
      %dma_start3A_622 = tpu.memref_slice %arg3[%add3A_620] : memref<320000xi32, #tpu.memory_space<hbm>> -> memref<80xi32, #tpu.memory_space<hbm>>
      tpu.enqueue_dma source(%dma_start3A_622 : memref<80xi32, #tpu.memory_space<hbm>>) target(%arg12 : memref<80xi32, #tpu.memory_space<vmem>>) target_semaphore(%arg32 : memref<!tpu.dma_semaphore, #tpu.memory_space<semaphore_mem>>)
      %mul3A_623 = arith.constant 80 : i32
      %mul3A_624 = arith.muli %add3A_617, %mul3A_623 : i32
      %add3A_625 = arith.addi %add3A_115, %mul3A_624 : i32
      %dma_start3A_626 = tpu.memref_slice %arg4[%add3A_625] : memref<320000xi32, #tpu.memory_space<hbm>> -> memref<80xi32, #tpu.memory_space<hbm>>
      %dma_start3A_627 = tpu.memref_slice %arg4[%add3A_625] : memref<320000xi32, #tpu.memory_space<hbm>> -> memref<80xi32, #tpu.memory_space<hbm>>
      tpu.enqueue_dma source(%dma_start3A_627 : memref<80xi32, #tpu.memory_space<hbm>>) target(%arg20 : memref<80xi32, #tpu.memory_space<vmem>>) target_semaphore(%arg40 : memref<!tpu.dma_semaphore, #tpu.memory_space<semaphore_mem>>)
      %dma_wait3A_628 = arith.constant 0 : i32
      %dma_wait3A_629 = tpu.memref_slice %arg3[%dma_wait3A_628] : memref<320000xi32, #tpu.memory_space<hbm>> -> memref<80xi32, #tpu.memory_space<hbm>>
      %dma_wait3A_630 = arith.constant 0 : i32
      %dma_wait3A_631 = tpu.memref_slice %arg3[%dma_wait3A_630] : memref<320000xi32, #tpu.memory_space<hbm>> -> memref<80xi32, #tpu.memory_space<hbm>>
      tpu.wait_dma2 semaphore(%arg28 : memref<!tpu.dma_semaphore, #tpu.memory_space<semaphore_mem>>) src(%dma_wait3A_631 : memref<80xi32, #tpu.memory_space<hbm>>) dst(%arg8 : memref<80xi32, #tpu.memory_space<vmem>>)
      %dma_wait3A_632 = arith.constant 0 : i32
      %dma_wait3A_633 = tpu.memref_slice %arg4[%dma_wait3A_632] : memref<320000xi32, #tpu.memory_space<hbm>> -> memref<80xi32, #tpu.memory_space<hbm>>
      %dma_wait3A_634 = arith.constant 0 : i32
      %dma_wait3A_635 = tpu.memref_slice %arg4[%dma_wait3A_634] : memref<320000xi32, #tpu.memory_space<hbm>> -> memref<80xi32, #tpu.memory_space<hbm>>
      tpu.wait_dma2 semaphore(%arg36 : memref<!tpu.dma_semaphore, #tpu.memory_space<semaphore_mem>>) src(%dma_wait3A_635 : memref<80xi32, #tpu.memory_space<hbm>>) dst(%arg16 : memref<80xi32, #tpu.memory_space<vmem>>)
      %dma_start3A_636 = arith.constant 0 : i32
      %dma_start3A_637 = arith.constant 0 : i32
      %dma_start3A_638 = tpu.memref_slice %arg2[%dma_start3A_636, %dma_start3A_637] : memref<10000x128xf32, #tpu.memory_space<hbm>> -> memref<10000x128xf32, #tpu.memory_space<hbm>>
      tpu.enqueue_indirect_dma source(%dma_start3A_638 : memref<10000x128xf32, #tpu.memory_space<hbm>>) target(%arg24 : memref<80x128xf32, #tpu.memory_space<vmem>>) offsets(%arg8 : memref<80xi32, #tpu.memory_space<vmem>>) semaphore(%arg44 : memref<!tpu.dma_semaphore, #tpu.memory_space<semaphore_mem>>)
      %dma_wait3A_639 = arith.constant 0 : i32
      %dma_wait3A_640 = arith.constant 0 : i32
      %dma_wait3A_641 = tpu.memref_slice %arg2[%dma_wait3A_639, %dma_wait3A_640] : memref<10000x128xf32, #tpu.memory_space<hbm>> -> memref<80x128xf32, #tpu.memory_space<hbm>>
      %dma_wait3A_642 = arith.constant 0 : i32
      %dma_wait3A_643 = arith.constant 0 : i32
      %dma_wait3A_644 = tpu.memref_slice %arg2[%dma_wait3A_642, %dma_wait3A_643] : memref<10000x128xf32, #tpu.memory_space<hbm>> -> memref<80x128xf32, #tpu.memory_space<hbm>>
      tpu.wait_dma2 semaphore(%arg42 : memref<!tpu.dma_semaphore, #tpu.memory_space<semaphore_mem>>) src(%dma_wait3A_644 : memref<80x128xf32, #tpu.memory_space<hbm>>) dst(%arg22 : memref<80x128xf32, #tpu.memory_space<vmem>>)
      %dma_start3A_645 = arith.constant 0 : i32
      %dma_start3A_646 = arith.constant 0 : i32
      %dma_start3A_647 = tpu.memref_slice %arg50[%dma_start3A_645, %dma_start3A_646] : memref<10112x128xf32, #tpu.memory_space<vmem_shared>> -> memref<10112x128xf32, #tpu.memory_space<vmem_shared>>
      tpu.enqueue_indirect_dma source(%arg22 : memref<80x128xf32, #tpu.memory_space<vmem>>) target(%dma_start3A_647 : memref<10112x128xf32, #tpu.memory_space<vmem_shared>>) offsets(%arg14 : memref<80xi32, #tpu.memory_space<vmem>>) semaphore(%arg46 : memref<!tpu.dma_semaphore, #tpu.memory_space<semaphore_mem>>) {add = true}
      %dma_wait3A_648 = arith.constant 0 : i32
      %dma_wait3A_649 = arith.constant 0 : i32
      %dma_wait3A_650 = tpu.memref_slice %arg50[%dma_wait3A_648, %dma_wait3A_649] : memref<10112x128xf32, #tpu.memory_space<vmem_shared>> -> memref<10112x128xf32, #tpu.memory_space<vmem_shared>>
      tpu.wait_indirect_dma semaphore(%arg49 : memref<!tpu.dma_semaphore, #tpu.memory_space<semaphore_mem>>) src(%arg25 : memref<80x128xf32, #tpu.memory_space<vmem>>) dst(%dma_wait3A_650 : memref<10112x128xf32, #tpu.memory_space<vmem_shared>>)
      %add3A_651 = arith.constant 3 : i32
      %add3A_652 = arith.addi %mul3A_536, %add3A_651 : i32
      %add3A_653 = arith.constant 4 : i32
      %add3A_654 = arith.addi %add3A_652, %add3A_653 : i32
      %mul3A_655 = arith.constant 80 : i32
      %mul3A_656 = arith.muli %add3A_654, %mul3A_655 : i32
      %add3A_657 = arith.addi %add3A_115, %mul3A_656 : i32
      %dma_start3A_658 = tpu.memref_slice %arg3[%add3A_657] : memref<320000xi32, #tpu.memory_space<hbm>> -> memref<80xi32, #tpu.memory_space<hbm>>
      %dma_start3A_659 = tpu.memref_slice %arg3[%add3A_657] : memref<320000xi32, #tpu.memory_space<hbm>> -> memref<80xi32, #tpu.memory_space<hbm>>
      tpu.enqueue_dma source(%dma_start3A_659 : memref<80xi32, #tpu.memory_space<hbm>>) target(%arg13 : memref<80xi32, #tpu.memory_space<vmem>>) target_semaphore(%arg33 : memref<!tpu.dma_semaphore, #tpu.memory_space<semaphore_mem>>)
      %mul3A_660 = arith.constant 80 : i32
      %mul3A_661 = arith.muli %add3A_654, %mul3A_660 : i32
      %add3A_662 = arith.addi %add3A_115, %mul3A_661 : i32
      %dma_start3A_663 = tpu.memref_slice %arg4[%add3A_662] : memref<320000xi32, #tpu.memory_space<hbm>> -> memref<80xi32, #tpu.memory_space<hbm>>
      %dma_start3A_664 = tpu.memref_slice %arg4[%add3A_662] : memref<320000xi32, #tpu.memory_space<hbm>> -> memref<80xi32, #tpu.memory_space<hbm>>
      tpu.enqueue_dma source(%dma_start3A_664 : memref<80xi32, #tpu.memory_space<hbm>>) target(%arg21 : memref<80xi32, #tpu.memory_space<vmem>>) target_semaphore(%arg41 : memref<!tpu.dma_semaphore, #tpu.memory_space<semaphore_mem>>)
      %dma_wait3A_665 = arith.constant 0 : i32
      %dma_wait3A_666 = tpu.memref_slice %arg3[%dma_wait3A_665] : memref<320000xi32, #tpu.memory_space<hbm>> -> memref<80xi32, #tpu.memory_space<hbm>>
      %dma_wait3A_667 = arith.constant 0 : i32
      %dma_wait3A_668 = tpu.memref_slice %arg3[%dma_wait3A_667] : memref<320000xi32, #tpu.memory_space<hbm>> -> memref<80xi32, #tpu.memory_space<hbm>>
      tpu.wait_dma2 semaphore(%arg29 : memref<!tpu.dma_semaphore, #tpu.memory_space<semaphore_mem>>) src(%dma_wait3A_668 : memref<80xi32, #tpu.memory_space<hbm>>) dst(%arg9 : memref<80xi32, #tpu.memory_space<vmem>>)
      %dma_wait3A_669 = arith.constant 0 : i32
      %dma_wait3A_670 = tpu.memref_slice %arg4[%dma_wait3A_669] : memref<320000xi32, #tpu.memory_space<hbm>> -> memref<80xi32, #tpu.memory_space<hbm>>
      %dma_wait3A_671 = arith.constant 0 : i32
      %dma_wait3A_672 = tpu.memref_slice %arg4[%dma_wait3A_671] : memref<320000xi32, #tpu.memory_space<hbm>> -> memref<80xi32, #tpu.memory_space<hbm>>
      tpu.wait_dma2 semaphore(%arg37 : memref<!tpu.dma_semaphore, #tpu.memory_space<semaphore_mem>>) src(%dma_wait3A_672 : memref<80xi32, #tpu.memory_space<hbm>>) dst(%arg17 : memref<80xi32, #tpu.memory_space<vmem>>)
      %dma_start3A_673 = arith.constant 0 : i32
      %dma_start3A_674 = arith.constant 0 : i32
      %dma_start3A_675 = tpu.memref_slice %arg2[%dma_start3A_673, %dma_start3A_674] : memref<10000x128xf32, #tpu.memory_space<hbm>> -> memref<10000x128xf32, #tpu.memory_space<hbm>>
      tpu.enqueue_indirect_dma source(%dma_start3A_675 : memref<10000x128xf32, #tpu.memory_space<hbm>>) target(%arg25 : memref<80x128xf32, #tpu.memory_space<vmem>>) offsets(%arg9 : memref<80xi32, #tpu.memory_space<vmem>>) semaphore(%arg45 : memref<!tpu.dma_semaphore, #tpu.memory_space<semaphore_mem>>)
      %dma_wait3A_676 = arith.constant 0 : i32
      %dma_wait3A_677 = arith.constant 0 : i32
      %dma_wait3A_678 = tpu.memref_slice %arg2[%dma_wait3A_676, %dma_wait3A_677] : memref<10000x128xf32, #tpu.memory_space<hbm>> -> memref<80x128xf32, #tpu.memory_space<hbm>>
      %dma_wait3A_679 = arith.constant 0 : i32
      %dma_wait3A_680 = arith.constant 0 : i32
      %dma_wait3A_681 = tpu.memref_slice %arg2[%dma_wait3A_679, %dma_wait3A_680] : memref<10000x128xf32, #tpu.memory_space<hbm>> -> memref<80x128xf32, #tpu.memory_space<hbm>>
      tpu.wait_dma2 semaphore(%arg43 : memref<!tpu.dma_semaphore, #tpu.memory_space<semaphore_mem>>) src(%dma_wait3A_681 : memref<80x128xf32, #tpu.memory_space<hbm>>) dst(%arg23 : memref<80x128xf32, #tpu.memory_space<vmem>>)
      %dma_start3A_682 = arith.constant 0 : i32
      %dma_start3A_683 = arith.constant 0 : i32
      %dma_start3A_684 = tpu.memref_slice %arg50[%dma_start3A_682, %dma_start3A_683] : memref<10112x128xf32, #tpu.memory_space<vmem_shared>> -> memref<10112x128xf32, #tpu.memory_space<vmem_shared>>
      tpu.enqueue_indirect_dma source(%arg23 : memref<80x128xf32, #tpu.memory_space<vmem>>) target(%dma_start3A_684 : memref<10112x128xf32, #tpu.memory_space<vmem_shared>>) offsets(%arg15 : memref<80xi32, #tpu.memory_space<vmem>>) semaphore(%arg47 : memref<!tpu.dma_semaphore, #tpu.memory_space<semaphore_mem>>) {add = true}
      %dma_wait3A_685 = arith.constant 0 : i32
      %dma_wait3A_686 = arith.constant 0 : i32
      %dma_wait3A_687 = tpu.memref_slice %arg50[%dma_wait3A_685, %dma_wait3A_686] : memref<10112x128xf32, #tpu.memory_space<vmem_shared>> -> memref<10112x128xf32, #tpu.memory_space<vmem_shared>>
      tpu.wait_indirect_dma semaphore(%arg46 : memref<!tpu.dma_semaphore, #tpu.memory_space<semaphore_mem>>) src(%arg22 : memref<80x128xf32, #tpu.memory_space<vmem>>) dst(%dma_wait3A_687 : memref<10112x128xf32, #tpu.memory_space<vmem_shared>>)
      %add3A_688 = arith.constant 4 : i32
      %add3A_689 = arith.addi %mul3A_536, %add3A_688 : i32
      %add3A_690 = arith.constant 4 : i32
      %add3A_691 = arith.addi %add3A_689, %add3A_690 : i32
      %mul3A_692 = arith.constant 80 : i32
      %mul3A_693 = arith.muli %add3A_691, %mul3A_692 : i32
      %add3A_694 = arith.addi %add3A_115, %mul3A_693 : i32
      %dma_start3A_695 = tpu.memref_slice %arg3[%add3A_694] : memref<320000xi32, #tpu.memory_space<hbm>> -> memref<80xi32, #tpu.memory_space<hbm>>
      %dma_start3A_696 = tpu.memref_slice %arg3[%add3A_694] : memref<320000xi32, #tpu.memory_space<hbm>> -> memref<80xi32, #tpu.memory_space<hbm>>
      tpu.enqueue_dma source(%dma_start3A_696 : memref<80xi32, #tpu.memory_space<hbm>>) target(%arg6 : memref<80xi32, #tpu.memory_space<vmem>>) target_semaphore(%arg26 : memref<!tpu.dma_semaphore, #tpu.memory_space<semaphore_mem>>)
      %mul3A_697 = arith.constant 80 : i32
      %mul3A_698 = arith.muli %add3A_691, %mul3A_697 : i32
      %add3A_699 = arith.addi %add3A_115, %mul3A_698 : i32
      %dma_start3A_700 = tpu.memref_slice %arg4[%add3A_699] : memref<320000xi32, #tpu.memory_space<hbm>> -> memref<80xi32, #tpu.memory_space<hbm>>
      %dma_start3A_701 = tpu.memref_slice %arg4[%add3A_699] : memref<320000xi32, #tpu.memory_space<hbm>> -> memref<80xi32, #tpu.memory_space<hbm>>
      tpu.enqueue_dma source(%dma_start3A_701 : memref<80xi32, #tpu.memory_space<hbm>>) target(%arg14 : memref<80xi32, #tpu.memory_space<vmem>>) target_semaphore(%arg34 : memref<!tpu.dma_semaphore, #tpu.memory_space<semaphore_mem>>)
      %dma_wait3A_702 = arith.constant 0 : i32
      %dma_wait3A_703 = tpu.memref_slice %arg3[%dma_wait3A_702] : memref<320000xi32, #tpu.memory_space<hbm>> -> memref<80xi32, #tpu.memory_space<hbm>>
      %dma_wait3A_704 = arith.constant 0 : i32
      %dma_wait3A_705 = tpu.memref_slice %arg3[%dma_wait3A_704] : memref<320000xi32, #tpu.memory_space<hbm>> -> memref<80xi32, #tpu.memory_space<hbm>>
      tpu.wait_dma2 semaphore(%arg30 : memref<!tpu.dma_semaphore, #tpu.memory_space<semaphore_mem>>) src(%dma_wait3A_705 : memref<80xi32, #tpu.memory_space<hbm>>) dst(%arg10 : memref<80xi32, #tpu.memory_space<vmem>>)
      %dma_wait3A_706 = arith.constant 0 : i32
      %dma_wait3A_707 = tpu.memref_slice %arg4[%dma_wait3A_706] : memref<320000xi32, #tpu.memory_space<hbm>> -> memref<80xi32, #tpu.memory_space<hbm>>
      %dma_wait3A_708 = arith.constant 0 : i32
      %dma_wait3A_709 = tpu.memref_slice %arg4[%dma_wait3A_708] : memref<320000xi32, #tpu.memory_space<hbm>> -> memref<80xi32, #tpu.memory_space<hbm>>
      tpu.wait_dma2 semaphore(%arg38 : memref<!tpu.dma_semaphore, #tpu.memory_space<semaphore_mem>>) src(%dma_wait3A_709 : memref<80xi32, #tpu.memory_space<hbm>>) dst(%arg18 : memref<80xi32, #tpu.memory_space<vmem>>)
      %dma_start3A_710 = arith.constant 0 : i32
      %dma_start3A_711 = arith.constant 0 : i32
      %dma_start3A_712 = tpu.memref_slice %arg2[%dma_start3A_710, %dma_start3A_711] : memref<10000x128xf32, #tpu.memory_space<hbm>> -> memref<10000x128xf32, #tpu.memory_space<hbm>>
      tpu.enqueue_indirect_dma source(%dma_start3A_712 : memref<10000x128xf32, #tpu.memory_space<hbm>>) target(%arg22 : memref<80x128xf32, #tpu.memory_space<vmem>>) offsets(%arg10 : memref<80xi32, #tpu.memory_space<vmem>>) semaphore(%arg42 : memref<!tpu.dma_semaphore, #tpu.memory_space<semaphore_mem>>)
      %dma_wait3A_713 = arith.constant 0 : i32
      %dma_wait3A_714 = arith.constant 0 : i32
      %dma_wait3A_715 = tpu.memref_slice %arg2[%dma_wait3A_713, %dma_wait3A_714] : memref<10000x128xf32, #tpu.memory_space<hbm>> -> memref<80x128xf32, #tpu.memory_space<hbm>>
      %dma_wait3A_716 = arith.constant 0 : i32
      %dma_wait3A_717 = arith.constant 0 : i32
      %dma_wait3A_718 = tpu.memref_slice %arg2[%dma_wait3A_716, %dma_wait3A_717] : memref<10000x128xf32, #tpu.memory_space<hbm>> -> memref<80x128xf32, #tpu.memory_space<hbm>>
      tpu.wait_dma2 semaphore(%arg44 : memref<!tpu.dma_semaphore, #tpu.memory_space<semaphore_mem>>) src(%dma_wait3A_718 : memref<80x128xf32, #tpu.memory_space<hbm>>) dst(%arg24 : memref<80x128xf32, #tpu.memory_space<vmem>>)
      %dma_start3A_719 = arith.constant 0 : i32
      %dma_start3A_720 = arith.constant 0 : i32
      %dma_start3A_721 = tpu.memref_slice %arg50[%dma_start3A_719, %dma_start3A_720] : memref<10112x128xf32, #tpu.memory_space<vmem_shared>> -> memref<10112x128xf32, #tpu.memory_space<vmem_shared>>
      tpu.enqueue_indirect_dma source(%arg24 : memref<80x128xf32, #tpu.memory_space<vmem>>) target(%dma_start3A_721 : memref<10112x128xf32, #tpu.memory_space<vmem_shared>>) offsets(%arg16 : memref<80xi32, #tpu.memory_space<vmem>>) semaphore(%arg48 : memref<!tpu.dma_semaphore, #tpu.memory_space<semaphore_mem>>) {add = true}
      %dma_wait3A_722 = arith.constant 0 : i32
      %dma_wait3A_723 = arith.constant 0 : i32
      %dma_wait3A_724 = tpu.memref_slice %arg50[%dma_wait3A_722, %dma_wait3A_723] : memref<10112x128xf32, #tpu.memory_space<vmem_shared>> -> memref<10112x128xf32, #tpu.memory_space<vmem_shared>>
      tpu.wait_indirect_dma semaphore(%arg47 : memref<!tpu.dma_semaphore, #tpu.memory_space<semaphore_mem>>) src(%arg23 : memref<80x128xf32, #tpu.memory_space<vmem>>) dst(%dma_wait3A_724 : memref<10112x128xf32, #tpu.memory_space<vmem_shared>>)
      %add3A_725 = arith.constant 5 : i32
      %add3A_726 = arith.addi %mul3A_536, %add3A_725 : i32
      %add3A_727 = arith.constant 4 : i32
      %add3A_728 = arith.addi %add3A_726, %add3A_727 : i32
      %mul3A_729 = arith.constant 80 : i32
      %mul3A_730 = arith.muli %add3A_728, %mul3A_729 : i32
      %add3A_731 = arith.addi %add3A_115, %mul3A_730 : i32
      %dma_start3A_732 = tpu.memref_slice %arg3[%add3A_731] : memref<320000xi32, #tpu.memory_space<hbm>> -> memref<80xi32, #tpu.memory_space<hbm>>
      %dma_start3A_733 = tpu.memref_slice %arg3[%add3A_731] : memref<320000xi32, #tpu.memory_space<hbm>> -> memref<80xi32, #tpu.memory_space<hbm>>
      tpu.enqueue_dma source(%dma_start3A_733 : memref<80xi32, #tpu.memory_space<hbm>>) target(%arg7 : memref<80xi32, #tpu.memory_space<vmem>>) target_semaphore(%arg27 : memref<!tpu.dma_semaphore, #tpu.memory_space<semaphore_mem>>)
      %mul3A_734 = arith.constant 80 : i32
      %mul3A_735 = arith.muli %add3A_728, %mul3A_734 : i32
      %add3A_736 = arith.addi %add3A_115, %mul3A_735 : i32
      %dma_start3A_737 = tpu.memref_slice %arg4[%add3A_736] : memref<320000xi32, #tpu.memory_space<hbm>> -> memref<80xi32, #tpu.memory_space<hbm>>
      %dma_start3A_738 = tpu.memref_slice %arg4[%add3A_736] : memref<320000xi32, #tpu.memory_space<hbm>> -> memref<80xi32, #tpu.memory_space<hbm>>
      tpu.enqueue_dma source(%dma_start3A_738 : memref<80xi32, #tpu.memory_space<hbm>>) target(%arg15 : memref<80xi32, #tpu.memory_space<vmem>>) target_semaphore(%arg35 : memref<!tpu.dma_semaphore, #tpu.memory_space<semaphore_mem>>)
      %dma_wait3A_739 = arith.constant 0 : i32
      %dma_wait3A_740 = tpu.memref_slice %arg3[%dma_wait3A_739] : memref<320000xi32, #tpu.memory_space<hbm>> -> memref<80xi32, #tpu.memory_space<hbm>>
      %dma_wait3A_741 = arith.constant 0 : i32
      %dma_wait3A_742 = tpu.memref_slice %arg3[%dma_wait3A_741] : memref<320000xi32, #tpu.memory_space<hbm>> -> memref<80xi32, #tpu.memory_space<hbm>>
      tpu.wait_dma2 semaphore(%arg31 : memref<!tpu.dma_semaphore, #tpu.memory_space<semaphore_mem>>) src(%dma_wait3A_742 : memref<80xi32, #tpu.memory_space<hbm>>) dst(%arg11 : memref<80xi32, #tpu.memory_space<vmem>>)
      %dma_wait3A_743 = arith.constant 0 : i32
      %dma_wait3A_744 = tpu.memref_slice %arg4[%dma_wait3A_743] : memref<320000xi32, #tpu.memory_space<hbm>> -> memref<80xi32, #tpu.memory_space<hbm>>
      %dma_wait3A_745 = arith.constant 0 : i32
      %dma_wait3A_746 = tpu.memref_slice %arg4[%dma_wait3A_745] : memref<320000xi32, #tpu.memory_space<hbm>> -> memref<80xi32, #tpu.memory_space<hbm>>
      tpu.wait_dma2 semaphore(%arg39 : memref<!tpu.dma_semaphore, #tpu.memory_space<semaphore_mem>>) src(%dma_wait3A_746 : memref<80xi32, #tpu.memory_space<hbm>>) dst(%arg19 : memref<80xi32, #tpu.memory_space<vmem>>)
      %dma_start3A_747 = arith.constant 0 : i32
      %dma_start3A_748 = arith.constant 0 : i32
      %dma_start3A_749 = tpu.memref_slice %arg2[%dma_start3A_747, %dma_start3A_748] : memref<10000x128xf32, #tpu.memory_space<hbm>> -> memref<10000x128xf32, #tpu.memory_space<hbm>>
      tpu.enqueue_indirect_dma source(%dma_start3A_749 : memref<10000x128xf32, #tpu.memory_space<hbm>>) target(%arg23 : memref<80x128xf32, #tpu.memory_space<vmem>>) offsets(%arg11 : memref<80xi32, #tpu.memory_space<vmem>>) semaphore(%arg43 : memref<!tpu.dma_semaphore, #tpu.memory_space<semaphore_mem>>)
      %dma_wait3A_750 = arith.constant 0 : i32
      %dma_wait3A_751 = arith.constant 0 : i32
      %dma_wait3A_752 = tpu.memref_slice %arg2[%dma_wait3A_750, %dma_wait3A_751] : memref<10000x128xf32, #tpu.memory_space<hbm>> -> memref<80x128xf32, #tpu.memory_space<hbm>>
      %dma_wait3A_753 = arith.constant 0 : i32
      %dma_wait3A_754 = arith.constant 0 : i32
      %dma_wait3A_755 = tpu.memref_slice %arg2[%dma_wait3A_753, %dma_wait3A_754] : memref<10000x128xf32, #tpu.memory_space<hbm>> -> memref<80x128xf32, #tpu.memory_space<hbm>>
      tpu.wait_dma2 semaphore(%arg45 : memref<!tpu.dma_semaphore, #tpu.memory_space<semaphore_mem>>) src(%dma_wait3A_755 : memref<80x128xf32, #tpu.memory_space<hbm>>) dst(%arg25 : memref<80x128xf32, #tpu.memory_space<vmem>>)
      %dma_start3A_756 = arith.constant 0 : i32
      %dma_start3A_757 = arith.constant 0 : i32
      %dma_start3A_758 = tpu.memref_slice %arg50[%dma_start3A_756, %dma_start3A_757] : memref<10112x128xf32, #tpu.memory_space<vmem_shared>> -> memref<10112x128xf32, #tpu.memory_space<vmem_shared>>
      tpu.enqueue_indirect_dma source(%arg25 : memref<80x128xf32, #tpu.memory_space<vmem>>) target(%dma_start3A_758 : memref<10112x128xf32, #tpu.memory_space<vmem_shared>>) offsets(%arg17 : memref<80xi32, #tpu.memory_space<vmem>>) semaphore(%arg49 : memref<!tpu.dma_semaphore, #tpu.memory_space<semaphore_mem>>) {add = true}
      %dma_wait3A_759 = arith.constant 0 : i32
      %dma_wait3A_760 = arith.constant 0 : i32
      %dma_wait3A_761 = tpu.memref_slice %arg50[%dma_wait3A_759, %dma_wait3A_760] : memref<10112x128xf32, #tpu.memory_space<vmem_shared>> -> memref<10112x128xf32, #tpu.memory_space<vmem_shared>>
      tpu.wait_indirect_dma semaphore(%arg48 : memref<!tpu.dma_semaphore, #tpu.memory_space<semaphore_mem>>) src(%arg24 : memref<80x128xf32, #tpu.memory_space<vmem>>) dst(%dma_wait3A_761 : memref<10112x128xf32, #tpu.memory_space<vmem_shared>>)
      %add3A_762 = arith.constant 6 : i32
      %add3A_763 = arith.addi %mul3A_536, %add3A_762 : i32
      %add3A_764 = arith.constant 4 : i32
      %add3A_765 = arith.addi %add3A_763, %add3A_764 : i32
      %mul3A_766 = arith.constant 80 : i32
      %mul3A_767 = arith.muli %add3A_765, %mul3A_766 : i32
      %add3A_768 = arith.addi %add3A_115, %mul3A_767 : i32
      %dma_start3A_769 = tpu.memref_slice %arg3[%add3A_768] : memref<320000xi32, #tpu.memory_space<hbm>> -> memref<80xi32, #tpu.memory_space<hbm>>
      %dma_start3A_770 = tpu.memref_slice %arg3[%add3A_768] : memref<320000xi32, #tpu.memory_space<hbm>> -> memref<80xi32, #tpu.memory_space<hbm>>
      tpu.enqueue_dma source(%dma_start3A_770 : memref<80xi32, #tpu.memory_space<hbm>>) target(%arg8 : memref<80xi32, #tpu.memory_space<vmem>>) target_semaphore(%arg28 : memref<!tpu.dma_semaphore, #tpu.memory_space<semaphore_mem>>)
      %mul3A_771 = arith.constant 80 : i32
      %mul3A_772 = arith.muli %add3A_765, %mul3A_771 : i32
      %add3A_773 = arith.addi %add3A_115, %mul3A_772 : i32
      %dma_start3A_774 = tpu.memref_slice %arg4[%add3A_773] : memref<320000xi32, #tpu.memory_space<hbm>> -> memref<80xi32, #tpu.memory_space<hbm>>
      %dma_start3A_775 = tpu.memref_slice %arg4[%add3A_773] : memref<320000xi32, #tpu.memory_space<hbm>> -> memref<80xi32, #tpu.memory_space<hbm>>
      tpu.enqueue_dma source(%dma_start3A_775 : memref<80xi32, #tpu.memory_space<hbm>>) target(%arg16 : memref<80xi32, #tpu.memory_space<vmem>>) target_semaphore(%arg36 : memref<!tpu.dma_semaphore, #tpu.memory_space<semaphore_mem>>)
      %dma_wait3A_776 = arith.constant 0 : i32
      %dma_wait3A_777 = tpu.memref_slice %arg3[%dma_wait3A_776] : memref<320000xi32, #tpu.memory_space<hbm>> -> memref<80xi32, #tpu.memory_space<hbm>>
      %dma_wait3A_778 = arith.constant 0 : i32
      %dma_wait3A_779 = tpu.memref_slice %arg3[%dma_wait3A_778] : memref<320000xi32, #tpu.memory_space<hbm>> -> memref<80xi32, #tpu.memory_space<hbm>>
      tpu.wait_dma2 semaphore(%arg32 : memref<!tpu.dma_semaphore, #tpu.memory_space<semaphore_mem>>) src(%dma_wait3A_779 : memref<80xi32, #tpu.memory_space<hbm>>) dst(%arg12 : memref<80xi32, #tpu.memory_space<vmem>>)
      %dma_wait3A_780 = arith.constant 0 : i32
      %dma_wait3A_781 = tpu.memref_slice %arg4[%dma_wait3A_780] : memref<320000xi32, #tpu.memory_space<hbm>> -> memref<80xi32, #tpu.memory_space<hbm>>
      %dma_wait3A_782 = arith.constant 0 : i32
      %dma_wait3A_783 = tpu.memref_slice %arg4[%dma_wait3A_782] : memref<320000xi32, #tpu.memory_space<hbm>> -> memref<80xi32, #tpu.memory_space<hbm>>
      tpu.wait_dma2 semaphore(%arg40 : memref<!tpu.dma_semaphore, #tpu.memory_space<semaphore_mem>>) src(%dma_wait3A_783 : memref<80xi32, #tpu.memory_space<hbm>>) dst(%arg20 : memref<80xi32, #tpu.memory_space<vmem>>)
      %dma_start3A_784 = arith.constant 0 : i32
      %dma_start3A_785 = arith.constant 0 : i32
      %dma_start3A_786 = tpu.memref_slice %arg2[%dma_start3A_784, %dma_start3A_785] : memref<10000x128xf32, #tpu.memory_space<hbm>> -> memref<10000x128xf32, #tpu.memory_space<hbm>>
      tpu.enqueue_indirect_dma source(%dma_start3A_786 : memref<10000x128xf32, #tpu.memory_space<hbm>>) target(%arg24 : memref<80x128xf32, #tpu.memory_space<vmem>>) offsets(%arg12 : memref<80xi32, #tpu.memory_space<vmem>>) semaphore(%arg44 : memref<!tpu.dma_semaphore, #tpu.memory_space<semaphore_mem>>)
      %dma_wait3A_787 = arith.constant 0 : i32
      %dma_wait3A_788 = arith.constant 0 : i32
      %dma_wait3A_789 = tpu.memref_slice %arg2[%dma_wait3A_787, %dma_wait3A_788] : memref<10000x128xf32, #tpu.memory_space<hbm>> -> memref<80x128xf32, #tpu.memory_space<hbm>>
      %dma_wait3A_790 = arith.constant 0 : i32
      %dma_wait3A_791 = arith.constant 0 : i32
      %dma_wait3A_792 = tpu.memref_slice %arg2[%dma_wait3A_790, %dma_wait3A_791] : memref<10000x128xf32, #tpu.memory_space<hbm>> -> memref<80x128xf32, #tpu.memory_space<hbm>>
      tpu.wait_dma2 semaphore(%arg42 : memref<!tpu.dma_semaphore, #tpu.memory_space<semaphore_mem>>) src(%dma_wait3A_792 : memref<80x128xf32, #tpu.memory_space<hbm>>) dst(%arg22 : memref<80x128xf32, #tpu.memory_space<vmem>>)
      %dma_start3A_793 = arith.constant 0 : i32
      %dma_start3A_794 = arith.constant 0 : i32
      %dma_start3A_795 = tpu.memref_slice %arg50[%dma_start3A_793, %dma_start3A_794] : memref<10112x128xf32, #tpu.memory_space<vmem_shared>> -> memref<10112x128xf32, #tpu.memory_space<vmem_shared>>
      tpu.enqueue_indirect_dma source(%arg22 : memref<80x128xf32, #tpu.memory_space<vmem>>) target(%dma_start3A_795 : memref<10112x128xf32, #tpu.memory_space<vmem_shared>>) offsets(%arg18 : memref<80xi32, #tpu.memory_space<vmem>>) semaphore(%arg46 : memref<!tpu.dma_semaphore, #tpu.memory_space<semaphore_mem>>) {add = true}
      %dma_wait3A_796 = arith.constant 0 : i32
      %dma_wait3A_797 = arith.constant 0 : i32
      %dma_wait3A_798 = tpu.memref_slice %arg50[%dma_wait3A_796, %dma_wait3A_797] : memref<10112x128xf32, #tpu.memory_space<vmem_shared>> -> memref<10112x128xf32, #tpu.memory_space<vmem_shared>>
      tpu.wait_indirect_dma semaphore(%arg49 : memref<!tpu.dma_semaphore, #tpu.memory_space<semaphore_mem>>) src(%arg25 : memref<80x128xf32, #tpu.memory_space<vmem>>) dst(%dma_wait3A_798 : memref<10112x128xf32, #tpu.memory_space<vmem_shared>>)
      %add3A_799 = arith.constant 7 : i32
      %add3A_800 = arith.addi %mul3A_536, %add3A_799 : i32
      %add3A_801 = arith.constant 4 : i32
      %add3A_802 = arith.addi %add3A_800, %add3A_801 : i32
      %mul3A_803 = arith.constant 80 : i32
      %mul3A_804 = arith.muli %add3A_802, %mul3A_803 : i32
      %add3A_805 = arith.addi %add3A_115, %mul3A_804 : i32
      %dma_start3A_806 = tpu.memref_slice %arg3[%add3A_805] : memref<320000xi32, #tpu.memory_space<hbm>> -> memref<80xi32, #tpu.memory_space<hbm>>
      %dma_start3A_807 = tpu.memref_slice %arg3[%add3A_805] : memref<320000xi32, #tpu.memory_space<hbm>> -> memref<80xi32, #tpu.memory_space<hbm>>
      tpu.enqueue_dma source(%dma_start3A_807 : memref<80xi32, #tpu.memory_space<hbm>>) target(%arg9 : memref<80xi32, #tpu.memory_space<vmem>>) target_semaphore(%arg29 : memref<!tpu.dma_semaphore, #tpu.memory_space<semaphore_mem>>)
      %mul3A_808 = arith.constant 80 : i32
      %mul3A_809 = arith.muli %add3A_802, %mul3A_808 : i32
      %add3A_810 = arith.addi %add3A_115, %mul3A_809 : i32
      %dma_start3A_811 = tpu.memref_slice %arg4[%add3A_810] : memref<320000xi32, #tpu.memory_space<hbm>> -> memref<80xi32, #tpu.memory_space<hbm>>
      %dma_start3A_812 = tpu.memref_slice %arg4[%add3A_810] : memref<320000xi32, #tpu.memory_space<hbm>> -> memref<80xi32, #tpu.memory_space<hbm>>
      tpu.enqueue_dma source(%dma_start3A_812 : memref<80xi32, #tpu.memory_space<hbm>>) target(%arg17 : memref<80xi32, #tpu.memory_space<vmem>>) target_semaphore(%arg37 : memref<!tpu.dma_semaphore, #tpu.memory_space<semaphore_mem>>)
      %dma_wait3A_813 = arith.constant 0 : i32
      %dma_wait3A_814 = tpu.memref_slice %arg3[%dma_wait3A_813] : memref<320000xi32, #tpu.memory_space<hbm>> -> memref<80xi32, #tpu.memory_space<hbm>>
      %dma_wait3A_815 = arith.constant 0 : i32
      %dma_wait3A_816 = tpu.memref_slice %arg3[%dma_wait3A_815] : memref<320000xi32, #tpu.memory_space<hbm>> -> memref<80xi32, #tpu.memory_space<hbm>>
      tpu.wait_dma2 semaphore(%arg33 : memref<!tpu.dma_semaphore, #tpu.memory_space<semaphore_mem>>) src(%dma_wait3A_816 : memref<80xi32, #tpu.memory_space<hbm>>) dst(%arg13 : memref<80xi32, #tpu.memory_space<vmem>>)
      %dma_wait3A_817 = arith.constant 0 : i32
      %dma_wait3A_818 = tpu.memref_slice %arg4[%dma_wait3A_817] : memref<320000xi32, #tpu.memory_space<hbm>> -> memref<80xi32, #tpu.memory_space<hbm>>
      %dma_wait3A_819 = arith.constant 0 : i32
      %dma_wait3A_820 = tpu.memref_slice %arg4[%dma_wait3A_819] : memref<320000xi32, #tpu.memory_space<hbm>> -> memref<80xi32, #tpu.memory_space<hbm>>
      tpu.wait_dma2 semaphore(%arg41 : memref<!tpu.dma_semaphore, #tpu.memory_space<semaphore_mem>>) src(%dma_wait3A_820 : memref<80xi32, #tpu.memory_space<hbm>>) dst(%arg21 : memref<80xi32, #tpu.memory_space<vmem>>)
      %dma_start3A_821 = arith.constant 0 : i32
      %dma_start3A_822 = arith.constant 0 : i32
      %dma_start3A_823 = tpu.memref_slice %arg2[%dma_start3A_821, %dma_start3A_822] : memref<10000x128xf32, #tpu.memory_space<hbm>> -> memref<10000x128xf32, #tpu.memory_space<hbm>>
      tpu.enqueue_indirect_dma source(%dma_start3A_823 : memref<10000x128xf32, #tpu.memory_space<hbm>>) target(%arg25 : memref<80x128xf32, #tpu.memory_space<vmem>>) offsets(%arg13 : memref<80xi32, #tpu.memory_space<vmem>>) semaphore(%arg45 : memref<!tpu.dma_semaphore, #tpu.memory_space<semaphore_mem>>)
      %dma_wait3A_824 = arith.constant 0 : i32
      %dma_wait3A_825 = arith.constant 0 : i32
      %dma_wait3A_826 = tpu.memref_slice %arg2[%dma_wait3A_824, %dma_wait3A_825] : memref<10000x128xf32, #tpu.memory_space<hbm>> -> memref<80x128xf32, #tpu.memory_space<hbm>>
      %dma_wait3A_827 = arith.constant 0 : i32
      %dma_wait3A_828 = arith.constant 0 : i32
      %dma_wait3A_829 = tpu.memref_slice %arg2[%dma_wait3A_827, %dma_wait3A_828] : memref<10000x128xf32, #tpu.memory_space<hbm>> -> memref<80x128xf32, #tpu.memory_space<hbm>>
      tpu.wait_dma2 semaphore(%arg43 : memref<!tpu.dma_semaphore, #tpu.memory_space<semaphore_mem>>) src(%dma_wait3A_829 : memref<80x128xf32, #tpu.memory_space<hbm>>) dst(%arg23 : memref<80x128xf32, #tpu.memory_space<vmem>>)
      %dma_start3A_830 = arith.constant 0 : i32
      %dma_start3A_831 = arith.constant 0 : i32
      %dma_start3A_832 = tpu.memref_slice %arg50[%dma_start3A_830, %dma_start3A_831] : memref<10112x128xf32, #tpu.memory_space<vmem_shared>> -> memref<10112x128xf32, #tpu.memory_space<vmem_shared>>
      tpu.enqueue_indirect_dma source(%arg23 : memref<80x128xf32, #tpu.memory_space<vmem>>) target(%dma_start3A_832 : memref<10112x128xf32, #tpu.memory_space<vmem_shared>>) offsets(%arg19 : memref<80xi32, #tpu.memory_space<vmem>>) semaphore(%arg47 : memref<!tpu.dma_semaphore, #tpu.memory_space<semaphore_mem>>) {add = true}
      %scan3A_833 = arith.constant 0 : i32
      scf.yield %scan3A_833 : i32
    }
    %scan3A_372 = arith.constant 14 : i32
    %dma_wait3A_373 = arith.constant 0 : i32
    %dma_wait3A_374 = arith.constant 0 : i32
    %dma_wait3A_375 = tpu.memref_slice %arg50[%dma_wait3A_373, %dma_wait3A_374] : memref<10112x128xf32, #tpu.memory_space<vmem_shared>> -> memref<10112x128xf32, #tpu.memory_space<vmem_shared>>
    tpu.wait_indirect_dma semaphore(%arg46 : memref<!tpu.dma_semaphore, #tpu.memory_space<semaphore_mem>>) src(%arg22 : memref<80x128xf32, #tpu.memory_space<vmem>>) dst(%dma_wait3A_375 : memref<10112x128xf32, #tpu.memory_space<vmem_shared>>)
    %add3A_376 = arith.constant 9920 : i32
    %add3A_377 = arith.addi %add3A_115, %add3A_376 : i32
    %dma_start3A_378 = tpu.memref_slice %arg3[%add3A_377] : memref<320000xi32, #tpu.memory_space<hbm>> -> memref<80xi32, #tpu.memory_space<hbm>>
    %dma_start3A_379 = tpu.memref_slice %arg3[%add3A_377] : memref<320000xi32, #tpu.memory_space<hbm>> -> memref<80xi32, #tpu.memory_space<hbm>>
    tpu.enqueue_dma source(%dma_start3A_379 : memref<80xi32, #tpu.memory_space<hbm>>) target(%arg10 : memref<80xi32, #tpu.memory_space<vmem>>) target_semaphore(%arg30 : memref<!tpu.dma_semaphore, #tpu.memory_space<semaphore_mem>>)
    %add3A_380 = arith.constant 9920 : i32
    %add3A_381 = arith.addi %add3A_115, %add3A_380 : i32
    %dma_start3A_382 = tpu.memref_slice %arg4[%add3A_381] : memref<320000xi32, #tpu.memory_space<hbm>> -> memref<80xi32, #tpu.memory_space<hbm>>
    %dma_start3A_383 = tpu.memref_slice %arg4[%add3A_381] : memref<320000xi32, #tpu.memory_space<hbm>> -> memref<80xi32, #tpu.memory_space<hbm>>
    tpu.enqueue_dma source(%dma_start3A_383 : memref<80xi32, #tpu.memory_space<hbm>>) target(%arg18 : memref<80xi32, #tpu.memory_space<vmem>>) target_semaphore(%arg38 : memref<!tpu.dma_semaphore, #tpu.memory_space<semaphore_mem>>)
    %dma_wait3A_384 = arith.constant 0 : i32
    %dma_wait3A_385 = tpu.memref_slice %arg3[%dma_wait3A_384] : memref<320000xi32, #tpu.memory_space<hbm>> -> memref<80xi32, #tpu.memory_space<hbm>>
    %dma_wait3A_386 = arith.constant 0 : i32
    %dma_wait3A_387 = tpu.memref_slice %arg3[%dma_wait3A_386] : memref<320000xi32, #tpu.memory_space<hbm>> -> memref<80xi32, #tpu.memory_space<hbm>>
    tpu.wait_dma2 semaphore(%arg26 : memref<!tpu.dma_semaphore, #tpu.memory_space<semaphore_mem>>) src(%dma_wait3A_387 : memref<80xi32, #tpu.memory_space<hbm>>) dst(%arg6 : memref<80xi32, #tpu.memory_space<vmem>>)
    %dma_wait3A_388 = arith.constant 0 : i32
    %dma_wait3A_389 = tpu.memref_slice %arg4[%dma_wait3A_388] : memref<320000xi32, #tpu.memory_space<hbm>> -> memref<80xi32, #tpu.memory_space<hbm>>
    %dma_wait3A_390 = arith.constant 0 : i32
    %dma_wait3A_391 = tpu.memref_slice %arg4[%dma_wait3A_390] : memref<320000xi32, #tpu.memory_space<hbm>> -> memref<80xi32, #tpu.memory_space<hbm>>
    tpu.wait_dma2 semaphore(%arg34 : memref<!tpu.dma_semaphore, #tpu.memory_space<semaphore_mem>>) src(%dma_wait3A_391 : memref<80xi32, #tpu.memory_space<hbm>>) dst(%arg14 : memref<80xi32, #tpu.memory_space<vmem>>)
    %dma_start3A_392 = arith.constant 0 : i32
    %dma_start3A_393 = arith.constant 0 : i32
    %dma_start3A_394 = tpu.memref_slice %arg2[%dma_start3A_392, %dma_start3A_393] : memref<10000x128xf32, #tpu.memory_space<hbm>> -> memref<10000x128xf32, #tpu.memory_space<hbm>>
    tpu.enqueue_indirect_dma source(%dma_start3A_394 : memref<10000x128xf32, #tpu.memory_space<hbm>>) target(%arg22 : memref<80x128xf32, #tpu.memory_space<vmem>>) offsets(%arg6 : memref<80xi32, #tpu.memory_space<vmem>>) semaphore(%arg42 : memref<!tpu.dma_semaphore, #tpu.memory_space<semaphore_mem>>)
    %dma_wait3A_395 = arith.constant 0 : i32
    %dma_wait3A_396 = arith.constant 0 : i32
    %dma_wait3A_397 = tpu.memref_slice %arg2[%dma_wait3A_395, %dma_wait3A_396] : memref<10000x128xf32, #tpu.memory_space<hbm>> -> memref<80x128xf32, #tpu.memory_space<hbm>>
    %dma_wait3A_398 = arith.constant 0 : i32
    %dma_wait3A_399 = arith.constant 0 : i32
    %dma_wait3A_400 = tpu.memref_slice %arg2[%dma_wait3A_398, %dma_wait3A_399] : memref<10000x128xf32, #tpu.memory_space<hbm>> -> memref<80x128xf32, #tpu.memory_space<hbm>>
    tpu.wait_dma2 semaphore(%arg44 : memref<!tpu.dma_semaphore, #tpu.memory_space<semaphore_mem>>) src(%dma_wait3A_400 : memref<80x128xf32, #tpu.memory_space<hbm>>) dst(%arg24 : memref<80x128xf32, #tpu.memory_space<vmem>>)
    %dma_start3A_401 = arith.constant 0 : i32
    %dma_start3A_402 = arith.constant 0 : i32
    %dma_start3A_403 = tpu.memref_slice %arg50[%dma_start3A_401, %dma_start3A_402] : memref<10112x128xf32, #tpu.memory_space<vmem_shared>> -> memref<10112x128xf32, #tpu.memory_space<vmem_shared>>
    tpu.enqueue_indirect_dma source(%arg24 : memref<80x128xf32, #tpu.memory_space<vmem>>) target(%dma_start3A_403 : memref<10112x128xf32, #tpu.memory_space<vmem_shared>>) offsets(%arg20 : memref<80xi32, #tpu.memory_space<vmem>>) semaphore(%arg48 : memref<!tpu.dma_semaphore, #tpu.memory_space<semaphore_mem>>) {add = true}
    %dma_wait3A_404 = arith.constant 0 : i32
    %dma_wait3A_405 = arith.constant 0 : i32
    %dma_wait3A_406 = tpu.memref_slice %arg50[%dma_wait3A_404, %dma_wait3A_405] : memref<10112x128xf32, #tpu.memory_space<vmem_shared>> -> memref<10112x128xf32, #tpu.memory_space<vmem_shared>>
    tpu.wait_indirect_dma semaphore(%arg47 : memref<!tpu.dma_semaphore, #tpu.memory_space<semaphore_mem>>) src(%arg23 : memref<80x128xf32, #tpu.memory_space<vmem>>) dst(%dma_wait3A_406 : memref<10112x128xf32, #tpu.memory_space<vmem_shared>>)
    %dma_wait3A_407 = arith.constant 0 : i32
    %dma_wait3A_408 = tpu.memref_slice %arg3[%dma_wait3A_407] : memref<320000xi32, #tpu.memory_space<hbm>> -> memref<80xi32, #tpu.memory_space<hbm>>
    %dma_wait3A_409 = arith.constant 0 : i32
    %dma_wait3A_410 = tpu.memref_slice %arg3[%dma_wait3A_409] : memref<320000xi32, #tpu.memory_space<hbm>> -> memref<80xi32, #tpu.memory_space<hbm>>
    tpu.wait_dma2 semaphore(%arg27 : memref<!tpu.dma_semaphore, #tpu.memory_space<semaphore_mem>>) src(%dma_wait3A_410 : memref<80xi32, #tpu.memory_space<hbm>>) dst(%arg7 : memref<80xi32, #tpu.memory_space<vmem>>)
    %dma_wait3A_411 = arith.constant 0 : i32
    %dma_wait3A_412 = tpu.memref_slice %arg4[%dma_wait3A_411] : memref<320000xi32, #tpu.memory_space<hbm>> -> memref<80xi32, #tpu.memory_space<hbm>>
    %dma_wait3A_413 = arith.constant 0 : i32
    %dma_wait3A_414 = tpu.memref_slice %arg4[%dma_wait3A_413] : memref<320000xi32, #tpu.memory_space<hbm>> -> memref<80xi32, #tpu.memory_space<hbm>>
    tpu.wait_dma2 semaphore(%arg35 : memref<!tpu.dma_semaphore, #tpu.memory_space<semaphore_mem>>) src(%dma_wait3A_414 : memref<80xi32, #tpu.memory_space<hbm>>) dst(%arg15 : memref<80xi32, #tpu.memory_space<vmem>>)
    %dma_start3A_415 = arith.constant 0 : i32
    %dma_start3A_416 = arith.constant 0 : i32
    %dma_start3A_417 = tpu.memref_slice %arg2[%dma_start3A_415, %dma_start3A_416] : memref<10000x128xf32, #tpu.memory_space<hbm>> -> memref<10000x128xf32, #tpu.memory_space<hbm>>
    tpu.enqueue_indirect_dma source(%dma_start3A_417 : memref<10000x128xf32, #tpu.memory_space<hbm>>) target(%arg23 : memref<80x128xf32, #tpu.memory_space<vmem>>) offsets(%arg7 : memref<80xi32, #tpu.memory_space<vmem>>) semaphore(%arg43 : memref<!tpu.dma_semaphore, #tpu.memory_space<semaphore_mem>>)
    %dma_wait3A_418 = arith.constant 0 : i32
    %dma_wait3A_419 = arith.constant 0 : i32
    %dma_wait3A_420 = tpu.memref_slice %arg2[%dma_wait3A_418, %dma_wait3A_419] : memref<10000x128xf32, #tpu.memory_space<hbm>> -> memref<80x128xf32, #tpu.memory_space<hbm>>
    %dma_wait3A_421 = arith.constant 0 : i32
    %dma_wait3A_422 = arith.constant 0 : i32
    %dma_wait3A_423 = tpu.memref_slice %arg2[%dma_wait3A_421, %dma_wait3A_422] : memref<10000x128xf32, #tpu.memory_space<hbm>> -> memref<80x128xf32, #tpu.memory_space<hbm>>
    tpu.wait_dma2 semaphore(%arg45 : memref<!tpu.dma_semaphore, #tpu.memory_space<semaphore_mem>>) src(%dma_wait3A_423 : memref<80x128xf32, #tpu.memory_space<hbm>>) dst(%arg25 : memref<80x128xf32, #tpu.memory_space<vmem>>)
    %dma_start3A_424 = arith.constant 0 : i32
    %dma_start3A_425 = arith.constant 0 : i32
    %dma_start3A_426 = tpu.memref_slice %arg50[%dma_start3A_424, %dma_start3A_425] : memref<10112x128xf32, #tpu.memory_space<vmem_shared>> -> memref<10112x128xf32, #tpu.memory_space<vmem_shared>>
    tpu.enqueue_indirect_dma source(%arg25 : memref<80x128xf32, #tpu.memory_space<vmem>>) target(%dma_start3A_426 : memref<10112x128xf32, #tpu.memory_space<vmem_shared>>) offsets(%arg21 : memref<80xi32, #tpu.memory_space<vmem>>) semaphore(%arg49 : memref<!tpu.dma_semaphore, #tpu.memory_space<semaphore_mem>>) {add = true}
    %dma_wait3A_427 = arith.constant 0 : i32
    %dma_wait3A_428 = arith.constant 0 : i32
    %dma_wait3A_429 = tpu.memref_slice %arg50[%dma_wait3A_427, %dma_wait3A_428] : memref<10112x128xf32, #tpu.memory_space<vmem_shared>> -> memref<10112x128xf32, #tpu.memory_space<vmem_shared>>
    tpu.wait_indirect_dma semaphore(%arg48 : memref<!tpu.dma_semaphore, #tpu.memory_space<semaphore_mem>>) src(%arg24 : memref<80x128xf32, #tpu.memory_space<vmem>>) dst(%dma_wait3A_429 : memref<10112x128xf32, #tpu.memory_space<vmem_shared>>)
    %dma_wait3A_430 = arith.constant 0 : i32
    %dma_wait3A_431 = tpu.memref_slice %arg3[%dma_wait3A_430] : memref<320000xi32, #tpu.memory_space<hbm>> -> memref<80xi32, #tpu.memory_space<hbm>>
    %dma_wait3A_432 = arith.constant 0 : i32
    %dma_wait3A_433 = tpu.memref_slice %arg3[%dma_wait3A_432] : memref<320000xi32, #tpu.memory_space<hbm>> -> memref<80xi32, #tpu.memory_space<hbm>>
    tpu.wait_dma2 semaphore(%arg28 : memref<!tpu.dma_semaphore, #tpu.memory_space<semaphore_mem>>) src(%dma_wait3A_433 : memref<80xi32, #tpu.memory_space<hbm>>) dst(%arg8 : memref<80xi32, #tpu.memory_space<vmem>>)
    %dma_wait3A_434 = arith.constant 0 : i32
    %dma_wait3A_435 = tpu.memref_slice %arg4[%dma_wait3A_434] : memref<320000xi32, #tpu.memory_space<hbm>> -> memref<80xi32, #tpu.memory_space<hbm>>
    %dma_wait3A_436 = arith.constant 0 : i32
    %dma_wait3A_437 = tpu.memref_slice %arg4[%dma_wait3A_436] : memref<320000xi32, #tpu.memory_space<hbm>> -> memref<80xi32, #tpu.memory_space<hbm>>
    tpu.wait_dma2 semaphore(%arg36 : memref<!tpu.dma_semaphore, #tpu.memory_space<semaphore_mem>>) src(%dma_wait3A_437 : memref<80xi32, #tpu.memory_space<hbm>>) dst(%arg16 : memref<80xi32, #tpu.memory_space<vmem>>)
    %dma_start3A_438 = arith.constant 0 : i32
    %dma_start3A_439 = arith.constant 0 : i32
    %dma_start3A_440 = tpu.memref_slice %arg2[%dma_start3A_438, %dma_start3A_439] : memref<10000x128xf32, #tpu.memory_space<hbm>> -> memref<10000x128xf32, #tpu.memory_space<hbm>>
    tpu.enqueue_indirect_dma source(%dma_start3A_440 : memref<10000x128xf32, #tpu.memory_space<hbm>>) target(%arg24 : memref<80x128xf32, #tpu.memory_space<vmem>>) offsets(%arg8 : memref<80xi32, #tpu.memory_space<vmem>>) semaphore(%arg44 : memref<!tpu.dma_semaphore, #tpu.memory_space<semaphore_mem>>)
    %dma_wait3A_441 = arith.constant 0 : i32
    %dma_wait3A_442 = arith.constant 0 : i32
    %dma_wait3A_443 = tpu.memref_slice %arg2[%dma_wait3A_441, %dma_wait3A_442] : memref<10000x128xf32, #tpu.memory_space<hbm>> -> memref<80x128xf32, #tpu.memory_space<hbm>>
    %dma_wait3A_444 = arith.constant 0 : i32
    %dma_wait3A_445 = arith.constant 0 : i32
    %dma_wait3A_446 = tpu.memref_slice %arg2[%dma_wait3A_444, %dma_wait3A_445] : memref<10000x128xf32, #tpu.memory_space<hbm>> -> memref<80x128xf32, #tpu.memory_space<hbm>>
    tpu.wait_dma2 semaphore(%arg42 : memref<!tpu.dma_semaphore, #tpu.memory_space<semaphore_mem>>) src(%dma_wait3A_446 : memref<80x128xf32, #tpu.memory_space<hbm>>) dst(%arg22 : memref<80x128xf32, #tpu.memory_space<vmem>>)
    %dma_start3A_447 = arith.constant 0 : i32
    %dma_start3A_448 = arith.constant 0 : i32
    %dma_start3A_449 = tpu.memref_slice %arg50[%dma_start3A_447, %dma_start3A_448] : memref<10112x128xf32, #tpu.memory_space<vmem_shared>> -> memref<10112x128xf32, #tpu.memory_space<vmem_shared>>
    tpu.enqueue_indirect_dma source(%arg22 : memref<80x128xf32, #tpu.memory_space<vmem>>) target(%dma_start3A_449 : memref<10112x128xf32, #tpu.memory_space<vmem_shared>>) offsets(%arg14 : memref<80xi32, #tpu.memory_space<vmem>>) semaphore(%arg46 : memref<!tpu.dma_semaphore, #tpu.memory_space<semaphore_mem>>) {add = true}
    %dma_wait3A_450 = arith.constant 0 : i32
    %dma_wait3A_451 = arith.constant 0 : i32
    %dma_wait3A_452 = tpu.memref_slice %arg50[%dma_wait3A_450, %dma_wait3A_451] : memref<10112x128xf32, #tpu.memory_space<vmem_shared>> -> memref<10112x128xf32, #tpu.memory_space<vmem_shared>>
    tpu.wait_indirect_dma semaphore(%arg49 : memref<!tpu.dma_semaphore, #tpu.memory_space<semaphore_mem>>) src(%arg25 : memref<80x128xf32, #tpu.memory_space<vmem>>) dst(%dma_wait3A_452 : memref<10112x128xf32, #tpu.memory_space<vmem_shared>>)
    %dma_wait3A_453 = arith.constant 0 : i32
    %dma_wait3A_454 = tpu.memref_slice %arg3[%dma_wait3A_453] : memref<320000xi32, #tpu.memory_space<hbm>> -> memref<80xi32, #tpu.memory_space<hbm>>
    %dma_wait3A_455 = arith.constant 0 : i32
    %dma_wait3A_456 = tpu.memref_slice %arg3[%dma_wait3A_455] : memref<320000xi32, #tpu.memory_space<hbm>> -> memref<80xi32, #tpu.memory_space<hbm>>
    tpu.wait_dma2 semaphore(%arg29 : memref<!tpu.dma_semaphore, #tpu.memory_space<semaphore_mem>>) src(%dma_wait3A_456 : memref<80xi32, #tpu.memory_space<hbm>>) dst(%arg9 : memref<80xi32, #tpu.memory_space<vmem>>)
    %dma_wait3A_457 = arith.constant 0 : i32
    %dma_wait3A_458 = tpu.memref_slice %arg4[%dma_wait3A_457] : memref<320000xi32, #tpu.memory_space<hbm>> -> memref<80xi32, #tpu.memory_space<hbm>>
    %dma_wait3A_459 = arith.constant 0 : i32
    %dma_wait3A_460 = tpu.memref_slice %arg4[%dma_wait3A_459] : memref<320000xi32, #tpu.memory_space<hbm>> -> memref<80xi32, #tpu.memory_space<hbm>>
    tpu.wait_dma2 semaphore(%arg37 : memref<!tpu.dma_semaphore, #tpu.memory_space<semaphore_mem>>) src(%dma_wait3A_460 : memref<80xi32, #tpu.memory_space<hbm>>) dst(%arg17 : memref<80xi32, #tpu.memory_space<vmem>>)
    %dma_start3A_461 = arith.constant 0 : i32
    %dma_start3A_462 = arith.constant 0 : i32
    %dma_start3A_463 = tpu.memref_slice %arg2[%dma_start3A_461, %dma_start3A_462] : memref<10000x128xf32, #tpu.memory_space<hbm>> -> memref<10000x128xf32, #tpu.memory_space<hbm>>
    tpu.enqueue_indirect_dma source(%dma_start3A_463 : memref<10000x128xf32, #tpu.memory_space<hbm>>) target(%arg25 : memref<80x128xf32, #tpu.memory_space<vmem>>) offsets(%arg9 : memref<80xi32, #tpu.memory_space<vmem>>) semaphore(%arg45 : memref<!tpu.dma_semaphore, #tpu.memory_space<semaphore_mem>>)
    %dma_wait3A_464 = arith.constant 0 : i32
    %dma_wait3A_465 = arith.constant 0 : i32
    %dma_wait3A_466 = tpu.memref_slice %arg2[%dma_wait3A_464, %dma_wait3A_465] : memref<10000x128xf32, #tpu.memory_space<hbm>> -> memref<80x128xf32, #tpu.memory_space<hbm>>
    %dma_wait3A_467 = arith.constant 0 : i32
    %dma_wait3A_468 = arith.constant 0 : i32
    %dma_wait3A_469 = tpu.memref_slice %arg2[%dma_wait3A_467, %dma_wait3A_468] : memref<10000x128xf32, #tpu.memory_space<hbm>> -> memref<80x128xf32, #tpu.memory_space<hbm>>
    tpu.wait_dma2 semaphore(%arg43 : memref<!tpu.dma_semaphore, #tpu.memory_space<semaphore_mem>>) src(%dma_wait3A_469 : memref<80x128xf32, #tpu.memory_space<hbm>>) dst(%arg23 : memref<80x128xf32, #tpu.memory_space<vmem>>)
    %dma_start3A_470 = arith.constant 0 : i32
    %dma_start3A_471 = arith.constant 0 : i32
    %dma_start3A_472 = tpu.memref_slice %arg50[%dma_start3A_470, %dma_start3A_471] : memref<10112x128xf32, #tpu.memory_space<vmem_shared>> -> memref<10112x128xf32, #tpu.memory_space<vmem_shared>>
    tpu.enqueue_indirect_dma source(%arg23 : memref<80x128xf32, #tpu.memory_space<vmem>>) target(%dma_start3A_472 : memref<10112x128xf32, #tpu.memory_space<vmem_shared>>) offsets(%arg15 : memref<80xi32, #tpu.memory_space<vmem>>) semaphore(%arg47 : memref<!tpu.dma_semaphore, #tpu.memory_space<semaphore_mem>>) {add = true}
    %dma_wait3A_473 = arith.constant 0 : i32
    %dma_wait3A_474 = arith.constant 0 : i32
    %dma_wait3A_475 = tpu.memref_slice %arg50[%dma_wait3A_473, %dma_wait3A_474] : memref<10112x128xf32, #tpu.memory_space<vmem_shared>> -> memref<10112x128xf32, #tpu.memory_space<vmem_shared>>
    tpu.wait_indirect_dma semaphore(%arg46 : memref<!tpu.dma_semaphore, #tpu.memory_space<semaphore_mem>>) src(%arg22 : memref<80x128xf32, #tpu.memory_space<vmem>>) dst(%dma_wait3A_475 : memref<10112x128xf32, #tpu.memory_space<vmem_shared>>)
    %dma_wait3A_476 = arith.constant 0 : i32
    %dma_wait3A_477 = tpu.memref_slice %arg3[%dma_wait3A_476] : memref<320000xi32, #tpu.memory_space<hbm>> -> memref<80xi32, #tpu.memory_space<hbm>>
    %dma_wait3A_478 = arith.constant 0 : i32
    %dma_wait3A_479 = tpu.memref_slice %arg3[%dma_wait3A_478] : memref<320000xi32, #tpu.memory_space<hbm>> -> memref<80xi32, #tpu.memory_space<hbm>>
    tpu.wait_dma2 semaphore(%arg30 : memref<!tpu.dma_semaphore, #tpu.memory_space<semaphore_mem>>) src(%dma_wait3A_479 : memref<80xi32, #tpu.memory_space<hbm>>) dst(%arg10 : memref<80xi32, #tpu.memory_space<vmem>>)
    %dma_wait3A_480 = arith.constant 0 : i32
    %dma_wait3A_481 = tpu.memref_slice %arg4[%dma_wait3A_480] : memref<320000xi32, #tpu.memory_space<hbm>> -> memref<80xi32, #tpu.memory_space<hbm>>
    %dma_wait3A_482 = arith.constant 0 : i32
    %dma_wait3A_483 = tpu.memref_slice %arg4[%dma_wait3A_482] : memref<320000xi32, #tpu.memory_space<hbm>> -> memref<80xi32, #tpu.memory_space<hbm>>
    tpu.wait_dma2 semaphore(%arg38 : memref<!tpu.dma_semaphore, #tpu.memory_space<semaphore_mem>>) src(%dma_wait3A_483 : memref<80xi32, #tpu.memory_space<hbm>>) dst(%arg18 : memref<80xi32, #tpu.memory_space<vmem>>)
    %dma_start3A_484 = arith.constant 0 : i32
    %dma_start3A_485 = arith.constant 0 : i32
    %dma_start3A_486 = tpu.memref_slice %arg2[%dma_start3A_484, %dma_start3A_485] : memref<10000x128xf32, #tpu.memory_space<hbm>> -> memref<10000x128xf32, #tpu.memory_space<hbm>>
    tpu.enqueue_indirect_dma source(%dma_start3A_486 : memref<10000x128xf32, #tpu.memory_space<hbm>>) target(%arg22 : memref<80x128xf32, #tpu.memory_space<vmem>>) offsets(%arg10 : memref<80xi32, #tpu.memory_space<vmem>>) semaphore(%arg42 : memref<!tpu.dma_semaphore, #tpu.memory_space<semaphore_mem>>)
    %dma_wait3A_487 = arith.constant 0 : i32
    %dma_wait3A_488 = arith.constant 0 : i32
    %dma_wait3A_489 = tpu.memref_slice %arg2[%dma_wait3A_487, %dma_wait3A_488] : memref<10000x128xf32, #tpu.memory_space<hbm>> -> memref<80x128xf32, #tpu.memory_space<hbm>>
    %dma_wait3A_490 = arith.constant 0 : i32
    %dma_wait3A_491 = arith.constant 0 : i32
    %dma_wait3A_492 = tpu.memref_slice %arg2[%dma_wait3A_490, %dma_wait3A_491] : memref<10000x128xf32, #tpu.memory_space<hbm>> -> memref<80x128xf32, #tpu.memory_space<hbm>>
    tpu.wait_dma2 semaphore(%arg44 : memref<!tpu.dma_semaphore, #tpu.memory_space<semaphore_mem>>) src(%dma_wait3A_492 : memref<80x128xf32, #tpu.memory_space<hbm>>) dst(%arg24 : memref<80x128xf32, #tpu.memory_space<vmem>>)
    %dma_start3A_493 = arith.constant 0 : i32
    %dma_start3A_494 = arith.constant 0 : i32
    %dma_start3A_495 = tpu.memref_slice %arg50[%dma_start3A_493, %dma_start3A_494] : memref<10112x128xf32, #tpu.memory_space<vmem_shared>> -> memref<10112x128xf32, #tpu.memory_space<vmem_shared>>
    tpu.enqueue_indirect_dma source(%arg24 : memref<80x128xf32, #tpu.memory_space<vmem>>) target(%dma_start3A_495 : memref<10112x128xf32, #tpu.memory_space<vmem_shared>>) offsets(%arg16 : memref<80xi32, #tpu.memory_space<vmem>>) semaphore(%arg48 : memref<!tpu.dma_semaphore, #tpu.memory_space<semaphore_mem>>) {add = true}
    %dma_wait3A_496 = arith.constant 0 : i32
    %dma_wait3A_497 = arith.constant 0 : i32
    %dma_wait3A_498 = tpu.memref_slice %arg50[%dma_wait3A_496, %dma_wait3A_497] : memref<10112x128xf32, #tpu.memory_space<vmem_shared>> -> memref<10112x128xf32, #tpu.memory_space<vmem_shared>>
    tpu.wait_indirect_dma semaphore(%arg47 : memref<!tpu.dma_semaphore, #tpu.memory_space<semaphore_mem>>) src(%arg23 : memref<80x128xf32, #tpu.memory_space<vmem>>) dst(%dma_wait3A_498 : memref<10112x128xf32, #tpu.memory_space<vmem_shared>>)
    %dma_wait3A_499 = arith.constant 0 : i32
    %dma_wait3A_500 = arith.constant 0 : i32
    %dma_wait3A_501 = tpu.memref_slice %arg2[%dma_wait3A_499, %dma_wait3A_500] : memref<10000x128xf32, #tpu.memory_space<hbm>> -> memref<80x128xf32, #tpu.memory_space<hbm>>
    %dma_wait3A_502 = arith.constant 0 : i32
    %dma_wait3A_503 = arith.constant 0 : i32
    %dma_wait3A_504 = tpu.memref_slice %arg2[%dma_wait3A_502, %dma_wait3A_503] : memref<10000x128xf32, #tpu.memory_space<hbm>> -> memref<80x128xf32, #tpu.memory_space<hbm>>
    tpu.wait_dma2 semaphore(%arg45 : memref<!tpu.dma_semaphore, #tpu.memory_space<semaphore_mem>>) src(%dma_wait3A_504 : memref<80x128xf32, #tpu.memory_space<hbm>>) dst(%arg25 : memref<80x128xf32, #tpu.memory_space<vmem>>)
    %dma_start3A_505 = arith.constant 0 : i32
    %dma_start3A_506 = arith.constant 0 : i32
    %dma_start3A_507 = tpu.memref_slice %arg50[%dma_start3A_505, %dma_start3A_506] : memref<10112x128xf32, #tpu.memory_space<vmem_shared>> -> memref<10112x128xf32, #tpu.memory_space<vmem_shared>>
    tpu.enqueue_indirect_dma source(%arg25 : memref<80x128xf32, #tpu.memory_space<vmem>>) target(%dma_start3A_507 : memref<10112x128xf32, #tpu.memory_space<vmem_shared>>) offsets(%arg17 : memref<80xi32, #tpu.memory_space<vmem>>) semaphore(%arg49 : memref<!tpu.dma_semaphore, #tpu.memory_space<semaphore_mem>>) {add = true}
    %dma_wait3A_508 = arith.constant 0 : i32
    %dma_wait3A_509 = arith.constant 0 : i32
    %dma_wait3A_510 = tpu.memref_slice %arg50[%dma_wait3A_508, %dma_wait3A_509] : memref<10112x128xf32, #tpu.memory_space<vmem_shared>> -> memref<10112x128xf32, #tpu.memory_space<vmem_shared>>
    tpu.wait_indirect_dma semaphore(%arg48 : memref<!tpu.dma_semaphore, #tpu.memory_space<semaphore_mem>>) src(%arg24 : memref<80x128xf32, #tpu.memory_space<vmem>>) dst(%dma_wait3A_510 : memref<10112x128xf32, #tpu.memory_space<vmem_shared>>)
    %dma_wait3A_511 = arith.constant 0 : i32
    %dma_wait3A_512 = arith.constant 0 : i32
    %dma_wait3A_513 = tpu.memref_slice %arg2[%dma_wait3A_511, %dma_wait3A_512] : memref<10000x128xf32, #tpu.memory_space<hbm>> -> memref<80x128xf32, #tpu.memory_space<hbm>>
    %dma_wait3A_514 = arith.constant 0 : i32
    %dma_wait3A_515 = arith.constant 0 : i32
    %dma_wait3A_516 = tpu.memref_slice %arg2[%dma_wait3A_514, %dma_wait3A_515] : memref<10000x128xf32, #tpu.memory_space<hbm>> -> memref<80x128xf32, #tpu.memory_space<hbm>>
    tpu.wait_dma2 semaphore(%arg42 : memref<!tpu.dma_semaphore, #tpu.memory_space<semaphore_mem>>) src(%dma_wait3A_516 : memref<80x128xf32, #tpu.memory_space<hbm>>) dst(%arg22 : memref<80x128xf32, #tpu.memory_space<vmem>>)
    %dma_start3A_517 = arith.constant 0 : i32
    %dma_start3A_518 = arith.constant 0 : i32
    %dma_start3A_519 = tpu.memref_slice %arg50[%dma_start3A_517, %dma_start3A_518] : memref<10112x128xf32, #tpu.memory_space<vmem_shared>> -> memref<10112x128xf32, #tpu.memory_space<vmem_shared>>
    tpu.enqueue_indirect_dma source(%arg22 : memref<80x128xf32, #tpu.memory_space<vmem>>) target(%dma_start3A_519 : memref<10112x128xf32, #tpu.memory_space<vmem_shared>>) offsets(%arg18 : memref<80xi32, #tpu.memory_space<vmem>>) semaphore(%arg46 : memref<!tpu.dma_semaphore, #tpu.memory_space<semaphore_mem>>) {add = true}
    %dma_wait3A_520 = arith.constant 0 : i32
    %dma_wait3A_521 = arith.constant 0 : i32
    %dma_wait3A_522 = tpu.memref_slice %arg50[%dma_wait3A_520, %dma_wait3A_521] : memref<10112x128xf32, #tpu.memory_space<vmem_shared>> -> memref<10112x128xf32, #tpu.memory_space<vmem_shared>>
    tpu.wait_indirect_dma semaphore(%arg49 : memref<!tpu.dma_semaphore, #tpu.memory_space<semaphore_mem>>) src(%arg25 : memref<80x128xf32, #tpu.memory_space<vmem>>) dst(%dma_wait3A_522 : memref<10112x128xf32, #tpu.memory_space<vmem_shared>>)
    %dma_wait3A_523 = arith.constant 0 : i32
    %dma_wait3A_524 = arith.constant 0 : i32
    %dma_wait3A_525 = tpu.memref_slice %arg50[%dma_wait3A_523, %dma_wait3A_524] : memref<10112x128xf32, #tpu.memory_space<vmem_shared>> -> memref<10112x128xf32, #tpu.memory_space<vmem_shared>>
    tpu.wait_indirect_dma semaphore(%arg46 : memref<!tpu.dma_semaphore, #tpu.memory_space<semaphore_mem>>) src(%arg22 : memref<80x128xf32, #tpu.memory_space<vmem>>) dst(%dma_wait3A_525 : memref<10112x128xf32, #tpu.memory_space<vmem_shared>>)
    %barrier3A_526 = arith.constant 0 : index
    tpu.barrier barrier_id(%barrier3A_526)
    %mul3A_527 = arith.constant 632 : i32
    %mul3A_528 = arith.muli %arg1, %mul3A_527 : i32
    %mul3A_529 = arith.constant 632 : i32
    %mul3A_530 = arith.muli %arg1, %mul3A_529 : i32
    "tpu.region"() ({
      %run_scoped3A = tpu.sem_alloc : memref<!tpu.dma_semaphore, #tpu.memory_space<semaphore_mem>>
      %dma_start3A_531 = arith.constant 0 : i32
      %dma_start3A_532 = tpu.memref_slice %arg5[%arg0, %mul3A_530, %dma_start3A_531] : memref<2x10112x128xf32, #tpu.memory_space<hbm>> -> memref<1x632x128xf32, #tpu.memory_space<hbm>>
      %dma_start3A_533 = tpu.memref_squeeze %dma_start3A_532 : memref<1x632x128xf32, #tpu.memory_space<hbm>> -> memref<632x128xf32, #tpu.memory_space<hbm>>
      %dma_start3A_534 = arith.constant 0 : i32
      %dma_start3A_535 = tpu.memref_slice %arg50[%mul3A_528, %dma_start3A_534] : memref<10112x128xf32, #tpu.memory_space<vmem_shared>> -> memref<632x128xf32, #tpu.memory_space<vmem_shared>>
      tpu.enqueue_dma source(%dma_start3A_535 : memref<632x128xf32, #tpu.memory_space<vmem_shared>>) target(%dma_start3A_533 : memref<632x128xf32, #tpu.memory_space<hbm>>) target_semaphore(%run_scoped3A : memref<!tpu.dma_semaphore, #tpu.memory_space<semaphore_mem>>)
      %dma_wait3A_536 = arith.constant 0 : i32
      %dma_wait3A_537 = tpu.memref_slice %arg5[%arg0, %mul3A_530, %dma_wait3A_536] : memref<2x10112x128xf32, #tpu.memory_space<hbm>> -> memref<1x632x128xf32, #tpu.memory_space<hbm>>
      %dma_wait3A_538 = tpu.memref_squeeze %dma_wait3A_537 : memref<1x632x128xf32, #tpu.memory_space<hbm>> -> memref<632x128xf32, #tpu.memory_space<hbm>>
      %dma_wait3A_539 = arith.constant 0 : i32
      %dma_wait3A_540 = tpu.memref_slice %arg50[%mul3A_528, %dma_wait3A_539] : memref<10112x128xf32, #tpu.memory_space<vmem_shared>> -> memref<632x128xf32, #tpu.memory_space<vmem_shared>>
      tpu.wait_dma2 semaphore(%run_scoped3A : memref<!tpu.dma_semaphore, #tpu.memory_space<semaphore_mem>>) src(%dma_wait3A_540 : memref<632x128xf32, #tpu.memory_space<vmem_shared>>) dst(%dma_wait3A_538 : memref<632x128xf32, #tpu.memory_space<hbm>>)
      tpu.yield
    }) : () -> ()
    return
  }
}

module attributes {stable_mosaic.version = 14 : i64} {
  func.func @body(%arg0: memref<10000x128xf32, #tpu.memory_space<vmem>>, %arg1: memref<128x128xf32, #tpu.memory_space<vmem>>, %arg2: memref<32x10000xf32, #tpu.memory_space<vmem>>, %arg3: memref<10000x128xf32, #tpu.memory_space<vmem>>, %arg4: memref<10000x1xf32, #tpu.memory_space<vmem>>, %arg5: memref<1x10000xf32, #tpu.memory_space<vmem>>) attributes {dimension_semantics = [], scalar_prefetch = 0 : i64, scratch_operands = 0 : i64, tpu.core_type = #tpu.core_type<tc>} {
    %get3A = arith.constant 0 : index
    %get3A_0 = arith.constant 0 : index
    %get3A_1 = vector.load %arg2[%get3A, %get3A_0] : memref<32x10000xf32, #tpu.memory_space<vmem>>, vector<32x10000xf32>
    %broadcast_in_dim3A = arith.constant 1.000000e+00 : f32
    %broadcast_in_dim3A_2 = vector.broadcast %broadcast_in_dim3A : f32 to vector<32x1xf32>
    %dot_general3A = arith.constant dense<0.000000e+00> : vector<10000x1xf32>
    %dot_general3A_3 = tpu.matmul %get3A_1, %broadcast_in_dim3A_2, %dot_general3A {dimension_numbers = #tpu.dot_dimension_numbers<[0], [0], [1], [1], [0, 1, 1, 1], [], []>, transpose_lhs_hint = false} : vector<32x10000xf32>, vector<32x1xf32>, vector<10000x1xf32> -> vector<10000x1xf32>
    %add3A = arith.constant 1.000000e+00 : f32
    %add3A_4 = vector.broadcast %add3A : f32 to vector<10000x1xf32>
    %add3A_5 = arith.addf %dot_general3A_3, %add3A_4 : vector<10000x1xf32>
    %broadcast_in_dim3A_6 = arith.constant 1.000000e+00 : f32
    %broadcast_in_dim3A_7 = vector.broadcast %broadcast_in_dim3A_6 : f32 to vector<1x32xf32>
    %dot_general3A_8 = arith.constant dense<0.000000e+00> : vector<1x10000xf32>
    %dot_general3A_9 = tpu.matmul %broadcast_in_dim3A_7, %get3A_1, %dot_general3A_8 {dimension_numbers = #tpu.dot_dimension_numbers<[1], [0], [0], [1], [0, 0, 1, 1], [], []>, transpose_lhs_hint = false} : vector<1x32xf32>, vector<32x10000xf32>, vector<1x10000xf32> -> vector<1x10000xf32>
    %add3A_10 = arith.constant 1.000000e+00 : f32
    %add3A_11 = vector.broadcast %add3A_10 : f32 to vector<1x10000xf32>
    %add3A_12 = arith.addf %dot_general3A_9, %add3A_11 : vector<1x10000xf32>
    %rsqrt3A = math.rsqrt %add3A_5 : vector<10000x1xf32>
    %rsqrt3A_13 = math.rsqrt %add3A_12 : vector<1x10000xf32>
    %get3A_14 = arith.constant 0 : index
    %get3A_15 = arith.constant 0 : index
    %get3A_16 = vector.load %arg0[%get3A_14, %get3A_15] : memref<10000x128xf32, #tpu.memory_space<vmem>>, vector<10000x128xf32>
    %convert_element_type3A = arith.truncf %get3A_16 : vector<10000x128xf32> to vector<10000x128xbf16>
    %get3A_17 = arith.constant 0 : index
    %get3A_18 = arith.constant 0 : index
    %get3A_19 = vector.load %arg1[%get3A_17, %get3A_18] : memref<128x128xf32, #tpu.memory_space<vmem>>, vector<128x128xf32>
    %convert_element_type3A_20 = arith.truncf %get3A_19 : vector<128x128xf32> to vector<128x128xbf16>
    %dot_general3A_21 = arith.constant dense<0.000000e+00> : vector<10000x128xf32>
    %dot_general3A_22 = tpu.matmul %convert_element_type3A, %convert_element_type3A_20, %dot_general3A_21 {dimension_numbers = #tpu.dot_dimension_numbers<[1], [0], [0], [1], [0, 0, 1, 1], [], []>, transpose_lhs_hint = false} : vector<10000x128xbf16>, vector<128x128xbf16>, vector<10000x128xf32> -> vector<10000x128xf32>
    %mul3A = vector.broadcast %rsqrt3A : vector<10000x1xf32> to vector<10000x128xf32>
    %mul3A_23 = arith.mulf %dot_general3A_22, %mul3A : vector<10000x128xf32>
    %swap3A = arith.constant 0 : index
    %swap3A_24 = arith.constant 0 : index
    %swap3A_25 = vector.load %arg3[%swap3A, %swap3A_24] : memref<10000x128xf32, #tpu.memory_space<vmem>>, vector<10000x128xf32>
    tpu.vector_store %arg3[%swap3A, %swap3A_24], %mul3A_23 {strides = array<i32>} : memref<10000x128xf32, #tpu.memory_space<vmem>>, vector<10000x128xf32>,
    %swap3A_26 = arith.constant 0 : index
    %swap3A_27 = arith.constant 0 : index
    %swap3A_28 = vector.load %arg4[%swap3A_26, %swap3A_27] : memref<10000x1xf32, #tpu.memory_space<vmem>>, vector<10000x1xf32>
    tpu.vector_store %arg4[%swap3A_26, %swap3A_27], %rsqrt3A {strides = array<i32>} : memref<10000x1xf32, #tpu.memory_space<vmem>>, vector<10000x1xf32>,
    %swap3A_29 = arith.constant 0 : index
    %swap3A_30 = arith.constant 0 : index
    %swap3A_31 = vector.load %arg5[%swap3A_29, %swap3A_30] : memref<1x10000xf32, #tpu.memory_space<vmem>>, vector<1x10000xf32>
    tpu.vector_store %arg5[%swap3A_29, %swap3A_30], %rsqrt3A_13 {strides = array<i32>} : memref<1x10000xf32, #tpu.memory_space<vmem>>, vector<1x10000xf32>,
    return
  }
}

module attributes {stable_mosaic.version = 14 : i64} {
  func.func @body(%arg0: memref<2x10112x128xf32, #tpu.memory_space<vmem>>, %arg1: memref<10000x128xf32, #tpu.memory_space<vmem>>, %arg2: memref<10000x1xf32, #tpu.memory_space<vmem>>, %arg3: memref<1x10000xf32, #tpu.memory_space<vmem>>, %arg4: memref<128xf32, #tpu.memory_space<vmem>>, %arg5: memref<128x2xf32, #tpu.memory_space<vmem>>, %arg6: memref<2x10000xf32, #tpu.memory_space<vmem>>) attributes {dimension_semantics = [], scalar_prefetch = 0 : i64, scratch_operands = 0 : i64, tpu.core_type = #tpu.core_type<tc>} {
    %get3A = arith.constant 0 : index
    %get3A_0 = arith.constant 0 : index
    %get3A_1 = arith.constant 0 : index
    %get3A_2 = vector.load %arg0[%get3A, %get3A_0, %get3A_1] : memref<2x10112x128xf32, #tpu.memory_space<vmem>>, vector<1x10000x128xf32>
    %get3A_3 = vector.shape_cast %get3A_2 : vector<1x10000x128xf32> to vector<10000x128xf32>
    %get3A_4 = arith.constant 1 : index
    %get3A_5 = arith.constant 0 : index
    %get3A_6 = arith.constant 0 : index
    %get3A_7 = vector.load %arg0[%get3A_4, %get3A_5, %get3A_6] : memref<2x10112x128xf32, #tpu.memory_space<vmem>>, vector<1x10000x128xf32>
    %get3A_8 = vector.shape_cast %get3A_7 : vector<1x10000x128xf32> to vector<10000x128xf32>
    %add3A = arith.addf %get3A_3, %get3A_8 : vector<10000x128xf32>
    %get3A_9 = arith.constant 0 : index
    %get3A_10 = arith.constant 0 : index
    %get3A_11 = vector.load %arg1[%get3A_9, %get3A_10] : memref<10000x128xf32, #tpu.memory_space<vmem>>, vector<10000x128xf32>
    %add3A_12 = arith.addf %add3A, %get3A_11 : vector<10000x128xf32>
    %get3A_13 = arith.constant 0 : index
    %get3A_14 = arith.constant 0 : index
    %get3A_15 = vector.load %arg2[%get3A_13, %get3A_14] : memref<10000x1xf32, #tpu.memory_space<vmem>>, vector<10000x1xf32>
    %mul3A = vector.broadcast %get3A_15 : vector<10000x1xf32> to vector<10000x128xf32>
    %mul3A_16 = arith.mulf %add3A_12, %mul3A : vector<10000x128xf32>
    %get3A_17 = arith.constant 0 : index
    %get3A_18 = vector.load %arg4[%get3A_17] : memref<128xf32, #tpu.memory_space<vmem>>, vector<128xf32>
    %broadcast_in_dim3A = vector.shape_cast %get3A_18 : vector<128xf32> to vector<1x128xf32>
    %add3A_19 = vector.broadcast %broadcast_in_dim3A : vector<1x128xf32> to vector<10000x128xf32>
    %add3A_20 = arith.addf %mul3A_16, %add3A_19 : vector<10000x128xf32>
    %max3A = arith.constant 0.000000e+00 : f32
    %max3A_21 = vector.broadcast %max3A : f32 to vector<10000x128xf32>
    %max3A_22 = arith.maximumf %add3A_20, %max3A_21 : vector<10000x128xf32>
    %get3A_23 = arith.constant 0 : index
    %get3A_24 = arith.constant 0 : index
    %get3A_25 = vector.load %arg5[%get3A_23, %get3A_24] : memref<128x2xf32, #tpu.memory_space<vmem>>, vector<128x2xf32>
    %dot_general3A = arith.constant dense<0.000000e+00> : vector<2x10000xf32>
    %dot_general3A_26 = tpu.matmul %get3A_25, %max3A_22, %dot_general3A {dimension_numbers = #tpu.dot_dimension_numbers<[0], [1], [1], [0], [0, 1, 1, 0], [], []>, transpose_lhs_hint = false} : vector<128x2xf32>, vector<10000x128xf32>, vector<2x10000xf32> -> vector<2x10000xf32>
    %get3A_27 = arith.constant 0 : index
    %get3A_28 = arith.constant 0 : index
    %get3A_29 = vector.load %arg3[%get3A_27, %get3A_28] : memref<1x10000xf32, #tpu.memory_space<vmem>>, vector<1x10000xf32>
    %mul3A_30 = vector.broadcast %get3A_29 : vector<1x10000xf32> to vector<2x10000xf32>
    %mul3A_31 = arith.mulf %dot_general3A_26, %mul3A_30 : vector<2x10000xf32>
    %swap3A = arith.constant 0 : index
    %swap3A_32 = arith.constant 0 : index
    %swap3A_33 = vector.load %arg6[%swap3A, %swap3A_32] : memref<2x10000xf32, #tpu.memory_space<vmem>>, vector<2x10000xf32>
    tpu.vector_store %arg6[%swap3A, %swap3A_32], %mul3A_31 {strides = array<i32>} : memref<2x10000xf32, #tpu.memory_space<vmem>>, vector<2x10000xf32>,
    return
  }
}

module attributes {stable_mosaic.version = 14 : i64} {
  func.func @body(%arg0: memref<32x2x10000xf32, #tpu.memory_space<vmem>>, %arg1: memref<2x10000xf32, #tpu.memory_space<vmem>>, %arg2: memref<1x10000xf32, #tpu.memory_space<vmem>>, %arg3: memref<2x1xf32, #tpu.memory_space<vmem>>, %arg4: memref<2x10000xf32, #tpu.memory_space<vmem>>) attributes {dimension_semantics = [], scalar_prefetch = 0 : i64, scratch_operands = 0 : i64, tpu.core_type = #tpu.core_type<tc>} {
    %get3A = arith.constant 0 : index
    %get3A_0 = arith.constant 0 : index
    %get3A_1 = arith.constant 0 : index
    %get3A_2 = vector.load %arg0[%get3A, %get3A_0, %get3A_1] : memref<32x2x10000xf32, #tpu.memory_space<vmem>>, vector<32x2x10000xf32>
    %reduce_sum3A = arith.constant dense<0.000000e+00> : vector<2x10000xf32>
    %reduce_sum3A_3 = vector.multi_reduction <add>, %get3A_2, %reduce_sum3A [0] : vector<32x2x10000xf32> to vector<2x10000xf32>
    %get3A_4 = arith.constant 0 : index
    %get3A_5 = arith.constant 0 : index
    %get3A_6 = vector.load %arg1[%get3A_4, %get3A_5] : memref<2x10000xf32, #tpu.memory_space<vmem>>, vector<2x10000xf32>
    %add3A = arith.addf %reduce_sum3A_3, %get3A_6 : vector<2x10000xf32>
    %get3A_7 = arith.constant 0 : index
    %get3A_8 = arith.constant 0 : index
    %get3A_9 = vector.load %arg2[%get3A_7, %get3A_8] : memref<1x10000xf32, #tpu.memory_space<vmem>>, vector<1x10000xf32>
    %mul3A = vector.broadcast %get3A_9 : vector<1x10000xf32> to vector<2x10000xf32>
    %mul3A_10 = arith.mulf %add3A, %mul3A : vector<2x10000xf32>
    %get3A_11 = arith.constant 0 : index
    %get3A_12 = arith.constant 0 : index
    %get3A_13 = vector.load %arg3[%get3A_11, %get3A_12] : memref<2x1xf32, #tpu.memory_space<vmem>>, vector<2x1xf32>
    %add3A_14 = vector.broadcast %get3A_13 : vector<2x1xf32> to vector<2x10000xf32>
    %add3A_15 = arith.addf %mul3A_10, %add3A_14 : vector<2x10000xf32>
    %reduce_max3A = arith.constant dense<0xFF800000> : vector<10000xf32>
    %reduce_max3A_16 = vector.multi_reduction <maximumf>, %add3A_15, %reduce_max3A [0] : vector<2x10000xf32> to vector<10000xf32>
    %broadcast_in_dim3A = vector.shape_cast %reduce_max3A_16 : vector<10000xf32> to vector<1x10000xf32>
    %sub3A = vector.broadcast %broadcast_in_dim3A : vector<1x10000xf32> to vector<2x10000xf32>
    %sub3A_17 = arith.subf %add3A_15, %sub3A : vector<2x10000xf32>
    %exp3A = math.exp %sub3A_17 : vector<2x10000xf32>
    %reduce_sum3A_18 = arith.constant dense<0.000000e+00> : vector<10000xf32>
    %reduce_sum3A_19 = vector.multi_reduction <add>, %exp3A, %reduce_sum3A_18 [0] : vector<2x10000xf32> to vector<10000xf32>
    %broadcast_in_dim3A_20 = vector.shape_cast %reduce_sum3A_19 : vector<10000xf32> to vector<1x10000xf32>
    %log3A = math.log %broadcast_in_dim3A_20 : vector<1x10000xf32>
    %add3A_21 = arith.addf %broadcast_in_dim3A, %log3A : vector<1x10000xf32>
    %sub3A_22 = vector.broadcast %add3A_21 : vector<1x10000xf32> to vector<2x10000xf32>
    %sub3A_23 = arith.subf %add3A_15, %sub3A_22 : vector<2x10000xf32>
    %swap3A = arith.constant 0 : index
    %swap3A_24 = arith.constant 0 : index
    %swap3A_25 = vector.load %arg4[%swap3A, %swap3A_24] : memref<2x10000xf32, #tpu.memory_space<vmem>>, vector<2x10000xf32>
    tpu.vector_store %arg4[%swap3A, %swap3A_24], %sub3A_23 {strides = array<i32>} : memref<2x10000xf32, #tpu.memory_space<vmem>>, vector<2x10000xf32>,
    return
  }
}

</mosaic_0001>

<sc_bundles>
// kernel: kernel.11.cloned.1.call-start
scs
__scs_entry_jumppad:
0x0: {  	(pc) =	sbr.rel $0x88, $3  }
0x1: {  	(tag) =	ssettag $0x0;
	lr =	simm.s32 $0x1  }
0x2: {  	[smem:$0x3F9B] =	sst lr;
	_ =	strace $0xD0000000  }
0x3: {  	_ = 	snop  }
0x4: {  	_ = 	snop  }
0x5: {  	_ = 	snop  }
0x6: {  	_ = 	snop  }
0x7: {  	_ = 	snop  }
__scs_overlays_trampoline_lowered:
0x8: {  	[smem:$0x3FAA] =	sst s0  }
0x9: {  	[smem:$0x3FAB] =	sst s1  }
0xa: {  	[smem:$0x3FAC] =	sst s2  }
0xb: {  	[smem:$0x3FAD] =	sst s3  }
0xc: {  	[smem:$0x3FAE] =	sst s4  }
0xd: {  	[smem:$0x3FAF] =	sst s5  }
0xe: {  	[smem:$0x3FB0] =	sst s6  }
0xf: {  	[smem:$0x3FB1] =	sst s7  }
0x10: {  	[smem:$0x3FB2] =	sst s8  }
0x11: {  	[smem:$0x3FB3] =	sst s9;
	s0 =	simm.s32 @!p0 $0x0  }
0x12: {  	s1 =	sld [smem:$0x3F99];
	s0 =	simm.s32 @p0 $0x1  }
0x13: {  	[smem:$0x3FB4] =	sst s0;
	s0 =	simm.s32 @!p1 $0x0  }
0x14: {  	s2 =	sld [smem:$0x3F98];
	s0 =	simm.s32 @p1 $0x1  }
0x15: {  	[smem:$0x3FB5] =	sst s0;
	s0 =	simm.s32 @!p2 $0x0  }
0x16: {  	s3 =	sld [smem:$0x3FDB];
	s0 =	simm.s32 @p2 $0x1  }
0x17: {  	s4 =	simm.s32 $0x1BF5;
	[smem:$0x3FB7] =	sst s0  }
0x18: {  	s0 =	sld [smem:$0x3F9A];
	_ =	swait.ge [sflag:s4], $0x0  }
0x19: {  	s7 =	sld [smem:$0x3F9B]  }
0x1a: {  	s8 =	sadd.s32 $0xFFFFE003, lr  }
0x1b: {  	s9 =	sadd.s32 $0xFFFFFEF7, lr;
	s5 =	simm.s32 $0xFFFFFFFF;
	p2 =	slt.u32 s8, $0xFFFFF086  }
0x1c: {  	p1 =	slt.u32 s9, $0xF7A;
	s5 =	simm.s32 @!p2 $0x0  }
0x1d: {  	s5 =	simm.s32 @p1 $0x1;
	p0 =	seq.s32 s7, s2  }
0x1e: {  	s7 =	smul.u32 @!p0 $0xF7A, s2;
	p2 =	seq.s32 @!p0 s5, $0x0  }
0x1f: {  	s9 =	smul.u32 $0xF7A, s1;
	s8 =	simm.s32 @!p0 $0x1BF5;
	p2 =	por !p2, p0  }
0x20: {  	[sflag:s8] =	ssyncset.s32 @!p0 $0xFFFFF086;
	s6 =	sadd.s32 @!p0 s3, s7;
	s7 =	simm.s32 @!p0 $0x108  }
0x21: {  	s3 =	sadd.s32 s3, s9;
	s6 =	sadd.s32 @!p0 $0x88, s6;
	s7 =	simm.s32 @p2 $0x1082  }
0x22: {  	[simem:s7], [sflag:s8] =	dma.local @!p0 [hbm:s6], $0xF7A  }
0x23: {  	s9 =	sor.u32 $0xD0000000, s2;
	s6 =	simm.s32 $0x108;
	_ =	swait.ge @!p0 [sflag:s8], $0x0  }
0x24: {  	s3 =	sadd.s32 $0x88, s3;
	s6 =	simm.s32 @!p1 $0x1082;
	[sflag:s4] =	ssyncset.s32 $0xFFFFF086  }
0x25: {  	[simem:s6], [sflag:s4] =	dma.local [hbm:s3], $0xF7A  }
0x26: {  	[smem:$0x3F9B] =	sst s1;
	(tag) =	ssettag s2;
	_ =	strace s9  }
0x27: {  	s1 =	sld [smem:$0x3FAB]  }
0x28: {  	s2 =	sld [smem:$0x3FAC]  }
0x29: {  	s4 =	sld [smem:$0x3FAE]  }
0x2a: {  	p0 =	seq.s32 s5, $0x0;
	s5 =	sld [smem:$0x3FAF]  }
0x2b: {  	s6 =	sld [smem:$0x3FB0]  }
0x2c: {  	s7 =	sld [smem:$0x3FB1]  }
0x2d: {  	s3 =	simm.s32 $0x108;
	s8 =	sld [smem:$0x3FB2]  }
0x2e: {  	s3 =	simm.s32 @!p0 $0x1082;
	s9 =	sld [smem:$0x3FB3]  }
0x2f: {  	lr =	sadd.s32 s0, s3;
	s0 =	sld [smem:$0x3FAA]  }
0x30: {  	s3 =	sld [smem:$0x3FAD]  }
0x31: {  	[smem:$0x3FB6] =	sst s10  }
0x32: {  	s10 =	sld [smem:$0x3FB4];
	_ =	sdelay $0x3  }
0x33: {  	p0 =	seq.s32 s10, $0x1;
	s10 =	sld [smem:$0x3FB6];
	_ =	sdelay $0x3  }
0x34: {  	[smem:$0x3FB6] =	sst s10  }
0x35: {  	s10 =	sld [smem:$0x3FB5];
	_ =	sdelay $0x3  }
0x36: {  	p1 =	seq.s32 s10, $0x1;
	s10 =	sld [smem:$0x3FB6];
	_ =	sdelay $0x3  }
0x37: {  	[smem:$0x3FB6] =	sst s10  }
0x38: {  	s10 =	sld [smem:$0x3FB7]  }
0x39: {  	_ = 	snop;
	(pc) =	sbr.ind lr, $3  }
0x3a: {  	_ = 	snop  }
0x3b: {  	_ = 	snop  }
0x3c: {  	p2 =	seq.s32 s10, $0x1;
	s10 =	sld [smem:$0x3FB6]  }
0x3d: {  	_ =	shalt  }
0x3e: {  	_ =	shalt  }
0x3f: {  	_ =	shalt  }
0x40: {  	_ =	shalt  }
0x41: {  	_ =	shalt  }
0x42: {  	_ =	shalt  }
0x43: {  	_ =	shalt  }
0x44: {  	_ =	shalt  }
0x45: {  	_ =	shalt  }
0x46: {  	_ =	shalt  }
0x47: {  	_ =	shalt  }
0x48: {  	_ =	shalt  }
0x49: {  	_ =	shalt  }
0x4a: {  	_ =	shalt  }
0x4b: {  	_ =	shalt  }
0x4c: {  	_ =	shalt  }
0x4d: {  	_ =	shalt  }
0x4e: {  	_ =	shalt  }
0x4f: {  	_ =	shalt  }
0x50: {  	_ =	shalt  }
0x51: {  	_ =	shalt  }
0x52: {  	_ =	shalt  }
0x53: {  	_ =	shalt  }
0x54: {  	_ =	shalt  }
0x55: {  	_ =	shalt  }
0x56: {  	_ =	shalt  }
0x57: {  	_ =	shalt  }
0x58: {  	_ =	shalt  }
0x59: {  	_ =	shalt  }
0x5a: {  	_ =	shalt  }
0x5b: {  	_ =	shalt  }
0x5c: {  	_ =	shalt  }
0x5d: {  	_ =	shalt  }
0x5e: {  	_ =	shalt  }
0x5f: {  	_ =	shalt  }
0x60: {  	_ =	shalt  }
0x61: {  	_ =	shalt  }
0x62: {  	_ =	shalt  }
0x63: {  	_ =	shalt  }
0x64: {  	_ =	shalt  }
0x65: {  	_ =	shalt  }
0x66: {  	_ =	shalt  }
0x67: {  	_ =	shalt  }
0x68: {  	_ =	shalt  }
0x69: {  	_ =	shalt  }
0x6a: {  	_ =	shalt  }
0x6b: {  	_ =	shalt  }
0x6c: {  	_ =	shalt  }
0x6d: {  	_ =	shalt  }
0x6e: {  	_ =	shalt  }
0x6f: {  	_ =	shalt  }
0x70: {  	_ =	shalt  }
0x71: {  	_ =	shalt  }
0x72: {  	_ =	shalt  }
0x73: {  	_ =	shalt  }
0x74: {  	_ =	shalt  }
0x75: {  	_ =	shalt  }
0x76: {  	_ =	shalt  }
0x77: {  	_ =	shalt  }
0x78: {  	_ =	shalt  }
0x79: {  	_ =	shalt  }
0x7a: {  	_ =	shalt  }
0x7b: {  	_ =	shalt  }
0x7c: {  	_ =	shalt  }
0x7d: {  	_ =	shalt  }
0x7e: {  	_ =	shalt  }
0x7f: {  	_ =	shalt  }
0x80: {  	_ =	shalt  }
0x81: {  	_ =	shalt  }
0x82: {  	_ =	shalt  }
0x83: {  	_ =	shalt  }
0x84: {  	_ =	shalt  }
0x85: {  	_ =	shalt  }
0x86: {  	_ =	shalt  }
0x87: {  	_ =	shalt  }
.Lfunc_end0:
.L_simem_size_0:
called_computation.1_lowered:
.L_overlay_start_0:
0x88: {  	s2 =	sld [smem:$0x3FD9]  }
0x89: {  	s3 =	sld [smem:$0x3FFE];
	_ =	sdelay $0x1  }
0x8a: {  	s1 =	srdreg.scid  }
0x8b: {  	s0 =	sand.u32 $0x1, s1  }
0x8c: {  	s16 =	sshll.u32 s0, $0xA;
	s2 =	sadd.s32 s3, s2  }
0x8d: {  	s2 =	sadd.s32 s2, s16  }
0x8e: {  	[smem:$0x3FC2] =	sst s2  }
0x8f: {  	_ = 	snop  }
0x90: {  	(tm) =	ssettm $0x1  }
0x91: {  	s17 =	sld [smem:$0x3FFB];
	_ =	sdelay $0x3  }
0x92: {  	_ =	strace s17  }
0x93: {  	s2 =	sld [smem:$0x3FFC];
	_ =	sdelay $0x3  }
0x94: {  	_ =	strace s2  }
0x95: {  	s2 =	sld [smem:$0x3FFD];
	_ =	sdelay $0x3  }
0x96: {  	_ =	strace s2  }
0x97: {  	_ =	strace $0x8FFFFFFF  }
0x98: {  	s18 =	sld [smem:$0x3FDB];
	_ =	sdelay $0x1  }
0x99: {  	s19 =	simm.s32 $_scs_section_size  }
0x9a: {  	s4 =	simm.s32 $_size__tile_overlayer_lowered;
	s5 =	simm.s32 $_tile_overlayer_lowered  }
0x9b: {  	s22 =	simm.s32 $0x1BFF;
	s21 =	sshll.u32 s5, $0x1;
	s2 =	sadd.s32 s19, s18  }
0x9c: {  	s6 =	simm.s32 $0x0;
	s20 =	sshll.u32 s4, $0x1;
	s4 =	sadd.s32 s21, s2  }
0x9d: {  	[timem:s6], [sflag:s22] =	dma.local [hbm:s4], s20  }
0x9e: {  	_ =	swait.ge [sflag:s22], s20  }
0x9f: {  	s3 =	ssub.s32 $0x0, s20;
	[sflag:s22] =	ssyncset.done $0x0  }
0xa0: {  	[sflag:s22] =	ssyncadd.s32 s3;
	_ =	sdelay $0x1  }
0xa1: {  	s23 =	simm.s32 $0x1B8B  }
0xa2: {  	_ =	swait.ge [sflag:s23], $0x1  }
0xa3: {  	[sflag:s23] =	ssyncset.done $0x0  }
0xa4: {  	s25 =	simm.s32 $0x1B8E;
	s24 =	sld [smem:$0x3FFE];
	[sflag:s23] =	ssyncadd.s32 $0xFFFFFFFF  }
0xa5: {  	s26 =	simm.s32 $execute0_lowered;
	[smem:$0x3FD2] =	sst s25  }
0xa6: {  	s4 =	sshll.u32 s26, $0x1;
	_ =	strace $0x80000049;
	[dreg:$0x1] =	wrdreg $0xFFFFFFFF  }
0xa7: {  	s28 =	simm.s32 $_size_execute0_lowered;
	s2 =	sadd.s32 s2, s4;
	[dreg:$0x0] =	wrdreg $0x0  }
0xa8: {  	s4 =	sshll.u32 s28, $0x1;
	[dreg:$0x2] =	wrdreg s2  }
0xa9: {  	[dreg:$0x3] =	wrdreg s4  }
0xaa: {  	[dreg:$0x4] =	wrdreg $0xC0  }
0xab: {  	_ =	task [dreg:s6], $0x5FFFF  }
0xac: {  	[dreg:$0x1] =	wrdreg $0xFFFFFFFF  }
0xad: {  	[dreg:$0x0] =	wrdreg $0x60  }
0xae: {  	[dreg:$0x2] =	wrdreg s24  }
0xaf: {  	[dreg:$0x3] =	wrdreg $0xA8000  }
0xb0: {  	[dreg:$0x4] =	wrdreg $0x9  }
0xb1: {  	_ =	task.clear_ibuf [dreg:s6], $0x5FFFF;
	_ =	strace $0x90000049  }
0xb2: {  	s29 =	simm.s32 $0x9;
	_ =	strace $0x8000004B  }
0xb3: {  	_ =	swait.ge [sflag:s29], $0x1  }
0xb4: {  	[sflag:s29] =	ssyncadd.s32 $0xFFFFFFFF  }
0xb5: {  	_ =	strace $0x9000004B  }
0xb6: {  	_ =	sfence  }
0xb7: {  	s30 =	sld [smem:$0x0];
	_ =	sdelay $0x2  }
0xb8: {  	s31 =	sshll.u32 s1, $0xD;
	s1 =	sshrl.u32 s1, $0x2  }
0xb9: {  	s3 =	sand.u32 $0x4000, s31;
	s1 =	sadd.s32 s1, s30  }
0xba: {  	s0 =	sor.u32 s3, s0;
	s1 =	sshll.u32 s1, $0x11  }
0xbb: {  	s0 =	sor.u32 s1, s0  }
0xbc: {  	s0 =	sadd.s32 $0x8F2B, s0  }
0xbd: {  	[sflag:s0] =	ssyncadd.remote.s32 $0x1  }
0xbe: {  	_ =	sfence.sel $0xFFFF  }
0xbf: {  	[dreg:$0x0] =	wrdreg $0xFFFFFFFF;
	(pc) =	sbr.abs _section_cstart, $3  }
0xc0: {  	[dreg:$0x1] =	wrdreg $0xFFFFFFFF  }
0xc1: {  	_ =	task.clear_ibuf [dreg:s6], $0x2FFFF;
	_ =	strace $0x9FFFFFFF  }
0xc2: {  	(tm) =	ssettm $0x7FFFFFFF  }
0xc3: {  	_ =	shalt  }
tec
execute0_lowered:
.L_overlay_start_1:
0x0: {  	(tag) =	ssettag $0x1  }
0x1: {  	s2 =	srdreg.scid;
	s13 =	stileid.u32  }
0x2: {  	s0 =	rddreg [dreg:$0x0];
	s4 =	sand.u32 $0x1, s2;
	s6 =	smul.u32 $0x2710, s13  }
0x3: {  	s21 =	rddreg [dreg:$0x1];
	s3 =	simm.s32 $0x0;
	s5 =	smul.u32 $0x27100, s4  }
0x4: {  	[smem:$0x7FF] =	sst s3;
	s2 =	sadd.s32 $0xCE00, s0  }
0x5: {  	s10 =	smul.u32 $0x13C00, s13;
	_ =	strace $0x8000004A;
	s8 =	sadd.s32 s6, s5  }
0x6: {  	s9 =	smul.u32 $0x13C000, s4;
	s4 =	ssub.s32 $0x2, s4;
	s7 =	sshrl.u32 s8, $0x3  }
0x7: {  	s12 =	sshrl.u32 s4, $0x1;
	s6 =	sadd.s32 $0x16C00, s0;
	s14 =	sadd.s32 $0xA, s7  }
0x8: {  	s5 =	sadd.s32 s10, s9;
	s4 =	ssub.s32 s4, s12;
	s15 =	sadd.s32 s2, s14  }
0x9: {  	s16 =	sadd.s32 $0x14, s7;
	s10 =	sadd.s32 s6, s14;
	[dreg:$0x13] =	wrdreg s15  }
0xa: {  	s12 =	sadd.s32 $0x5A0, s8;
	s17 =	sadd.s32 s2, s16;
	[dreg:$0x14] =	wrdreg s10  }
0xb: {  	s18 =	sadd.s32 $0x1E, s7;
	s9 =	sadd.s32 s6, s16;
	[dreg:$0x15] =	wrdreg s17  }
0xc: {  	s20 =	sadd.s32 $0x28, s7;
	s19 =	sadd.s32 s2, s18;
	[dreg:$0x16] =	wrdreg s9  }
0xd: {  	s23 =	sadd.s32 $0x32, s7;
	s22 =	sadd.s32 s2, s20;
	[dreg:$0x17] =	wrdreg s19  }
0xe: {  	s28 =	sshrl.u32 s12, $0x3;
	s24 =	sadd.s32 s2, s23;
	[dreg:$0x19] =	wrdreg s22  }
0xf: {  	s29 =	sadd.s32 s28, s6;
	[dreg:$0x1b] =	wrdreg s24  }
0x10: {  	s1 =	sadd.s32 $0x550, s8;
	s10 =	sadd.s32 s6, s18;
	[dreg:$0x5] =	wrdreg s29  }
0x11: {  	s14 =	sshrl.u32 s1, $0x3;
	s9 =	sadd.s32 s6, s20;
	[dreg:$0x18] =	wrdreg s10  }
0x12: {  	s25 =	sadd.s32 $0x5F0, s8;
	s15 =	sadd.s32 s14, s6;
	[dreg:$0x1a] =	wrdreg s9  }
0x13: {  	s16 =	sadd.s32 $0x500, s8;
	s17 =	sadd.s32 s14, s2;
	[dreg:$0x7] =	wrdreg s15  }
0x14: {  	s18 =	sshrl.u32 s16, $0x3;
	s10 =	sadd.s32 s6, s23;
	[dreg:$0x8] =	wrdreg s17  }
0x15: {  	s1 =	sadd.s32 $0x410, s8;
	s19 =	sadd.s32 s18, s6;
	[dreg:$0x1c] =	wrdreg s10  }
0x16: {  	s9 =	sshrl.u32 s25, $0x3;
	s22 =	sadd.s32 s18, s2;
	[dreg:$0x9] =	wrdreg s19  }
0x17: {  	s20 =	sadd.s32 $0x4B0, s8;
	s26 =	sadd.s32 s9, s6;
	[dreg:$0xa] =	wrdreg s22  }
0x18: {  	s23 =	sshrl.u32 s20, $0x3;
	s9 =	sadd.s32 s9, s2;
	[dreg:$0x3] =	wrdreg s26  }
0x19: {  	s15 =	sshrl.u32 s1, $0x3;
	s24 =	sadd.s32 s23, s6;
	[dreg:$0x4] =	wrdreg s9  }
0x1a: {  	s16 =	sadd.s32 s15, s6;
	[dreg:$0xb] =	wrdreg s24  }
0x1b: {  	s12 =	sadd.s32 $0x6E, s7;
	s17 =	sadd.s32 s15, s2;
	[dreg:$0xf] =	wrdreg s16  }
0x1c: {  	s10 =	sadd.s32 $0x3C, s7;
	s15 =	sadd.s32 s2, s12;
	[dreg:$0x10] =	wrdreg s17  }
0x1d: {  	s25 =	sadd.s32 $0x460, s8;
	s11 =	sadd.s32 s2, s10;
	[smem:$0x7F0] =	sst s15  }
0x1e: {  	s8 =	sadd.s32 $0x3C0, s8;
	s26 =	sadd.s32 s23, s2;
	[dreg:$0x1d] =	wrdreg s11  }
0x1f: {  	s8 =	sshrl.u32 s8, $0x3;
	s10 =	sadd.s32 s6, s10;
	[dreg:$0xc] =	wrdreg s26  }
0x20: {  	s19 =	sadd.s32 $0x46, s7;
	s18 =	sadd.s32 s8, s6;
	[dreg:$0x1e] =	wrdreg s10  }
0x21: {  	s22 =	sadd.s32 s2, s19;
	[dreg:$0x11] =	wrdreg s18  }
0x22: {  	s20 =	sadd.s32 $0x50, s7;
	s23 =	sadd.s32 s6, s19;
	[dreg:$0x1f] =	wrdreg s22  }
0x23: {  	s5 =	sshrl.u32 s5, $0x3;
	s24 =	sadd.s32 s2, s20;
	[smem:$0x7E7] =	sst s23  }
0x24: {  	s17 =	sadd.s32 s5, s0;
	s11 =	sadd.s32 s28, s2;
	[smem:$0x7E8] =	sst s24  }
0x25: {  	s28 =	sshrl.u32 s25, $0x3;
	s25 =	sadd.s32 s6, s20;
	[dreg:$0x6] =	wrdreg s11  }
0x26: {  	s19 =	sadd.s32 $0x47C00, s17;
	[smem:$0x7E9] =	sst s25  }
0x27: {  	s20 =	smax.u32 s4, $0x1;
	[smem:$0x7F4] =	sst s19  }
0x28: {  	s29 =	sadd.s32 s28, s6;
	[smem:$0x7F5] =	sst s20  }
0x29: {  	s26 =	sadd.s32 $0x5A, s7;
	s14 =	sadd.s32 s28, s2;
	[dreg:$0xd] =	wrdreg s29  }
0x2a: {  	s9 =	sadd.s32 s6, s26;
	[dreg:$0xe] =	wrdreg s14  }
0x2b: {  	s31 =	sadd.s32 $0x20A00, s0;
	s11 =	sadd.s32 s2, s7;
	[smem:$0x7EB] =	sst s9  }
0x2c: {  	s28 =	sadd.s32 $0x64, s7;
	s29 =	sadd.s32 s2, s26;
	[smem:$0x7EE] =	sst s11  }
0x2d: {  	s16 =	smul.u32 $0x4F000, s13;
	s1 =	sadd.s32 s2, s28;
	[smem:$0x7EA] =	sst s29  }
0x2e: {  	s15 =	simm.s32 $0x280;
	s10 =	sadd.s32 s6, s28;
	[smem:$0x7EC] =	sst s1  }
0x2f: {  	s13 =	simm.s32 $0x11;
	s14 =	sadd.s32 s6, s7;
	[smem:$0x7ED] =	sst s10  }
0x30: {  	s18 =	sshrl.u32 s16, $0x2;
	s9 =	sadd.s32 s6, s12;
	[smem:$0x7EF] =	sst s14  }
0x31: {  	s7 =	sadd.s32 $0x4D8, s7;
	s30 =	sadd.s32 s18, s21;
	[smem:$0x7F1] =	sst s9  }
0x32: {  	s4 =	simm.s32 $0xA;
	s6 =	sadd.s32 s6, s7;
	[smem:$0x7FD] =	sst s30  }
0x33: {  	s17 =	simm.s32 $0x700;
	s7 =	sadd.s32 s2, s7;
	[smem:$0x7F2] =	sst s6  }
0x34: {  	s12 =	simm.s32 $0x800;
	s2 =	sadd.s32 s8, s2;
	[smem:$0x7F3] =	sst s7  }
0x35: {  	s18 =	simm.s32 $0x680;
	s22 =	sadd.s32 $0x2800, s30;
	[dreg:$0x12] =	wrdreg s2  }
0x36: {  	s11 =	simm.s32 $0x0;
	s23 =	sadd.s32 $0x5000, s30;
	[smem:$0x7F6] =	sst s22  }
0x37: {  	s24 =	sadd.s32 $0x7800, s30;
	s25 =	sadd.s32 $0xA000, s30;
	[smem:$0x7F7] =	sst s23  }
0x38: {  	s26 =	sadd.s32 $0xC800, s30;
	s28 =	sadd.s32 $0xF000, s30;
	[smem:$0x7F8] =	sst s24  }
0x39: {  	s29 =	sadd.s32 $0x11800, s30;
	s9 =	simm.s32 $0x15;
	[smem:$0x7F9] =	sst s25  }
0x3a: {  	s1 =	simm.s32 $0x2;
	s10 =	simm.s32 $0x300;
	[smem:$0x7FA] =	sst s26  }
0x3b: {  	s8 =	simm.s32 $0x5800;
	s14 =	simm.s32 $0x8000;
	[smem:$0x7FB] =	sst s28  }
0x3c: {  	[smem:$0x7FC] =	sst s29;
	s22 =	simm.s32 $0x600;
	s25 =	simm.s32 $0x50  }
0x3d: {  	v0 =	vimm.f32 $0.0e+00;
	s2 =	simm.s32 $0x3000;
	s7 =	simm.s32 $0x3;
	s23 =	simm.s32 $0xB  }
.LBB2_1:
0x3e: {  	[smem:$0x7E6] =	sst s11;
	s24 =	simm.s32 $0x0;
	s29 =	simm.s32 $0x200  }
.LBB2_2:
0x3f: {  	p0 =	sne.s32 s29, $0x9E00;
	[tilespmem:s24+$0x870] =	vst v0  }
0x40: {  	[tilespmem:s24+$0x800] =	vst v0  }
0x41: {  	[tilespmem:s24+$0x810] =	vst v0  }
.Ltmp0:
0x42: {  	[tilespmem:s24+$0x820] =	vst v0;
	(pc) =	sbr.rel @p0 .LBB2_2-.Ltmp0, $4  }
0x43: {  	[tilespmem:s24+$0x830] =	vst v0  }
0x44: {  	[tilespmem:s24+$0x840] =	vst v0  }
0x45: {  	[tilespmem:s24+$0x850] =	vst v0  }
0x46: {  	[tilespmem:s24+$0x860] =	vst v0;
	s24 =	sshra.s32 s29, $0x2;
	s29 =	sadd.s32 $0x200, s29  }
0x47: {  	[tilespmem:s24+$0x870] =	vst v0  }
0x48: {  	[tilespmem:s24+$0x800] =	vst v0  }
0x49: {  	[tilespmem:s24+$0x810] =	vst v0  }
0x4a: {  	[tilespmem:s24+$0x820] =	vst v0  }
0x4b: {  	[tilespmem:s24+$0x830] =	vst v0  }
0x4c: {  	[tilespmem:s24+$0x840] =	vst v0  }
0x4d: {  	[tilespmem:s24+$0x850] =	vst v0  }
0x4e: {  	[tilespmem:s24+$0x860] =	vst v0;
	s6 =	sld [smem:$0x7F6]  }
0x4f: {  	[spmem:s30] =	stream.linear.scatter [tilespmem:s12], [sflag:$0x15], $0x2800, $0x38;
	[tilespmem:$0x1E400] =	vst v63  }
0x50: {  	s19 =	sld [smem:$0x7F7]  }
0x51: {  	[spmem:s6] =	stream.linear.scatter [tilespmem:s12], [sflag:$0x15], $0x2800, $0x38;
	[tilespmem:$0x1E400] =	vst v63  }
0x52: {  	s20 =	sld [smem:$0x7F8]  }
0x53: {  	[spmem:s19] =	stream.linear.scatter [tilespmem:s12], [sflag:$0x15], $0x2800, $0x38;
	[tilespmem:$0x1E400] =	vst v63  }
0x54: {  	s24 =	sld [smem:$0x7F9]  }
0x55: {  	[spmem:s20] =	stream.linear.scatter [tilespmem:s12], [sflag:$0x15], $0x2800, $0x38;
	[tilespmem:$0x1E400] =	vst v63  }
0x56: {  	s26 =	sld [smem:$0x7FA]  }
0x57: {  	[spmem:s24] =	stream.linear.scatter [tilespmem:s12], [sflag:$0x15], $0x2800, $0x38;
	[tilespmem:$0x1E400] =	vst v63  }
0x58: {  	s28 =	sld [smem:$0x7FB]  }
0x59: {  	[spmem:s26] =	stream.linear.scatter [tilespmem:s12], [sflag:$0x15], $0x2800, $0x38;
	[tilespmem:$0x1E400] =	vst v63  }
0x5a: {  	s29 =	sld [smem:$0x7FC]  }
0x5b: {  	[spmem:s28] =	stream.linear.scatter [tilespmem:s12], [sflag:$0x15], $0x2800, $0x38;
	[tilespmem:$0x1E400] =	vst v63  }
0x5c: {  	_ = 	snop  }
0x5d: {  	[spmem:s29] =	stream.linear.scatter [tilespmem:s12], [sflag:$0x15], $0x2400, $0x38;
	[tilespmem:$0x1E400] =	vst v63  }
0x5e: {  	_ =	swait.ge [sflag:s9], $0x2800  }
0x5f: {  	[sflag:s9] =	ssyncset.done $0x0  }
0x60: {  	[sflag:s9] =	ssyncadd.s32 $0xFFFFD800  }
0x61: {  	_ =	swait.ge [sflag:s9], $0x2800  }
0x62: {  	[sflag:s9] =	ssyncset.done $0x0  }
0x63: {  	[sflag:s9] =	ssyncadd.s32 $0xFFFFD800  }
0x64: {  	_ =	swait.ge [sflag:s9], $0x2800  }
0x65: {  	[sflag:s9] =	ssyncset.done $0x0  }
0x66: {  	[sflag:s9] =	ssyncadd.s32 $0xFFFFD800  }
0x67: {  	_ =	swait.ge [sflag:s9], $0x2800  }
0x68: {  	[sflag:s9] =	ssyncset.done $0x0  }
0x69: {  	[sflag:s9] =	ssyncadd.s32 $0xFFFFD800  }
0x6a: {  	_ =	swait.ge [sflag:s9], $0x2800  }
0x6b: {  	[sflag:s9] =	ssyncset.done $0x0  }
0x6c: {  	[sflag:s9] =	ssyncadd.s32 $0xFFFFD800  }
0x6d: {  	_ =	swait.ge [sflag:s9], $0x2800  }
0x6e: {  	[sflag:s9] =	ssyncset.done $0x0  }
0x6f: {  	[sflag:s9] =	ssyncadd.s32 $0xFFFFD800  }
0x70: {  	_ =	swait.ge [sflag:s9], $0x2800  }
0x71: {  	[sflag:s9] =	ssyncset.done $0x0  }
0x72: {  	[sflag:s9] =	ssyncadd.s32 $0xFFFFD800  }
0x73: {  	_ =	swait.ge [sflag:s9], $0x2400  }
0x74: {  	[sflag:s9] =	ssyncset.done $0x0  }
0x75: {  	[sflag:s9] =	ssyncadd.s32 $0xFFFFDC00  }
0x76: {  	[bflag:$0x0] =	sbarrier.arrive $0xFFFF  }
0x77: {  	s30 =	sld [smem:$0x7EE];
	_ =	sdelay $0x1  }
0x78: {  	s24 =	simm.s32 $0x0;
	s0 =	sld [smem:$0x7EF]  }
0x79: {  	[tilespmem:s24], [sflag:$0x1] =	stream.linear.gather [hbm4b:s30+s24], $0x50, $0x38;
	[tilespmem:$0x1E400] =	vst v63  }
0x7a: {  	s5 =	simm.s32 $0x400  }
0x7b: {  	[tilespmem:s5], [sflag:$0x9] =	stream.linear.gather [hbm4b:s0+s24], $0x50, $0x38;
	[tilespmem:$0x1E400] =	vst v63  }
0x7c: {  	s11 =	simm.s32 $0x80;
	s9 =	rddreg [dreg:$0x13]  }
0x7d: {  	[tilespmem:s11], [sflag:$0x2] =	stream.linear.gather [hbm4b:s9+s24], $0x50, $0x38;
	[tilespmem:$0x1E400] =	vst v63  }
0x7e: {  	s16 =	simm.s32 $0x480;
	s12 =	rddreg [dreg:$0x14]  }
0x7f: {  	[tilespmem:s16], [sflag:$0xA] =	stream.linear.gather [hbm4b:s12+s24], $0x50, $0x38;
	[tilespmem:$0x1E400] =	vst v63  }
0x80: {  	s26 =	simm.s32 $0x100;
	s20 =	rddreg [dreg:$0x15]  }
0x81: {  	[tilespmem:s26], [sflag:$0x3] =	stream.linear.gather [hbm4b:s20+s24], $0x50, $0x38;
	[tilespmem:$0x1E400] =	vst v63  }
0x82: {  	s29 =	simm.s32 $0x500;
	s28 =	rddreg [dreg:$0x16]  }
0x83: {  	[tilespmem:s29], [sflag:$0xB] =	stream.linear.gather [hbm4b:s28+s24], $0x50, $0x38;
	[tilespmem:$0x1E400] =	vst v63  }
0x84: {  	s30 =	rddreg [dreg:$0x17];
	s0 =	simm.s32 $0x180  }
0x85: {  	[tilespmem:s0], [sflag:$0x4] =	stream.linear.gather [hbm4b:s30+s24], $0x50, $0x38;
	[tilespmem:$0x1E400] =	vst v63  }
0x86: {  	s9 =	rddreg [dreg:$0x18];
	s11 =	simm.s32 $0x580  }
0x87: {  	[tilespmem:s11], [sflag:$0xC] =	stream.linear.gather [hbm4b:s9+s24], $0x50, $0x38;
	[tilespmem:$0x1E400] =	vst v63  }
0x88: {  	s12 =	rddreg [dreg:$0x19];
	s20 =	simm.s32 $0x200  }
0x89: {  	[tilespmem:s20], [sflag:$0x5] =	stream.linear.gather [hbm4b:s12+s24], $0x50, $0x38;
	[tilespmem:$0x1E400] =	vst v63  }
0x8a: {  	s5 =	simm.s32 $0x1;
	s26 =	rddreg [dreg:$0x1a]  }
0x8b: {  	[tilespmem:s22], [sflag:$0xD] =	stream.linear.gather [hbm4b:s26+s24], $0x50, $0x38;
	[tilespmem:$0x1E400] =	vst v63  }
0x8c: {  	_ =	swait.ge [sflag:s5], $0x50  }
0x8d: {  	[sflag:s5] =	ssyncset.done $0x0  }
0x8e: {  	s11 =	simm.s32 $0x9;
	[sflag:s5] =	ssyncadd.s32 $0xFFFFFFB0  }
0x8f: {  	_ =	swait.ge [sflag:s11], $0x50  }
0x90: {  	[sflag:s11] =	ssyncset.done $0x0  }
0x91: {  	s28 =	simm.s32 $0x800;
	[sflag:s11] =	ssyncadd.s32 $0xFFFFFFB0  }
0x92: {  	[tilespmem:s28], [sflag:$0x11] =	stream.indirect.gather [hbm4b:s31+s25], $0x80, s24, s25, $0xb8;
	[tilespmem:$0x1E400] =	vst v63  }
0x93: {  	s29 =	rddreg [dreg:$0x1b]  }
0x94: {  	[tilespmem:s15], [sflag:$0x6] =	stream.linear.gather [hbm4b:s29+s24], $0x50, $0x38;
	[tilespmem:$0x1E400] =	vst v63  }
0x95: {  	s30 =	rddreg [dreg:$0x1c]  }
0x96: {  	[tilespmem:s18], [sflag:$0xE] =	stream.linear.gather [hbm4b:s30+s24], $0x50, $0x38;
	[tilespmem:$0x1E400] =	vst v63  }
0x97: {  	_ =	swait.ge [sflag:s1], $0x50  }
0x98: {  	[sflag:s1] =	ssyncset.done $0x0  }
0x99: {  	[sflag:s1] =	ssyncadd.s32 $0xFFFFFFB0  }
0x9a: {  	_ =	swait.ge [sflag:s4], $0x50  }
0x9b: {  	[sflag:s4] =	ssyncset.done $0x0  }
0x9c: {  	s19 =	simm.s32 $0x80;
	[sflag:s4] =	ssyncadd.s32 $0xFFFFFFB0  }
0x9d: {  	[tilespmem:s2], [sflag:$0x12] =	stream.indirect.gather [hbm4b:s31+s25], $0x80, s19, s25, $0xb8;
	[tilespmem:$0x1E400] =	vst v63  }
0x9e: {  	s12 =	rddreg [dreg:$0x1d]  }
0x9f: {  	[tilespmem:s10], [sflag:$0x7] =	stream.linear.gather [hbm4b:s12+s24], $0x50, $0x38;
	[tilespmem:$0x1E400] =	vst v63  }
0xa0: {  	s15 =	rddreg [dreg:$0x1e]  }
0xa1: {  	[tilespmem:s17], [sflag:$0xF] =	stream.linear.gather [hbm4b:s15+s24], $0x50, $0x38;
	[tilespmem:$0x1E400] =	vst v63  }
0xa2: {  	_ =	swait.ge [sflag:s7], $0x50  }
0xa3: {  	[sflag:s7] =	ssyncset.done $0x0  }
0xa4: {  	[sflag:s7] =	ssyncadd.s32 $0xFFFFFFB0  }
0xa5: {  	_ =	swait.ge [sflag:s23], $0x50  }
0xa6: {  	[sflag:s23] =	ssyncset.done $0x0  }
0xa7: {  	s16 =	simm.s32 $0x100;
	[sflag:s23] =	ssyncadd.s32 $0xFFFFFFB0  }
0xa8: {  	[tilespmem:s8], [sflag:$0x13] =	stream.indirect.gather [hbm4b:s31+s25], $0x80, s16, s25, $0xb8;
	[tilespmem:$0x1E400] =	vst v63  }
0xa9: {  	_ =	swait.ge [sflag:s13], $0x2800  }
0xaa: {  	s9 =	simm.s32 $0x800;
	[sflag:s13] =	ssyncset.done $0x0  }
0xab: {  	s26 =	simm.s32 $0x400;
	s16 =	rddreg [dreg:$0x1f];
	[sflag:s13] =	ssyncadd.s32 $0xFFFFD800  }
0xac: {  	[spmem:s21] =	stream.indirect.scatter.add.f32 [tilespmem:s9], [sflag:$0x15], $0x80, s26, s25, $0xb8;
	[tilespmem:$0x1E400] =	vst v63  }
0xad: {  	s19 =	simm.s32 $0x380;
	s29 =	sld [smem:$0x7E7]  }
0xae: {  	[tilespmem:s19], [sflag:$0x8] =	stream.linear.gather [hbm4b:s16+s24], $0x50, $0x38;
	[tilespmem:$0x1E400] =	vst v63  }
0xaf: {  	s30 =	simm.s32 $0x780;
	s15 =	simm.s32 $0x4  }
0xb0: {  	[tilespmem:s30], [sflag:$0x10] =	stream.linear.gather [hbm4b:s29+s24], $0x50, $0x38;
	[tilespmem:$0x1E400] =	vst v63  }
0xb1: {  	_ =	swait.ge [sflag:s15], $0x50  }
0xb2: {  	[sflag:s15] =	ssyncset.done $0x0  }
0xb3: {  	s12 =	simm.s32 $0xC;
	[sflag:s15] =	ssyncadd.s32 $0xFFFFFFB0  }
0xb4: {  	_ =	swait.ge [sflag:s12], $0x50  }
0xb5: {  	[sflag:s12] =	ssyncset.done $0x0  }
0xb6: {  	s0 =	simm.s32 $0x180;
	s19 =	simm.s32 $0x12;
	[sflag:s12] =	ssyncadd.s32 $0xFFFFFFB0  }
0xb7: {  	[tilespmem:s14], [sflag:$0x14] =	stream.indirect.gather [hbm4b:s31+s25], $0x80, s0, s25, $0xb8;
	[tilespmem:$0x1E400] =	vst v63  }
0xb8: {  	_ =	swait.ge [sflag:s19], $0x2800  }
0xb9: {  	[sflag:s19] =	ssyncset.done $0x0  }
0xba: {  	s13 =	simm.s32 $0x480;
	s9 =	simm.s32 $0x15;
	[sflag:s19] =	ssyncadd.s32 $0xFFFFD800  }
0xbb: {  	[spmem:s21] =	stream.indirect.scatter.add.f32 [tilespmem:s2], [sflag:$0x16], $0x80, s13, s25, $0xb8;
	[tilespmem:$0x1E400] =	vst v63  }
0xbc: {  	_ =	swait.ge [sflag:s9], $0x2800  }
0xbd: {  	s0 =	sld [smem:$0x7E8]  }
0xbe: {  	[sflag:s9] =	ssyncset.done $0x0  }
0xbf: {  	s14 =	sld [smem:$0x7E9];
	[sflag:s9] =	ssyncadd.s32 $0xFFFFD800  }
0xc0: {  	[tilespmem:s24], [sflag:$0x1] =	stream.linear.gather [hbm4b:s0+s24], $0x50, $0x38;
	[tilespmem:$0x1E400] =	vst v63  }
0xc1: {  	_ = 	snop  }
0xc2: {  	[tilespmem:s26], [sflag:$0x9] =	stream.linear.gather [hbm4b:s14+s24], $0x50, $0x38;
	[tilespmem:$0x1E400] =	vst v63  }
0xc3: {  	s14 =	simm.s32 $0x5  }
0xc4: {  	_ =	swait.ge [sflag:s14], $0x50  }
0xc5: {  	[sflag:s14] =	ssyncset.done $0x0  }
0xc6: {  	s30 =	simm.s32 $0xD;
	[sflag:s14] =	ssyncadd.s32 $0xFFFFFFB0  }
0xc7: {  	_ =	swait.ge [sflag:s30], $0x50  }
0xc8: {  	[sflag:s30] =	ssyncset.done $0x0  }
0xc9: {  	s20 =	simm.s32 $0x200;
	s10 =	simm.s32 $0x800;
	[sflag:s30] =	ssyncadd.s32 $0xFFFFFFB0  }
0xca: {  	[tilespmem:s10], [sflag:$0x11] =	stream.indirect.gather [hbm4b:s31+s25], $0x80, s20, s25, $0xb8;
	[tilespmem:$0x1E400] =	vst v63  }
0xcb: {  	s20 =	simm.s32 $0x13  }
0xcc: {  	_ =	swait.ge [sflag:s20], $0x2800  }
0xcd: {  	[sflag:s20] =	ssyncset.done $0x0  }
0xce: {  	s30 =	simm.s32 $0x500;
	s10 =	simm.s32 $0x16;
	[sflag:s20] =	ssyncadd.s32 $0xFFFFD800  }
0xcf: {  	[spmem:s21] =	stream.indirect.scatter.add.f32 [tilespmem:s8], [sflag:$0x17], $0x80, s30, s25, $0xb8;
	[tilespmem:$0x1E400] =	vst v63  }
0xd0: {  	_ =	swait.ge [sflag:s10], $0x2800  }
0xd1: {  	s0 =	sld [smem:$0x7EA]  }
0xd2: {  	[sflag:s10] =	ssyncset.done $0x0  }
0xd3: {  	s28 =	simm.s32 $0x80;
	s8 =	sld [smem:$0x7EB];
	[sflag:s10] =	ssyncadd.s32 $0xFFFFD800  }
0xd4: {  	[tilespmem:s28], [sflag:$0x2] =	stream.linear.gather [hbm4b:s0+s24], $0x50, $0x38;
	[tilespmem:$0x1E400] =	vst v63  }
0xd5: {  	_ = 	snop  }
0xd6: {  	[tilespmem:s13], [sflag:$0xA] =	stream.linear.gather [hbm4b:s8+s24], $0x50, $0x38;
	[tilespmem:$0x1E400] =	vst v63  }
0xd7: {  	s13 =	simm.s32 $0x6  }
0xd8: {  	_ =	swait.ge [sflag:s13], $0x50  }
0xd9: {  	[sflag:s13] =	ssyncset.done $0x0  }
0xda: {  	s28 =	simm.s32 $0xE;
	[sflag:s13] =	ssyncadd.s32 $0xFFFFFFB0  }
0xdb: {  	_ =	swait.ge [sflag:s28], $0x50  }
0xdc: {  	[sflag:s28] =	ssyncset.done $0x0  }
0xdd: {  	s29 =	simm.s32 $0x280;
	[sflag:s28] =	ssyncadd.s32 $0xFFFFFFB0;
	s28 =	simm.s32 $0x14  }
0xde: {  	[tilespmem:s2], [sflag:$0x12] =	stream.indirect.gather [hbm4b:s31+s25], $0x80, s29, s25, $0xb8;
	[tilespmem:$0x1E400] =	vst v63  }
0xdf: {  	_ =	swait.ge [sflag:s28], $0x2800  }
0xe0: {  	[sflag:s28] =	ssyncset.done $0x0  }
0xe1: {  	s26 =	simm.s32 $0x8000;
	s29 =	simm.s32 $0x580;
	[sflag:s28] =	ssyncadd.s32 $0xFFFFD800  }
0xe2: {  	[spmem:s21] =	stream.indirect.scatter.add.f32 [tilespmem:s26], [sflag:$0x18], $0x80, s29, s25, $0xb8;
	[tilespmem:$0x1E400] =	vst v63  }
0xe3: {  	s26 =	simm.s32 $0x17  }
0xe4: {  	_ =	swait.ge [sflag:s26], $0x2800  }
0xe5: {  	s6 =	sld [smem:$0x7EC]  }
0xe6: {  	[sflag:s26] =	ssyncset.done $0x0  }
0xe7: {  	s8 =	simm.s32 $0x100;
	[sflag:s26] =	ssyncadd.s32 $0xFFFFD800  }
0xe8: {  	[tilespmem:s8], [sflag:$0x3] =	stream.linear.gather [hbm4b:s6+s24], $0x50, $0x38;
	[tilespmem:$0x1E400] =	vst v63  }
0xe9: {  	s8 =	sld [smem:$0x7ED];
	_ =	sdelay $0x2  }
0xea: {  	[tilespmem:s30], [sflag:$0xB] =	stream.linear.gather [hbm4b:s8+s24], $0x50, $0x38;
	[tilespmem:$0x1E400] =	vst v63  }
0xeb: {  	s30 =	simm.s32 $0x7  }
0xec: {  	_ =	swait.ge [sflag:s30], $0x50  }
0xed: {  	[sflag:s30] =	ssyncset.done $0x0  }
0xee: {  	[sflag:s30] =	ssyncadd.s32 $0xFFFFFFB0;
	s30 =	simm.s32 $0xF  }
0xef: {  	_ =	swait.ge [sflag:s30], $0x50  }
0xf0: {  	s16 =	simm.s32 $0x11;
	[sflag:s30] =	ssyncset.done $0x0  }
0xf1: {  	s0 =	simm.s32 $0x5800;
	s2 =	simm.s32 $0x300;
	[sflag:s30] =	ssyncadd.s32 $0xFFFFFFB0  }
0xf2: {  	[tilespmem:s0], [sflag:$0x13] =	stream.indirect.gather [hbm4b:s31+s25], $0x80, s2, s25, $0xb8;
	[tilespmem:$0x1E400] =	vst v63  }
0xf3: {  	_ =	swait.ge [sflag:s16], $0x2800  }
0xf4: {  	[sflag:s16] =	ssyncset.done $0x0  }
0xf5: {  	s6 =	simm.s32 $0x800;
	s0 =	simm.s32 $0x18;
	[sflag:s16] =	ssyncadd.s32 $0xFFFFD800  }
0xf6: {  	[spmem:s21] =	stream.indirect.scatter.add.f32 [tilespmem:s6], [sflag:$0x15], $0x80, s22, s25, $0xb8;
	[tilespmem:$0x1E400] =	vst v63  }
0xf7: {  	_ =	swait.ge [sflag:s0], $0x2800  }
0xf8: {  	s6 =	sld [smem:$0x7F0]  }
0xf9: {  	[sflag:s0] =	ssyncset.done $0x0  }
0xfa: {  	s2 =	simm.s32 $0x180;
	[sflag:s0] =	ssyncadd.s32 $0xFFFFD800  }
0xfb: {  	[tilespmem:s2], [sflag:$0x4] =	stream.linear.gather [hbm4b:s6+s24], $0x50, $0x38;
	[tilespmem:$0x1E400] =	vst v63  }
0xfc: {  	s2 =	sld [smem:$0x7F1];
	_ =	sdelay $0x1  }
0xfd: {  	s6 =	simm.s32 $0x8  }
0xfe: {  	[tilespmem:s29], [sflag:$0xC] =	stream.linear.gather [hbm4b:s2+s24], $0x50, $0x38;
	[tilespmem:$0x1E400] =	vst v63  }
0xff: {  	_ =	swait.ge [sflag:s6], $0x50  }
0x100: {  	[sflag:s6] =	ssyncset.done $0x0  }
0x101: {  	s24 =	simm.s32 $0x10;
	[sflag:s6] =	ssyncadd.s32 $0xFFFFFFB0  }
0x102: {  	_ =	swait.ge [sflag:s24], $0x50  }
0x103: {  	[sflag:s24] =	ssyncset.done $0x0  }
0x104: {  	s2 =	simm.s32 $0x8000;
	s29 =	simm.s32 $0x380;
	[sflag:s24] =	ssyncadd.s32 $0xFFFFFFB0  }
0x105: {  	[tilespmem:s2], [sflag:$0x14] =	stream.indirect.gather [hbm4b:s31+s25], $0x80, s29, s25, $0xb8;
	[tilespmem:$0x1E400] =	vst v63  }
0x106: {  	_ =	swait.ge [sflag:s19], $0x2800  }
0x107: {  	[sflag:s19] =	ssyncset.done $0x0  }
0x108: {  	s8 =	simm.s32 $0x3000;
	[sflag:s19] =	ssyncadd.s32 $0xFFFFD800  }
0x109: {  	[spmem:s21] =	stream.indirect.scatter.add.f32 [tilespmem:s8], [sflag:$0x16], $0x80, s18, s25, $0xb8;
	[tilespmem:$0x1E400] =	vst v63  }
0x10a: {  	_ =	swait.ge [sflag:s9], $0x2800  }
0x10b: {  	s8 =	simm.s32 $0x200;
	s6 =	rddreg [dreg:$0x12];
	[sflag:s9] =	ssyncset.done $0x0  }
0x10c: {  	s29 =	rddreg [dreg:$0x11];
	[sflag:s9] =	ssyncadd.s32 $0xFFFFD800;
	s24 =	sadd.s32 $0x0, s6  }
0x10d: {  	[tilespmem:s8], [sflag:$0x5] =	stream.linear.gather [hbm4b:s24+s3], $0x50, $0x38;
	[tilespmem:$0x1E400] =	vst v63  }
0x10e: {  	s22 =	simm.s32 $0x600;
	s29 =	sadd.s32 $0x0, s29  }
0x10f: {  	[tilespmem:s22], [sflag:$0xD] =	stream.linear.gather [hbm4b:s29+s3], $0x50, $0x38;
	[tilespmem:$0x1E400] =	vst v63  }
0x110: {  	_ =	swait.ge [sflag:s5], $0x50  }
0x111: {  	[sflag:s5] =	ssyncset.done $0x0  }
0x112: {  	[sflag:s5] =	ssyncadd.s32 $0xFFFFFFB0  }
0x113: {  	_ =	swait.ge [sflag:s11], $0x50  }
0x114: {  	[sflag:s11] =	ssyncset.done $0x0  }
0x115: {  	[sflag:s11] =	ssyncadd.s32 $0xFFFFFFB0;
	s11 =	simm.s32 $0x800  }
0x116: {  	[tilespmem:s11], [sflag:$0x11] =	stream.indirect.gather [hbm4b:s31+s25], $0x80, s3, s25, $0xb8;
	[tilespmem:$0x1E400] =	vst v63  }
0x117: {  	_ =	swait.ge [sflag:s20], $0x2800  }
0x118: {  	[sflag:s20] =	ssyncset.done $0x0  }
0x119: {  	s22 =	simm.s32 $0x5800;
	[sflag:s20] =	ssyncadd.s32 $0xFFFFD800  }
0x11a: {  	[spmem:s21] =	stream.indirect.scatter.add.f32 [tilespmem:s22], [sflag:$0x17], $0x80, s17, s25, $0xb8;
	[tilespmem:$0x1E400] =	vst v63  }
0x11b: {  	_ =	swait.ge [sflag:s10], $0x2800  }
0x11c: {  	s8 =	simm.s32 $0x280;
	s5 =	rddreg [dreg:$0x10];
	[sflag:s10] =	ssyncset.done $0x0  }
0x11d: {  	s6 =	rddreg [dreg:$0xf];
	[sflag:s10] =	ssyncadd.s32 $0xFFFFD800;
	s24 =	sadd.s32 $0x0, s5  }
0x11e: {  	[tilespmem:s8], [sflag:$0x6] =	stream.linear.gather [hbm4b:s24+s3], $0x50, $0x38;
	[tilespmem:$0x1E400] =	vst v63  }
0x11f: {  	s29 =	sadd.s32 $0x0, s6  }
0x120: {  	[tilespmem:s18], [sflag:$0xE] =	stream.linear.gather [hbm4b:s29+s3], $0x50, $0x38;
	[tilespmem:$0x1E400] =	vst v63  }
0x121: {  	_ =	swait.ge [sflag:s1], $0x50  }
0x122: {  	[sflag:s1] =	ssyncset.done $0x0  }
0x123: {  	[sflag:s1] =	ssyncadd.s32 $0xFFFFFFB0  }
0x124: {  	_ =	swait.ge [sflag:s4], $0x50  }
0x125: {  	[sflag:s4] =	ssyncset.done $0x0  }
0x126: {  	s6 =	simm.s32 $0x3000;
	s18 =	simm.s32 $0x80;
	[sflag:s4] =	ssyncadd.s32 $0xFFFFFFB0  }
0x127: {  	[tilespmem:s6], [sflag:$0x12] =	stream.indirect.gather [hbm4b:s31+s25], $0x80, s18, s25, $0xb8;
	[tilespmem:$0x1E400] =	vst v63  }
0x128: {  	_ =	swait.ge [sflag:s28], $0x2800  }
0x129: {  	[sflag:s28] =	ssyncset.done $0x0  }
0x12a: {  	s4 =	simm.s32 $0x780;
	[sflag:s28] =	ssyncadd.s32 $0xFFFFD800  }
0x12b: {  	[spmem:s21] =	stream.indirect.scatter.add.f32 [tilespmem:s2], [sflag:$0x18], $0x80, s4, s25, $0xb8;
	[tilespmem:$0x1E400] =	vst v63  }
0x12c: {  	_ =	swait.ge [sflag:s26], $0x2800  }
0x12d: {  	s5 =	simm.s32 $0x300;
	s1 =	rddreg [dreg:$0xe];
	[sflag:s26] =	ssyncset.done $0x0  }
0x12e: {  	s2 =	rddreg [dreg:$0xd];
	[sflag:s26] =	ssyncadd.s32 $0xFFFFD800;
	s24 =	sadd.s32 $0x0, s1  }
0x12f: {  	[tilespmem:s5], [sflag:$0x7] =	stream.linear.gather [hbm4b:s24+s3], $0x50, $0x38;
	[tilespmem:$0x1E400] =	vst v63  }
0x130: {  	s29 =	sadd.s32 $0x0, s2  }
0x131: {  	[tilespmem:s17], [sflag:$0xF] =	stream.linear.gather [hbm4b:s29+s3], $0x50, $0x38;
	[tilespmem:$0x1E400] =	vst v63  }
0x132: {  	_ =	swait.ge [sflag:s7], $0x50  }
0x133: {  	[sflag:s7] =	ssyncset.done $0x0  }
0x134: {  	[sflag:s7] =	ssyncadd.s32 $0xFFFFFFB0  }
0x135: {  	_ =	swait.ge [sflag:s23], $0x50  }
0x136: {  	[sflag:s23] =	ssyncset.done $0x0  }
0x137: {  	s5 =	simm.s32 $0x100;
	[sflag:s23] =	ssyncadd.s32 $0xFFFFFFB0  }
0x138: {  	[tilespmem:s22], [sflag:$0x13] =	stream.indirect.gather [hbm4b:s31+s25], $0x80, s5, s25, $0xb8;
	[tilespmem:$0x1E400] =	vst v63  }
0x139: {  	_ =	swait.ge [sflag:s16], $0x2800  }
0x13a: {  	[sflag:s16] =	ssyncset.done $0x0  }
0x13b: {  	s17 =	simm.s32 $0x400;
	[sflag:s16] =	ssyncadd.s32 $0xFFFFD800  }
0x13c: {  	[spmem:s21] =	stream.indirect.scatter.add.f32 [tilespmem:s11], [sflag:$0x15], $0x80, s17, s25, $0xb8;
	[tilespmem:$0x1E400] =	vst v63  }
0x13d: {  	_ =	swait.ge [sflag:s0], $0x2800  }
0x13e: {  	s1 =	rddreg [dreg:$0xc]  }
0x13f: {  	[sflag:s0] =	ssyncset.done $0x0;
	s11 =	rddreg [dreg:$0xb]  }
0x140: {  	[sflag:s0] =	ssyncadd.s32 $0xFFFFD800;
	s24 =	sadd.s32 $0x0, s1;
	s1 =	simm.s32 $0x380  }
0x141: {  	[tilespmem:s1], [sflag:$0x8] =	stream.linear.gather [hbm4b:s24+s3], $0x50, $0x38;
	[tilespmem:$0x1E400] =	vst v63  }
0x142: {  	s22 =	sadd.s32 $0x0, s11  }
0x143: {  	[tilespmem:s4], [sflag:$0x10] =	stream.linear.gather [hbm4b:s22+s3], $0x50, $0x38;
	[tilespmem:$0x1E400] =	vst v63  }
0x144: {  	_ =	swait.ge [sflag:s15], $0x50  }
0x145: {  	[sflag:s15] =	ssyncset.done $0x0  }
0x146: {  	[sflag:s15] =	ssyncadd.s32 $0xFFFFFFB0  }
0x147: {  	_ =	swait.ge [sflag:s12], $0x50  }
0x148: {  	[sflag:s12] =	ssyncset.done $0x0  }
0x149: {  	s8 =	simm.s32 $0x8000;
	s4 =	simm.s32 $0x180;
	[sflag:s12] =	ssyncadd.s32 $0xFFFFFFB0  }
0x14a: {  	[tilespmem:s8], [sflag:$0x14] =	stream.indirect.gather [hbm4b:s31+s25], $0x80, s4, s25, $0xb8;
	[tilespmem:$0x1E400] =	vst v63  }
0x14b: {  	_ =	swait.ge [sflag:s19], $0x2800  }
0x14c: {  	[sflag:s19] =	ssyncset.done $0x0  }
0x14d: {  	s11 =	simm.s32 $0x480;
	[sflag:s19] =	ssyncadd.s32 $0xFFFFD800  }
0x14e: {  	[spmem:s21] =	stream.indirect.scatter.add.f32 [tilespmem:s6], [sflag:$0x16], $0x80, s11, s25, $0xb8;
	[tilespmem:$0x1E400] =	vst v63  }
0x14f: {  	_ =	swait.ge [sflag:s9], $0x2800  }
0x150: {  	s23 =	rddreg [dreg:$0xa];
	[sflag:s9] =	ssyncset.done $0x0  }
0x151: {  	s6 =	rddreg [dreg:$0x9];
	[sflag:s9] =	ssyncadd.s32 $0xFFFFD800;
	s24 =	sadd.s32 $0x0, s23  }
0x152: {  	[tilespmem:s3], [sflag:$0x1] =	stream.linear.gather [hbm4b:s24+s3], $0x50, $0x38;
	[tilespmem:$0x1E400] =	vst v63  }
0x153: {  	s9 =	sadd.s32 $0x0, s6  }
0x154: {  	[tilespmem:s17], [sflag:$0x9] =	stream.linear.gather [hbm4b:s9+s3], $0x50, $0x38;
	[tilespmem:$0x1E400] =	vst v63  }
0x155: {  	_ =	swait.ge [sflag:s14], $0x50  }
0x156: {  	[sflag:s14] =	ssyncset.done $0x0  }
0x157: {  	s15 =	simm.s32 $0xD;
	[sflag:s14] =	ssyncadd.s32 $0xFFFFFFB0  }
0x158: {  	_ =	swait.ge [sflag:s15], $0x50  }
0x159: {  	[sflag:s15] =	ssyncset.done $0x0  }
0x15a: {  	s7 =	simm.s32 $0x800;
	s17 =	simm.s32 $0x200;
	[sflag:s15] =	ssyncadd.s32 $0xFFFFFFB0  }
0x15b: {  	[tilespmem:s7], [sflag:$0x11] =	stream.indirect.gather [hbm4b:s31+s25], $0x80, s17, s25, $0xb8;
	[tilespmem:$0x1E400] =	vst v63  }
0x15c: {  	_ =	swait.ge [sflag:s20], $0x2800  }
0x15d: {  	[sflag:s20] =	ssyncset.done $0x0  }
0x15e: {  	s2 =	simm.s32 $0x5800;
	[sflag:s20] =	ssyncadd.s32 $0xFFFFD800;
	s20 =	simm.s32 $0x500  }
0x15f: {  	[spmem:s21] =	stream.indirect.scatter.add.f32 [tilespmem:s2], [sflag:$0x17], $0x80, s20, s25, $0xb8;
	[tilespmem:$0x1E400] =	vst v63  }
0x160: {  	_ =	swait.ge [sflag:s10], $0x2800  }
0x161: {  	s22 =	rddreg [dreg:$0x8];
	[sflag:s10] =	ssyncset.done $0x0  }
0x162: {  	s23 =	rddreg [dreg:$0x7];
	[sflag:s10] =	ssyncadd.s32 $0xFFFFD800;
	s24 =	sadd.s32 $0x0, s22  }
0x163: {  	[tilespmem:s18], [sflag:$0x2] =	stream.linear.gather [hbm4b:s24+s3], $0x50, $0x38;
	[tilespmem:$0x1E400] =	vst v63  }
0x164: {  	s6 =	sadd.s32 $0x0, s23  }
0x165: {  	[tilespmem:s11], [sflag:$0xA] =	stream.linear.gather [hbm4b:s6+s3], $0x50, $0x38;
	[tilespmem:$0x1E400] =	vst v63  }
0x166: {  	_ =	swait.ge [sflag:s13], $0x50  }
0x167: {  	[sflag:s13] =	ssyncset.done $0x0  }
0x168: {  	s10 =	simm.s32 $0xE;
	[sflag:s13] =	ssyncadd.s32 $0xFFFFFFB0  }
0x169: {  	_ =	swait.ge [sflag:s10], $0x50  }
0x16a: {  	[sflag:s10] =	ssyncset.done $0x0  }
0x16b: {  	s8 =	simm.s32 $0x3000;
	s11 =	simm.s32 $0x280;
	[sflag:s10] =	ssyncadd.s32 $0xFFFFFFB0  }
0x16c: {  	[tilespmem:s8], [sflag:$0x12] =	stream.indirect.gather [hbm4b:s31+s25], $0x80, s11, s25, $0xb8;
	[tilespmem:$0x1E400] =	vst v63  }
0x16d: {  	_ =	swait.ge [sflag:s28], $0x2800  }
0x16e: {  	[sflag:s28] =	ssyncset.done $0x0  }
0x16f: {  	s12 =	simm.s32 $0x8000;
	s13 =	simm.s32 $0x580;
	[sflag:s28] =	ssyncadd.s32 $0xFFFFD800  }
0x170: {  	[spmem:s21] =	stream.indirect.scatter.add.f32 [tilespmem:s12], [sflag:$0x18], $0x80, s13, s25, $0xb8;
	[tilespmem:$0x1E400] =	vst v63  }
0x171: {  	_ =	swait.ge [sflag:s26], $0x2800  }
0x172: {  	s14 =	rddreg [dreg:$0x6];
	[sflag:s26] =	ssyncset.done $0x0  }
0x173: {  	s15 =	rddreg [dreg:$0x5];
	[sflag:s26] =	ssyncadd.s32 $0xFFFFD800;
	s24 =	sadd.s32 $0x0, s14  }
0x174: {  	[tilespmem:s5], [sflag:$0x3] =	stream.linear.gather [hbm4b:s24+s3], $0x50, $0x38;
	[tilespmem:$0x1E400] =	vst v63  }
0x175: {  	s18 =	simm.s32 $0x7;
	s17 =	sadd.s32 $0x0, s15  }
0x176: {  	[tilespmem:s20], [sflag:$0xB] =	stream.linear.gather [hbm4b:s17+s3], $0x50, $0x38;
	[tilespmem:$0x1E400] =	vst v63  }
0x177: {  	_ =	swait.ge [sflag:s18], $0x50  }
0x178: {  	[sflag:s18] =	ssyncset.done $0x0  }
0x179: {  	[sflag:s18] =	ssyncadd.s32 $0xFFFFFFB0  }
0x17a: {  	_ =	swait.ge [sflag:s30], $0x50  }
0x17b: {  	[sflag:s30] =	ssyncset.done $0x0  }
0x17c: {  	s20 =	simm.s32 $0x300;
	[sflag:s30] =	ssyncadd.s32 $0xFFFFFFB0  }
0x17d: {  	[tilespmem:s2], [sflag:$0x13] =	stream.indirect.gather [hbm4b:s31+s25], $0x80, s20, s25, $0xb8;
	[tilespmem:$0x1E400] =	vst v63  }
0x17e: {  	_ =	swait.ge [sflag:s16], $0x2800  }
0x17f: {  	[sflag:s16] =	ssyncset.done $0x0  }
0x180: {  	s22 =	simm.s32 $0x600;
	[sflag:s16] =	ssyncadd.s32 $0xFFFFD800  }
0x181: {  	[spmem:s21] =	stream.indirect.scatter.add.f32 [tilespmem:s7], [sflag:$0x15], $0x80, s22, s25, $0xb8;
	[tilespmem:$0x1E400] =	vst v63  }
0x182: {  	_ =	swait.ge [sflag:s0], $0x2800  }
0x183: {  	s23 =	rddreg [dreg:$0x4];
	[sflag:s0] =	ssyncset.done $0x0  }
0x184: {  	s26 =	rddreg [dreg:$0x3];
	[sflag:s0] =	ssyncadd.s32 $0xFFFFD800;
	s24 =	sadd.s32 $0x0, s23  }
0x185: {  	[tilespmem:s4], [sflag:$0x4] =	stream.linear.gather [hbm4b:s24+s3], $0x50, $0x38;
	[tilespmem:$0x1E400] =	vst v63  }
0x186: {  	s29 =	simm.s32 $0x8;
	s28 =	sadd.s32 $0x0, s26  }
0x187: {  	[tilespmem:s13], [sflag:$0xC] =	stream.linear.gather [hbm4b:s28+s3], $0x50, $0x38;
	[tilespmem:$0x1E400] =	vst v63  }
0x188: {  	_ =	swait.ge [sflag:s29], $0x50  }
0x189: {  	[sflag:s29] =	ssyncset.done $0x0  }
0x18a: {  	s30 =	simm.s32 $0x10;
	[sflag:s29] =	ssyncadd.s32 $0xFFFFFFB0  }
0x18b: {  	_ =	swait.ge [sflag:s30], $0x50  }
0x18c: {  	[sflag:s30] =	ssyncset.done $0x0  }
0x18d: {  	[sflag:s30] =	ssyncadd.s32 $0xFFFFFFB0  }
0x18e: {  	[tilespmem:s12], [sflag:$0x14] =	stream.indirect.gather [hbm4b:s31+s25], $0x80, s1, s25, $0xb8;
	[tilespmem:$0x1E400] =	vst v63  }
0x18f: {  	_ =	swait.ge [sflag:s19], $0x2800  }
0x190: {  	[sflag:s19] =	ssyncset.done $0x0  }
0x191: {  	s24 =	simm.s32 $0x50;
	[sflag:s19] =	ssyncadd.s32 $0xFFFFD800  }
.LBB2_4:
0x192: {  	s4 =	simm.s32 $0x3000;
	s0 =	simm.s32 $0x680;
	s11 =	simm.s32 $0x15  }
0x193: {  	[spmem:s21] =	stream.indirect.scatter.add.f32 [tilespmem:s4], [sflag:$0x16], $0x80, s0, s25, $0xb8;
	[tilespmem:$0x1E400] =	vst v63  }
0x194: {  	s29 =	smov.u32 s24;
	_ =	swait.ge [sflag:s11], $0x2800  }
0x195: {  	s12 =	simm.s32 $0x200;
	s30 =	rddreg [dreg:$0x12];
	[sflag:s11] =	ssyncset.done $0x0  }
0x196: {  	s6 =	rddreg [dreg:$0x11];
	[sflag:s11] =	ssyncadd.s32 $0xFFFFD800;
	s30 =	sadd.s32 s29, s30  }
0x197: {  	[tilespmem:s12], [sflag:$0x5] =	stream.linear.gather [hbm4b:s30+s3], $0x50, $0x38;
	[tilespmem:$0x1E400] =	vst v63  }
0x198: {  	s2 =	simm.s32 $0x600;
	s10 =	simm.s32 $0x1;
	s6 =	sadd.s32 s29, s6  }
0x199: {  	[tilespmem:s2], [sflag:$0xD] =	stream.linear.gather [hbm4b:s6+s3], $0x50, $0x38;
	[tilespmem:$0x1E400] =	vst v63  }
0x19a: {  	_ =	swait.ge [sflag:s10], $0x50  }
0x19b: {  	[sflag:s10] =	ssyncset.done $0x0  }
0x19c: {  	s13 =	simm.s32 $0x9;
	[sflag:s10] =	ssyncadd.s32 $0xFFFFFFB0  }
0x19d: {  	_ =	swait.ge [sflag:s13], $0x50  }
0x19e: {  	s1 =	smov.u32 s21;
	[sflag:s13] =	ssyncset.done $0x0  }
0x19f: {  	s26 =	simm.s32 $0x13;
	s21 =	simm.s32 $0x800;
	[sflag:s13] =	ssyncadd.s32 $0xFFFFFFB0  }
0x1a0: {  	[tilespmem:s21], [sflag:$0x11] =	stream.indirect.gather [hbm4b:s31+s25], $0x80, s3, s25, $0xb8;
	[tilespmem:$0x1E400] =	vst v63  }
0x1a1: {  	_ =	swait.ge [sflag:s26], $0x2800  }
0x1a2: {  	s15 =	simm.s32 $0x700;
	[sflag:s26] =	ssyncset.done $0x0  }
0x1a3: {  	s10 =	simm.s32 $0x16;
	s13 =	simm.s32 $0x5800;
	[sflag:s26] =	ssyncadd.s32 $0xFFFFD800  }
0x1a4: {  	[spmem:s1] =	stream.indirect.scatter.add.f32 [tilespmem:s13], [sflag:$0x17], $0x80, s15, s25, $0xb8;
	[tilespmem:$0x1E400] =	vst v63  }
0x1a5: {  	_ =	swait.ge [sflag:s10], $0x2800  }
0x1a6: {  	s9 =	simm.s32 $0x280;
	s14 =	rddreg [dreg:$0x10];
	[sflag:s10] =	ssyncset.done $0x0  }
0x1a7: {  	s16 =	rddreg [dreg:$0xf];
	[sflag:s10] =	ssyncadd.s32 $0xFFFFD800;
	s6 =	sadd.s32 s29, s14  }
0x1a8: {  	[tilespmem:s9], [sflag:$0x6] =	stream.linear.gather [hbm4b:s6+s3], $0x50, $0x38;
	[tilespmem:$0x1E400] =	vst v63  }
0x1a9: {  	s18 =	simm.s32 $0x2;
	s17 =	sadd.s32 s29, s16  }
0x1aa: {  	[tilespmem:s0], [sflag:$0xE] =	stream.linear.gather [hbm4b:s17+s3], $0x50, $0x38;
	[tilespmem:$0x1E400] =	vst v63  }
0x1ab: {  	_ =	swait.ge [sflag:s18], $0x50  }
0x1ac: {  	[sflag:s18] =	ssyncset.done $0x0  }
0x1ad: {  	s19 =	simm.s32 $0xA;
	[sflag:s18] =	ssyncadd.s32 $0xFFFFFFB0  }
0x1ae: {  	_ =	swait.ge [sflag:s19], $0x50  }
0x1af: {  	[sflag:s19] =	ssyncset.done $0x0  }
0x1b0: {  	s14 =	simm.s32 $0x80;
	s0 =	simm.s32 $0x14;
	[sflag:s19] =	ssyncadd.s32 $0xFFFFFFB0  }
0x1b1: {  	[tilespmem:s4], [sflag:$0x12] =	stream.indirect.gather [hbm4b:s31+s25], $0x80, s14, s25, $0xb8;
	[tilespmem:$0x1E400] =	vst v63  }
0x1b2: {  	_ =	swait.ge [sflag:s0], $0x2800  }
0x1b3: {  	s8 =	simm.s32 $0x8000;
	[sflag:s0] =	ssyncset.done $0x0  }
0x1b4: {  	s5 =	simm.s32 $0x780;
	s28 =	simm.s32 $0x17;
	[sflag:s0] =	ssyncadd.s32 $0xFFFFD800  }
0x1b5: {  	[spmem:s1] =	stream.indirect.scatter.add.f32 [tilespmem:s8], [sflag:$0x18], $0x80, s5, s25, $0xb8;
	[tilespmem:$0x1E400] =	vst v63  }
0x1b6: {  	_ =	swait.ge [sflag:s28], $0x2800  }
0x1b7: {  	s7 =	simm.s32 $0x300;
	s20 =	rddreg [dreg:$0xe];
	[sflag:s28] =	ssyncset.done $0x0  }
0x1b8: {  	s22 =	rddreg [dreg:$0xd];
	[sflag:s28] =	ssyncadd.s32 $0xFFFFD800;
	s6 =	sadd.s32 s29, s20  }
0x1b9: {  	[tilespmem:s7], [sflag:$0x7] =	stream.linear.gather [hbm4b:s6+s3], $0x50, $0x38;
	[tilespmem:$0x1E400] =	vst v63  }
0x1ba: {  	s30 =	simm.s32 $0x3;
	s23 =	sadd.s32 s29, s22  }
0x1bb: {  	[tilespmem:s15], [sflag:$0xF] =	stream.linear.gather [hbm4b:s23+s3], $0x50, $0x38;
	[tilespmem:$0x1E400] =	vst v63  }
0x1bc: {  	_ =	swait.ge [sflag:s30], $0x50  }
0x1bd: {  	[sflag:s30] =	ssyncset.done $0x0  }
0x1be: {  	s6 =	simm.s32 $0xB;
	[sflag:s30] =	ssyncadd.s32 $0xFFFFFFB0  }
0x1bf: {  	_ =	swait.ge [sflag:s6], $0x50  }
0x1c0: {  	[sflag:s6] =	ssyncset.done $0x0  }
0x1c1: {  	s2 =	simm.s32 $0x100;
	s19 =	simm.s32 $0x11;
	[sflag:s6] =	ssyncadd.s32 $0xFFFFFFB0  }
0x1c2: {  	[tilespmem:s13], [sflag:$0x13] =	stream.indirect.gather [hbm4b:s31+s25], $0x80, s2, s25, $0xb8;
	[tilespmem:$0x1E400] =	vst v63  }
0x1c3: {  	_ =	swait.ge [sflag:s19], $0x2800  }
0x1c4: {  	[sflag:s19] =	ssyncset.done $0x0  }
0x1c5: {  	s16 =	simm.s32 $0x18;
	s18 =	simm.s32 $0x400;
	[sflag:s19] =	ssyncadd.s32 $0xFFFFD800  }
0x1c6: {  	[spmem:s1] =	stream.indirect.scatter.add.f32 [tilespmem:s21], [sflag:$0x15], $0x80, s18, s25, $0xb8;
	[tilespmem:$0x1E400] =	vst v63  }
0x1c7: {  	_ =	swait.ge [sflag:s16], $0x2800  }
0x1c8: {  	s22 =	simm.s32 $0x380;
	s15 =	rddreg [dreg:$0xc];
	[sflag:s16] =	ssyncset.done $0x0  }
0x1c9: {  	s17 =	rddreg [dreg:$0xb];
	[sflag:s16] =	ssyncadd.s32 $0xFFFFD800;
	s6 =	sadd.s32 s29, s15  }
0x1ca: {  	[tilespmem:s22], [sflag:$0x8] =	stream.linear.gather [hbm4b:s6+s3], $0x50, $0x38;
	[tilespmem:$0x1E400] =	vst v63  }
0x1cb: {  	s30 =	simm.s32 $0x4;
	s20 =	sadd.s32 s29, s17  }
0x1cc: {  	[tilespmem:s5], [sflag:$0x10] =	stream.linear.gather [hbm4b:s20+s3], $0x50, $0x38;
	[tilespmem:$0x1E400] =	vst v63  }
0x1cd: {  	_ =	swait.ge [sflag:s30], $0x50  }
0x1ce: {  	[sflag:s30] =	ssyncset.done $0x0  }
0x1cf: {  	s6 =	simm.s32 $0xC;
	[sflag:s30] =	ssyncadd.s32 $0xFFFFFFB0  }
0x1d0: {  	_ =	swait.ge [sflag:s6], $0x50  }
0x1d1: {  	[sflag:s6] =	ssyncset.done $0x0  }
0x1d2: {  	s5 =	simm.s32 $0x180;
	s20 =	simm.s32 $0x12;
	[sflag:s6] =	ssyncadd.s32 $0xFFFFFFB0  }
0x1d3: {  	[tilespmem:s8], [sflag:$0x14] =	stream.indirect.gather [hbm4b:s31+s25], $0x80, s5, s25, $0xb8;
	[tilespmem:$0x1E400] =	vst v63  }
0x1d4: {  	_ =	swait.ge [sflag:s20], $0x2800  }
0x1d5: {  	[sflag:s20] =	ssyncset.done $0x0  }
0x1d6: {  	s17 =	simm.s32 $0x480;
	[sflag:s20] =	ssyncadd.s32 $0xFFFFD800  }
0x1d7: {  	[spmem:s1] =	stream.indirect.scatter.add.f32 [tilespmem:s4], [sflag:$0x16], $0x80, s17, s25, $0xb8;
	[tilespmem:$0x1E400] =	vst v63  }
0x1d8: {  	_ =	swait.ge [sflag:s11], $0x2800  }
0x1d9: {  	s6 =	rddreg [dreg:$0xa];
	[sflag:s11] =	ssyncset.done $0x0  }
0x1da: {  	s15 =	rddreg [dreg:$0x9];
	[sflag:s11] =	ssyncadd.s32 $0xFFFFD800;
	s6 =	sadd.s32 s29, s6  }
0x1db: {  	[tilespmem:s3], [sflag:$0x1] =	stream.linear.gather [hbm4b:s6+s3], $0x50, $0x38;
	[tilespmem:$0x1E400] =	vst v63  }
0x1dc: {  	s30 =	simm.s32 $0x5;
	s15 =	sadd.s32 s29, s15  }
0x1dd: {  	[tilespmem:s18], [sflag:$0x9] =	stream.linear.gather [hbm4b:s15+s3], $0x50, $0x38;
	[tilespmem:$0x1E400] =	vst v63  }
0x1de: {  	_ =	swait.ge [sflag:s30], $0x50  }
0x1df: {  	[sflag:s30] =	ssyncset.done $0x0  }
0x1e0: {  	s15 =	simm.s32 $0xD;
	[sflag:s30] =	ssyncadd.s32 $0xFFFFFFB0  }
0x1e1: {  	_ =	swait.ge [sflag:s15], $0x50  }
0x1e2: {  	[sflag:s15] =	ssyncset.done $0x0  }
0x1e3: {  	[sflag:s15] =	ssyncadd.s32 $0xFFFFFFB0  }
0x1e4: {  	[tilespmem:s21], [sflag:$0x11] =	stream.indirect.gather [hbm4b:s31+s25], $0x80, s12, s25, $0xb8;
	[tilespmem:$0x1E400] =	vst v63  }
0x1e5: {  	_ =	swait.ge [sflag:s26], $0x2800  }
0x1e6: {  	[sflag:s26] =	ssyncset.done $0x0  }
0x1e7: {  	s12 =	simm.s32 $0x500;
	[sflag:s26] =	ssyncadd.s32 $0xFFFFD800  }
0x1e8: {  	[spmem:s1] =	stream.indirect.scatter.add.f32 [tilespmem:s13], [sflag:$0x17], $0x80, s12, s25, $0xb8;
	[tilespmem:$0x1E400] =	vst v63  }
0x1e9: {  	_ =	swait.ge [sflag:s10], $0x2800  }
0x1ea: {  	s18 =	rddreg [dreg:$0x8];
	[sflag:s10] =	ssyncset.done $0x0  }
0x1eb: {  	s26 =	rddreg [dreg:$0x7];
	[sflag:s10] =	ssyncadd.s32 $0xFFFFD800;
	s6 =	sadd.s32 s29, s18  }
0x1ec: {  	[tilespmem:s14], [sflag:$0x2] =	stream.linear.gather [hbm4b:s6+s3], $0x50, $0x38;
	[tilespmem:$0x1E400] =	vst v63  }
0x1ed: {  	s14 =	sadd.s32 s29, s26  }
0x1ee: {  	[tilespmem:s17], [sflag:$0xA] =	stream.linear.gather [hbm4b:s14+s3], $0x50, $0x38;
	[tilespmem:$0x1E400] =	vst v63  }
0x1ef: {  	s17 =	simm.s32 $0x6  }
0x1f0: {  	_ =	swait.ge [sflag:s17], $0x50  }
0x1f1: {  	[sflag:s17] =	ssyncset.done $0x0  }
0x1f2: {  	s26 =	simm.s32 $0xE;
	[sflag:s17] =	ssyncadd.s32 $0xFFFFFFB0  }
0x1f3: {  	_ =	swait.ge [sflag:s26], $0x50  }
0x1f4: {  	[sflag:s26] =	ssyncset.done $0x0  }
0x1f5: {  	[sflag:s26] =	ssyncadd.s32 $0xFFFFFFB0  }
0x1f6: {  	[tilespmem:s4], [sflag:$0x12] =	stream.indirect.gather [hbm4b:s31+s25], $0x80, s9, s25, $0xb8;
	[tilespmem:$0x1E400] =	vst v63  }
0x1f7: {  	_ =	swait.ge [sflag:s0], $0x2800  }
0x1f8: {  	[sflag:s0] =	ssyncset.done $0x0  }
0x1f9: {  	s30 =	simm.s32 $0x580;
	[sflag:s0] =	ssyncadd.s32 $0xFFFFD800  }
0x1fa: {  	[spmem:s1] =	stream.indirect.scatter.add.f32 [tilespmem:s8], [sflag:$0x18], $0x80, s30, s25, $0xb8;
	[tilespmem:$0x1E400] =	vst v63  }
0x1fb: {  	_ =	swait.ge [sflag:s28], $0x2800  }
0x1fc: {  	s0 =	rddreg [dreg:$0x6];
	[sflag:s28] =	ssyncset.done $0x0  }
0x1fd: {  	s4 =	rddreg [dreg:$0x5];
	[sflag:s28] =	ssyncadd.s32 $0xFFFFD800;
	s6 =	sadd.s32 s29, s0  }
0x1fe: {  	[tilespmem:s2], [sflag:$0x3] =	stream.linear.gather [hbm4b:s6+s3], $0x50, $0x38;
	[tilespmem:$0x1E400] =	vst v63  }
0x1ff: {  	s10 =	simm.s32 $0x7;
	s9 =	sadd.s32 s29, s4  }
0x200: {  	[tilespmem:s12], [sflag:$0xB] =	stream.linear.gather [hbm4b:s9+s3], $0x50, $0x38;
	[tilespmem:$0x1E400] =	vst v63  }
0x201: {  	_ =	swait.ge [sflag:s10], $0x50  }
0x202: {  	[sflag:s10] =	ssyncset.done $0x0  }
0x203: {  	s12 =	simm.s32 $0xF;
	[sflag:s10] =	ssyncadd.s32 $0xFFFFFFB0  }
0x204: {  	_ =	swait.ge [sflag:s12], $0x50  }
0x205: {  	[sflag:s12] =	ssyncset.done $0x0  }
0x206: {  	[sflag:s12] =	ssyncadd.s32 $0xFFFFFFB0  }
0x207: {  	[tilespmem:s13], [sflag:$0x13] =	stream.indirect.gather [hbm4b:s31+s25], $0x80, s7, s25, $0xb8;
	[tilespmem:$0x1E400] =	vst v63  }
0x208: {  	_ =	swait.ge [sflag:s19], $0x2800  }
0x209: {  	[sflag:s19] =	ssyncset.done $0x0  }
0x20a: {  	s13 =	simm.s32 $0x600;
	[sflag:s19] =	ssyncadd.s32 $0xFFFFD800  }
0x20b: {  	[spmem:s1] =	stream.indirect.scatter.add.f32 [tilespmem:s21], [sflag:$0x15], $0x80, s13, s25, $0xb8;
	[tilespmem:$0x1E400] =	vst v63  }
0x20c: {  	_ =	swait.ge [sflag:s16], $0x2800  }
0x20d: {  	s19 =	rddreg [dreg:$0x4];
	[sflag:s16] =	ssyncset.done $0x0  }
0x20e: {  	s26 =	rddreg [dreg:$0x3];
	[sflag:s16] =	ssyncadd.s32 $0xFFFFD800;
	s6 =	sadd.s32 s29, s19  }
0x20f: {  	[tilespmem:s5], [sflag:$0x4] =	stream.linear.gather [hbm4b:s6+s3], $0x50, $0x38;
	[tilespmem:$0x1E400] =	vst v63  }
0x210: {  	s7 =	simm.s32 $0x580;
	s28 =	sadd.s32 s29, s26;
	s29 =	simm.s32 $0x8  }
0x211: {  	[tilespmem:s7], [sflag:$0xC] =	stream.linear.gather [hbm4b:s28+s3], $0x50, $0x38;
	[tilespmem:$0x1E400] =	vst v63  }
0x212: {  	_ =	swait.ge [sflag:s29], $0x50  }
0x213: {  	[sflag:s29] =	ssyncset.done $0x0  }
0x214: {  	s30 =	simm.s32 $0x10;
	[sflag:s29] =	ssyncadd.s32 $0xFFFFFFB0  }
0x215: {  	p0 =	sne.s32 s24, $0x410;
	_ =	swait.ge [sflag:s30], $0x50  }
0x216: {  	s24 =	sadd.s32 $0x50, s24;
	s23 =	simm.s32 $0x780;
	[sflag:s30] =	ssyncset.done $0x0  }
.Ltmp1:
0x217: {  	s11 =	simm.s32 $0x400;
	[sflag:s30] =	ssyncadd.s32 $0xFFFFFFB0;
	(pc) =	sbr.rel @p0 .LBB2_4-.Ltmp1, $4  }
0x218: {  	[tilespmem:s8], [sflag:$0x14] =	stream.indirect.gather [hbm4b:s31+s25], $0x80, s22, s25, $0xb8;
	[tilespmem:$0x1E400] =	vst v63  }
0x219: {  	s15 =	simm.s32 $0x80;
	s18 =	simm.s32 $0x480;
	_ =	swait.ge [sflag:s20], $0x2800  }
0x21a: {  	s14 =	simm.s32 $0x100;
	s17 =	simm.s32 $0x500;
	[sflag:s20] =	ssyncset.done $0x0  }
0x21b: {  	s12 =	simm.s32 $0x180;
	s21 =	smov.u32 s1;
	[sflag:s20] =	ssyncadd.s32 $0xFFFFD800  }
0x21c: {  	s13 =	simm.s32 $0x3000;
	s0 =	simm.s32 $0x680;
	s22 =	simm.s32 $0x15  }
0x21d: {  	[spmem:s21] =	stream.indirect.scatter.add.f32 [tilespmem:s13], [sflag:$0x16], $0x80, s0, s25, $0xb8;
	[tilespmem:$0x1E400] =	vst v63  }
0x21e: {  	_ =	swait.ge [sflag:s22], $0x2800  }
0x21f: {  	s6 =	sld [smem:$0x7F3]  }
0x220: {  	[sflag:s22] =	ssyncset.done $0x0  }
0x221: {  	s5 =	simm.s32 $0x200;
	s26 =	sld [smem:$0x7F2];
	[sflag:s22] =	ssyncadd.s32 $0xFFFFD800  }
0x222: {  	[tilespmem:s5], [sflag:$0x5] =	stream.linear.gather [hbm4b:s6+s3], $0x50, $0x38;
	[tilespmem:$0x1E400] =	vst v63  }
0x223: {  	s16 =	simm.s32 $0x600;
	s2 =	simm.s32 $0x1  }
0x224: {  	[tilespmem:s16], [sflag:$0xD] =	stream.linear.gather [hbm4b:s26+s3], $0x50, $0x38;
	[tilespmem:$0x1E400] =	vst v63  }
0x225: {  	_ =	swait.ge [sflag:s2], $0x50  }
0x226: {  	[sflag:s2] =	ssyncset.done $0x0  }
0x227: {  	s28 =	simm.s32 $0x9;
	[sflag:s2] =	ssyncadd.s32 $0xFFFFFFB0  }
0x228: {  	_ =	swait.ge [sflag:s28], $0x50  }
0x229: {  	[sflag:s28] =	ssyncset.done $0x0  }
0x22a: {  	s19 =	simm.s32 $0x13;
	s2 =	simm.s32 $0x800;
	[sflag:s28] =	ssyncadd.s32 $0xFFFFFFB0  }
0x22b: {  	[tilespmem:s2], [sflag:$0x11] =	stream.indirect.gather [hbm4b:s31+s25], $0x80, s3, s25, $0xb8;
	[tilespmem:$0x1E400] =	vst v63  }
0x22c: {  	_ =	swait.ge [sflag:s19], $0x2800  }
0x22d: {  	s29 =	simm.s32 $0x700;
	[sflag:s19] =	ssyncset.done $0x0  }
0x22e: {  	s10 =	simm.s32 $0x16;
	s6 =	simm.s32 $0x5800;
	[sflag:s19] =	ssyncadd.s32 $0xFFFFD800  }
0x22f: {  	[spmem:s1] =	stream.indirect.scatter.add.f32 [tilespmem:s6], [sflag:$0x17], $0x80, s29, s25, $0xb8;
	[tilespmem:$0x1E400] =	vst v63  }
0x230: {  	_ =	swait.ge [sflag:s10], $0x2800  }
0x231: {  	[sflag:s10] =	ssyncset.done $0x0  }
0x232: {  	s4 =	simm.s32 $0x2;
	[sflag:s10] =	ssyncadd.s32 $0xFFFFD800  }
0x233: {  	_ =	swait.ge [sflag:s4], $0x50  }
0x234: {  	[sflag:s4] =	ssyncset.done $0x0  }
0x235: {  	s0 =	simm.s32 $0xA;
	[sflag:s4] =	ssyncadd.s32 $0xFFFFFFB0  }
0x236: {  	_ =	swait.ge [sflag:s0], $0x50  }
0x237: {  	[sflag:s0] =	ssyncset.done $0x0  }
0x238: {  	s4 =	simm.s32 $0x14;
	[sflag:s0] =	ssyncadd.s32 $0xFFFFFFB0  }
0x239: {  	[tilespmem:s13], [sflag:$0x12] =	stream.indirect.gather [hbm4b:s31+s25], $0x80, s15, s25, $0xb8;
	[tilespmem:$0x1E400] =	vst v63  }
0x23a: {  	_ =	swait.ge [sflag:s4], $0x2800  }
0x23b: {  	[sflag:s4] =	ssyncset.done $0x0  }
0x23c: {  	s24 =	simm.s32 $0x17;
	s15 =	simm.s32 $0x8000;
	[sflag:s4] =	ssyncadd.s32 $0xFFFFD800  }
0x23d: {  	[spmem:s1] =	stream.indirect.scatter.add.f32 [tilespmem:s15], [sflag:$0x18], $0x80, s23, s25, $0xb8;
	[tilespmem:$0x1E400] =	vst v63  }
0x23e: {  	_ =	swait.ge [sflag:s24], $0x2800  }
0x23f: {  	[sflag:s24] =	ssyncset.done $0x0  }
0x240: {  	s8 =	simm.s32 $0x3;
	[sflag:s24] =	ssyncadd.s32 $0xFFFFD800  }
0x241: {  	_ =	swait.ge [sflag:s8], $0x50  }
0x242: {  	[sflag:s8] =	ssyncset.done $0x0  }
0x243: {  	s26 =	simm.s32 $0xB;
	[sflag:s8] =	ssyncadd.s32 $0xFFFFFFB0  }
0x244: {  	_ =	swait.ge [sflag:s26], $0x50  }
0x245: {  	[sflag:s26] =	ssyncset.done $0x0  }
0x246: {  	s28 =	simm.s32 $0x11;
	[sflag:s26] =	ssyncadd.s32 $0xFFFFFFB0  }
0x247: {  	[tilespmem:s6], [sflag:$0x13] =	stream.indirect.gather [hbm4b:s31+s25], $0x80, s14, s25, $0xb8;
	[tilespmem:$0x1E400] =	vst v63  }
0x248: {  	_ =	swait.ge [sflag:s28], $0x2800  }
0x249: {  	[sflag:s28] =	ssyncset.done $0x0  }
0x24a: {  	s9 =	simm.s32 $0x18;
	[sflag:s28] =	ssyncadd.s32 $0xFFFFD800  }
0x24b: {  	[spmem:s1] =	stream.indirect.scatter.add.f32 [tilespmem:s2], [sflag:$0x15], $0x80, s11, s25, $0xb8;
	[tilespmem:$0x1E400] =	vst v63  }
0x24c: {  	_ =	swait.ge [sflag:s9], $0x2800  }
0x24d: {  	[sflag:s9] =	ssyncset.done $0x0  }
0x24e: {  	s29 =	simm.s32 $0x4;
	[sflag:s9] =	ssyncadd.s32 $0xFFFFD800  }
0x24f: {  	_ =	swait.ge [sflag:s29], $0x50  }
0x250: {  	[sflag:s29] =	ssyncset.done $0x0  }
0x251: {  	s11 =	simm.s32 $0xC;
	[sflag:s29] =	ssyncadd.s32 $0xFFFFFFB0  }
0x252: {  	_ =	swait.ge [sflag:s11], $0x50  }
0x253: {  	[sflag:s11] =	ssyncset.done $0x0  }
0x254: {  	s20 =	simm.s32 $0x12;
	[sflag:s11] =	ssyncadd.s32 $0xFFFFFFB0  }
0x255: {  	[tilespmem:s15], [sflag:$0x14] =	stream.indirect.gather [hbm4b:s31+s25], $0x80, s12, s25, $0xb8;
	[tilespmem:$0x1E400] =	vst v63  }
0x256: {  	_ =	swait.ge [sflag:s20], $0x2800  }
0x257: {  	[sflag:s20] =	ssyncset.done $0x0  }
0x258: {  	[sflag:s20] =	ssyncadd.s32 $0xFFFFD800  }
0x259: {  	[spmem:s1] =	stream.indirect.scatter.add.f32 [tilespmem:s13], [sflag:$0x16], $0x80, s18, s25, $0xb8;
	[tilespmem:$0x1E400] =	vst v63  }
0x25a: {  	_ =	swait.ge [sflag:s22], $0x2800  }
0x25b: {  	[sflag:s22] =	ssyncset.done $0x0  }
0x25c: {  	s21 =	simm.s32 $0x5;
	[sflag:s22] =	ssyncadd.s32 $0xFFFFD800  }
0x25d: {  	_ =	swait.ge [sflag:s21], $0x50  }
0x25e: {  	[sflag:s21] =	ssyncset.done $0x0  }
0x25f: {  	s23 =	simm.s32 $0xD;
	[sflag:s21] =	ssyncadd.s32 $0xFFFFFFB0  }
0x260: {  	_ =	swait.ge [sflag:s23], $0x50  }
0x261: {  	[sflag:s23] =	ssyncset.done $0x0  }
0x262: {  	[sflag:s23] =	ssyncadd.s32 $0xFFFFFFB0  }
0x263: {  	[tilespmem:s2], [sflag:$0x11] =	stream.indirect.gather [hbm4b:s31+s25], $0x80, s5, s25, $0xb8;
	[tilespmem:$0x1E400] =	vst v63  }
0x264: {  	_ =	swait.ge [sflag:s19], $0x2800  }
0x265: {  	[sflag:s19] =	ssyncset.done $0x0  }
0x266: {  	[sflag:s19] =	ssyncadd.s32 $0xFFFFD800  }
0x267: {  	[spmem:s1] =	stream.indirect.scatter.add.f32 [tilespmem:s6], [sflag:$0x17], $0x80, s17, s25, $0xb8;
	[tilespmem:$0x1E400] =	vst v63  }
0x268: {  	_ =	swait.ge [sflag:s10], $0x2800  }
0x269: {  	[sflag:s10] =	ssyncset.done $0x0  }
0x26a: {  	[sflag:s10] =	ssyncadd.s32 $0xFFFFD800  }
0x26b: {  	_ =	swait.ge [sflag:s4], $0x2800  }
0x26c: {  	[sflag:s4] =	ssyncset.done $0x0  }
0x26d: {  	[sflag:s4] =	ssyncadd.s32 $0xFFFFD800  }
0x26e: {  	[spmem:s1] =	stream.indirect.scatter.add.f32 [tilespmem:s15], [sflag:$0x18], $0x80, s7, s25, $0xb8;
	[tilespmem:$0x1E400] =	vst v63  }
0x26f: {  	_ =	swait.ge [sflag:s24], $0x2800  }
0x270: {  	[sflag:s24] =	ssyncset.done $0x0  }
0x271: {  	[sflag:s24] =	ssyncadd.s32 $0xFFFFD800  }
0x272: {  	_ =	swait.ge [sflag:s28], $0x2800  }
0x273: {  	[sflag:s28] =	ssyncset.done $0x0  }
0x274: {  	[sflag:s28] =	ssyncadd.s32 $0xFFFFD800  }
0x275: {  	[spmem:s1] =	stream.indirect.scatter.add.f32 [tilespmem:s2], [sflag:$0x15], $0x80, s16, s25, $0xb8;
	[tilespmem:$0x1E400] =	vst v63  }
0x276: {  	_ =	swait.ge [sflag:s9], $0x2800  }
0x277: {  	[sflag:s9] =	ssyncset.done $0x0  }
0x278: {  	[sflag:s9] =	ssyncadd.s32 $0xFFFFD800  }
0x279: {  	_ =	swait.ge [sflag:s22], $0x2800  }
0x27a: {  	[sflag:s22] =	ssyncset.done $0x0  }
0x27b: {  	[sflag:s22] =	ssyncadd.s32 $0xFFFFD800  }
0x27c: {  	[bflag:$0x0] =	sbarrier.arrive $0xFFFF  }
0x27d: {  	s30 =	sld [smem:$0x7FD]  }
0x27e: {  	s24 =	stileid.u32;
	s29 =	sld [smem:$0x7F4]  }
0x27f: {  	s6 =	sshll.u32 s24, $0x6  }
0x280: {  	s26 =	simm.s32 $0x19;
	s6 =	sor.u32 $0x1C19, s6;
	s24 =	sshrl.u32 s30, $0x3  }
0x281: {  	[hbm:s29], [sflag:s6] =	dma.local [spmem:s24], $0x2780  }
0x282: {  	_ =	swait.ge [sflag:s26], $0x2780  }
0x283: {  	s28 =	sld [smem:$0x7E6]  }
0x284: {  	s29 =	sld [smem:$0x7F5];
	_ =	sdelay $0x1  }
0x285: {  	s8 =	simm.s32 $0x5800;
	s14 =	simm.s32 $0x8000;
	s11 =	sadd.s32 $0x1, s28  }
0x286: {  	s12 =	simm.s32 $0x800;
	s18 =	simm.s32 $0x680;
	p0 =	sne.s32 s11, s29  }
.Ltmp2:
0x287: {  	s13 =	simm.s32 $0x11;
	s21 =	smov.u32 s1;
	(pc) =	sbr.rel @p0 .LBB2_1-.Ltmp2, $4  }
0x288: {  	s23 =	simm.s32 $0xB;
	s17 =	simm.s32 $0x700;
	s10 =	simm.s32 $0x300  }
0x289: {  	s4 =	simm.s32 $0xA;
	s15 =	simm.s32 $0x280;
	s7 =	simm.s32 $0x3  }
0x28a: {  	s1 =	simm.s32 $0x2;
	s2 =	simm.s32 $0x3000;
	[sflag:s26] =	ssyncset.done $0x0  }
0x28b: {  	s9 =	simm.s32 $0x15;
	s22 =	simm.s32 $0x600;
	[sflag:s26] =	ssyncadd.s32 $0xFFFFD880  }
0x28c: {  	_ =	sfence.sel $0x180000  }
0x28d: {  	[bflag:$0x0] =	sbarrier.arrive $0xFFFF  }
0x28e: {  	_ =	strace $0x9000004A  }
0x28f: {  	s0 =	stileid.u32;
	[bflag:$0x2] =	sbarrier.arrive $0xFFFF  }
0x290: {  	p0 =	sne.s32 s0, $0x0;
	s0 =	rddreg [dreg:$0x2]  }
0x291: {  	s0 =	sadd.s32 @!p0 $0x100000, s0  }
0x292: {  	[sflag:s0] =	ssyncadd.tile.s32 @!p0 $0x1;
	_ =	shalt  }
.Lfunc_end2:
_tile_overlayer_lowered:
.L_overlay_start_2:
0x293: {  	(tag) =	ssettag $0x2  }
0x294: {  	s0 =	rddreg [dreg:$0x0];
	s2 =	stileid.u32  }
0x295: {  	s1 =	rddreg [dreg:$0x1];
	p0 =	sne.s32 s2, $0x0  }
0x296: {  	s3 =	rddreg [dreg:$0x2];
	[bflag:$0x3] =	sbarrier.arrive $0xFFFF;
	s2 =	simm.s32 @!p0 $0x1C19  }
0x297: {  	[timem:s3], [sflag:s2] =	dma.local @!p0 [hbm:s0], s1  }
0x298: {  	s0 =	simm.s32 @!p0 $0x19  }
0x299: {  	_ =	swait.ge @!p0 [sflag:s0], s1  }
0x29a: {  	s1 =	ssub.s32 @!p0 $0x0, s1;
	[sflag:s0] =	ssyncset.done @!p0 $0x0  }
0x29b: {  	[sflag:s0] =	ssyncadd.s32 @!p0 s1  }
0x29c: {  	[bflag:$0x3] =	sbarrier.arrive $0xFFFF  }
0x29d: {  	_ =	shalt  }

// kernel: kernel.14.cloned.1.call-start
scs
__scs_entry_jumppad:
0x0: {  	(pc) =	sbr.rel $0x88, $3  }
0x1: {  	(tag) =	ssettag $0x0;
	lr =	simm.s32 $0x1  }
0x2: {  	[smem:$0x3F9B] =	sst lr;
	_ =	strace $0xD0000000  }
0x3: {  	_ = 	snop  }
0x4: {  	_ = 	snop  }
0x5: {  	_ = 	snop  }
0x6: {  	_ = 	snop  }
0x7: {  	_ = 	snop  }
__scs_overlays_trampoline_lowered:
0x8: {  	[smem:$0x3FAA] =	sst s0  }
0x9: {  	[smem:$0x3FAB] =	sst s1  }
0xa: {  	[smem:$0x3FAC] =	sst s2  }
0xb: {  	[smem:$0x3FAD] =	sst s3  }
0xc: {  	[smem:$0x3FAE] =	sst s4  }
0xd: {  	[smem:$0x3FAF] =	sst s5  }
0xe: {  	[smem:$0x3FB0] =	sst s6  }
0xf: {  	[smem:$0x3FB1] =	sst s7  }
0x10: {  	[smem:$0x3FB2] =	sst s8  }
0x11: {  	[smem:$0x3FB3] =	sst s9;
	s0 =	simm.s32 @!p0 $0x0  }
0x12: {  	s1 =	sld [smem:$0x3F99];
	s0 =	simm.s32 @p0 $0x1  }
0x13: {  	[smem:$0x3FB4] =	sst s0;
	s0 =	simm.s32 @!p1 $0x0  }
0x14: {  	s2 =	sld [smem:$0x3F98];
	s0 =	simm.s32 @p1 $0x1  }
0x15: {  	[smem:$0x3FB5] =	sst s0;
	s0 =	simm.s32 @!p2 $0x0  }
0x16: {  	s3 =	sld [smem:$0x3FDB];
	s0 =	simm.s32 @p2 $0x1  }
0x17: {  	s4 =	simm.s32 $0x1BF5;
	[smem:$0x3FB7] =	sst s0  }
0x18: {  	s0 =	sld [smem:$0x3F9A];
	_ =	swait.ge [sflag:s4], $0x0  }
0x19: {  	s7 =	sld [smem:$0x3F9B]  }
0x1a: {  	s8 =	sadd.s32 $0xFFFFE003, lr  }
0x1b: {  	s9 =	sadd.s32 $0xFFFFFEF7, lr;
	s5 =	simm.s32 $0xFFFFFFFF;
	p2 =	slt.u32 s8, $0xFFFFF086  }
0x1c: {  	p1 =	slt.u32 s9, $0xF7A;
	s5 =	simm.s32 @!p2 $0x0  }
0x1d: {  	s5 =	simm.s32 @p1 $0x1;
	p0 =	seq.s32 s7, s2  }
0x1e: {  	s7 =	smul.u32 @!p0 $0xF7A, s2;
	p2 =	seq.s32 @!p0 s5, $0x0  }
0x1f: {  	s9 =	smul.u32 $0xF7A, s1;
	s8 =	simm.s32 @!p0 $0x1BF5;
	p2 =	por !p2, p0  }
0x20: {  	[sflag:s8] =	ssyncset.s32 @!p0 $0xFFFFF086;
	s6 =	sadd.s32 @!p0 s3, s7;
	s7 =	simm.s32 @!p0 $0x108  }
0x21: {  	s3 =	sadd.s32 s3, s9;
	s6 =	sadd.s32 @!p0 $0x88, s6;
	s7 =	simm.s32 @p2 $0x1082  }
0x22: {  	[simem:s7], [sflag:s8] =	dma.local @!p0 [hbm:s6], $0xF7A  }
0x23: {  	s9 =	sor.u32 $0xD0000000, s2;
	s6 =	simm.s32 $0x108;
	_ =	swait.ge @!p0 [sflag:s8], $0x0  }
0x24: {  	s3 =	sadd.s32 $0x88, s3;
	s6 =	simm.s32 @!p1 $0x1082;
	[sflag:s4] =	ssyncset.s32 $0xFFFFF086  }
0x25: {  	[simem:s6], [sflag:s4] =	dma.local [hbm:s3], $0xF7A  }
0x26: {  	[smem:$0x3F9B] =	sst s1;
	(tag) =	ssettag s2;
	_ =	strace s9  }
0x27: {  	s1 =	sld [smem:$0x3FAB]  }
0x28: {  	s2 =	sld [smem:$0x3FAC]  }
0x29: {  	s4 =	sld [smem:$0x3FAE]  }
0x2a: {  	p0 =	seq.s32 s5, $0x0;
	s5 =	sld [smem:$0x3FAF]  }
0x2b: {  	s6 =	sld [smem:$0x3FB0]  }
0x2c: {  	s7 =	sld [smem:$0x3FB1]  }
0x2d: {  	s3 =	simm.s32 $0x108;
	s8 =	sld [smem:$0x3FB2]  }
0x2e: {  	s3 =	simm.s32 @!p0 $0x1082;
	s9 =	sld [smem:$0x3FB3]  }
0x2f: {  	lr =	sadd.s32 s0, s3;
	s0 =	sld [smem:$0x3FAA]  }
0x30: {  	s3 =	sld [smem:$0x3FAD]  }
0x31: {  	[smem:$0x3FB6] =	sst s10  }
0x32: {  	s10 =	sld [smem:$0x3FB4];
	_ =	sdelay $0x3  }
0x33: {  	p0 =	seq.s32 s10, $0x1;
	s10 =	sld [smem:$0x3FB6];
	_ =	sdelay $0x3  }
0x34: {  	[smem:$0x3FB6] =	sst s10  }
0x35: {  	s10 =	sld [smem:$0x3FB5];
	_ =	sdelay $0x3  }
0x36: {  	p1 =	seq.s32 s10, $0x1;
	s10 =	sld [smem:$0x3FB6];
	_ =	sdelay $0x3  }
0x37: {  	[smem:$0x3FB6] =	sst s10  }
0x38: {  	s10 =	sld [smem:$0x3FB7]  }
0x39: {  	_ = 	snop;
	(pc) =	sbr.ind lr, $3  }
0x3a: {  	_ = 	snop  }
0x3b: {  	_ = 	snop  }
0x3c: {  	p2 =	seq.s32 s10, $0x1;
	s10 =	sld [smem:$0x3FB6]  }
0x3d: {  	_ =	shalt  }
0x3e: {  	_ =	shalt  }
0x3f: {  	_ =	shalt  }
0x40: {  	_ =	shalt  }
0x41: {  	_ =	shalt  }
0x42: {  	_ =	shalt  }
0x43: {  	_ =	shalt  }
0x44: {  	_ =	shalt  }
0x45: {  	_ =	shalt  }
0x46: {  	_ =	shalt  }
0x47: {  	_ =	shalt  }
0x48: {  	_ =	shalt  }
0x49: {  	_ =	shalt  }
0x4a: {  	_ =	shalt  }
0x4b: {  	_ =	shalt  }
0x4c: {  	_ =	shalt  }
0x4d: {  	_ =	shalt  }
0x4e: {  	_ =	shalt  }
0x4f: {  	_ =	shalt  }
0x50: {  	_ =	shalt  }
0x51: {  	_ =	shalt  }
0x52: {  	_ =	shalt  }
0x53: {  	_ =	shalt  }
0x54: {  	_ =	shalt  }
0x55: {  	_ =	shalt  }
0x56: {  	_ =	shalt  }
0x57: {  	_ =	shalt  }
0x58: {  	_ =	shalt  }
0x59: {  	_ =	shalt  }
0x5a: {  	_ =	shalt  }
0x5b: {  	_ =	shalt  }
0x5c: {  	_ =	shalt  }
0x5d: {  	_ =	shalt  }
0x5e: {  	_ =	shalt  }
0x5f: {  	_ =	shalt  }
0x60: {  	_ =	shalt  }
0x61: {  	_ =	shalt  }
0x62: {  	_ =	shalt  }
0x63: {  	_ =	shalt  }
0x64: {  	_ =	shalt  }
0x65: {  	_ =	shalt  }
0x66: {  	_ =	shalt  }
0x67: {  	_ =	shalt  }
0x68: {  	_ =	shalt  }
0x69: {  	_ =	shalt  }
0x6a: {  	_ =	shalt  }
0x6b: {  	_ =	shalt  }
0x6c: {  	_ =	shalt  }
0x6d: {  	_ =	shalt  }
0x6e: {  	_ =	shalt  }
0x6f: {  	_ =	shalt  }
0x70: {  	_ =	shalt  }
0x71: {  	_ =	shalt  }
0x72: {  	_ =	shalt  }
0x73: {  	_ =	shalt  }
0x74: {  	_ =	shalt  }
0x75: {  	_ =	shalt  }
0x76: {  	_ =	shalt  }
0x77: {  	_ =	shalt  }
0x78: {  	_ =	shalt  }
0x79: {  	_ =	shalt  }
0x7a: {  	_ =	shalt  }
0x7b: {  	_ =	shalt  }
0x7c: {  	_ =	shalt  }
0x7d: {  	_ =	shalt  }
0x7e: {  	_ =	shalt  }
0x7f: {  	_ =	shalt  }
0x80: {  	_ =	shalt  }
0x81: {  	_ =	shalt  }
0x82: {  	_ =	shalt  }
0x83: {  	_ =	shalt  }
0x84: {  	_ =	shalt  }
0x85: {  	_ =	shalt  }
0x86: {  	_ =	shalt  }
0x87: {  	_ =	shalt  }
.Lfunc_end0:
.L_simem_size_0:
called_computation.2_lowered:
.L_overlay_start_0:
0x88: {  	s2 =	sld [smem:$0x3FD9]  }
0x89: {  	s3 =	sld [smem:$0x3FFE];
	_ =	sdelay $0x1  }
0x8a: {  	s1 =	srdreg.scid  }
0x8b: {  	s0 =	sand.u32 $0x1, s1  }
0x8c: {  	s17 =	sshll.u32 s0, $0xA;
	s2 =	sadd.s32 s3, s2  }
0x8d: {  	s2 =	sadd.s32 s2, s17  }
0x8e: {  	[smem:$0x3FC2] =	sst s2  }
0x8f: {  	_ = 	snop  }
0x90: {  	s2 =	sld [smem:$0x3FD0];
	(tm) =	ssettm $0x1  }
0x91: {  	s18 =	sld [smem:$0x3FFB];
	_ =	sdelay $0x3  }
0x92: {  	_ =	strace s18  }
0x93: {  	s3 =	sld [smem:$0x3FFC];
	_ =	sdelay $0x3  }
0x94: {  	_ =	strace s3  }
0x95: {  	s3 =	sld [smem:$0x3FFD];
	_ =	sdelay $0x3  }
0x96: {  	_ =	strace s3  }
0x97: {  	_ =	strace $0x8FFFFFFF  }
0x98: {  	s19 =	sld [smem:$0x3FDB];
	_ =	sdelay $0x1  }
0x99: {  	s4 =	simm.s32 $_scs_section_size  }
0x9a: {  	s5 =	simm.s32 $_size__tile_overlayer_lowered;
	s6 =	simm.s32 $_tile_overlayer_lowered  }
0x9b: {  	s22 =	simm.s32 $0x1BFF;
	s21 =	sshll.u32 s6, $0x1;
	s3 =	sadd.s32 s4, s19  }
0x9c: {  	s7 =	simm.s32 $0x0;
	s20 =	sshll.u32 s5, $0x1;
	s5 =	sadd.s32 s21, s3  }
0x9d: {  	[timem:s7], [sflag:s22] =	dma.local [hbm:s5], s20  }
0x9e: {  	_ =	swait.ge [sflag:s22], s20  }
0x9f: {  	s4 =	ssub.s32 $0x0, s20;
	[sflag:s22] =	ssyncset.done $0x0  }
0xa0: {  	[sflag:s22] =	ssyncadd.s32 s4;
	_ =	sdelay $0x1  }
0xa1: {  	s23 =	simm.s32 $0x1B8B  }
0xa2: {  	_ =	swait.ge [sflag:s23], $0x1  }
0xa3: {  	[sflag:s23] =	ssyncset.done $0x0  }
0xa4: {  	s25 =	simm.s32 $0x1B8E;
	s24 =	sld [smem:$0x3FFE];
	[sflag:s23] =	ssyncadd.s32 $0xFFFFFFFF  }
0xa5: {  	s26 =	simm.s32 $execute0_lowered;
	[smem:$0x3FD2] =	sst s25  }
0xa6: {  	s5 =	sshll.u32 s26, $0x1;
	_ =	strace $0x8000004C;
	[dreg:$0x1] =	wrdreg $0xFFFFFFFF  }
0xa7: {  	s28 =	simm.s32 $_size_execute0_lowered;
	s3 =	sadd.s32 s3, s5;
	[dreg:$0x0] =	wrdreg $0x0  }
0xa8: {  	s5 =	sshll.u32 s28, $0x1;
	[dreg:$0x2] =	wrdreg s3  }
0xa9: {  	[dreg:$0x3] =	wrdreg s5  }
0xaa: {  	[dreg:$0x4] =	wrdreg $0xC0  }
0xab: {  	_ =	task [dreg:s7], $0x5FFFF  }
0xac: {  	[dreg:$0x1] =	wrdreg $0xFFFFFFFF  }
0xad: {  	[dreg:$0x0] =	wrdreg $0x60  }
0xae: {  	[dreg:$0x2] =	wrdreg s2  }
0xaf: {  	[dreg:$0x3] =	wrdreg s24  }
0xb0: {  	[dreg:$0x4] =	wrdreg $0x9  }
0xb1: {  	_ =	task.clear_ibuf [dreg:s7], $0x5FFFF;
	_ =	strace $0x9000004C  }
0xb2: {  	s29 =	simm.s32 $0x9;
	_ =	strace $0x8000004E  }
0xb3: {  	_ =	swait.ge [sflag:s29], $0x1  }
0xb4: {  	[sflag:s29] =	ssyncadd.s32 $0xFFFFFFFF  }
0xb5: {  	_ =	strace $0x9000004E  }
0xb6: {  	_ =	sfence  }
0xb7: {  	s30 =	sld [smem:$0x0];
	_ =	sdelay $0x2  }
0xb8: {  	s31 =	sshll.u32 s1, $0xD;
	s1 =	sshrl.u32 s1, $0x2  }
0xb9: {  	s3 =	sand.u32 $0x4000, s31;
	s1 =	sadd.s32 s1, s30  }
0xba: {  	s0 =	sor.u32 s3, s0;
	s1 =	sshll.u32 s1, $0x11  }
0xbb: {  	s0 =	sor.u32 s1, s0  }
0xbc: {  	s0 =	sadd.s32 $0x8F2B, s0  }
0xbd: {  	[sflag:s0] =	ssyncadd.remote.s32 $0x1  }
0xbe: {  	_ =	sfence.sel $0xFFFF  }
0xbf: {  	[dreg:$0x0] =	wrdreg $0xFFFFFFFF;
	(pc) =	sbr.abs _section_cstart, $3  }
0xc0: {  	[dreg:$0x1] =	wrdreg $0xFFFFFFFF  }
0xc1: {  	_ =	task.clear_ibuf [dreg:s7], $0x2FFFF;
	_ =	strace $0x9FFFFFFF  }
0xc2: {  	(tm) =	ssettm $0x7FFFFFFF  }
0xc3: {  	_ =	shalt  }
tec
execute0_lowered:
.L_overlay_start_1:
0x0: {  	(tag) =	ssettag $0x1  }
0x1: {  	s2 =	rddreg [dreg:$0x0]  }
0x2: {  	s0 =	srdreg.scid;
	s5 =	rddreg [dreg:$0x1]  }
0x3: {  	s3 =	simm.s32 $0x0;
	s9 =	simm.s32 $0x7680;
	s10 =	simm.s32 $0x1  }
0x4: {  	s11 =	simm.s32 $0x2;
	s12 =	simm.s32 $0x3;
	s4 =	sand.u32 $0x1, s0  }
0x5: {  	s13 =	simm.s32 $0x9E00;
	s0 =	stileid.u32;
	s1 =	sshll.u32 s4, $0x4  }
0x6: {  	s14 =	simm.s32 $0x4;
	s15 =	simm.s32 $0x0;
	s6 =	sor.u32 s0, s1  }
0x7: {  	[smem:$0x7FF] =	sst s3;
	s4 =	ssub.s32 $0x2, s4;
	s7 =	smul.u32 $0x4E2, s6  }
0x8: {  	s1 =	rddreg [dreg:$0x2];
	s8 =	sshrl.u32 s4, $0x1;
	s6 =	smul.u32 $0x9E0, s6  }
0x9: {  	_ =	strace $0x8000004D;
	s8 =	ssub.s32 s4, s8;
	s7 =	sadd.s32 s7, s5  }
0xa: {  	s6 =	sadd.s32 s6, s5;
	s4 =	sadd.s32 $0xCE00, s7;
	s5 =	sadd.s32 $0x16C00, s7  }
0xb: {  	v0 =	vimm.f32 $0.0e+00;
	s6 =	sadd.s32 $0x20A00, s6;
	s7 =	smax.u32 s8, $0x1;
	s8 =	simm.s32 $0x4F00  }
.LBB2_1:
0xc: {  	[tilespmem:s3], [sflag:$0x1] =	stream.linear.gather [hbm4b:s2+s3], $0x4F00, $0x38;
	[tilespmem:$0xED00] =	vst v63  }
0xd: {  	p0 =	por $0x0, $0x0;
	s16 =	simm.s32 $0x1  }
0xe: {  	s16 =	simm.s32 @!p0 $0x0  }
0xf: {  	[tilespmem:s8], [sflag:$0x2] =	stream.linear.gather [hbm4b:s4+s3], $0x2710, $0x38;
	[tilespmem:$0xED00] =	vst v63  }
0x10: {  	s18 =	sand.u32 $0x40, s3;
	s19 =	sand.u32 $0x7F00, s3;
	s16 =	sshll.u32 s16, $0x6  }
0x11: {  	s17 =	sadd.s32 $0x0, s16;
	s16 =	sor.u32 s18, s19  }
0x12: {  	[tilespmem:s9], [sflag:$0x3] =	stream.linear.gather [hbm4b:s5+s3], $0x2710, $0x38;
	[tilespmem:$0xED00] =	vst v63  }
0x13: {  	s30 =	sor.u32 $0x80, s17;
	[tilespmem:s16+$0x9E00] =	vst v0  }
0x14: {  	s31 =	sadd.s32 $0x10, s17;
	[tilespmem:s30+$0x9E00] =	vst v0  }
0x15: {  	s18 =	simm.s32 $0x40;
	s19 =	simm.s32 $0x0;
	s20 =	sor.u32 $0x80, s31;
	[tilespmem:s16+$0x9E10] =	vst v0  }
.LBB2_2:
0x16: {  	p1 =	sne.s32 s18, $0x26C0  }
0x17: {  	[tilespmem:s20+$0x9E00] =	vst v0;
	s20 =	sadd.s32 $0x20, s17;
	s19 =	sadd.s32 $0x80, s19;
	p0 =	por !p0, !p0  }
0x18: {  	s21 =	simm.s32 $0x1;
	s17 =	sadd.s32 $0x30, s17;
	[tilespmem:s16+$0x9E20] =	vst v0;
	s20 =	sor.u32 $0x80, s20  }
0x19: {  	s22 =	sand.u32 $0x40, s18;
	s21 =	simm.s32 @!p0 $0x0;
	s23 =	sor.u32 $0x80, s17;
	[tilespmem:s20+$0x9E00] =	vst v0  }
.Ltmp0:
0x1a: {  	s20 =	sshll.u32 s21, $0x6;
	s21 =	sand.u32 $0x7F00, s19;
	[tilespmem:s16+$0x9E30] =	vst v0;
	(pc) =	sbr.rel @p1 .LBB2_2-.Ltmp0, $4  }
0x1b: {  	s17 =	sadd.s32 s20, s19;
	s16 =	sor.u32 s22, s21;
	[tilespmem:s23+$0x9E00] =	vst v0  }
0x1c: {  	s20 =	sor.u32 $0x80, s17;
	[tilespmem:s16+$0x9E00] =	vst v0  }
0x1d: {  	[tilespmem:s20+$0x9E00] =	vst v0;
	s20 =	sadd.s32 $0x10, s17  }
0x1e: {  	s18 =	sadd.s32 $0x40, s18;
	[tilespmem:s16+$0x9E10] =	vst v0;
	s20 =	sor.u32 $0x80, s20  }
0x1f: {  	[tilespmem:s20+$0x9E00] =	vst v0;
	s18 =	sadd.s32 $0x20, s17  }
0x20: {  	[tilespmem:s16+$0x9E20] =	vst v0;
	s18 =	sor.u32 $0x80, s18  }
0x21: {  	s30 =	sadd.s32 $0x30, s17;
	[tilespmem:s18+$0x9E00] =	vst v0  }
0x22: {  	s31 =	sor.u32 $0x80, s30;
	[tilespmem:s16+$0x9E30] =	vst v0  }
0x23: {  	[tilespmem:s31+$0x9E00] =	vst v0  }
0x24: {  	[tilespmem:$0xEC00] =	vst v0  }
0x25: {  	[tilespmem:$0xEC80] =	vst v0  }
0x26: {  	_ =	swait.ge [sflag:s10], $0x4F00  }
0x27: {  	[sflag:s10] =	ssyncset.done $0x0  }
0x28: {  	[sflag:s10] =	ssyncadd.s32 $0xFFFFB100  }
0x29: {  	_ =	swait.ge [sflag:s11], $0x2710  }
0x2a: {  	[sflag:s11] =	ssyncset.done $0x0  }
0x2b: {  	[sflag:s11] =	ssyncadd.s32 $0xFFFFD8F0  }
0x2c: {  	_ =	swait.ge [sflag:s12], $0x2710  }
0x2d: {  	[sflag:s12] =	ssyncset.done $0x0  }
0x2e: {  	s16 =	simm.s32 $0x0;
	[sflag:s12] =	ssyncadd.s32 $0xFFFFD8F0  }
.LBB2_4:
0x2f: {  	s17 =	sshra.s32 s16, $0x2  }
0x30: {  	v1 =	vld [tilespmem:s17+$0x4F00];
	_ =	sdelay $0x4  }
0x31: {  	v2 =	vld [tilespmem:s17+$0x7680];
	v3 =	vshll.u32 v1, $0x1  }
0x32: {  	v1 =	vand.u32 $0x7F, v1;
	v3 =	vand.u32 $0xFFFFFF00, v3  }
0x33: {  	v1 =	vor.u32 v1, v3;
	_ =	sdelay $0x2  }
0x34: {  	v3 =	vshll.u32 v2, $0x1  }
0x35: {  	v2 =	vand.u32 $0x7F, v2;
	v3 =	vand.u32 $0xFFFFFF00, v3  }
0x36: {  	v2 =	vor.u32 v2, v3;
	v4 =	vld.idx.msk [tilespmem:v1+s3+$0x0], $0xffff  }
0x37: {  	v1 =	vor.u32 $0x80, v1;
	_ =	sdelay $0x3  }
0x38: {  	[tilespmem:v2+s13+$0x0] =	vst.idx.add.f32.msk $0xffff, v4  }
0x39: {  	v2 =	vor.u32 $0x80, v2;
	v1 =	vld.idx.msk [tilespmem:v1+s3+$0x0], $0xffff;
	_ =	sdelay $0x4  }
0x3a: {  	[tilespmem:v2+s13+$0x0] =	vst.idx.add.f32.msk $0xffff, v1  }
0x3b: {  	v1 =	vld [tilespmem:s17+$0x4F10];
	_ =	sdelay $0x4  }
0x3c: {  	v2 =	vld [tilespmem:s17+$0x7690];
	v3 =	vshll.u32 v1, $0x1  }
0x3d: {  	v1 =	vand.u32 $0x7F, v1;
	v3 =	vand.u32 $0xFFFFFF00, v3  }
0x3e: {  	v1 =	vor.u32 v1, v3;
	_ =	sdelay $0x2  }
0x3f: {  	v3 =	vshll.u32 v2, $0x1  }
0x40: {  	v2 =	vand.u32 $0x7F, v2;
	v3 =	vand.u32 $0xFFFFFF00, v3  }
0x41: {  	v2 =	vor.u32 v2, v3;
	v4 =	vld.idx.msk [tilespmem:v1+s3+$0x0], $0xffff  }
0x42: {  	v1 =	vor.u32 $0x80, v1;
	_ =	sdelay $0x3  }
0x43: {  	[tilespmem:v2+s13+$0x0] =	vst.idx.add.f32.msk $0xffff, v4  }
0x44: {  	v2 =	vor.u32 $0x80, v2;
	v1 =	vld.idx.msk [tilespmem:v1+s3+$0x0], $0xffff;
	_ =	sdelay $0x4  }
0x45: {  	[tilespmem:v2+s13+$0x0] =	vst.idx.add.f32.msk $0xffff, v1  }
0x46: {  	v1 =	vld [tilespmem:s17+$0x4F20];
	_ =	sdelay $0x4  }
0x47: {  	v2 =	vld [tilespmem:s17+$0x76A0];
	v3 =	vshll.u32 v1, $0x1  }
0x48: {  	v1 =	vand.u32 $0x7F, v1;
	v3 =	vand.u32 $0xFFFFFF00, v3  }
0x49: {  	v1 =	vor.u32 v1, v3;
	_ =	sdelay $0x2  }
0x4a: {  	v3 =	vshll.u32 v2, $0x1  }
0x4b: {  	v2 =	vand.u32 $0x7F, v2;
	v3 =	vand.u32 $0xFFFFFF00, v3  }
0x4c: {  	v2 =	vor.u32 v2, v3;
	v4 =	vld.idx.msk [tilespmem:v1+s3+$0x0], $0xffff  }
0x4d: {  	v1 =	vor.u32 $0x80, v1;
	_ =	sdelay $0x3  }
0x4e: {  	[tilespmem:v2+s13+$0x0] =	vst.idx.add.f32.msk $0xffff, v4  }
0x4f: {  	v2 =	vor.u32 $0x80, v2;
	v1 =	vld.idx.msk [tilespmem:v1+s3+$0x0], $0xffff;
	_ =	sdelay $0x4  }
0x50: {  	[tilespmem:v2+s13+$0x0] =	vst.idx.add.f32.msk $0xffff, v1  }
0x51: {  	v1 =	vld [tilespmem:s17+$0x4F30];
	_ =	sdelay $0x4  }
0x52: {  	v2 =	vld [tilespmem:s17+$0x76B0];
	v3 =	vshll.u32 v1, $0x1  }
0x53: {  	v1 =	vand.u32 $0x7F, v1;
	v3 =	vand.u32 $0xFFFFFF00, v3  }
0x54: {  	v1 =	vor.u32 v1, v3;
	_ =	sdelay $0x2  }
0x55: {  	v3 =	vshll.u32 v2, $0x1  }
0x56: {  	v2 =	vand.u32 $0x7F, v2;
	v3 =	vand.u32 $0xFFFFFF00, v3  }
0x57: {  	v2 =	vor.u32 v2, v3;
	v4 =	vld.idx.msk [tilespmem:v1+s3+$0x0], $0xffff  }
0x58: {  	v1 =	vor.u32 $0x80, v1;
	_ =	sdelay $0x3  }
0x59: {  	[tilespmem:v2+s13+$0x0] =	vst.idx.add.f32.msk $0xffff, v4  }
0x5a: {  	p0 =	sne.s32 s16, $0x9B00;
	v2 =	vor.u32 $0x80, v2;
	v1 =	vld.idx.msk [tilespmem:v1+s3+$0x0], $0xffff  }
.Ltmp1:
0x5b: {  	_ = 	snop;
	(pc) =	sbr.rel @p0 .LBB2_4-.Ltmp1, $2  }
0x5c: {  	_ =	sdelay $0x2  }
0x5d: {  	s16 =	sadd.s32 $0x100, s16;
	[tilespmem:v2+s13+$0x0] =	vst.idx.add.f32.msk $0xffff, v1  }
0x5e: {  	v1 =	vld [tilespmem:$0x7600];
	_ =	sdelay $0x4  }
0x5f: {  	v2 =	vld [tilespmem:$0x9D80];
	v3 =	vshll.u32 v1, $0x1  }
0x60: {  	v1 =	vand.u32 $0x7F, v1;
	v3 =	vand.u32 $0xFFFFFF00, v3  }
0x61: {  	v1 =	vor.u32 v1, v3;
	_ =	sdelay $0x2  }
0x62: {  	v3 =	vshll.u32 v2, $0x1  }
0x63: {  	v2 =	vand.u32 $0x7F, v2;
	v3 =	vand.u32 $0xFFFFFF00, v3  }
0x64: {  	v2 =	vor.u32 v2, v3;
	v4 =	vld.idx.msk [tilespmem:v1+s3+$0x0], $0xffff  }
0x65: {  	v1 =	vor.u32 $0x80, v1;
	_ =	sdelay $0x3  }
0x66: {  	[tilespmem:v2+s13+$0x0] =	vst.idx.add.f32.msk $0xffff, v4  }
0x67: {  	v2 =	vor.u32 $0x80, v2;
	v1 =	vld.idx.msk [tilespmem:v1+s3+$0x0], $0xffff;
	_ =	sdelay $0x2  }
0x68: {  	s15 =	sadd.s32 $0x1, s15  }
0x69: {  	p0 =	sne.s32 s15, s7  }
.Ltmp2:
0x6a: {  	[tilespmem:v2+s13+$0x0] =	vst.idx.add.f32.msk $0xffff, v1;
	(pc) =	sbr.rel @p0 .LBB2_1-.Ltmp2, $4  }
0x6b: {  	[hbm4b:s6+s3] =	stream.linear.scatter [tilespmem:s13], [sflag:$0x4], $0x4F00, $0x38;
	[tilespmem:$0xED00] =	vst v63  }
0x6c: {  	_ =	swait.ge [sflag:s14], $0x4F00  }
0x6d: {  	[sflag:s14] =	ssyncset.done $0x0  }
0x6e: {  	[sflag:s14] =	ssyncadd.s32 $0xFFFFB100  }
0x6f: {  	_ =	sfence.sel $0x180000  }
0x70: {  	[bflag:$0x0] =	sbarrier.arrive $0xFFFF  }
0x71: {  	p0 =	sne.s32 s0, $0x0;
	_ =	strace $0x9000004D  }
0x72: {  	s0 =	sadd.s32 @!p0 $0x100000, s1;
	[bflag:$0x2] =	sbarrier.arrive $0xFFFF  }
0x73: {  	[sflag:s0] =	ssyncadd.tile.s32 @!p0 $0x1;
	_ =	shalt  }
.Lfunc_end2:
_tile_overlayer_lowered:
.L_overlay_start_2:
0x74: {  	(tag) =	ssettag $0x2  }
0x75: {  	s0 =	rddreg [dreg:$0x0];
	s2 =	stileid.u32  }
0x76: {  	s1 =	rddreg [dreg:$0x1];
	p0 =	sne.s32 s2, $0x0  }
0x77: {  	s3 =	rddreg [dreg:$0x2];
	[bflag:$0x3] =	sbarrier.arrive $0xFFFF;
	s2 =	simm.s32 @!p0 $0x1C04  }
0x78: {  	[timem:s3], [sflag:s2] =	dma.local @!p0 [hbm:s0], s1  }
0x79: {  	s0 =	simm.s32 @!p0 $0x4  }
0x7a: {  	_ =	swait.ge @!p0 [sflag:s0], s1  }
0x7b: {  	s1 =	ssub.s32 @!p0 $0x0, s1;
	[sflag:s0] =	ssyncset.done @!p0 $0x0  }
0x7c: {  	[sflag:s0] =	ssyncadd.s32 @!p0 s1  }
0x7d: {  	[bflag:$0x3] =	sbarrier.arrive $0xFFFF  }
0x7e: {  	_ =	shalt  }

// kernel: kernel.8.cloned.1.call-start
scs
__scs_entry_jumppad:
0x0: {  	(pc) =	sbr.rel $0x88, $3  }
0x1: {  	(tag) =	ssettag $0x0;
	lr =	simm.s32 $0x1  }
0x2: {  	[smem:$0x3F9B] =	sst lr;
	_ =	strace $0xD0000000  }
0x3: {  	_ = 	snop  }
0x4: {  	_ = 	snop  }
0x5: {  	_ = 	snop  }
0x6: {  	_ = 	snop  }
0x7: {  	_ = 	snop  }
__scs_overlays_trampoline_lowered:
0x8: {  	[smem:$0x3FAA] =	sst s0  }
0x9: {  	[smem:$0x3FAB] =	sst s1  }
0xa: {  	[smem:$0x3FAC] =	sst s2  }
0xb: {  	[smem:$0x3FAD] =	sst s3  }
0xc: {  	[smem:$0x3FAE] =	sst s4  }
0xd: {  	[smem:$0x3FAF] =	sst s5  }
0xe: {  	[smem:$0x3FB0] =	sst s6  }
0xf: {  	[smem:$0x3FB1] =	sst s7  }
0x10: {  	[smem:$0x3FB2] =	sst s8  }
0x11: {  	[smem:$0x3FB3] =	sst s9;
	s0 =	simm.s32 @!p0 $0x0  }
0x12: {  	s1 =	sld [smem:$0x3F99];
	s0 =	simm.s32 @p0 $0x1  }
0x13: {  	[smem:$0x3FB4] =	sst s0;
	s0 =	simm.s32 @!p1 $0x0  }
0x14: {  	s2 =	sld [smem:$0x3F98];
	s0 =	simm.s32 @p1 $0x1  }
0x15: {  	[smem:$0x3FB5] =	sst s0;
	s0 =	simm.s32 @!p2 $0x0  }
0x16: {  	s3 =	sld [smem:$0x3FDB];
	s0 =	simm.s32 @p2 $0x1  }
0x17: {  	s4 =	simm.s32 $0x1BF5;
	[smem:$0x3FB7] =	sst s0  }
0x18: {  	s0 =	sld [smem:$0x3F9A];
	_ =	swait.ge [sflag:s4], $0x0  }
0x19: {  	s7 =	sld [smem:$0x3F9B]  }
0x1a: {  	s8 =	sadd.s32 $0xFFFFE003, lr  }
0x1b: {  	s9 =	sadd.s32 $0xFFFFFEF7, lr;
	s5 =	simm.s32 $0xFFFFFFFF;
	p2 =	slt.u32 s8, $0xFFFFF086  }
0x1c: {  	p1 =	slt.u32 s9, $0xF7A;
	s5 =	simm.s32 @!p2 $0x0  }
0x1d: {  	s5 =	simm.s32 @p1 $0x1;
	p0 =	seq.s32 s7, s2  }
0x1e: {  	s7 =	smul.u32 @!p0 $0xF7A, s2;
	p2 =	seq.s32 @!p0 s5, $0x0  }
0x1f: {  	s9 =	smul.u32 $0xF7A, s1;
	s8 =	simm.s32 @!p0 $0x1BF5;
	p2 =	por !p2, p0  }
0x20: {  	[sflag:s8] =	ssyncset.s32 @!p0 $0xFFFFF086;
	s6 =	sadd.s32 @!p0 s3, s7;
	s7 =	simm.s32 @!p0 $0x108  }
0x21: {  	s3 =	sadd.s32 s3, s9;
	s6 =	sadd.s32 @!p0 $0x88, s6;
	s7 =	simm.s32 @p2 $0x1082  }
0x22: {  	[simem:s7], [sflag:s8] =	dma.local @!p0 [hbm:s6], $0xF7A  }
0x23: {  	s9 =	sor.u32 $0xD0000000, s2;
	s6 =	simm.s32 $0x108;
	_ =	swait.ge @!p0 [sflag:s8], $0x0  }
0x24: {  	s3 =	sadd.s32 $0x88, s3;
	s6 =	simm.s32 @!p1 $0x1082;
	[sflag:s4] =	ssyncset.s32 $0xFFFFF086  }
0x25: {  	[simem:s6], [sflag:s4] =	dma.local [hbm:s3], $0xF7A  }
0x26: {  	[smem:$0x3F9B] =	sst s1;
	(tag) =	ssettag s2;
	_ =	strace s9  }
0x27: {  	s1 =	sld [smem:$0x3FAB]  }
0x28: {  	s2 =	sld [smem:$0x3FAC]  }
0x29: {  	s4 =	sld [smem:$0x3FAE]  }
0x2a: {  	p0 =	seq.s32 s5, $0x0;
	s5 =	sld [smem:$0x3FAF]  }
0x2b: {  	s6 =	sld [smem:$0x3FB0]  }
0x2c: {  	s7 =	sld [smem:$0x3FB1]  }
0x2d: {  	s3 =	simm.s32 $0x108;
	s8 =	sld [smem:$0x3FB2]  }
0x2e: {  	s3 =	simm.s32 @!p0 $0x1082;
	s9 =	sld [smem:$0x3FB3]  }
0x2f: {  	lr =	sadd.s32 s0, s3;
	s0 =	sld [smem:$0x3FAA]  }
0x30: {  	s3 =	sld [smem:$0x3FAD]  }
0x31: {  	[smem:$0x3FB6] =	sst s10  }
0x32: {  	s10 =	sld [smem:$0x3FB4];
	_ =	sdelay $0x3  }
0x33: {  	p0 =	seq.s32 s10, $0x1;
	s10 =	sld [smem:$0x3FB6];
	_ =	sdelay $0x3  }
0x34: {  	[smem:$0x3FB6] =	sst s10  }
0x35: {  	s10 =	sld [smem:$0x3FB5];
	_ =	sdelay $0x3  }
0x36: {  	p1 =	seq.s32 s10, $0x1;
	s10 =	sld [smem:$0x3FB6];
	_ =	sdelay $0x3  }
0x37: {  	[smem:$0x3FB6] =	sst s10  }
0x38: {  	s10 =	sld [smem:$0x3FB7]  }
0x39: {  	_ = 	snop;
	(pc) =	sbr.ind lr, $3  }
0x3a: {  	_ = 	snop  }
0x3b: {  	_ = 	snop  }
0x3c: {  	p2 =	seq.s32 s10, $0x1;
	s10 =	sld [smem:$0x3FB6]  }
0x3d: {  	_ =	shalt  }
0x3e: {  	_ =	shalt  }
0x3f: {  	_ =	shalt  }
0x40: {  	_ =	shalt  }
0x41: {  	_ =	shalt  }
0x42: {  	_ =	shalt  }
0x43: {  	_ =	shalt  }
0x44: {  	_ =	shalt  }
0x45: {  	_ =	shalt  }
0x46: {  	_ =	shalt  }
0x47: {  	_ =	shalt  }
0x48: {  	_ =	shalt  }
0x49: {  	_ =	shalt  }
0x4a: {  	_ =	shalt  }
0x4b: {  	_ =	shalt  }
0x4c: {  	_ =	shalt  }
0x4d: {  	_ =	shalt  }
0x4e: {  	_ =	shalt  }
0x4f: {  	_ =	shalt  }
0x50: {  	_ =	shalt  }
0x51: {  	_ =	shalt  }
0x52: {  	_ =	shalt  }
0x53: {  	_ =	shalt  }
0x54: {  	_ =	shalt  }
0x55: {  	_ =	shalt  }
0x56: {  	_ =	shalt  }
0x57: {  	_ =	shalt  }
0x58: {  	_ =	shalt  }
0x59: {  	_ =	shalt  }
0x5a: {  	_ =	shalt  }
0x5b: {  	_ =	shalt  }
0x5c: {  	_ =	shalt  }
0x5d: {  	_ =	shalt  }
0x5e: {  	_ =	shalt  }
0x5f: {  	_ =	shalt  }
0x60: {  	_ =	shalt  }
0x61: {  	_ =	shalt  }
0x62: {  	_ =	shalt  }
0x63: {  	_ =	shalt  }
0x64: {  	_ =	shalt  }
0x65: {  	_ =	shalt  }
0x66: {  	_ =	shalt  }
0x67: {  	_ =	shalt  }
0x68: {  	_ =	shalt  }
0x69: {  	_ =	shalt  }
0x6a: {  	_ =	shalt  }
0x6b: {  	_ =	shalt  }
0x6c: {  	_ =	shalt  }
0x6d: {  	_ =	shalt  }
0x6e: {  	_ =	shalt  }
0x6f: {  	_ =	shalt  }
0x70: {  	_ =	shalt  }
0x71: {  	_ =	shalt  }
0x72: {  	_ =	shalt  }
0x73: {  	_ =	shalt  }
0x74: {  	_ =	shalt  }
0x75: {  	_ =	shalt  }
0x76: {  	_ =	shalt  }
0x77: {  	_ =	shalt  }
0x78: {  	_ =	shalt  }
0x79: {  	_ =	shalt  }
0x7a: {  	_ =	shalt  }
0x7b: {  	_ =	shalt  }
0x7c: {  	_ =	shalt  }
0x7d: {  	_ =	shalt  }
0x7e: {  	_ =	shalt  }
0x7f: {  	_ =	shalt  }
0x80: {  	_ =	shalt  }
0x81: {  	_ =	shalt  }
0x82: {  	_ =	shalt  }
0x83: {  	_ =	shalt  }
0x84: {  	_ =	shalt  }
0x85: {  	_ =	shalt  }
0x86: {  	_ =	shalt  }
0x87: {  	_ =	shalt  }
.Lfunc_end0:
.L_simem_size_0:
called_computation_lowered:
.L_overlay_start_0:
0x88: {  	s2 =	sld [smem:$0x3FD9]  }
0x89: {  	s3 =	sld [smem:$0x3FFE];
	_ =	sdelay $0x1  }
0x8a: {  	s1 =	srdreg.scid  }
0x8b: {  	s0 =	sand.u32 $0x1, s1  }
0x8c: {  	s17 =	sshll.u32 s0, $0xA;
	s2 =	sadd.s32 s3, s2  }
0x8d: {  	s2 =	sadd.s32 s2, s17  }
0x8e: {  	[smem:$0x3FC2] =	sst s2  }
0x8f: {  	_ = 	snop  }
0x90: {  	s2 =	sld [smem:$0x3FC8];
	(tm) =	ssettm $0x1  }
0x91: {  	s18 =	sld [smem:$0x3FFB];
	_ =	sdelay $0x3  }
0x92: {  	_ =	strace s18  }
0x93: {  	s3 =	sld [smem:$0x3FFC];
	_ =	sdelay $0x3  }
0x94: {  	_ =	strace s3  }
0x95: {  	s3 =	sld [smem:$0x3FFD];
	_ =	sdelay $0x3  }
0x96: {  	_ =	strace s3  }
0x97: {  	_ =	strace $0x8FFFFFFF  }
0x98: {  	s19 =	sld [smem:$0x3FDB];
	_ =	sdelay $0x1  }
0x99: {  	s4 =	simm.s32 $_scs_section_size  }
0x9a: {  	s5 =	simm.s32 $_size__tile_overlayer_lowered;
	s6 =	simm.s32 $_tile_overlayer_lowered  }
0x9b: {  	s22 =	simm.s32 $0x1BFF;
	s21 =	sshll.u32 s6, $0x1;
	s3 =	sadd.s32 s4, s19  }
0x9c: {  	s7 =	simm.s32 $0x0;
	s20 =	sshll.u32 s5, $0x1;
	s5 =	sadd.s32 s21, s3  }
0x9d: {  	[timem:s7], [sflag:s22] =	dma.local [hbm:s5], s20  }
0x9e: {  	_ =	swait.ge [sflag:s22], s20  }
0x9f: {  	s4 =	ssub.s32 $0x0, s20;
	[sflag:s22] =	ssyncset.done $0x0  }
0xa0: {  	[sflag:s22] =	ssyncadd.s32 s4;
	_ =	sdelay $0x1  }
0xa1: {  	s23 =	simm.s32 $0x1B8B  }
0xa2: {  	_ =	swait.ge [sflag:s23], $0x1  }
0xa3: {  	[sflag:s23] =	ssyncset.done $0x0  }
0xa4: {  	s25 =	simm.s32 $0x1B8E;
	s24 =	sld [smem:$0x3FFE];
	[sflag:s23] =	ssyncadd.s32 $0xFFFFFFFF  }
0xa5: {  	s26 =	simm.s32 $execute0_lowered;
	[smem:$0x3FD2] =	sst s25  }
0xa6: {  	s5 =	sshll.u32 s26, $0x1;
	_ =	strace $0x80000046;
	[dreg:$0x1] =	wrdreg $0xFFFFFFFF  }
0xa7: {  	s28 =	simm.s32 $_size_execute0_lowered;
	s3 =	sadd.s32 s3, s5;
	[dreg:$0x0] =	wrdreg $0x0  }
0xa8: {  	s5 =	sshll.u32 s28, $0x1;
	[dreg:$0x2] =	wrdreg s3  }
0xa9: {  	[dreg:$0x3] =	wrdreg s5  }
0xaa: {  	[dreg:$0x4] =	wrdreg $0xC0  }
0xab: {  	_ =	task [dreg:s7], $0x5FFFF  }
0xac: {  	[dreg:$0x1] =	wrdreg $0xFFFFFFFF  }
0xad: {  	[dreg:$0x0] =	wrdreg $0x60  }
0xae: {  	[dreg:$0x2] =	wrdreg s2  }
0xaf: {  	[dreg:$0x3] =	wrdreg s24  }
0xb0: {  	[dreg:$0x4] =	wrdreg $0x9  }
0xb1: {  	_ =	task.clear_ibuf [dreg:s7], $0x5FFFF;
	_ =	strace $0x90000046  }
0xb2: {  	s29 =	simm.s32 $0x9;
	_ =	strace $0x80000048  }
0xb3: {  	_ =	swait.ge [sflag:s29], $0x1  }
0xb4: {  	[sflag:s29] =	ssyncadd.s32 $0xFFFFFFFF  }
0xb5: {  	_ =	strace $0x90000048  }
0xb6: {  	_ =	sfence  }
0xb7: {  	s30 =	sld [smem:$0x0];
	_ =	sdelay $0x2  }
0xb8: {  	s31 =	sshll.u32 s1, $0xD;
	s1 =	sshrl.u32 s1, $0x2  }
0xb9: {  	s3 =	sand.u32 $0x4000, s31;
	s1 =	sadd.s32 s1, s30  }
0xba: {  	s0 =	sor.u32 s3, s0;
	s1 =	sshll.u32 s1, $0x11  }
0xbb: {  	s0 =	sor.u32 s1, s0  }
0xbc: {  	s0 =	sadd.s32 $0x8F2B, s0  }
0xbd: {  	[sflag:s0] =	ssyncadd.remote.s32 $0x1  }
0xbe: {  	_ =	sfence.sel $0xFFFF  }
0xbf: {  	[dreg:$0x0] =	wrdreg $0xFFFFFFFF;
	(pc) =	sbr.abs _section_cstart, $3  }
0xc0: {  	[dreg:$0x1] =	wrdreg $0xFFFFFFFF  }
0xc1: {  	_ =	task.clear_ibuf [dreg:s7], $0x2FFFF;
	_ =	strace $0x9FFFFFFF  }
0xc2: {  	(tm) =	ssettm $0x7FFFFFFF  }
0xc3: {  	_ =	shalt  }
tec
execute0_lowered:
.L_overlay_start_1:
0x0: {  	(tag) =	ssettag $0x1  }
0x1: {  	s4 =	rddreg [dreg:$0x0]  }
0x2: {  	s0 =	srdreg.scid;
	s6 =	rddreg [dreg:$0x1]  }
0x3: {  	s2 =	simm.s32 $0x0;
	s14 =	simm.s32 $0x80;
	s15 =	simm.s32 $0x400  }
0x4: {  	s16 =	simm.s32 $0x4;
	s17 =	simm.s32 $0x0;
	s3 =	sand.u32 $0x1, s0  }
0x5: {  	s0 =	stileid.u32;
	[smem:$0x7FF] =	sst s2;
	s25 =	sadd.s32 $0xCE00, s6  }
0x6: {  	s8 =	sadd.s32 $0x16C00, s6;
	s1 =	sshll.u32 s3, $0x4;
	s24 =	sshll.u32 s0, $0x7  }
0x7: {  	s3 =	ssub.s32 $0x2, s3;
	s10 =	sshll.u32 s0, $0x5;
	s13 =	sshll.u32 s0, $0x4  }
0x8: {  	s11 =	sor.u32 s0, s1;
	s7 =	sand.u32 $0x380, s24;
	s26 =	sshrl.u32 s3, $0x1  }
0x9: {  	s29 =	sadd.s32 s10, s4;
	s31 =	sor.u32 $0x9C00, s13;
	s28 =	smul.u32 $0x9C0, s11  }
0xa: {  	s13 =	simm.s32 $0x3;
	s1 =	sshrl.u32 s11, $0x3;
	s30 =	smul.u32 $0x4E0, s11  }
0xb: {  	s12 =	ssub.s32 s3, s26;
	p0 =	sgt.u32 s11, $0x3;
	s5 =	smul.u32 $0x13C00, s1  }
0xc: {  	s11 =	simm.s32 $0x1;
	s1 =	rddreg [dreg:$0x2];
	_ =	strace $0x80000047  }
0xd: {  	s10 =	smax.u32 s12, $0x1;
	s12 =	simm.s32 $0x4F00;
	s5 =	sor.u32 s7, s5  }
0xe: {  	s3 =	sadd.s32 s4, s28;
	s4 =	sadd.s32 $0x13800, s29;
	s5 =	sshrl.u32 s5, $0x3  }
0xf: {  	s7 =	sadd.s32 s25, s31;
	s9 =	sadd.s32 s5, s6;
	s5 =	sadd.s32 s25, s30  }
0x10: {  	v0 =	vimm.f32 $0.0e+00;
	v1 =	vimm.f32 $1.000000000e+00;
	s6 =	sadd.s32 s8, s30;
	s8 =	sadd.s32 s8, s31;
	s9 =	sadd.s32 $0x3000, s9  }
.LBB2_1:
0x11: {  	[tilespmem:s2], [sflag:$0x1] =	stream.linear.gather [hbm4b:s3+s2], $0x4E00, $0x38;
	[tilespmem:$0x7680] =	vst v63  }
0x12: {  	s18 =	simm.s32 @!p0 $0x0;
	s19 =	simm.s32 @!p0 $0x4E00  }
0x13: {  	[tilespmem:s19], [sflag:$0x2] =	stream.linear.gather @!p0 [hbm4b:s4+s18], $0x100, $0x38;
	[tilespmem:$0x7680] =	vst v63  }
0x14: {  	s19 =	simm.s32 $0x100;
	s18 =	simm.s32 $0x0  }
.LBB2_2:
0x15: {  	p1 =	sne.s32 s19, $0x9B00;
	[tilespmem:s18+$0x4F30] =	vst v0;
	s20 =	smov.u32 s19;
	s19 =	sadd.s32 $0x100, s19  }
.Ltmp0:
0x16: {  	[tilespmem:s18+$0x4F20] =	vst v0;
	(pc) =	sbr.rel @p1 .LBB2_2-.Ltmp0, $3  }
0x17: {  	[tilespmem:s18+$0x4F00] =	vst v0  }
0x18: {  	[tilespmem:s18+$0x4F10] =	vst v0;
	_ =	sdelay $0x1  }
0x19: {  	s18 =	sshra.s32 s20, $0x2  }
0x1a: {  	[tilespmem:s18+$0x4F30] =	vst v0  }
0x1b: {  	[tilespmem:s18+$0x4F20] =	vst v0  }
0x1c: {  	[tilespmem:s18+$0x4F00] =	vst v0  }
0x1d: {  	[tilespmem:s18+$0x4F10] =	vst v0  }
0x1e: {  	[tilespmem:$0x7600] =	vst v0  }
0x1f: {  	_ =	swait.ge [sflag:s11], $0x4E00  }
0x20: {  	s18 =	simm.s32 $0x0;
	s19 =	simm.s32 $0x10;
	[sflag:s11] =	ssyncset.done $0x0  }
0x21: {  	s21 =	sadd.s32 $0x0, s5;
	s20 =	simm.s32 $0x100;
	[sflag:s11] =	ssyncadd.s32 $0xFFFFB200  }
.LBB2_4:
0x22: {  	[hbm4b:s21+s2] =	stream.linear.scatter [tilespmem:s18], [sflag:$0x3], $0x80, $0x38;
	[tilespmem:$0x7680] =	vst v63  }
0x23: {  	s21 =	smov.u32 s19;
	s18 =	smov.u32 s20;
	p1 =	sne.s32 s19, $0x4D0  }
.Ltmp1:
0x24: {  	s19 =	sadd.s32 $0x10, s19;
	(pc) =	sbr.rel @p1 .LBB2_4-.Ltmp1, $2  }
0x25: {  	_ =	sdelay $0x2  }
0x26: {  	s20 =	sadd.s32 $0x100, s20;
	s21 =	sadd.s32 s21, s5  }
0x27: {  	[hbm4b:s21+s2] =	stream.linear.scatter [tilespmem:s18], [sflag:$0x3], $0x80, $0x38;
	[tilespmem:$0x7680] =	vst v63  }
0x28: {  	s18 =	simm.s32 $0x0;
	s19 =	simm.s32 $0x80;
	s20 =	simm.s32 $0x0  }
.LBB2_6:
0x29: {  	p1 =	sne.s32 s20, $0x4D0  }
.Ltmp2:
0x2a: {  	_ = 	snop;
	(pc) =	sbr.rel @p1 .LBB2_6-.Ltmp2, $4  }
0x2b: {  	_ = 	snop  }
0x2c: {  	s21 =	sadd.s32 s20, s6  }
0x2d: {  	[hbm4b:s21+s18] =	stream.linear.scatter [tilespmem:s19], [sflag:$0x3], $0x80, $0x38;
	[tilespmem:$0x7680] =	vst v63  }
0x2e: {  	s20 =	sadd.s32 $0x10, s20;
	s19 =	sadd.s32 $0x100, s19  }
0x2f: {  	p1 =	por $0x0, $0x0;
	s19 =	simm.s32 $0x0  }
.LBB2_8:
0x30: {  	s20 =	simm.s32 $0x1  }
0x31: {  	s20 =	simm.s32 @!p1 $0x0  }
0x32: {  	s20 =	sshll.u32 s20, $0x6  }
0x33: {  	s20 =	sadd.s32 s20, s18  }
0x34: {  	s21 =	sor.u32 $0x80, s20  }
0x35: {  	v2 =	vld [tilespmem:s21+$0x0];
	_ =	sdelay $0x7  }
0x36: {  	s30 =	sor.u32 $0x90, s20;
	[tilespmem:v2+s12+$0x0] =	vst.idx.add.f32.msk $0xffff, v1  }
0x37: {  	v2 =	vld [tilespmem:s30+$0x0];
	_ =	sdelay $0x7  }
0x38: {  	s31 =	sor.u32 $0xA0, s20;
	[tilespmem:v2+s12+$0x0] =	vst.idx.add.f32.msk $0xffff, v1  }
0x39: {  	v2 =	vld [tilespmem:s31+$0x0];
	_ =	sdelay $0x7  }
0x3a: {  	s20 =	sor.u32 $0xB0, s20;
	[tilespmem:v2+s12+$0x0] =	vst.idx.add.f32.msk $0xffff, v1  }
0x3b: {  	v2 =	vld [tilespmem:s20+$0x0];
	_ =	sdelay $0x2  }
0x3c: {  	p2 =	sne.s32 s19, $0x26C0  }
.Ltmp3:
0x3d: {  	_ = 	snop;
	(pc) =	sbr.rel @p2 .LBB2_8-.Ltmp3, $2  }
0x3e: {  	_ =	sdelay $0x2  }
0x3f: {  	s19 =	sadd.s32 $0x40, s19;
	p1 =	por !p1, !p1;
	s18 =	sadd.s32 $0x80, s18;
	[tilespmem:v2+s12+$0x0] =	vst.idx.add.f32.msk $0xffff, v1  }
0x40: {  	s18 =	simm.s32 @!p0 $0x2  }
0x41: {  	_ =	swait.ge @!p0 [sflag:s18], $0x100  }
0x42: {  	[sflag:s18] =	ssyncset.done @!p0 $0x0  }
0x43: {  	s19 =	simm.s32 @!p0 $0x0;
	s20 =	simm.s32 @!p0 $0x4E00;
	[sflag:s18] =	ssyncadd.s32 @!p0 $0xFFFFFF00  }
0x44: {  	[hbm4b:s7+s19] =	stream.linear.scatter @!p0 [tilespmem:s20], [sflag:$0x2], $0x80, $0x38;
	[tilespmem:$0x7680] =	vst v63  }
0x45: {  	s20 =	simm.s32 @!p0 $0x4E80  }
0x46: {  	[hbm4b:s8+s19] =	stream.linear.scatter @!p0 [tilespmem:s20], [sflag:$0x2], $0x80, $0x38;
	[tilespmem:$0x7680] =	vst v63  }
0x47: {  	v2 =	vld @!p0 [tilespmem:$0x4E80];
	_ =	sdelay $0x6  }
0x48: {  	v3 =	vimm.f32 @!p0 $1.000000000e+00;
	s19 =	simm.s32 @!p0 $0x4F00  }
0x49: {  	[tilespmem:v2+s19+$0x0] =	vst.idx.add.f32.msk @!p0 $0xffff, v3  }
0x4a: {  	v2 =	vld @!p0 [tilespmem:$0x4E90];
	_ =	sdelay $0x7  }
0x4b: {  	[tilespmem:v2+s19+$0x0] =	vst.idx.add.f32.msk @!p0 $0xffff, v3  }
0x4c: {  	v2 =	vld @!p0 [tilespmem:$0x4EA0];
	_ =	sdelay $0x7  }
0x4d: {  	[tilespmem:v2+s19+$0x0] =	vst.idx.add.f32.msk @!p0 $0xffff, v3  }
0x4e: {  	v2 =	vld @!p0 [tilespmem:$0x4EB0];
	_ =	sdelay $0x7  }
0x4f: {  	[tilespmem:v2+s19+$0x0] =	vst.idx.add.f32.msk @!p0 $0xffff, v3  }
0x50: {  	v2 =	vld @!p0 [tilespmem:$0x4EC0];
	_ =	sdelay $0x7  }
0x51: {  	[tilespmem:v2+s19+$0x0] =	vst.idx.add.f32.msk @!p0 $0xffff, v3  }
0x52: {  	v2 =	vld @!p0 [tilespmem:$0x4ED0];
	_ =	sdelay $0x7  }
0x53: {  	[tilespmem:v2+s19+$0x0] =	vst.idx.add.f32.msk @!p0 $0xffff, v3  }
0x54: {  	v2 =	vld @!p0 [tilespmem:$0x4EE0];
	_ =	sdelay $0x7  }
0x55: {  	[tilespmem:v2+s19+$0x0] =	vst.idx.add.f32.msk @!p0 $0xffff, v3  }
0x56: {  	v2 =	vld @!p0 [tilespmem:$0x4EF0];
	_ =	sdelay $0x7  }
0x57: {  	[tilespmem:v2+s19+$0x0] =	vst.idx.add.f32.msk @!p0 $0xffff, v3  }
0x58: {  	_ =	swait.ge @!p0 [sflag:s18], $0x80  }
0x59: {  	[sflag:s18] =	ssyncset.done @!p0 $0x0  }
0x5a: {  	[sflag:s18] =	ssyncadd.s32 @!p0 $0xFFFFFF80  }
0x5b: {  	_ =	swait.ge @!p0 [sflag:s18], $0x80  }
0x5c: {  	[sflag:s18] =	ssyncset.done @!p0 $0x0  }
0x5d: {  	[sflag:s18] =	ssyncadd.s32 @!p0 $0xFFFFFF80  }
0x5e: {  	_ =	swait.ge [sflag:s13], $0x2700  }
0x5f: {  	[sflag:s13] =	ssyncset.done $0x0  }
0x60: {  	[sflag:s13] =	ssyncadd.s32 $0xFFFFD900  }
0x61: {  	s17 =	sadd.s32 $0x1, s17;
	_ =	swait.ge [sflag:s13], $0x2700  }
0x62: {  	p1 =	sne.s32 s17, s10;
	[sflag:s13] =	ssyncset.done $0x0  }
.Ltmp4:
0x63: {  	[sflag:s13] =	ssyncadd.s32 $0xFFFFD900;
	(pc) =	sbr.rel @p1 .LBB2_1-.Ltmp4, $4  }
0x64: {  	[hbm4b:s9+s14] =	stream.strided.scatter [tilespmem:s12], [sflag:$0x4], $0x2780, s15, s14, $0x38;
	[tilespmem:$0x7680] =	vst v63  }
0x65: {  	_ =	swait.ge [sflag:s16], $0x2780  }
0x66: {  	[sflag:s16] =	ssyncset.done $0x0  }
0x67: {  	[sflag:s16] =	ssyncadd.s32 $0xFFFFD880  }
0x68: {  	_ =	sfence.sel $0x180000  }
0x69: {  	[bflag:$0x0] =	sbarrier.arrive $0xFFFF  }
0x6a: {  	p0 =	sne.s32 s0, $0x0;
	_ =	strace $0x90000047  }
0x6b: {  	s0 =	sadd.s32 @!p0 $0x100000, s1;
	[bflag:$0x2] =	sbarrier.arrive $0xFFFF  }
0x6c: {  	[sflag:s0] =	ssyncadd.tile.s32 @!p0 $0x1;
	_ =	shalt  }
.Lfunc_end2:
_tile_overlayer_lowered:
.L_overlay_start_2:
0x6d: {  	(tag) =	ssettag $0x2  }
0x6e: {  	s0 =	rddreg [dreg:$0x0];
	s2 =	stileid.u32  }
0x6f: {  	s1 =	rddreg [dreg:$0x1];
	p0 =	sne.s32 s2, $0x0  }
0x70: {  	s3 =	rddreg [dreg:$0x2];
	[bflag:$0x3] =	sbarrier.arrive $0xFFFF;
	s2 =	simm.s32 @!p0 $0x1C04  }
0x71: {  	[timem:s3], [sflag:s2] =	dma.local @!p0 [hbm:s0], s1  }
0x72: {  	s0 =	simm.s32 @!p0 $0x4  }
0x73: {  	_ =	swait.ge @!p0 [sflag:s0], s1  }
0x74: {  	s1 =	ssub.s32 @!p0 $0x0, s1;
	[sflag:s0] =	ssyncset.done @!p0 $0x0  }
0x75: {  	[sflag:s0] =	ssyncadd.s32 @!p0 s1  }
0x76: {  	[bflag:$0x3] =	sbarrier.arrive $0xFFFF  }
0x77: {  	_ =	shalt  }

</sc_bundles>
